<compile_context>
chip_gen: v7x
topology: tpu7x:2x2x1
jax: 0.10.2.dev20260603
libtpu: 0.0.44.dev20260713+nightly
codegen_flags: <defaults>
</compile_context>

<pallas_src>
import jax
import jax.numpy as jnp
from jax import lax
from jax.experimental import pallas as pl
from jax.experimental.pallas import tpu as pltpu
from jax.experimental.pallas import tpu_sc as plsc

N = 10000
D = 128
HW = 64
O = 40
E = 320000
NC = 2
NS = 16
NW = NC * NS
EP = E // NW
CH = 80
NCHUNK = EP // CH
NPAD = 10240
NR2 = 79
NPAD2 = NR2 * 128
ZR = 125


def _lrelu(u):
  return jnp.maximum(u, 0.2 * u)


def _prologue_body(x_ref, xe_ref, we_ref, wh_ref, ase_ref, ade_ref, ash_ref,
                   adh_ref, bh_ref, hh1_ref, hh2_ref, he_ref, scal_ref,
                   consts_ref):
  x = x_ref[...]
  xe = xe_ref[...]
  x2 = jnp.sum(x * x, axis=-1, keepdims=True)
  nrm = jnp.maximum(jnp.sqrt(x2), 1e-10)
  c = jnp.minimum(nrm, 1.0 - 1e-7)
  at = 0.5 * (jnp.log1p(c) - jnp.log1p(-c))
  lm = at * x / nrm
  hh = jnp.dot(lm, wh_ref[...], preferred_element_type=jnp.float32) + bh_ref[...]
  he = jnp.dot(xe, we_ref[...], preferred_element_type=jnp.float32)
  hh1_ref[...] = hh[:, :HW]
  hh2_ref[...] = hh[:, HW:]
  he_ref[...] = jnp.concatenate([he, jnp.zeros((N, HW - O), jnp.float32)],
                                axis=1)
  shs = jnp.dot(hh, ash_ref[...], preferred_element_type=jnp.float32)
  shd = jnp.dot(hh, adh_ref[...], preferred_element_type=jnp.float32)
  ses = jnp.dot(he, ase_ref[...], preferred_element_type=jnp.float32)
  sed = jnp.dot(he, ade_ref[...], preferred_element_type=jnp.float32)
  scal_ref[...] = jnp.concatenate(
      [shs, shd, ses, sed, x2, jnp.zeros((N, 3), jnp.float32)], axis=1)
  sh = _lrelu(jnp.max(shs) + jnp.max(shd))
  se = _lrelu(jnp.max(ses) + jnp.max(sed))
  consts_ref[...] = jnp.concatenate(
      [jnp.full((1, 16), 1.0, jnp.float32) * sh,
       jnp.full((1, 16), 1.0, jnp.float32) * se], axis=0)


def _prologue(x, x_e, W_e, W_h, a_src_e, a_dst_e, a_src_h, a_dst_h, b_h):
  f32 = jnp.float32
  return pl.pallas_call(
      _prologue_body,
      out_shape=[
          jax.ShapeDtypeStruct((N, HW), f32),
          jax.ShapeDtypeStruct((N, HW), f32),
          jax.ShapeDtypeStruct((N, HW), f32),
          jax.ShapeDtypeStruct((N, 8), f32),
          jax.ShapeDtypeStruct((2, 16), f32),
      ],
      compiler_params=pltpu.CompilerParams(vmem_limit_bytes=100 * 1024 * 1024),
  )(x, x_e, W_e, W_h,
    a_src_e.reshape(O, 1), a_dst_e.reshape(O, 1),
    a_src_h.reshape(D, 1), a_dst_h.reshape(D, 1),
    b_h.reshape(1, D))


def _newton_sqrt(a):
  a = jnp.maximum(a, 1e-30)
  i = lax.bitcast_convert_type(a, jnp.int32)
  i = 0x5F3759DF - lax.shift_right_arithmetic(i, 1)
  y = lax.bitcast_convert_type(i, jnp.float32)
  y = y * (1.5 - 0.5 * a * y * y)
  y = y * (1.5 - 0.5 * a * y * y)
  y = y * (1.5 - 0.5 * a * y * y)
  return a * y


def _sc_body(esrc, edst, shs_h, shd_h, ses_h, sed_h, x2_h, consts_h, x_h,
             hh1_h, hh2_h, he_h, oute, outh1, outh2, outdh, outde, exh_out,
             shs_v, shd_v, ses_v, sed_v, x2_v, consts_v, src_v, dst_v,
             xs_v, xd_v, row_v, exh_v, exe_v, z64, zden,
             acc_sh, denh_sh, dene_sh):
  core = lax.axis_index("c")
  sub = lax.axis_index("s")
  wid = sub * NC + core
  base = wid * EP

  pltpu.sync_copy(shs_h, shs_v)
  pltpu.sync_copy(shd_h, shd_v)
  pltpu.sync_copy(ses_h, ses_v)
  pltpu.sync_copy(sed_h, sed_v)
  pltpu.sync_copy(x2_h, x2_v)
  pltpu.sync_copy(consts_h, consts_v)

  zv = jnp.zeros((16,), jnp.float32)

  def _z64_body(i, _):
    for j in range(HW // 16):
      z64[i, pl.ds(j * 16, 16)] = zv
    return 0

  def _zden_body(i, _):
    zden[pl.ds(i * 16, 16)] = zv
    return 0

  lax.fori_loop(0, ZR, _z64_body, 0)
  lax.fori_loop(0, (NPAD // NS) // 16, _zden_body, 0)

  rstripe = N // NS

  def _zero_acc():
    def _zcopy_body(k, _):
      pltpu.sync_copy(z64, acc_sh.at[pl.ds(sub * rstripe + k * ZR, ZR)])
      return 0
    lax.fori_loop(0, rstripe // ZR, _zcopy_body, 0)

  _zero_acc()
  pltpu.sync_copy(zden, denh_sh.at[pl.ds(sub * (NPAD // NS), NPAD // NS)])
  pltpu.sync_copy(zden, dene_sh.at[pl.ds(sub * (NPAD // NS), NPAD // NS)])
  plsc.subcore_barrier()

  sh_vec = consts_v[0, :]
  se_vec = consts_v[1, :]

  def _p1_body(i, _):
    off = base + i * CH
    pltpu.sync_copy(esrc.at[pl.ds(off, CH)], src_v.at[0])
    pltpu.sync_copy(edst.at[pl.ds(off, CH)], dst_v.at[0])
    pltpu.sync_copy(x_h.at[src_v.at[0]], xs_v)
    pltpu.sync_copy(x_h.at[dst_v.at[0]], xd_v)
    pltpu.sync_copy(he_h.at[src_v.at[0]], row_v)

    for g in range(CH // 16):
      rows = jnp.arange(16, dtype=jnp.int32) + g * 16
      sv = src_v[0, pl.ds(g * 16, 16)]
      dv = dst_v[0, pl.ds(g * 16, 16)]
      svr = lax.shift_right_logical(sv, 7)
      svc = jnp.bitwise_and(sv, 127)
      dvr = lax.shift_right_logical(dv, 7)
      dvc = jnp.bitwise_and(dv, 127)
      u_h = (plsc.load_gather(shs_v, [svr, svc]) +
             plsc.load_gather(shd_v, [dvr, dvc]))
      u_e = (plsc.load_gather(ses_v, [svr, svc]) +
             plsc.load_gather(sed_v, [dvr, dvc]))
      x2s = plsc.load_gather(x2_v, [svr, svc])
      x2d = plsc.load_gather(x2_v, [dvr, dvc])

      def _dot_body(cidx, acc):
        col = jnp.full((16,), 0, jnp.int32) + cidx
        return acc + (plsc.load_gather(xs_v, [rows, col]) *
                      plsc.load_gather(xd_v, [rows, col]))

      dot = lax.fori_loop(0, D, _dot_body, jnp.zeros((16,), jnp.float32),
                          unroll=8)

      a = 1.0 - 2.0 * dot + x2d
      b = 1.0 - x2s
      den = jnp.maximum(1.0 - 2.0 * dot + x2s * x2d, 1e-10)
      n2 = jnp.maximum(a * a * x2s + b * b * x2d - 2.0 * a * b * dot, 0.0)
      r = _newton_sqrt(n2) / den
      rc = jnp.minimum(r, 1.0 - 1e-7)
      fac = (1.0 - rc) / (1.0 + rc)
      exh = jnp.exp(_lrelu(u_h) - sh_vec) * fac
      exe = jnp.exp(_lrelu(u_e) - se_vec)
      exh_v[0, pl.ds(g * 16, 16)] = exh
      exe_v[0, pl.ds(g * 16, 16)] = exe

      def _scale_body(cidx, _):
        col = jnp.full((16,), 0, jnp.int32) + cidx
        v = plsc.load_gather(row_v, [rows, col])
        plsc.store_scatter(row_v, [rows, col], v * exe)
        return 0

      lax.fori_loop(0, HW, _scale_body, 0, unroll=8)

    pltpu.sync_copy(exh_v.at[0], denh_sh.at[dst_v.at[0]], add=True)
    pltpu.sync_copy(exe_v.at[0], dene_sh.at[dst_v.at[0]], add=True)
    pltpu.sync_copy(row_v, acc_sh.at[dst_v.at[0]], add=True)
    pltpu.sync_copy(exh_v.at[0], exh_out.at[pl.ds(off, CH)])
    return 0

  lax.fori_loop(0, NCHUNK, _p1_body, 0)
  plsc.subcore_barrier()

  @pl.when(sub == 0)
  def _():
    pltpu.sync_copy(acc_sh, oute.at[core])
    pltpu.sync_copy(denh_sh, outdh.at[core])
    pltpu.sync_copy(dene_sh, outde.at[core])
  plsc.subcore_barrier()

  for hh_h, outh in ((hh1_h, outh1), (hh2_h, outh2)):
    _zero_acc()
    plsc.subcore_barrier()

    def _p_body(i, _, hh_h=hh_h):
      off = base + i * CH
      pltpu.sync_copy(esrc.at[pl.ds(off, CH)], src_v.at[0])
      pltpu.sync_copy(edst.at[pl.ds(off, CH)], dst_v.at[0])
      pltpu.sync_copy(exh_out.at[pl.ds(off, CH)], exh_v.at[0])
      pltpu.sync_copy(hh_h.at[src_v.at[0]], row_v)

      for g in range(CH // 16):
        rows = jnp.arange(16, dtype=jnp.int32) + g * 16
        exh = exh_v[0, pl.ds(g * 16, 16)]

        def _scale_body(cidx, _):
          col = jnp.full((16,), 0, jnp.int32) + cidx
          v = plsc.load_gather(row_v, [rows, col])
          plsc.store_scatter(row_v, [rows, col], v * exh)
          return 0

        lax.fori_loop(0, HW, _scale_body, 0, unroll=8)

      pltpu.sync_copy(row_v, acc_sh.at[dst_v.at[0]], add=True)
      return 0

    lax.fori_loop(0, NCHUNK, _p_body, 0)
    plsc.subcore_barrier()

    @pl.when(sub == 0)
    def _(outh=outh):
      pltpu.sync_copy(acc_sh, outh.at[core])
    plsc.subcore_barrier()


def _sc_edge_pass(esrc, edst, shs, shd, ses, sed, x2, consts, x, hh1, hh2, he):
  f32 = jnp.float32
  i32 = jnp.int32
  mesh = plsc.VectorSubcoreMesh(core_axis_name="c", subcore_axis_name="s",
                                num_cores=NC, num_subcores=NS)
  fn = pl.kernel(
      _sc_body,
      out_type=[
          jax.ShapeDtypeStruct((NC, N, HW), f32),
          jax.ShapeDtypeStruct((NC, N, HW), f32),
          jax.ShapeDtypeStruct((NC, N, HW), f32),
          jax.ShapeDtypeStruct((NC, NPAD), f32),
          jax.ShapeDtypeStruct((NC, NPAD), f32),
          jax.ShapeDtypeStruct((E,), f32),
      ],
      mesh=mesh,
      compiler_params=pltpu.CompilerParams(needs_layout_passes=False,
                                           use_tc_tiling_on_sc=False),
      scratch_types=[
          pltpu.VMEM((NR2, 128), f32),
          pltpu.VMEM((NR2, 128), f32),
          pltpu.VMEM((NR2, 128), f32),
          pltpu.VMEM((NR2, 128), f32),
          pltpu.VMEM((NR2, 128), f32),
          pltpu.VMEM((2, 16), f32),
          pltpu.VMEM((1, CH), i32),
          pltpu.VMEM((1, CH), i32),
          pltpu.VMEM((CH, D), f32),
          pltpu.VMEM((CH, D), f32),
          pltpu.VMEM((CH, HW), f32),
          pltpu.VMEM((1, CH), f32),
          pltpu.VMEM((1, CH), f32),
          pltpu.VMEM((ZR, HW), f32),
          pltpu.VMEM((NPAD // NS,), f32),
          pltpu.VMEM_SHARED((N, HW), f32),
          pltpu.VMEM_SHARED((NPAD,), f32),
          pltpu.VMEM_SHARED((NPAD,), f32),
      ],
  )
  return fn(esrc, edst, shs, shd, ses, sed, x2, consts, x, hh1, hh2, he)


def _epilogue_body(aggh_ref, rest_ref, pt_ref,
                   tg_ref, scale_ref, be_ref, whw_ref, wew_ref, out_ref):
  aggh = aggh_ref[0] + aggh_ref[1]
  combo = rest_ref[0] + rest_ref[1]
  agge = combo[:, :HW]
  denh = combo[:, HW:HW + 1]
  dene = combo[:, HW + 1:HW + 2]
  agg = jax.nn.relu(aggh / jnp.clip(denh, 1e-10))
  probs_e = agge[:, :O] / jnp.clip(dene, 1e-10) + be_ref[...]

  n2 = jnp.sum(agg * agg, axis=-1, keepdims=True)
  nrm = jnp.maximum(jnp.sqrt(n2), 1e-10)
  xh = jnp.tanh(nrm) * agg / nrm

  pt = pt_ref[...]
  tg = tg_ref[...]
  p_mat = jnp.dot(xh, pt, preferred_element_type=jnp.float32)
  t_mat = jnp.dot(xh, tg, preferred_element_type=jnp.float32)
  xn2 = jnp.sum(xh * xh, axis=-1, keepdims=True)
  pn2 = jnp.sum(pt * pt, axis=0, keepdims=True)
  ptdot = jnp.sum(pt * tg, axis=0, keepdims=True)
  an = jnp.sqrt(jnp.sum(tg * tg, axis=0, keepdims=True))
  a2 = 1.0 - 2.0 * p_mat + xn2
  b2 = 1.0 - pn2
  dd = jnp.maximum(1.0 - 2.0 * p_mat + pn2 * xn2, 1e-10)
  diff2 = (a2 * a2 * pn2 + b2 * b2 * xn2 - 2.0 * a2 * b2 * p_mat) / (dd * dd)
  inner = (b2 * t_mat - a2 * ptdot) / dd
  dend = jnp.clip(1.0 - diff2, 1e-10) * jnp.clip(an, 1e-10)
  z = 2.0 * inner / dend
  az = jnp.abs(z)
  distance = jnp.sign(z) * jnp.log(az + jnp.sqrt(az * az + 1.0))
  probs_h = distance * jnp.exp(scale_ref[...])

  xh_last = xh[N - 1:N, :]
  ln2 = jnp.sum(xh_last * xh_last, axis=-1, keepdims=True)
  lnrm = jnp.maximum(jnp.sqrt(ln2), 1e-10)
  lc = jnp.minimum(lnrm, 1.0 - 1e-7)
  lat = 0.5 * (jnp.log1p(lc) - jnp.log1p(-lc))
  lm_last = lat * xh_last / lnrm
  w_h = jax.nn.sigmoid(jnp.dot(lm_last, whw_ref[...],
                               preferred_element_type=jnp.float32))
  w_e = jax.nn.sigmoid(jnp.dot(probs_e[N - 1:N, :], wew_ref[...],
                               preferred_element_type=jnp.float32))
  s = jnp.clip(jnp.abs(w_h) + jnp.abs(w_e), 1e-10)
  out_ref[...] = (w_h / s) * probs_h + (w_e / s) * probs_e


def _epilogue(agge, aggh1, aggh2, denh, dene, point, tangent, scale, b_e,
              w_h_w, w_e_w):
  aggh_in = jnp.concatenate([aggh1, aggh2], axis=2)
  rest_in = jnp.concatenate(
      [agge, denh.reshape(NC, N, 1), dene.reshape(NC, N, 1)], axis=2)
  return pl.pallas_call(
      _epilogue_body,
      out_shape=jax.ShapeDtypeStruct((N, O), jnp.float32),
      compiler_params=pltpu.CompilerParams(vmem_limit_bytes=100 * 1024 * 1024),
  )(aggh_in, rest_in,
    point.T, tangent.T, scale.reshape(1, O), b_e.reshape(1, O),
    w_h_w, w_e_w)


def kernel(x, x_e, edge_index, W_e, a_src_e, a_dst_e, b_e, W_h, a_src_h,
           a_dst_h, b_h, scale, point, tangent, w_h_w, w_e_w):
  hh1, hh2, he, scal, consts = _prologue(
      x, x_e, W_e, W_h, a_src_e, a_dst_e, a_src_h, a_dst_h, b_h)
  esrc = edge_index[0]
  edst = edge_index[1]

  def _tab(v):
    return jnp.pad(v.reshape(N), (0, NPAD2 - N)).reshape(NR2, 128)

  agge, aggh1, aggh2, denh, dene, _ = _sc_edge_pass(
      esrc, edst, _tab(scal[:, 0]), _tab(scal[:, 1]), _tab(scal[:, 2]),
      _tab(scal[:, 3]), _tab(scal[:, 4]), consts, x, hh1, hh2, he)
  return _epilogue(agge, aggh1, aggh2, denh[:, :N], dene[:, :N], point,
                   tangent, scale, b_e, w_h_w, w_e_w)

# --- scband reference (transcript-rebuilt; emitter-appended) ---
"""Pipeline reference for scband-dual-decoder-56788057588115 (READ-ONLY COPY).

The authoritative reference and input builder live on the scoring server;
editing this copy changes nothing except your own understanding.
"""

import jax, jax.numpy as jnp
import numpy as np

C = 1.0
SC = 1.0

def artanh(x):
    x = jnp.clip(x, -1.0 + 1e-7, 1.0 - 1e-7)
    return 0.5 * (jnp.log1p(x) - jnp.log1p(-x))

def expmap0(u):
    n = jnp.clip(jnp.linalg.norm(u, axis=-1, keepdims=True), 1e-10)
    return jnp.tanh(SC * n) * u / (SC * n)

def logmap0(p):
    n = jnp.clip(jnp.linalg.norm(p, axis=-1, keepdims=True), 1e-10)
    return artanh(SC * n) * p / (SC * n)

def mobius_add(x, y):
    x2 = jnp.sum(x * x, axis=-1, keepdims=True)
    y2 = jnp.sum(y * y, axis=-1, keepdims=True)
    xy = jnp.sum(x * y, axis=-1, keepdims=True)
    num = (1.0 + 2.0 * C * xy + C * y2) * x + (1.0 - C * x2) * y
    den = 1.0 + 2.0 * C * xy + C * C * x2 * y2
    return num / jnp.clip(den, 1e-10)

def pdist(x, y):
    return (2.0 / SC) * artanh(SC * jnp.linalg.norm(mobius_add(-x, y), axis=-1))

def dist2plane(x, p, a):
    diff = mobius_add(-p, x)
    diff2 = jnp.sum(diff * diff, axis=-1)
    inner = jnp.sum(diff * a, axis=-1)
    an = jnp.clip(jnp.linalg.norm(a, axis=-1), 1e-10)
    num = 2.0 * SC * inner
    den = jnp.clip(1.0 - C * diff2, 1e-10) * an
    return jnp.arcsinh(num / den) / SC

def segment_softmax(e, dst, n):
    m = jax.ops.segment_max(e, dst, num_segments=n)
    m = jnp.where(jnp.isfinite(m), m, 0.0)
    ex = jnp.exp(e - m[dst])
    s = jax.ops.segment_sum(ex, dst, num_segments=n)
    return ex / jnp.clip(s[dst], 1e-10)

def gat_conv(x, src, dst, W, a_src, a_dst, b, n):
    h = x @ W
    e = jax.nn.leaky_relu(jnp.sum(h * a_src, -1)[src] + jnp.sum(h * a_dst, -1)[dst], 0.2)
    alpha = segment_softmax(e, dst, n)
    return jax.ops.segment_sum(alpha[:, None] * h[src], dst, num_segments=n) + b

def hgat_conv(x, src, dst, W, a_src, a_dst, b, n):
    h = logmap0(x) @ W + b
    e = jax.nn.leaky_relu(jnp.sum(h * a_src, -1)[src] + jnp.sum(h * a_dst, -1)[dst], 0.2) - pdist(x[src], x[dst])
    alpha = segment_softmax(e, dst, n)
    agg = jax.ops.segment_sum(alpha[:, None] * h[src], dst, num_segments=n)
    return expmap0(jax.nn.relu(agg))

def setup_inputs(seed: int = 0):
    key = jax.random.key(seed)
    ks = jax.random.split(key, 16)
    N, E, D, O = 10000, 320000, 128, 40
    x = expmap0(0.1 * jax.random.normal(ks[0], (N, D), dtype=jnp.float32))
    x_e = jax.random.normal(ks[1], (N, D), dtype=jnp.float32)
    edge_index = jax.random.randint(ks[2], (2, E), 0, N)
    W_e = jax.random.normal(ks[3], (D, O), dtype=jnp.float32) / np.sqrt(D)
    a_src_e = 0.1 * jax.random.normal(ks[4], (O,), dtype=jnp.float32)
    a_dst_e = 0.1 * jax.random.normal(ks[5], (O,), dtype=jnp.float32)
    b_e = jnp.zeros((O,), dtype=jnp.float32)
    W_h = jax.random.normal(ks[6], (D, D), dtype=jnp.float32) / np.sqrt(D)
    a_src_h = 0.1 * jax.random.normal(ks[7], (D,), dtype=jnp.float32)
    a_dst_h = 0.1 * jax.random.normal(ks[8], (D,), dtype=jnp.float32)
    b_h = jnp.zeros((D,), dtype=jnp.float32)
    scale = jnp.zeros((O,), dtype=jnp.float32)
    point = expmap0(jax.random.normal(ks[9], (O, D), dtype=jnp.float32) / 4.0)
    t = jax.random.normal(ks[10], (O, D), dtype=jnp.float32)
    tangent = t / jnp.clip(jnp.linalg.norm(t, axis=-1, keepdims=True), 1e-10)
    w_h_w = 0.1 * jax.random.normal(ks[11], (D, 1), dtype=jnp.float32)
    w_e_w = 0.1 * jax.random.normal(ks[12], (O, 1), dtype=jnp.float32)
    return dict(x=x, x_e=x_e, edge_index=edge_index, W_e=W_e, a_src_e=a_src_e, a_dst_e=a_dst_e, b_e=b_e, W_h=W_h, a_src_h=a_src_h, a_dst_h=a_dst_h, b_h=b_h, scale=scale, point=point, tangent=tangent, w_h_w=w_h_w, w_e_w=w_e_w)

def reference(x, x_e, edge_index, W_e, a_src_e, a_dst_e, b_e, W_h, a_src_h, a_dst_h, b_h, scale, point, tangent, w_h_w, w_e_w):
    n = x.shape[0]
    src = edge_index[0]
    dst = edge_index[1]
    probs_e = gat_conv(x_e, src, dst, W_e, a_src_e, a_dst_e, b_e, n)
    xh = hgat_conv(x, src, dst, W_h, a_src_h, a_dst_h, b_h, n)
    distance = dist2plane(xh[:, None, :], point, tangent)
    probs_h = distance * jnp.exp(scale)
    w_h = jax.nn.sigmoid(logmap0(xh) @ w_h_w)
    w_e = jax.nn.sigmoid(probs_e @ w_e_w)
    w = jnp.concatenate([w_h.reshape(-1, 1), w_e.reshape(-1, 1)], axis=-1)
    w = w / jnp.clip(jnp.sum(jnp.abs(w), axis=-1, keepdims=True), 1e-10)
    probs = w[-1, 0] * probs_h + w[-1, 1] * probs_e
    return probs

if __name__ == "__main__":
    import jax
    _d = setup_inputs()
    print(jax.jit(kernel)(*tuple(_d.values())))

</pallas_src>

<mosaic_0001>
#map = affine_map<(d0, d1) -> (0)>
#map1 = affine_map<(d0, d1) -> (0, 0)>
#map2 = affine_map<(d0, d1) -> (0, 0, 0)>
module attributes {stable_mosaic.version = 14 : i64} {
  func.func @_sc_body(%arg0: i32, %arg1: i32, %arg2: memref<320000xi32, #tpu.memory_space<hbm>>, %arg3: memref<320000xi32, #tpu.memory_space<hbm>>, %arg4: memref<79x128xf32, #tpu.memory_space<hbm>>, %arg5: memref<79x128xf32, #tpu.memory_space<hbm>>, %arg6: memref<79x128xf32, #tpu.memory_space<hbm>>, %arg7: memref<79x128xf32, #tpu.memory_space<hbm>>, %arg8: memref<79x128xf32, #tpu.memory_space<hbm>>, %arg9: memref<2x16xf32, #tpu.memory_space<hbm>>, %arg10: memref<10000x128xf32, #tpu.memory_space<hbm>>, %arg11: memref<10000x64xf32, #tpu.memory_space<hbm>>, %arg12: memref<10000x64xf32, #tpu.memory_space<hbm>>, %arg13: memref<10000x64xf32, #tpu.memory_space<hbm>>, %arg14: memref<2x10000x64xf32, #tpu.memory_space<hbm>>, %arg15: memref<2x10000x64xf32, #tpu.memory_space<hbm>>, %arg16: memref<2x10000x64xf32, #tpu.memory_space<hbm>>, %arg17: memref<2x10240xf32, #tpu.memory_space<hbm>>, %arg18: memref<2x10240xf32, #tpu.memory_space<hbm>>, %arg19: memref<320000xf32, #tpu.memory_space<hbm>>, %arg20: memref<79x128xf32, #tpu.memory_space<vmem>>, %arg21: memref<79x128xf32, #tpu.memory_space<vmem>>, %arg22: memref<79x128xf32, #tpu.memory_space<vmem>>, %arg23: memref<79x128xf32, #tpu.memory_space<vmem>>, %arg24: memref<79x128xf32, #tpu.memory_space<vmem>>, %arg25: memref<2x16xf32, #tpu.memory_space<vmem>>, %arg26: memref<1x80xi32, #tpu.memory_space<vmem>>, %arg27: memref<1x80xi32, #tpu.memory_space<vmem>>, %arg28: memref<80x128xf32, #tpu.memory_space<vmem>>, %arg29: memref<80x128xf32, #tpu.memory_space<vmem>>, %arg30: memref<80x64xf32, #tpu.memory_space<vmem>>, %arg31: memref<1x80xf32, #tpu.memory_space<vmem>>, %arg32: memref<1x80xf32, #tpu.memory_space<vmem>>, %arg33: memref<125x64xf32, #tpu.memory_space<vmem>>, %arg34: memref<640xf32, #tpu.memory_space<vmem>>, %arg35: memref<10000x64xf32, #tpu.memory_space<vmem_shared>>, %arg36: memref<10240xf32, #tpu.memory_space<vmem_shared>>, %arg37: memref<10240xf32, #tpu.memory_space<vmem_shared>>) attributes {dimension_semantics = [#tpu.dimension_semantics<core_parallel>, #tpu.dimension_semantics<subcore_parallel>], iteration_bounds = array<i64: 2, 16>, scalar_prefetch = 0 : i64, scratch_operands = 18 : i64, tpu.core_type = #tpu.core_type<sc_vector_subcore>, window_params = [{transform_indices = #map}, {transform_indices = #map}, {transform_indices = #map1}, {transform_indices = #map1}, {transform_indices = #map1}, {transform_indices = #map1}, {transform_indices = #map1}, {transform_indices = #map1}, {transform_indices = #map1}, {transform_indices = #map1}, {transform_indices = #map1}, {transform_indices = #map1}, {transform_indices = #map2}, {transform_indices = #map2}, {transform_indices = #map2}, {transform_indices = #map1}, {transform_indices = #map1}, {transform_indices = #map}]} {
    %mul3A = arith.constant 2 : i32
    %mul3A_0 = arith.muli %arg1, %mul3A : i32
    %add3A = arith.addi %mul3A_0, %arg0 : i32
    %mul3A_1 = arith.constant 10000 : i32
    %mul3A_2 = arith.muli %add3A, %mul3A_1 : i32
    "tpu.region"() ({
      %run_scoped3A = tpu.sem_alloc : memref<!tpu.dma_semaphore, #tpu.memory_space<semaphore_mem>>
      tpu.enqueue_dma source(%arg4 : memref<79x128xf32, #tpu.memory_space<hbm>>) target(%arg20 : memref<79x128xf32, #tpu.memory_space<vmem>>) target_semaphore(%run_scoped3A : memref<!tpu.dma_semaphore, #tpu.memory_space<semaphore_mem>>)
      tpu.wait_dma2 semaphore(%run_scoped3A : memref<!tpu.dma_semaphore, #tpu.memory_space<semaphore_mem>>) src(%arg4 : memref<79x128xf32, #tpu.memory_space<hbm>>) dst(%arg20 : memref<79x128xf32, #tpu.memory_space<vmem>>)
      tpu.yield
    }) : () -> ()
    "tpu.region"() ({
      %run_scoped3A = tpu.sem_alloc : memref<!tpu.dma_semaphore, #tpu.memory_space<semaphore_mem>>
      tpu.enqueue_dma source(%arg5 : memref<79x128xf32, #tpu.memory_space<hbm>>) target(%arg21 : memref<79x128xf32, #tpu.memory_space<vmem>>) target_semaphore(%run_scoped3A : memref<!tpu.dma_semaphore, #tpu.memory_space<semaphore_mem>>)
      tpu.wait_dma2 semaphore(%run_scoped3A : memref<!tpu.dma_semaphore, #tpu.memory_space<semaphore_mem>>) src(%arg5 : memref<79x128xf32, #tpu.memory_space<hbm>>) dst(%arg21 : memref<79x128xf32, #tpu.memory_space<vmem>>)
      tpu.yield
    }) : () -> ()
    "tpu.region"() ({
      %run_scoped3A = tpu.sem_alloc : memref<!tpu.dma_semaphore, #tpu.memory_space<semaphore_mem>>
      tpu.enqueue_dma source(%arg6 : memref<79x128xf32, #tpu.memory_space<hbm>>) target(%arg22 : memref<79x128xf32, #tpu.memory_space<vmem>>) target_semaphore(%run_scoped3A : memref<!tpu.dma_semaphore, #tpu.memory_space<semaphore_mem>>)
      tpu.wait_dma2 semaphore(%run_scoped3A : memref<!tpu.dma_semaphore, #tpu.memory_space<semaphore_mem>>) src(%arg6 : memref<79x128xf32, #tpu.memory_space<hbm>>) dst(%arg22 : memref<79x128xf32, #tpu.memory_space<vmem>>)
      tpu.yield
    }) : () -> ()
    "tpu.region"() ({
      %run_scoped3A = tpu.sem_alloc : memref<!tpu.dma_semaphore, #tpu.memory_space<semaphore_mem>>
      tpu.enqueue_dma source(%arg7 : memref<79x128xf32, #tpu.memory_space<hbm>>) target(%arg23 : memref<79x128xf32, #tpu.memory_space<vmem>>) target_semaphore(%run_scoped3A : memref<!tpu.dma_semaphore, #tpu.memory_space<semaphore_mem>>)
      tpu.wait_dma2 semaphore(%run_scoped3A : memref<!tpu.dma_semaphore, #tpu.memory_space<semaphore_mem>>) src(%arg7 : memref<79x128xf32, #tpu.memory_space<hbm>>) dst(%arg23 : memref<79x128xf32, #tpu.memory_space<vmem>>)
      tpu.yield
    }) : () -> ()
    "tpu.region"() ({
      %run_scoped3A = tpu.sem_alloc : memref<!tpu.dma_semaphore, #tpu.memory_space<semaphore_mem>>
      tpu.enqueue_dma source(%arg8 : memref<79x128xf32, #tpu.memory_space<hbm>>) target(%arg24 : memref<79x128xf32, #tpu.memory_space<vmem>>) target_semaphore(%run_scoped3A : memref<!tpu.dma_semaphore, #tpu.memory_space<semaphore_mem>>)
      tpu.wait_dma2 semaphore(%run_scoped3A : memref<!tpu.dma_semaphore, #tpu.memory_space<semaphore_mem>>) src(%arg8 : memref<79x128xf32, #tpu.memory_space<hbm>>) dst(%arg24 : memref<79x128xf32, #tpu.memory_space<vmem>>)
      tpu.yield
    }) : () -> ()
    "tpu.region"() ({
      %run_scoped3A = tpu.sem_alloc : memref<!tpu.dma_semaphore, #tpu.memory_space<semaphore_mem>>
      tpu.enqueue_dma source(%arg9 : memref<2x16xf32, #tpu.memory_space<hbm>>) target(%arg25 : memref<2x16xf32, #tpu.memory_space<vmem>>) target_semaphore(%run_scoped3A : memref<!tpu.dma_semaphore, #tpu.memory_space<semaphore_mem>>)
      tpu.wait_dma2 semaphore(%run_scoped3A : memref<!tpu.dma_semaphore, #tpu.memory_space<semaphore_mem>>) src(%arg9 : memref<2x16xf32, #tpu.memory_space<hbm>>) dst(%arg25 : memref<2x16xf32, #tpu.memory_space<vmem>>)
      tpu.yield
    }) : () -> ()
    %broadcast_in_dim3A = arith.constant 0.000000e+00 : f32
    %broadcast_in_dim3A_3 = vector.broadcast %broadcast_in_dim3A : f32 to vector<16xf32>
    %scan3A = arith.constant 0 : i32
    %scan3A_4 = arith.constant 0 : i32
    %scan3A_5 = arith.constant 125 : i32
    %scan3A_6 = arith.addi %scan3A_4, %scan3A_5 : i32
    %scan3A_7 = arith.constant 1 : i32
    %scan3A_8 = scf.for %scan3A_90 = %scan3A_4 to %scan3A_6 step %scan3A_7 iter_args(%scan3A_91 = %scan3A) -> (i32)  : i32 {
      %swap3A = arith.index_cast %scan3A_90 : i32 to index
      %swap3A_92 = arith.constant 0 : index
      %swap3A_93 = tpu.vector_load %arg33[%swap3A, %swap3A_92] {strides = array<i32>} : memref<125x64xf32, #tpu.memory_space<vmem>>, vector<16xf32>,
      tpu.vector_store %arg33[%swap3A, %swap3A_92], %broadcast_in_dim3A_3 {strides = array<i32>} : memref<125x64xf32, #tpu.memory_space<vmem>>, vector<16xf32>,
      %swap3A_94 = arith.index_cast %scan3A_90 : i32 to index
      %swap3A_95 = arith.constant 16 : index
      %swap3A_96 = tpu.vector_load %arg33[%swap3A_94, %swap3A_95] {strides = array<i32>} : memref<125x64xf32, #tpu.memory_space<vmem>>, vector<16xf32>,
      tpu.vector_store %arg33[%swap3A_94, %swap3A_95], %broadcast_in_dim3A_3 {strides = array<i32>} : memref<125x64xf32, #tpu.memory_space<vmem>>, vector<16xf32>,
      %swap3A_97 = arith.index_cast %scan3A_90 : i32 to index
      %swap3A_98 = arith.constant 32 : index
      %swap3A_99 = tpu.vector_load %arg33[%swap3A_97, %swap3A_98] {strides = array<i32>} : memref<125x64xf32, #tpu.memory_space<vmem>>, vector<16xf32>,
      tpu.vector_store %arg33[%swap3A_97, %swap3A_98], %broadcast_in_dim3A_3 {strides = array<i32>} : memref<125x64xf32, #tpu.memory_space<vmem>>, vector<16xf32>,
      %swap3A_100 = arith.index_cast %scan3A_90 : i32 to index
      %swap3A_101 = arith.constant 48 : index
      %swap3A_102 = tpu.vector_load %arg33[%swap3A_100, %swap3A_101] {strides = array<i32>} : memref<125x64xf32, #tpu.memory_space<vmem>>, vector<16xf32>,
      tpu.vector_store %arg33[%swap3A_100, %swap3A_101], %broadcast_in_dim3A_3 {strides = array<i32>} : memref<125x64xf32, #tpu.memory_space<vmem>>, vector<16xf32>,
      %scan3A_103 = arith.constant 0 : i32
      scf.yield %scan3A_103 : i32
    }
    %scan3A_9 = arith.constant 125 : i32
    %scan3A_10 = arith.constant 0 : i32
    %scan3A_11 = arith.constant 0 : i32
    %scan3A_12 = arith.constant 40 : i32
    %scan3A_13 = arith.addi %scan3A_11, %scan3A_12 : i32
    %scan3A_14 = arith.constant 1 : i32
    %scan3A_15 = scf.for %scan3A_90 = %scan3A_11 to %scan3A_13 step %scan3A_14 iter_args(%scan3A_91 = %scan3A_10) -> (i32)  : i32 {
      %mul3A_92 = arith.constant 16 : i32
      %mul3A_93 = arith.muli %scan3A_90, %mul3A_92 : i32
      %swap3A = arith.index_cast %mul3A_93 : i32 to index
      %swap3A_94 = tpu.vector_load %arg34[%swap3A] {strides = array<i32>} : memref<640xf32, #tpu.memory_space<vmem>>, vector<16xf32>,
      tpu.vector_store %arg34[%swap3A], %broadcast_in_dim3A_3 {strides = array<i32>} : memref<640xf32, #tpu.memory_space<vmem>>, vector<16xf32>,
      %scan3A_95 = arith.constant 0 : i32
      scf.yield %scan3A_95 : i32
    }
    %scan3A_16 = arith.constant 40 : i32
    %scan3A_17 = arith.constant 0 : i32
    %scan3A_18 = arith.constant 0 : i32
    %scan3A_19 = arith.constant 5 : i32
    %scan3A_20 = arith.addi %scan3A_18, %scan3A_19 : i32
    %scan3A_21 = arith.constant 1 : i32
    %scan3A_22 = scf.for %scan3A_90 = %scan3A_18 to %scan3A_20 step %scan3A_21 iter_args(%scan3A_91 = %scan3A_17) -> (i32)  : i32 {
      %mul3A_92 = arith.constant 625 : i32
      %mul3A_93 = arith.muli %arg1, %mul3A_92 : i32
      %mul3A_94 = arith.constant 125 : i32
      %mul3A_95 = arith.muli %scan3A_90, %mul3A_94 : i32
      %add3A_96 = arith.addi %mul3A_93, %mul3A_95 : i32
      "tpu.region"() ({
        %run_scoped3A = tpu.sem_alloc : memref<!tpu.dma_semaphore, #tpu.memory_space<semaphore_mem>>
        %dma_start3A = arith.constant 0 : i32
        %dma_start3A_98 = tpu.memref_slice %arg35[%add3A_96, %dma_start3A] : memref<10000x64xf32, #tpu.memory_space<vmem_shared>> -> memref<125x64xf32, #tpu.memory_space<vmem_shared>>
        %dma_start3A_99 = arith.constant 0 : i32
        %dma_start3A_100 = tpu.memref_slice %arg35[%add3A_96, %dma_start3A_99] : memref<10000x64xf32, #tpu.memory_space<vmem_shared>> -> memref<125x64xf32, #tpu.memory_space<vmem_shared>>
        tpu.enqueue_dma source(%arg33 : memref<125x64xf32, #tpu.memory_space<vmem>>) target(%dma_start3A_100 : memref<125x64xf32, #tpu.memory_space<vmem_shared>>) target_semaphore(%run_scoped3A : memref<!tpu.dma_semaphore, #tpu.memory_space<semaphore_mem>>)
        %dma_wait3A = arith.constant 0 : i32
        %dma_wait3A_101 = tpu.memref_slice %arg35[%add3A_96, %dma_wait3A] : memref<10000x64xf32, #tpu.memory_space<vmem_shared>> -> memref<125x64xf32, #tpu.memory_space<vmem_shared>>
        %dma_wait3A_102 = arith.constant 0 : i32
        %dma_wait3A_103 = tpu.memref_slice %arg35[%add3A_96, %dma_wait3A_102] : memref<10000x64xf32, #tpu.memory_space<vmem_shared>> -> memref<125x64xf32, #tpu.memory_space<vmem_shared>>
        tpu.wait_dma2 semaphore(%run_scoped3A : memref<!tpu.dma_semaphore, #tpu.memory_space<semaphore_mem>>) src(%arg33 : memref<125x64xf32, #tpu.memory_space<vmem>>) dst(%dma_wait3A_103 : memref<125x64xf32, #tpu.memory_space<vmem_shared>>)
        tpu.yield
      }) : () -> ()
      %scan3A_97 = arith.constant 0 : i32
      scf.yield %scan3A_97 : i32
    }
    %scan3A_23 = arith.constant 5 : i32
    %mul3A_24 = arith.constant 640 : i32
    %mul3A_25 = arith.muli %arg1, %mul3A_24 : i32
    "tpu.region"() ({
      %run_scoped3A = tpu.sem_alloc : memref<!tpu.dma_semaphore, #tpu.memory_space<semaphore_mem>>
      %dma_start3A = tpu.memref_slice %arg36[%mul3A_25] : memref<10240xf32, #tpu.memory_space<vmem_shared>> -> memref<640xf32, #tpu.memory_space<vmem_shared>>
      %dma_start3A_90 = tpu.memref_slice %arg36[%mul3A_25] : memref<10240xf32, #tpu.memory_space<vmem_shared>> -> memref<640xf32, #tpu.memory_space<vmem_shared>>
      tpu.enqueue_dma source(%arg34 : memref<640xf32, #tpu.memory_space<vmem>>) target(%dma_start3A_90 : memref<640xf32, #tpu.memory_space<vmem_shared>>) target_semaphore(%run_scoped3A : memref<!tpu.dma_semaphore, #tpu.memory_space<semaphore_mem>>)
      %dma_wait3A = tpu.memref_slice %arg36[%mul3A_25] : memref<10240xf32, #tpu.memory_space<vmem_shared>> -> memref<640xf32, #tpu.memory_space<vmem_shared>>
      %dma_wait3A_91 = tpu.memref_slice %arg36[%mul3A_25] : memref<10240xf32, #tpu.memory_space<vmem_shared>> -> memref<640xf32, #tpu.memory_space<vmem_shared>>
      tpu.wait_dma2 semaphore(%run_scoped3A : memref<!tpu.dma_semaphore, #tpu.memory_space<semaphore_mem>>) src(%arg34 : memref<640xf32, #tpu.memory_space<vmem>>) dst(%dma_wait3A_91 : memref<640xf32, #tpu.memory_space<vmem_shared>>)
      tpu.yield
    }) : () -> ()
    %mul3A_26 = arith.constant 640 : i32
    %mul3A_27 = arith.muli %arg1, %mul3A_26 : i32
    "tpu.region"() ({
      %run_scoped3A = tpu.sem_alloc : memref<!tpu.dma_semaphore, #tpu.memory_space<semaphore_mem>>
      %dma_start3A = tpu.memref_slice %arg37[%mul3A_27] : memref<10240xf32, #tpu.memory_space<vmem_shared>> -> memref<640xf32, #tpu.memory_space<vmem_shared>>
      %dma_start3A_90 = tpu.memref_slice %arg37[%mul3A_27] : memref<10240xf32, #tpu.memory_space<vmem_shared>> -> memref<640xf32, #tpu.memory_space<vmem_shared>>
      tpu.enqueue_dma source(%arg34 : memref<640xf32, #tpu.memory_space<vmem>>) target(%dma_start3A_90 : memref<640xf32, #tpu.memory_space<vmem_shared>>) target_semaphore(%run_scoped3A : memref<!tpu.dma_semaphore, #tpu.memory_space<semaphore_mem>>)
      %dma_wait3A = tpu.memref_slice %arg37[%mul3A_27] : memref<10240xf32, #tpu.memory_space<vmem_shared>> -> memref<640xf32, #tpu.memory_space<vmem_shared>>
      %dma_wait3A_91 = tpu.memref_slice %arg37[%mul3A_27] : memref<10240xf32, #tpu.memory_space<vmem_shared>> -> memref<640xf32, #tpu.memory_space<vmem_shared>>
      tpu.wait_dma2 semaphore(%run_scoped3A : memref<!tpu.dma_semaphore, #tpu.memory_space<semaphore_mem>>) src(%arg34 : memref<640xf32, #tpu.memory_space<vmem>>) dst(%dma_wait3A_91 : memref<640xf32, #tpu.memory_space<vmem_shared>>)
      tpu.yield
    }) : () -> ()
    %barrier3A = arith.constant 0 : index
    tpu.barrier barrier_id(%barrier3A)
    %get3A = arith.constant 0 : i32
    %get3A_28 = arith.index_cast %get3A : i32 to index
    %get3A_29 = arith.constant 0 : index
    %get3A_30 = tpu.vector_load %arg25[%get3A_28, %get3A_29] {strides = array<i32>} : memref<2x16xf32, #tpu.memory_space<vmem>>, vector<16xf32>,
    %get3A_31 = arith.constant 1 : i32
    %get3A_32 = arith.index_cast %get3A_31 : i32 to index
    %get3A_33 = arith.constant 0 : index
    %get3A_34 = tpu.vector_load %arg25[%get3A_32, %get3A_33] {strides = array<i32>} : memref<2x16xf32, #tpu.memory_space<vmem>>, vector<16xf32>,
    %scan3A_35 = arith.constant 0 : i32
    %scan3A_36 = arith.constant 0 : i32
    %scan3A_37 = arith.constant 125 : i32
    %scan3A_38 = arith.addi %scan3A_36, %scan3A_37 : i32
    %scan3A_39 = arith.constant 1 : i32
    %scan3A_40 = scf.for %scan3A_90 = %scan3A_36 to %scan3A_38 step %scan3A_39 iter_args(%scan3A_91 = %scan3A_35) -> (i32)  : i32 {
      %mul3A_92 = arith.constant 80 : i32
      %mul3A_93 = arith.muli %scan3A_90, %mul3A_92 : i32
      %add3A_94 = arith.addi %mul3A_2, %mul3A_93 : i32
      %run_scoped3A = arith.constant 0 : i32
      "tpu.region"() ({
        %run_scoped3A_859 = tpu.sem_alloc : memref<!tpu.dma_semaphore, #tpu.memory_space<semaphore_mem>>
        %dma_start3A = arith.constant 0 : i32
        %dma_start3A_860 = tpu.memref_slice %arg26[%run_scoped3A, %dma_start3A] : memref<1x80xi32, #tpu.memory_space<vmem>> -> memref<1x80xi32, #tpu.memory_space<vmem>>
        %dma_start3A_861 = tpu.memref_squeeze %dma_start3A_860 : memref<1x80xi32, #tpu.memory_space<vmem>> -> memref<80xi32, #tpu.memory_space<vmem>>
        %dma_start3A_862 = tpu.memref_slice %arg2[%add3A_94] : memref<320000xi32, #tpu.memory_space<hbm>> -> memref<80xi32, #tpu.memory_space<hbm>>
        %dma_start3A_863 = arith.constant 0 : i32
        %dma_start3A_864 = tpu.memref_slice %arg26[%run_scoped3A, %dma_start3A_863] : memref<1x80xi32, #tpu.memory_space<vmem>> -> memref<1x80xi32, #tpu.memory_space<vmem>>
        %dma_start3A_865 = tpu.memref_squeeze %dma_start3A_864 : memref<1x80xi32, #tpu.memory_space<vmem>> -> memref<80xi32, #tpu.memory_space<vmem>>
        %dma_start3A_866 = tpu.memref_slice %arg2[%add3A_94] : memref<320000xi32, #tpu.memory_space<hbm>> -> memref<80xi32, #tpu.memory_space<hbm>>
        tpu.enqueue_dma source(%dma_start3A_866 : memref<80xi32, #tpu.memory_space<hbm>>) target(%dma_start3A_865 : memref<80xi32, #tpu.memory_space<vmem>>) target_semaphore(%run_scoped3A_859 : memref<!tpu.dma_semaphore, #tpu.memory_space<semaphore_mem>>)
        %dma_wait3A = arith.constant 0 : i32
        %dma_wait3A_867 = tpu.memref_slice %arg26[%run_scoped3A, %dma_wait3A] : memref<1x80xi32, #tpu.memory_space<vmem>> -> memref<1x80xi32, #tpu.memory_space<vmem>>
        %dma_wait3A_868 = tpu.memref_squeeze %dma_wait3A_867 : memref<1x80xi32, #tpu.memory_space<vmem>> -> memref<80xi32, #tpu.memory_space<vmem>>
        %dma_wait3A_869 = tpu.memref_slice %arg2[%add3A_94] : memref<320000xi32, #tpu.memory_space<hbm>> -> memref<80xi32, #tpu.memory_space<hbm>>
        %dma_wait3A_870 = arith.constant 0 : i32
        %dma_wait3A_871 = tpu.memref_slice %arg26[%run_scoped3A, %dma_wait3A_870] : memref<1x80xi32, #tpu.memory_space<vmem>> -> memref<1x80xi32, #tpu.memory_space<vmem>>
        %dma_wait3A_872 = tpu.memref_squeeze %dma_wait3A_871 : memref<1x80xi32, #tpu.memory_space<vmem>> -> memref<80xi32, #tpu.memory_space<vmem>>
        %dma_wait3A_873 = tpu.memref_slice %arg2[%add3A_94] : memref<320000xi32, #tpu.memory_space<hbm>> -> memref<80xi32, #tpu.memory_space<hbm>>
        tpu.wait_dma2 semaphore(%run_scoped3A_859 : memref<!tpu.dma_semaphore, #tpu.memory_space<semaphore_mem>>) src(%dma_wait3A_873 : memref<80xi32, #tpu.memory_space<hbm>>) dst(%dma_wait3A_872 : memref<80xi32, #tpu.memory_space<vmem>>)
        tpu.yield
      }) : () -> ()
      %run_scoped3A_95 = arith.constant 0 : i32
      "tpu.region"() ({
        %run_scoped3A_859 = tpu.sem_alloc : memref<!tpu.dma_semaphore, #tpu.memory_space<semaphore_mem>>
        %dma_start3A = arith.constant 0 : i32
        %dma_start3A_860 = tpu.memref_slice %arg27[%run_scoped3A_95, %dma_start3A] : memref<1x80xi32, #tpu.memory_space<vmem>> -> memref<1x80xi32, #tpu.memory_space<vmem>>
        %dma_start3A_861 = tpu.memref_squeeze %dma_start3A_860 : memref<1x80xi32, #tpu.memory_space<vmem>> -> memref<80xi32, #tpu.memory_space<vmem>>
        %dma_start3A_862 = tpu.memref_slice %arg3[%add3A_94] : memref<320000xi32, #tpu.memory_space<hbm>> -> memref<80xi32, #tpu.memory_space<hbm>>
        %dma_start3A_863 = arith.constant 0 : i32
        %dma_start3A_864 = tpu.memref_slice %arg27[%run_scoped3A_95, %dma_start3A_863] : memref<1x80xi32, #tpu.memory_space<vmem>> -> memref<1x80xi32, #tpu.memory_space<vmem>>
        %dma_start3A_865 = tpu.memref_squeeze %dma_start3A_864 : memref<1x80xi32, #tpu.memory_space<vmem>> -> memref<80xi32, #tpu.memory_space<vmem>>
        %dma_start3A_866 = tpu.memref_slice %arg3[%add3A_94] : memref<320000xi32, #tpu.memory_space<hbm>> -> memref<80xi32, #tpu.memory_space<hbm>>
        tpu.enqueue_dma source(%dma_start3A_866 : memref<80xi32, #tpu.memory_space<hbm>>) target(%dma_start3A_865 : memref<80xi32, #tpu.memory_space<vmem>>) target_semaphore(%run_scoped3A_859 : memref<!tpu.dma_semaphore, #tpu.memory_space<semaphore_mem>>)
        %dma_wait3A = arith.constant 0 : i32
        %dma_wait3A_867 = tpu.memref_slice %arg27[%run_scoped3A_95, %dma_wait3A] : memref<1x80xi32, #tpu.memory_space<vmem>> -> memref<1x80xi32, #tpu.memory_space<vmem>>
        %dma_wait3A_868 = tpu.memref_squeeze %dma_wait3A_867 : memref<1x80xi32, #tpu.memory_space<vmem>> -> memref<80xi32, #tpu.memory_space<vmem>>
        %dma_wait3A_869 = tpu.memref_slice %arg3[%add3A_94] : memref<320000xi32, #tpu.memory_space<hbm>> -> memref<80xi32, #tpu.memory_space<hbm>>
        %dma_wait3A_870 = arith.constant 0 : i32
        %dma_wait3A_871 = tpu.memref_slice %arg27[%run_scoped3A_95, %dma_wait3A_870] : memref<1x80xi32, #tpu.memory_space<vmem>> -> memref<1x80xi32, #tpu.memory_space<vmem>>
        %dma_wait3A_872 = tpu.memref_squeeze %dma_wait3A_871 : memref<1x80xi32, #tpu.memory_space<vmem>> -> memref<80xi32, #tpu.memory_space<vmem>>
        %dma_wait3A_873 = tpu.memref_slice %arg3[%add3A_94] : memref<320000xi32, #tpu.memory_space<hbm>> -> memref<80xi32, #tpu.memory_space<hbm>>
        tpu.wait_dma2 semaphore(%run_scoped3A_859 : memref<!tpu.dma_semaphore, #tpu.memory_space<semaphore_mem>>) src(%dma_wait3A_873 : memref<80xi32, #tpu.memory_space<hbm>>) dst(%dma_wait3A_872 : memref<80xi32, #tpu.memory_space<vmem>>)
        tpu.yield
      }) : () -> ()
      %run_scoped3A_96 = arith.constant 0 : i32
      "tpu.region"() ({
        %run_scoped3A_859 = tpu.sem_alloc : memref<!tpu.dma_semaphore, #tpu.memory_space<semaphore_mem>>
        %dma_start3A = arith.constant 0 : i32
        %dma_start3A_860 = tpu.memref_slice %arg26[%run_scoped3A_96, %dma_start3A] : memref<1x80xi32, #tpu.memory_space<vmem>> -> memref<1x80xi32, #tpu.memory_space<vmem>>
        %dma_start3A_861 = tpu.memref_squeeze %dma_start3A_860 : memref<1x80xi32, #tpu.memory_space<vmem>> -> memref<80xi32, #tpu.memory_space<vmem>>
        %dma_start3A_862 = arith.constant 0 : i32
        %dma_start3A_863 = arith.constant 0 : i32
        %dma_start3A_864 = tpu.memref_slice %arg10[%dma_start3A_862, %dma_start3A_863] : memref<10000x128xf32, #tpu.memory_space<hbm>> -> memref<10000x128xf32, #tpu.memory_space<hbm>>
        tpu.enqueue_indirect_dma source(%dma_start3A_864 : memref<10000x128xf32, #tpu.memory_space<hbm>>) target(%arg28 : memref<80x128xf32, #tpu.memory_space<vmem>>) offsets(%dma_start3A_861 : memref<80xi32, #tpu.memory_space<vmem>>) semaphore(%run_scoped3A_859 : memref<!tpu.dma_semaphore, #tpu.memory_space<semaphore_mem>>)
        %dma_wait3A = arith.constant 0 : i32
        %dma_wait3A_865 = tpu.memref_slice %arg26[%run_scoped3A_96, %dma_wait3A] : memref<1x80xi32, #tpu.memory_space<vmem>> -> memref<1x80xi32, #tpu.memory_space<vmem>>
        %dma_wait3A_866 = tpu.memref_squeeze %dma_wait3A_865 : memref<1x80xi32, #tpu.memory_space<vmem>> -> memref<80xi32, #tpu.memory_space<vmem>>
        %dma_wait3A_867 = arith.constant 0 : i32
        %dma_wait3A_868 = arith.constant 0 : i32
        %dma_wait3A_869 = tpu.memref_slice %arg10[%dma_wait3A_867, %dma_wait3A_868] : memref<10000x128xf32, #tpu.memory_space<hbm>> -> memref<10000x128xf32, #tpu.memory_space<hbm>>
        tpu.wait_indirect_dma semaphore(%run_scoped3A_859 : memref<!tpu.dma_semaphore, #tpu.memory_space<semaphore_mem>>) src(%dma_wait3A_869 : memref<10000x128xf32, #tpu.memory_space<hbm>>) dst(%arg28 : memref<80x128xf32, #tpu.memory_space<vmem>>)
        tpu.yield
      }) : () -> ()
      %run_scoped3A_97 = arith.constant 0 : i32
      "tpu.region"() ({
        %run_scoped3A_859 = tpu.sem_alloc : memref<!tpu.dma_semaphore, #tpu.memory_space<semaphore_mem>>
        %dma_start3A = arith.constant 0 : i32
        %dma_start3A_860 = tpu.memref_slice %arg27[%run_scoped3A_97, %dma_start3A] : memref<1x80xi32, #tpu.memory_space<vmem>> -> memref<1x80xi32, #tpu.memory_space<vmem>>
        %dma_start3A_861 = tpu.memref_squeeze %dma_start3A_860 : memref<1x80xi32, #tpu.memory_space<vmem>> -> memref<80xi32, #tpu.memory_space<vmem>>
        %dma_start3A_862 = arith.constant 0 : i32
        %dma_start3A_863 = arith.constant 0 : i32
        %dma_start3A_864 = tpu.memref_slice %arg10[%dma_start3A_862, %dma_start3A_863] : memref<10000x128xf32, #tpu.memory_space<hbm>> -> memref<10000x128xf32, #tpu.memory_space<hbm>>
        tpu.enqueue_indirect_dma source(%dma_start3A_864 : memref<10000x128xf32, #tpu.memory_space<hbm>>) target(%arg29 : memref<80x128xf32, #tpu.memory_space<vmem>>) offsets(%dma_start3A_861 : memref<80xi32, #tpu.memory_space<vmem>>) semaphore(%run_scoped3A_859 : memref<!tpu.dma_semaphore, #tpu.memory_space<semaphore_mem>>)
        %dma_wait3A = arith.constant 0 : i32
        %dma_wait3A_865 = tpu.memref_slice %arg27[%run_scoped3A_97, %dma_wait3A] : memref<1x80xi32, #tpu.memory_space<vmem>> -> memref<1x80xi32, #tpu.memory_space<vmem>>
        %dma_wait3A_866 = tpu.memref_squeeze %dma_wait3A_865 : memref<1x80xi32, #tpu.memory_space<vmem>> -> memref<80xi32, #tpu.memory_space<vmem>>
        %dma_wait3A_867 = arith.constant 0 : i32
        %dma_wait3A_868 = arith.constant 0 : i32
        %dma_wait3A_869 = tpu.memref_slice %arg10[%dma_wait3A_867, %dma_wait3A_868] : memref<10000x128xf32, #tpu.memory_space<hbm>> -> memref<10000x128xf32, #tpu.memory_space<hbm>>
        tpu.wait_indirect_dma semaphore(%run_scoped3A_859 : memref<!tpu.dma_semaphore, #tpu.memory_space<semaphore_mem>>) src(%dma_wait3A_869 : memref<10000x128xf32, #tpu.memory_space<hbm>>) dst(%arg29 : memref<80x128xf32, #tpu.memory_space<vmem>>)
        tpu.yield
      }) : () -> ()
      %run_scoped3A_98 = arith.constant 0 : i32
      "tpu.region"() ({
        %run_scoped3A_859 = tpu.sem_alloc : memref<!tpu.dma_semaphore, #tpu.memory_space<semaphore_mem>>
        %dma_start3A = arith.constant 0 : i32
        %dma_start3A_860 = tpu.memref_slice %arg26[%run_scoped3A_98, %dma_start3A] : memref<1x80xi32, #tpu.memory_space<vmem>> -> memref<1x80xi32, #tpu.memory_space<vmem>>
        %dma_start3A_861 = tpu.memref_squeeze %dma_start3A_860 : memref<1x80xi32, #tpu.memory_space<vmem>> -> memref<80xi32, #tpu.memory_space<vmem>>
        %dma_start3A_862 = arith.constant 0 : i32
        %dma_start3A_863 = arith.constant 0 : i32
        %dma_start3A_864 = tpu.memref_slice %arg13[%dma_start3A_862, %dma_start3A_863] : memref<10000x64xf32, #tpu.memory_space<hbm>> -> memref<10000x64xf32, #tpu.memory_space<hbm>>
        tpu.enqueue_indirect_dma source(%dma_start3A_864 : memref<10000x64xf32, #tpu.memory_space<hbm>>) target(%arg30 : memref<80x64xf32, #tpu.memory_space<vmem>>) offsets(%dma_start3A_861 : memref<80xi32, #tpu.memory_space<vmem>>) semaphore(%run_scoped3A_859 : memref<!tpu.dma_semaphore, #tpu.memory_space<semaphore_mem>>)
        %dma_wait3A = arith.constant 0 : i32
        %dma_wait3A_865 = tpu.memref_slice %arg26[%run_scoped3A_98, %dma_wait3A] : memref<1x80xi32, #tpu.memory_space<vmem>> -> memref<1x80xi32, #tpu.memory_space<vmem>>
        %dma_wait3A_866 = tpu.memref_squeeze %dma_wait3A_865 : memref<1x80xi32, #tpu.memory_space<vmem>> -> memref<80xi32, #tpu.memory_space<vmem>>
        %dma_wait3A_867 = arith.constant 0 : i32
        %dma_wait3A_868 = arith.constant 0 : i32
        %dma_wait3A_869 = tpu.memref_slice %arg13[%dma_wait3A_867, %dma_wait3A_868] : memref<10000x64xf32, #tpu.memory_space<hbm>> -> memref<10000x64xf32, #tpu.memory_space<hbm>>
        tpu.wait_indirect_dma semaphore(%run_scoped3A_859 : memref<!tpu.dma_semaphore, #tpu.memory_space<semaphore_mem>>) src(%dma_wait3A_869 : memref<10000x64xf32, #tpu.memory_space<hbm>>) dst(%arg30 : memref<80x64xf32, #tpu.memory_space<vmem>>)
        tpu.yield
      }) : () -> ()
      %iota3A = tpu.iota {dimensions = array<i32: 0>} : vector<16xi32>
      %add3A_99 = arith.constant 0 : i32
      %add3A_100 = vector.broadcast %add3A_99 : i32 to vector<16xi32>
      %add3A_101 = arith.addi %iota3A, %add3A_100 : vector<16xi32>
      %get3A_102 = arith.constant 0 : i32
      %get3A_103 = arith.index_cast %get3A_102 : i32 to index
      %get3A_104 = arith.constant 0 : index
      %get3A_105 = tpu.vector_load %arg26[%get3A_103, %get3A_104] {strides = array<i32>} : memref<1x80xi32, #tpu.memory_space<vmem>>, vector<16xi32>,
      %get3A_106 = arith.constant 0 : i32
      %get3A_107 = arith.index_cast %get3A_106 : i32 to index
      %get3A_108 = arith.constant 0 : index
      %get3A_109 = tpu.vector_load %arg27[%get3A_107, %get3A_108] {strides = array<i32>} : memref<1x80xi32, #tpu.memory_space<vmem>>, vector<16xi32>,
      %shift_right_logical3A = arith.constant 7 : i32
      %shift_right_logical3A_110 = vector.broadcast %shift_right_logical3A : i32 to vector<16xi32>
      %shift_right_logical3A_111 = arith.shrui %get3A_105, %shift_right_logical3A_110 : vector<16xi32>
      %and3A = arith.constant 127 : i32
      %and3A_112 = vector.broadcast %and3A : i32 to vector<16xi32>
      %and3A_113 = arith.andi %get3A_105, %and3A_112 : vector<16xi32>
      %shift_right_logical3A_114 = arith.constant 7 : i32
      %shift_right_logical3A_115 = vector.broadcast %shift_right_logical3A_114 : i32 to vector<16xi32>
      %shift_right_logical3A_116 = arith.shrui %get3A_109, %shift_right_logical3A_115 : vector<16xi32>
      %and3A_117 = arith.constant 127 : i32
      %and3A_118 = vector.broadcast %and3A_117 : i32 to vector<16xi32>
      %and3A_119 = arith.andi %get3A_109, %and3A_118 : vector<16xi32>
      %gather3A = tpu.vector_load_idx %arg20[%shift_right_logical3A_111, %and3A_113] : memref<79x128xf32, #tpu.memory_space<vmem>>[vector<16xi32>, vector<16xi32>], vector<16xf32>,
      %gather3A_120 = tpu.vector_load_idx %arg21[%shift_right_logical3A_116, %and3A_119] : memref<79x128xf32, #tpu.memory_space<vmem>>[vector<16xi32>, vector<16xi32>], vector<16xf32>,
      %add3A_121 = arith.addf %gather3A, %gather3A_120 : vector<16xf32>
      %gather3A_122 = tpu.vector_load_idx %arg22[%shift_right_logical3A_111, %and3A_113] : memref<79x128xf32, #tpu.memory_space<vmem>>[vector<16xi32>, vector<16xi32>], vector<16xf32>,
      %gather3A_123 = tpu.vector_load_idx %arg23[%shift_right_logical3A_116, %and3A_119] : memref<79x128xf32, #tpu.memory_space<vmem>>[vector<16xi32>, vector<16xi32>], vector<16xf32>,
      %add3A_124 = arith.addf %gather3A_122, %gather3A_123 : vector<16xf32>
      %gather3A_125 = tpu.vector_load_idx %arg24[%shift_right_logical3A_111, %and3A_113] : memref<79x128xf32, #tpu.memory_space<vmem>>[vector<16xi32>, vector<16xi32>], vector<16xf32>,
      %gather3A_126 = tpu.vector_load_idx %arg24[%shift_right_logical3A_116, %and3A_119] : memref<79x128xf32, #tpu.memory_space<vmem>>[vector<16xi32>, vector<16xi32>], vector<16xf32>,
      %broadcast_in_dim3A_127 = arith.constant 0.000000e+00 : f32
      %broadcast_in_dim3A_128 = vector.broadcast %broadcast_in_dim3A_127 : f32 to vector<16xf32>
      %scan3A_129 = arith.constant 0 : i32
      %scan3A_130 = arith.constant 128 : i32
      %scan3A_131 = arith.addi %scan3A_129, %scan3A_130 : i32
      %scan3A_132 = arith.constant 8 : i32
      %scan3A_133 = scf.for %scan3A_859 = %scan3A_129 to %scan3A_131 step %scan3A_132 iter_args(%scan3A_860 = %broadcast_in_dim3A_128) -> (vector<16xf32>)  : i32 {
        %broadcast_in_dim3A_861 = arith.constant 0 : i32
        %broadcast_in_dim3A_862 = vector.broadcast %broadcast_in_dim3A_861 : i32 to vector<16xi32>
        %add3A_863 = vector.broadcast %scan3A_859 : i32 to vector<16xi32>
        %add3A_864 = arith.addi %broadcast_in_dim3A_862, %add3A_863 : vector<16xi32>
        %gather3A_865 = tpu.vector_load_idx %arg28[%add3A_101, %add3A_864] : memref<80x128xf32, #tpu.memory_space<vmem>>[vector<16xi32>, vector<16xi32>], vector<16xf32>,
        %gather3A_866 = tpu.vector_load_idx %arg29[%add3A_101, %add3A_864] : memref<80x128xf32, #tpu.memory_space<vmem>>[vector<16xi32>, vector<16xi32>], vector<16xf32>,
        %mul3A_867 = arith.mulf %gather3A_865, %gather3A_866 : vector<16xf32>
        %add3A_868 = arith.addf %scan3A_860, %mul3A_867 : vector<16xf32>
        %scan3A_869 = arith.constant 1 : i32
        %scan3A_870 = arith.addi %scan3A_859, %scan3A_869 : i32
        %broadcast_in_dim3A_871 = arith.constant 0 : i32
        %broadcast_in_dim3A_872 = vector.broadcast %broadcast_in_dim3A_871 : i32 to vector<16xi32>
        %add3A_873 = vector.broadcast %scan3A_870 : i32 to vector<16xi32>
        %add3A_874 = arith.addi %broadcast_in_dim3A_872, %add3A_873 : vector<16xi32>
        %gather3A_875 = tpu.vector_load_idx %arg28[%add3A_101, %add3A_874] : memref<80x128xf32, #tpu.memory_space<vmem>>[vector<16xi32>, vector<16xi32>], vector<16xf32>,
        %gather3A_876 = tpu.vector_load_idx %arg29[%add3A_101, %add3A_874] : memref<80x128xf32, #tpu.memory_space<vmem>>[vector<16xi32>, vector<16xi32>], vector<16xf32>,
        %mul3A_877 = arith.mulf %gather3A_875, %gather3A_876 : vector<16xf32>
        %add3A_878 = arith.addf %add3A_868, %mul3A_877 : vector<16xf32>
        %scan3A_879 = arith.constant 2 : i32
        %scan3A_880 = arith.addi %scan3A_859, %scan3A_879 : i32
        %broadcast_in_dim3A_881 = arith.constant 0 : i32
        %broadcast_in_dim3A_882 = vector.broadcast %broadcast_in_dim3A_881 : i32 to vector<16xi32>
        %add3A_883 = vector.broadcast %scan3A_880 : i32 to vector<16xi32>
        %add3A_884 = arith.addi %broadcast_in_dim3A_882, %add3A_883 : vector<16xi32>
        %gather3A_885 = tpu.vector_load_idx %arg28[%add3A_101, %add3A_884] : memref<80x128xf32, #tpu.memory_space<vmem>>[vector<16xi32>, vector<16xi32>], vector<16xf32>,
        %gather3A_886 = tpu.vector_load_idx %arg29[%add3A_101, %add3A_884] : memref<80x128xf32, #tpu.memory_space<vmem>>[vector<16xi32>, vector<16xi32>], vector<16xf32>,
        %mul3A_887 = arith.mulf %gather3A_885, %gather3A_886 : vector<16xf32>
        %add3A_888 = arith.addf %add3A_878, %mul3A_887 : vector<16xf32>
        %scan3A_889 = arith.constant 3 : i32
        %scan3A_890 = arith.addi %scan3A_859, %scan3A_889 : i32
        %broadcast_in_dim3A_891 = arith.constant 0 : i32
        %broadcast_in_dim3A_892 = vector.broadcast %broadcast_in_dim3A_891 : i32 to vector<16xi32>
        %add3A_893 = vector.broadcast %scan3A_890 : i32 to vector<16xi32>
        %add3A_894 = arith.addi %broadcast_in_dim3A_892, %add3A_893 : vector<16xi32>
        %gather3A_895 = tpu.vector_load_idx %arg28[%add3A_101, %add3A_894] : memref<80x128xf32, #tpu.memory_space<vmem>>[vector<16xi32>, vector<16xi32>], vector<16xf32>,
        %gather3A_896 = tpu.vector_load_idx %arg29[%add3A_101, %add3A_894] : memref<80x128xf32, #tpu.memory_space<vmem>>[vector<16xi32>, vector<16xi32>], vector<16xf32>,
        %mul3A_897 = arith.mulf %gather3A_895, %gather3A_896 : vector<16xf32>
        %add3A_898 = arith.addf %add3A_888, %mul3A_897 : vector<16xf32>
        %scan3A_899 = arith.constant 4 : i32
        %scan3A_900 = arith.addi %scan3A_859, %scan3A_899 : i32
        %broadcast_in_dim3A_901 = arith.constant 0 : i32
        %broadcast_in_dim3A_902 = vector.broadcast %broadcast_in_dim3A_901 : i32 to vector<16xi32>
        %add3A_903 = vector.broadcast %scan3A_900 : i32 to vector<16xi32>
        %add3A_904 = arith.addi %broadcast_in_dim3A_902, %add3A_903 : vector<16xi32>
        %gather3A_905 = tpu.vector_load_idx %arg28[%add3A_101, %add3A_904] : memref<80x128xf32, #tpu.memory_space<vmem>>[vector<16xi32>, vector<16xi32>], vector<16xf32>,
        %gather3A_906 = tpu.vector_load_idx %arg29[%add3A_101, %add3A_904] : memref<80x128xf32, #tpu.memory_space<vmem>>[vector<16xi32>, vector<16xi32>], vector<16xf32>,
        %mul3A_907 = arith.mulf %gather3A_905, %gather3A_906 : vector<16xf32>
        %add3A_908 = arith.addf %add3A_898, %mul3A_907 : vector<16xf32>
        %scan3A_909 = arith.constant 5 : i32
        %scan3A_910 = arith.addi %scan3A_859, %scan3A_909 : i32
        %broadcast_in_dim3A_911 = arith.constant 0 : i32
        %broadcast_in_dim3A_912 = vector.broadcast %broadcast_in_dim3A_911 : i32 to vector<16xi32>
        %add3A_913 = vector.broadcast %scan3A_910 : i32 to vector<16xi32>
        %add3A_914 = arith.addi %broadcast_in_dim3A_912, %add3A_913 : vector<16xi32>
        %gather3A_915 = tpu.vector_load_idx %arg28[%add3A_101, %add3A_914] : memref<80x128xf32, #tpu.memory_space<vmem>>[vector<16xi32>, vector<16xi32>], vector<16xf32>,
        %gather3A_916 = tpu.vector_load_idx %arg29[%add3A_101, %add3A_914] : memref<80x128xf32, #tpu.memory_space<vmem>>[vector<16xi32>, vector<16xi32>], vector<16xf32>,
        %mul3A_917 = arith.mulf %gather3A_915, %gather3A_916 : vector<16xf32>
        %add3A_918 = arith.addf %add3A_908, %mul3A_917 : vector<16xf32>
        %scan3A_919 = arith.constant 6 : i32
        %scan3A_920 = arith.addi %scan3A_859, %scan3A_919 : i32
        %broadcast_in_dim3A_921 = arith.constant 0 : i32
        %broadcast_in_dim3A_922 = vector.broadcast %broadcast_in_dim3A_921 : i32 to vector<16xi32>
        %add3A_923 = vector.broadcast %scan3A_920 : i32 to vector<16xi32>
        %add3A_924 = arith.addi %broadcast_in_dim3A_922, %add3A_923 : vector<16xi32>
        %gather3A_925 = tpu.vector_load_idx %arg28[%add3A_101, %add3A_924] : memref<80x128xf32, #tpu.memory_space<vmem>>[vector<16xi32>, vector<16xi32>], vector<16xf32>,
        %gather3A_926 = tpu.vector_load_idx %arg29[%add3A_101, %add3A_924] : memref<80x128xf32, #tpu.memory_space<vmem>>[vector<16xi32>, vector<16xi32>], vector<16xf32>,
        %mul3A_927 = arith.mulf %gather3A_925, %gather3A_926 : vector<16xf32>
        %add3A_928 = arith.addf %add3A_918, %mul3A_927 : vector<16xf32>
        %scan3A_929 = arith.constant 7 : i32
        %scan3A_930 = arith.addi %scan3A_859, %scan3A_929 : i32
        %broadcast_in_dim3A_931 = arith.constant 0 : i32
        %broadcast_in_dim3A_932 = vector.broadcast %broadcast_in_dim3A_931 : i32 to vector<16xi32>
        %add3A_933 = vector.broadcast %scan3A_930 : i32 to vector<16xi32>
        %add3A_934 = arith.addi %broadcast_in_dim3A_932, %add3A_933 : vector<16xi32>
        %gather3A_935 = tpu.vector_load_idx %arg28[%add3A_101, %add3A_934] : memref<80x128xf32, #tpu.memory_space<vmem>>[vector<16xi32>, vector<16xi32>], vector<16xf32>,
        %gather3A_936 = tpu.vector_load_idx %arg29[%add3A_101, %add3A_934] : memref<80x128xf32, #tpu.memory_space<vmem>>[vector<16xi32>, vector<16xi32>], vector<16xf32>,
        %mul3A_937 = arith.mulf %gather3A_935, %gather3A_936 : vector<16xf32>
        %add3A_938 = arith.addf %add3A_928, %mul3A_937 : vector<16xf32>
        scf.yield %add3A_938 : vector<16xf32>
      }
      %scan3A_134 = arith.constant 128 : i32
      %mul3A_135 = arith.constant 2.000000e+00 : f32
      %mul3A_136 = vector.broadcast %mul3A_135 : f32 to vector<16xf32>
      %mul3A_137 = arith.mulf %mul3A_136, %scan3A_133 : vector<16xf32>
      %sub3A = arith.constant 1.000000e+00 : f32
      %sub3A_138 = vector.broadcast %sub3A : f32 to vector<16xf32>
      %sub3A_139 = arith.subf %sub3A_138, %mul3A_137 : vector<16xf32>
      %add3A_140 = arith.addf %sub3A_139, %gather3A_126 : vector<16xf32>
      %sub3A_141 = arith.constant 1.000000e+00 : f32
      %sub3A_142 = vector.broadcast %sub3A_141 : f32 to vector<16xf32>
      %sub3A_143 = arith.subf %sub3A_142, %gather3A_125 : vector<16xf32>
      %mul3A_144 = arith.constant 2.000000e+00 : f32
      %mul3A_145 = vector.broadcast %mul3A_144 : f32 to vector<16xf32>
      %mul3A_146 = arith.mulf %mul3A_145, %scan3A_133 : vector<16xf32>
      %sub3A_147 = arith.constant 1.000000e+00 : f32
      %sub3A_148 = vector.broadcast %sub3A_147 : f32 to vector<16xf32>
      %sub3A_149 = arith.subf %sub3A_148, %mul3A_146 : vector<16xf32>
      %mul3A_150 = arith.mulf %gather3A_125, %gather3A_126 : vector<16xf32>
      %add3A_151 = arith.addf %sub3A_149, %mul3A_150 : vector<16xf32>
      %max3A = arith.constant 1.000000e-10 : f32
      %max3A_152 = vector.broadcast %max3A : f32 to vector<16xf32>
      %max3A_153 = arith.maximumf %add3A_151, %max3A_152 : vector<16xf32>
      %mul3A_154 = arith.mulf %add3A_140, %add3A_140 : vector<16xf32>
      %mul3A_155 = arith.mulf %mul3A_154, %gather3A_125 : vector<16xf32>
      %mul3A_156 = arith.mulf %sub3A_143, %sub3A_143 : vector<16xf32>
      %mul3A_157 = arith.mulf %mul3A_156, %gather3A_126 : vector<16xf32>
      %add3A_158 = arith.addf %mul3A_155, %mul3A_157 : vector<16xf32>
      %mul3A_159 = arith.constant 2.000000e+00 : f32
      %mul3A_160 = vector.broadcast %mul3A_159 : f32 to vector<16xf32>
      %mul3A_161 = arith.mulf %mul3A_160, %add3A_140 : vector<16xf32>
      %mul3A_162 = arith.mulf %mul3A_161, %sub3A_143 : vector<16xf32>
      %mul3A_163 = arith.mulf %mul3A_162, %scan3A_133 : vector<16xf32>
      %sub3A_164 = arith.subf %add3A_158, %mul3A_163 : vector<16xf32>
      %max3A_165 = arith.constant 0.000000e+00 : f32
      %max3A_166 = vector.broadcast %max3A_165 : f32 to vector<16xf32>
      %max3A_167 = arith.maximumf %sub3A_164, %max3A_166 : vector<16xf32>
      %max3A_168 = arith.constant 1.000000e-30 : f32
      %max3A_169 = vector.broadcast %max3A_168 : f32 to vector<16xf32>
      %max3A_170 = arith.maximumf %max3A_167, %max3A_169 : vector<16xf32>
      %bitcast_convert_type3A = tpu.bitcast %max3A_170 : vector<16xf32> -> vector<16xi32>
      %shift_right_arithmetic3A = arith.constant 1 : i32
      %shift_right_arithmetic3A_171 = vector.broadcast %shift_right_arithmetic3A : i32 to vector<16xi32>
      %shift_right_arithmetic3A_172 = arith.shrsi %bitcast_convert_type3A, %shift_right_arithmetic3A_171 : vector<16xi32>
      %sub3A_173 = arith.constant 1597463007 : i32
      %sub3A_174 = vector.broadcast %sub3A_173 : i32 to vector<16xi32>
      %sub3A_175 = arith.subi %sub3A_174, %shift_right_arithmetic3A_172 : vector<16xi32>
      %bitcast_convert_type3A_176 = tpu.bitcast %sub3A_175 : vector<16xi32> -> vector<16xf32>
      %mul3A_177 = arith.constant 5.000000e-01 : f32
      %mul3A_178 = vector.broadcast %mul3A_177 : f32 to vector<16xf32>
      %mul3A_179 = arith.mulf %mul3A_178, %max3A_170 : vector<16xf32>
      %mul3A_180 = arith.mulf %mul3A_179, %bitcast_convert_type3A_176 : vector<16xf32>
      %mul3A_181 = arith.mulf %mul3A_180, %bitcast_convert_type3A_176 : vector<16xf32>
      %sub3A_182 = arith.constant 1.500000e+00 : f32
      %sub3A_183 = vector.broadcast %sub3A_182 : f32 to vector<16xf32>
      %sub3A_184 = arith.subf %sub3A_183, %mul3A_181 : vector<16xf32>
      %mul3A_185 = arith.mulf %bitcast_convert_type3A_176, %sub3A_184 : vector<16xf32>
      %mul3A_186 = arith.constant 5.000000e-01 : f32
      %mul3A_187 = vector.broadcast %mul3A_186 : f32 to vector<16xf32>
      %mul3A_188 = arith.mulf %mul3A_187, %max3A_170 : vector<16xf32>
      %mul3A_189 = arith.mulf %mul3A_188, %mul3A_185 : vector<16xf32>
      %mul3A_190 = arith.mulf %mul3A_189, %mul3A_185 : vector<16xf32>
      %sub3A_191 = arith.constant 1.500000e+00 : f32
      %sub3A_192 = vector.broadcast %sub3A_191 : f32 to vector<16xf32>
      %sub3A_193 = arith.subf %sub3A_192, %mul3A_190 : vector<16xf32>
      %mul3A_194 = arith.mulf %mul3A_185, %sub3A_193 : vector<16xf32>
      %mul3A_195 = arith.constant 5.000000e-01 : f32
      %mul3A_196 = vector.broadcast %mul3A_195 : f32 to vector<16xf32>
      %mul3A_197 = arith.mulf %mul3A_196, %max3A_170 : vector<16xf32>
      %mul3A_198 = arith.mulf %mul3A_197, %mul3A_194 : vector<16xf32>
      %mul3A_199 = arith.mulf %mul3A_198, %mul3A_194 : vector<16xf32>
      %sub3A_200 = arith.constant 1.500000e+00 : f32
      %sub3A_201 = vector.broadcast %sub3A_200 : f32 to vector<16xf32>
      %sub3A_202 = arith.subf %sub3A_201, %mul3A_199 : vector<16xf32>
      %mul3A_203 = arith.mulf %mul3A_194, %sub3A_202 : vector<16xf32>
      %mul3A_204 = arith.mulf %max3A_170, %mul3A_203 : vector<16xf32>
      %div3A = arith.divf %mul3A_204, %max3A_153 : vector<16xf32>
      %min3A = arith.constant 0.99999988 : f32
      %min3A_205 = vector.broadcast %min3A : f32 to vector<16xf32>
      %min3A_206 = arith.minimumf %div3A, %min3A_205 : vector<16xf32>
      %sub3A_207 = arith.constant 1.000000e+00 : f32
      %sub3A_208 = vector.broadcast %sub3A_207 : f32 to vector<16xf32>
      %sub3A_209 = arith.subf %sub3A_208, %min3A_206 : vector<16xf32>
      %add3A_210 = arith.constant 1.000000e+00 : f32
      %add3A_211 = vector.broadcast %add3A_210 : f32 to vector<16xf32>
      %add3A_212 = arith.addf %add3A_211, %min3A_206 : vector<16xf32>
      %div3A_213 = arith.divf %sub3A_209, %add3A_212 : vector<16xf32>
      %mul3A_214 = arith.constant 2.000000e-01 : f32
      %mul3A_215 = vector.broadcast %mul3A_214 : f32 to vector<16xf32>
      %mul3A_216 = arith.mulf %mul3A_215, %add3A_121 : vector<16xf32>
      %max3A_217 = arith.maximumf %add3A_121, %mul3A_216 : vector<16xf32>
      %sub3A_218 = arith.subf %max3A_217, %get3A_30 : vector<16xf32>
      %exp3A = math.exp %sub3A_218 : vector<16xf32>
      %mul3A_219 = arith.mulf %exp3A, %div3A_213 : vector<16xf32>
      %mul3A_220 = arith.constant 2.000000e-01 : f32
      %mul3A_221 = vector.broadcast %mul3A_220 : f32 to vector<16xf32>
      %mul3A_222 = arith.mulf %mul3A_221, %add3A_124 : vector<16xf32>
      %max3A_223 = arith.maximumf %add3A_124, %mul3A_222 : vector<16xf32>
      %sub3A_224 = arith.subf %max3A_223, %get3A_34 : vector<16xf32>
      %exp3A_225 = math.exp %sub3A_224 : vector<16xf32>
      %swap3A = arith.constant 0 : i32
      %swap3A_226 = arith.index_cast %swap3A : i32 to index
      %swap3A_227 = arith.constant 0 : index
      %swap3A_228 = tpu.vector_load %arg31[%swap3A_226, %swap3A_227] {strides = array<i32>} : memref<1x80xf32, #tpu.memory_space<vmem>>, vector<16xf32>,
      tpu.vector_store %arg31[%swap3A_226, %swap3A_227], %mul3A_219 {strides = array<i32>} : memref<1x80xf32, #tpu.memory_space<vmem>>, vector<16xf32>,
      %swap3A_229 = arith.constant 0 : i32
      %swap3A_230 = arith.index_cast %swap3A_229 : i32 to index
      %swap3A_231 = arith.constant 0 : index
      %swap3A_232 = tpu.vector_load %arg32[%swap3A_230, %swap3A_231] {strides = array<i32>} : memref<1x80xf32, #tpu.memory_space<vmem>>, vector<16xf32>,
      tpu.vector_store %arg32[%swap3A_230, %swap3A_231], %exp3A_225 {strides = array<i32>} : memref<1x80xf32, #tpu.memory_space<vmem>>, vector<16xf32>,
      %scan3A_233 = arith.constant 0 : i32
      %scan3A_234 = arith.constant 0 : i32
      %scan3A_235 = arith.constant 64 : i32
      %scan3A_236 = arith.addi %scan3A_234, %scan3A_235 : i32
      %scan3A_237 = arith.constant 8 : i32
      %scan3A_238 = scf.for %scan3A_859 = %scan3A_234 to %scan3A_236 step %scan3A_237 iter_args(%scan3A_860 = %scan3A_233) -> (i32)  : i32 {
        %broadcast_in_dim3A_861 = arith.constant 0 : i32
        %broadcast_in_dim3A_862 = vector.broadcast %broadcast_in_dim3A_861 : i32 to vector<16xi32>
        %add3A_863 = vector.broadcast %scan3A_859 : i32 to vector<16xi32>
        %add3A_864 = arith.addi %broadcast_in_dim3A_862, %add3A_863 : vector<16xi32>
        %gather3A_865 = tpu.vector_load_idx %arg30[%add3A_101, %add3A_864] : memref<80x64xf32, #tpu.memory_space<vmem>>[vector<16xi32>, vector<16xi32>], vector<16xf32>,
        %mul3A_866 = arith.mulf %gather3A_865, %exp3A_225 : vector<16xf32>
        tpu.vector_store_idx %arg30[%add3A_101, %add3A_864], %mul3A_866 : memref<80x64xf32, #tpu.memory_space<vmem>>[vector<16xi32>, vector<16xi32>], vector<16xf32>,
        %scan3A_867 = arith.constant 0 : i32
        %scan3A_868 = arith.constant 1 : i32
        %scan3A_869 = arith.addi %scan3A_859, %scan3A_868 : i32
        %broadcast_in_dim3A_870 = arith.constant 0 : i32
        %broadcast_in_dim3A_871 = vector.broadcast %broadcast_in_dim3A_870 : i32 to vector<16xi32>
        %add3A_872 = vector.broadcast %scan3A_869 : i32 to vector<16xi32>
        %add3A_873 = arith.addi %broadcast_in_dim3A_871, %add3A_872 : vector<16xi32>
        %gather3A_874 = tpu.vector_load_idx %arg30[%add3A_101, %add3A_873] : memref<80x64xf32, #tpu.memory_space<vmem>>[vector<16xi32>, vector<16xi32>], vector<16xf32>,
        %mul3A_875 = arith.mulf %gather3A_874, %exp3A_225 : vector<16xf32>
        tpu.vector_store_idx %arg30[%add3A_101, %add3A_873], %mul3A_875 : memref<80x64xf32, #tpu.memory_space<vmem>>[vector<16xi32>, vector<16xi32>], vector<16xf32>,
        %scan3A_876 = arith.constant 0 : i32
        %scan3A_877 = arith.constant 2 : i32
        %scan3A_878 = arith.addi %scan3A_859, %scan3A_877 : i32
        %broadcast_in_dim3A_879 = arith.constant 0 : i32
        %broadcast_in_dim3A_880 = vector.broadcast %broadcast_in_dim3A_879 : i32 to vector<16xi32>
        %add3A_881 = vector.broadcast %scan3A_878 : i32 to vector<16xi32>
        %add3A_882 = arith.addi %broadcast_in_dim3A_880, %add3A_881 : vector<16xi32>
        %gather3A_883 = tpu.vector_load_idx %arg30[%add3A_101, %add3A_882] : memref<80x64xf32, #tpu.memory_space<vmem>>[vector<16xi32>, vector<16xi32>], vector<16xf32>,
        %mul3A_884 = arith.mulf %gather3A_883, %exp3A_225 : vector<16xf32>
        tpu.vector_store_idx %arg30[%add3A_101, %add3A_882], %mul3A_884 : memref<80x64xf32, #tpu.memory_space<vmem>>[vector<16xi32>, vector<16xi32>], vector<16xf32>,
        %scan3A_885 = arith.constant 0 : i32
        %scan3A_886 = arith.constant 3 : i32
        %scan3A_887 = arith.addi %scan3A_859, %scan3A_886 : i32
        %broadcast_in_dim3A_888 = arith.constant 0 : i32
        %broadcast_in_dim3A_889 = vector.broadcast %broadcast_in_dim3A_888 : i32 to vector<16xi32>
        %add3A_890 = vector.broadcast %scan3A_887 : i32 to vector<16xi32>
        %add3A_891 = arith.addi %broadcast_in_dim3A_889, %add3A_890 : vector<16xi32>
        %gather3A_892 = tpu.vector_load_idx %arg30[%add3A_101, %add3A_891] : memref<80x64xf32, #tpu.memory_space<vmem>>[vector<16xi32>, vector<16xi32>], vector<16xf32>,
        %mul3A_893 = arith.mulf %gather3A_892, %exp3A_225 : vector<16xf32>
        tpu.vector_store_idx %arg30[%add3A_101, %add3A_891], %mul3A_893 : memref<80x64xf32, #tpu.memory_space<vmem>>[vector<16xi32>, vector<16xi32>], vector<16xf32>,
        %scan3A_894 = arith.constant 0 : i32
        %scan3A_895 = arith.constant 4 : i32
        %scan3A_896 = arith.addi %scan3A_859, %scan3A_895 : i32
        %broadcast_in_dim3A_897 = arith.constant 0 : i32
        %broadcast_in_dim3A_898 = vector.broadcast %broadcast_in_dim3A_897 : i32 to vector<16xi32>
        %add3A_899 = vector.broadcast %scan3A_896 : i32 to vector<16xi32>
        %add3A_900 = arith.addi %broadcast_in_dim3A_898, %add3A_899 : vector<16xi32>
        %gather3A_901 = tpu.vector_load_idx %arg30[%add3A_101, %add3A_900] : memref<80x64xf32, #tpu.memory_space<vmem>>[vector<16xi32>, vector<16xi32>], vector<16xf32>,
        %mul3A_902 = arith.mulf %gather3A_901, %exp3A_225 : vector<16xf32>
        tpu.vector_store_idx %arg30[%add3A_101, %add3A_900], %mul3A_902 : memref<80x64xf32, #tpu.memory_space<vmem>>[vector<16xi32>, vector<16xi32>], vector<16xf32>,
        %scan3A_903 = arith.constant 0 : i32
        %scan3A_904 = arith.constant 5 : i32
        %scan3A_905 = arith.addi %scan3A_859, %scan3A_904 : i32
        %broadcast_in_dim3A_906 = arith.constant 0 : i32
        %broadcast_in_dim3A_907 = vector.broadcast %broadcast_in_dim3A_906 : i32 to vector<16xi32>
        %add3A_908 = vector.broadcast %scan3A_905 : i32 to vector<16xi32>
        %add3A_909 = arith.addi %broadcast_in_dim3A_907, %add3A_908 : vector<16xi32>
        %gather3A_910 = tpu.vector_load_idx %arg30[%add3A_101, %add3A_909] : memref<80x64xf32, #tpu.memory_space<vmem>>[vector<16xi32>, vector<16xi32>], vector<16xf32>,
        %mul3A_911 = arith.mulf %gather3A_910, %exp3A_225 : vector<16xf32>
        tpu.vector_store_idx %arg30[%add3A_101, %add3A_909], %mul3A_911 : memref<80x64xf32, #tpu.memory_space<vmem>>[vector<16xi32>, vector<16xi32>], vector<16xf32>,
        %scan3A_912 = arith.constant 0 : i32
        %scan3A_913 = arith.constant 6 : i32
        %scan3A_914 = arith.addi %scan3A_859, %scan3A_913 : i32
        %broadcast_in_dim3A_915 = arith.constant 0 : i32
        %broadcast_in_dim3A_916 = vector.broadcast %broadcast_in_dim3A_915 : i32 to vector<16xi32>
        %add3A_917 = vector.broadcast %scan3A_914 : i32 to vector<16xi32>
        %add3A_918 = arith.addi %broadcast_in_dim3A_916, %add3A_917 : vector<16xi32>
        %gather3A_919 = tpu.vector_load_idx %arg30[%add3A_101, %add3A_918] : memref<80x64xf32, #tpu.memory_space<vmem>>[vector<16xi32>, vector<16xi32>], vector<16xf32>,
        %mul3A_920 = arith.mulf %gather3A_919, %exp3A_225 : vector<16xf32>
        tpu.vector_store_idx %arg30[%add3A_101, %add3A_918], %mul3A_920 : memref<80x64xf32, #tpu.memory_space<vmem>>[vector<16xi32>, vector<16xi32>], vector<16xf32>,
        %scan3A_921 = arith.constant 0 : i32
        %scan3A_922 = arith.constant 7 : i32
        %scan3A_923 = arith.addi %scan3A_859, %scan3A_922 : i32
        %broadcast_in_dim3A_924 = arith.constant 0 : i32
        %broadcast_in_dim3A_925 = vector.broadcast %broadcast_in_dim3A_924 : i32 to vector<16xi32>
        %add3A_926 = vector.broadcast %scan3A_923 : i32 to vector<16xi32>
        %add3A_927 = arith.addi %broadcast_in_dim3A_925, %add3A_926 : vector<16xi32>
        %gather3A_928 = tpu.vector_load_idx %arg30[%add3A_101, %add3A_927] : memref<80x64xf32, #tpu.memory_space<vmem>>[vector<16xi32>, vector<16xi32>], vector<16xf32>,
        %mul3A_929 = arith.mulf %gather3A_928, %exp3A_225 : vector<16xf32>
        tpu.vector_store_idx %arg30[%add3A_101, %add3A_927], %mul3A_929 : memref<80x64xf32, #tpu.memory_space<vmem>>[vector<16xi32>, vector<16xi32>], vector<16xf32>,
        %scan3A_930 = arith.constant 0 : i32
        scf.yield %scan3A_930 : i32
      }
      %scan3A_239 = arith.constant 64 : i32
      %iota3A_240 = tpu.iota {dimensions = array<i32: 0>} : vector<16xi32>
      %add3A_241 = arith.constant 16 : i32
      %add3A_242 = vector.broadcast %add3A_241 : i32 to vector<16xi32>
      %add3A_243 = arith.addi %iota3A_240, %add3A_242 : vector<16xi32>
      %get3A_244 = arith.constant 0 : i32
      %get3A_245 = arith.index_cast %get3A_244 : i32 to index
      %get3A_246 = arith.constant 16 : index
      %get3A_247 = tpu.vector_load %arg26[%get3A_245, %get3A_246] {strides = array<i32>} : memref<1x80xi32, #tpu.memory_space<vmem>>, vector<16xi32>,
      %get3A_248 = arith.constant 0 : i32
      %get3A_249 = arith.index_cast %get3A_248 : i32 to index
      %get3A_250 = arith.constant 16 : index
      %get3A_251 = tpu.vector_load %arg27[%get3A_249, %get3A_250] {strides = array<i32>} : memref<1x80xi32, #tpu.memory_space<vmem>>, vector<16xi32>,
      %shift_right_logical3A_252 = arith.constant 7 : i32
      %shift_right_logical3A_253 = vector.broadcast %shift_right_logical3A_252 : i32 to vector<16xi32>
      %shift_right_logical3A_254 = arith.shrui %get3A_247, %shift_right_logical3A_253 : vector<16xi32>
      %and3A_255 = arith.constant 127 : i32
      %and3A_256 = vector.broadcast %and3A_255 : i32 to vector<16xi32>
      %and3A_257 = arith.andi %get3A_247, %and3A_256 : vector<16xi32>
      %shift_right_logical3A_258 = arith.constant 7 : i32
      %shift_right_logical3A_259 = vector.broadcast %shift_right_logical3A_258 : i32 to vector<16xi32>
      %shift_right_logical3A_260 = arith.shrui %get3A_251, %shift_right_logical3A_259 : vector<16xi32>
      %and3A_261 = arith.constant 127 : i32
      %and3A_262 = vector.broadcast %and3A_261 : i32 to vector<16xi32>
      %and3A_263 = arith.andi %get3A_251, %and3A_262 : vector<16xi32>
      %gather3A_264 = tpu.vector_load_idx %arg20[%shift_right_logical3A_254, %and3A_257] : memref<79x128xf32, #tpu.memory_space<vmem>>[vector<16xi32>, vector<16xi32>], vector<16xf32>,
      %gather3A_265 = tpu.vector_load_idx %arg21[%shift_right_logical3A_260, %and3A_263] : memref<79x128xf32, #tpu.memory_space<vmem>>[vector<16xi32>, vector<16xi32>], vector<16xf32>,
      %add3A_266 = arith.addf %gather3A_264, %gather3A_265 : vector<16xf32>
      %gather3A_267 = tpu.vector_load_idx %arg22[%shift_right_logical3A_254, %and3A_257] : memref<79x128xf32, #tpu.memory_space<vmem>>[vector<16xi32>, vector<16xi32>], vector<16xf32>,
      %gather3A_268 = tpu.vector_load_idx %arg23[%shift_right_logical3A_260, %and3A_263] : memref<79x128xf32, #tpu.memory_space<vmem>>[vector<16xi32>, vector<16xi32>], vector<16xf32>,
      %add3A_269 = arith.addf %gather3A_267, %gather3A_268 : vector<16xf32>
      %gather3A_270 = tpu.vector_load_idx %arg24[%shift_right_logical3A_254, %and3A_257] : memref<79x128xf32, #tpu.memory_space<vmem>>[vector<16xi32>, vector<16xi32>], vector<16xf32>,
      %gather3A_271 = tpu.vector_load_idx %arg24[%shift_right_logical3A_260, %and3A_263] : memref<79x128xf32, #tpu.memory_space<vmem>>[vector<16xi32>, vector<16xi32>], vector<16xf32>,
      %broadcast_in_dim3A_272 = arith.constant 0.000000e+00 : f32
      %broadcast_in_dim3A_273 = vector.broadcast %broadcast_in_dim3A_272 : f32 to vector<16xf32>
      %scan3A_274 = arith.constant 0 : i32
      %scan3A_275 = arith.constant 128 : i32
      %scan3A_276 = arith.addi %scan3A_274, %scan3A_275 : i32
      %scan3A_277 = arith.constant 8 : i32
      %scan3A_278 = scf.for %scan3A_859 = %scan3A_274 to %scan3A_276 step %scan3A_277 iter_args(%scan3A_860 = %broadcast_in_dim3A_273) -> (vector<16xf32>)  : i32 {
        %broadcast_in_dim3A_861 = arith.constant 0 : i32
        %broadcast_in_dim3A_862 = vector.broadcast %broadcast_in_dim3A_861 : i32 to vector<16xi32>
        %add3A_863 = vector.broadcast %scan3A_859 : i32 to vector<16xi32>
        %add3A_864 = arith.addi %broadcast_in_dim3A_862, %add3A_863 : vector<16xi32>
        %gather3A_865 = tpu.vector_load_idx %arg28[%add3A_243, %add3A_864] : memref<80x128xf32, #tpu.memory_space<vmem>>[vector<16xi32>, vector<16xi32>], vector<16xf32>,
        %gather3A_866 = tpu.vector_load_idx %arg29[%add3A_243, %add3A_864] : memref<80x128xf32, #tpu.memory_space<vmem>>[vector<16xi32>, vector<16xi32>], vector<16xf32>,
        %mul3A_867 = arith.mulf %gather3A_865, %gather3A_866 : vector<16xf32>
        %add3A_868 = arith.addf %scan3A_860, %mul3A_867 : vector<16xf32>
        %scan3A_869 = arith.constant 1 : i32
        %scan3A_870 = arith.addi %scan3A_859, %scan3A_869 : i32
        %broadcast_in_dim3A_871 = arith.constant 0 : i32
        %broadcast_in_dim3A_872 = vector.broadcast %broadcast_in_dim3A_871 : i32 to vector<16xi32>
        %add3A_873 = vector.broadcast %scan3A_870 : i32 to vector<16xi32>
        %add3A_874 = arith.addi %broadcast_in_dim3A_872, %add3A_873 : vector<16xi32>
        %gather3A_875 = tpu.vector_load_idx %arg28[%add3A_243, %add3A_874] : memref<80x128xf32, #tpu.memory_space<vmem>>[vector<16xi32>, vector<16xi32>], vector<16xf32>,
        %gather3A_876 = tpu.vector_load_idx %arg29[%add3A_243, %add3A_874] : memref<80x128xf32, #tpu.memory_space<vmem>>[vector<16xi32>, vector<16xi32>], vector<16xf32>,
        %mul3A_877 = arith.mulf %gather3A_875, %gather3A_876 : vector<16xf32>
        %add3A_878 = arith.addf %add3A_868, %mul3A_877 : vector<16xf32>
        %scan3A_879 = arith.constant 2 : i32
        %scan3A_880 = arith.addi %scan3A_859, %scan3A_879 : i32
        %broadcast_in_dim3A_881 = arith.constant 0 : i32
        %broadcast_in_dim3A_882 = vector.broadcast %broadcast_in_dim3A_881 : i32 to vector<16xi32>
        %add3A_883 = vector.broadcast %scan3A_880 : i32 to vector<16xi32>
        %add3A_884 = arith.addi %broadcast_in_dim3A_882, %add3A_883 : vector<16xi32>
        %gather3A_885 = tpu.vector_load_idx %arg28[%add3A_243, %add3A_884] : memref<80x128xf32, #tpu.memory_space<vmem>>[vector<16xi32>, vector<16xi32>], vector<16xf32>,
        %gather3A_886 = tpu.vector_load_idx %arg29[%add3A_243, %add3A_884] : memref<80x128xf32, #tpu.memory_space<vmem>>[vector<16xi32>, vector<16xi32>], vector<16xf32>,
        %mul3A_887 = arith.mulf %gather3A_885, %gather3A_886 : vector<16xf32>
        %add3A_888 = arith.addf %add3A_878, %mul3A_887 : vector<16xf32>
        %scan3A_889 = arith.constant 3 : i32
        %scan3A_890 = arith.addi %scan3A_859, %scan3A_889 : i32
        %broadcast_in_dim3A_891 = arith.constant 0 : i32
        %broadcast_in_dim3A_892 = vector.broadcast %broadcast_in_dim3A_891 : i32 to vector<16xi32>
        %add3A_893 = vector.broadcast %scan3A_890 : i32 to vector<16xi32>
        %add3A_894 = arith.addi %broadcast_in_dim3A_892, %add3A_893 : vector<16xi32>
        %gather3A_895 = tpu.vector_load_idx %arg28[%add3A_243, %add3A_894] : memref<80x128xf32, #tpu.memory_space<vmem>>[vector<16xi32>, vector<16xi32>], vector<16xf32>,
        %gather3A_896 = tpu.vector_load_idx %arg29[%add3A_243, %add3A_894] : memref<80x128xf32, #tpu.memory_space<vmem>>[vector<16xi32>, vector<16xi32>], vector<16xf32>,
        %mul3A_897 = arith.mulf %gather3A_895, %gather3A_896 : vector<16xf32>
        %add3A_898 = arith.addf %add3A_888, %mul3A_897 : vector<16xf32>
        %scan3A_899 = arith.constant 4 : i32
        %scan3A_900 = arith.addi %scan3A_859, %scan3A_899 : i32
        %broadcast_in_dim3A_901 = arith.constant 0 : i32
        %broadcast_in_dim3A_902 = vector.broadcast %broadcast_in_dim3A_901 : i32 to vector<16xi32>
        %add3A_903 = vector.broadcast %scan3A_900 : i32 to vector<16xi32>
        %add3A_904 = arith.addi %broadcast_in_dim3A_902, %add3A_903 : vector<16xi32>
        %gather3A_905 = tpu.vector_load_idx %arg28[%add3A_243, %add3A_904] : memref<80x128xf32, #tpu.memory_space<vmem>>[vector<16xi32>, vector<16xi32>], vector<16xf32>,
        %gather3A_906 = tpu.vector_load_idx %arg29[%add3A_243, %add3A_904] : memref<80x128xf32, #tpu.memory_space<vmem>>[vector<16xi32>, vector<16xi32>], vector<16xf32>,
        %mul3A_907 = arith.mulf %gather3A_905, %gather3A_906 : vector<16xf32>
        %add3A_908 = arith.addf %add3A_898, %mul3A_907 : vector<16xf32>
        %scan3A_909 = arith.constant 5 : i32
        %scan3A_910 = arith.addi %scan3A_859, %scan3A_909 : i32
        %broadcast_in_dim3A_911 = arith.constant 0 : i32
        %broadcast_in_dim3A_912 = vector.broadcast %broadcast_in_dim3A_911 : i32 to vector<16xi32>
        %add3A_913 = vector.broadcast %scan3A_910 : i32 to vector<16xi32>
        %add3A_914 = arith.addi %broadcast_in_dim3A_912, %add3A_913 : vector<16xi32>
        %gather3A_915 = tpu.vector_load_idx %arg28[%add3A_243, %add3A_914] : memref<80x128xf32, #tpu.memory_space<vmem>>[vector<16xi32>, vector<16xi32>], vector<16xf32>,
        %gather3A_916 = tpu.vector_load_idx %arg29[%add3A_243, %add3A_914] : memref<80x128xf32, #tpu.memory_space<vmem>>[vector<16xi32>, vector<16xi32>], vector<16xf32>,
        %mul3A_917 = arith.mulf %gather3A_915, %gather3A_916 : vector<16xf32>
        %add3A_918 = arith.addf %add3A_908, %mul3A_917 : vector<16xf32>
        %scan3A_919 = arith.constant 6 : i32
        %scan3A_920 = arith.addi %scan3A_859, %scan3A_919 : i32
        %broadcast_in_dim3A_921 = arith.constant 0 : i32
        %broadcast_in_dim3A_922 = vector.broadcast %broadcast_in_dim3A_921 : i32 to vector<16xi32>
        %add3A_923 = vector.broadcast %scan3A_920 : i32 to vector<16xi32>
        %add3A_924 = arith.addi %broadcast_in_dim3A_922, %add3A_923 : vector<16xi32>
        %gather3A_925 = tpu.vector_load_idx %arg28[%add3A_243, %add3A_924] : memref<80x128xf32, #tpu.memory_space<vmem>>[vector<16xi32>, vector<16xi32>], vector<16xf32>,
        %gather3A_926 = tpu.vector_load_idx %arg29[%add3A_243, %add3A_924] : memref<80x128xf32, #tpu.memory_space<vmem>>[vector<16xi32>, vector<16xi32>], vector<16xf32>,
        %mul3A_927 = arith.mulf %gather3A_925, %gather3A_926 : vector<16xf32>
        %add3A_928 = arith.addf %add3A_918, %mul3A_927 : vector<16xf32>
        %scan3A_929 = arith.constant 7 : i32
        %scan3A_930 = arith.addi %scan3A_859, %scan3A_929 : i32
        %broadcast_in_dim3A_931 = arith.constant 0 : i32
        %broadcast_in_dim3A_932 = vector.broadcast %broadcast_in_dim3A_931 : i32 to vector<16xi32>
        %add3A_933 = vector.broadcast %scan3A_930 : i32 to vector<16xi32>
        %add3A_934 = arith.addi %broadcast_in_dim3A_932, %add3A_933 : vector<16xi32>
        %gather3A_935 = tpu.vector_load_idx %arg28[%add3A_243, %add3A_934] : memref<80x128xf32, #tpu.memory_space<vmem>>[vector<16xi32>, vector<16xi32>], vector<16xf32>,
        %gather3A_936 = tpu.vector_load_idx %arg29[%add3A_243, %add3A_934] : memref<80x128xf32, #tpu.memory_space<vmem>>[vector<16xi32>, vector<16xi32>], vector<16xf32>,
        %mul3A_937 = arith.mulf %gather3A_935, %gather3A_936 : vector<16xf32>
        %add3A_938 = arith.addf %add3A_928, %mul3A_937 : vector<16xf32>
        scf.yield %add3A_938 : vector<16xf32>
      }
      %scan3A_279 = arith.constant 128 : i32
      %mul3A_280 = arith.constant 2.000000e+00 : f32
      %mul3A_281 = vector.broadcast %mul3A_280 : f32 to vector<16xf32>
      %mul3A_282 = arith.mulf %mul3A_281, %scan3A_278 : vector<16xf32>
      %sub3A_283 = arith.constant 1.000000e+00 : f32
      %sub3A_284 = vector.broadcast %sub3A_283 : f32 to vector<16xf32>
      %sub3A_285 = arith.subf %sub3A_284, %mul3A_282 : vector<16xf32>
      %add3A_286 = arith.addf %sub3A_285, %gather3A_271 : vector<16xf32>
      %sub3A_287 = arith.constant 1.000000e+00 : f32
      %sub3A_288 = vector.broadcast %sub3A_287 : f32 to vector<16xf32>
      %sub3A_289 = arith.subf %sub3A_288, %gather3A_270 : vector<16xf32>
      %mul3A_290 = arith.constant 2.000000e+00 : f32
      %mul3A_291 = vector.broadcast %mul3A_290 : f32 to vector<16xf32>
      %mul3A_292 = arith.mulf %mul3A_291, %scan3A_278 : vector<16xf32>
      %sub3A_293 = arith.constant 1.000000e+00 : f32
      %sub3A_294 = vector.broadcast %sub3A_293 : f32 to vector<16xf32>
      %sub3A_295 = arith.subf %sub3A_294, %mul3A_292 : vector<16xf32>
      %mul3A_296 = arith.mulf %gather3A_270, %gather3A_271 : vector<16xf32>
      %add3A_297 = arith.addf %sub3A_295, %mul3A_296 : vector<16xf32>
      %max3A_298 = arith.constant 1.000000e-10 : f32
      %max3A_299 = vector.broadcast %max3A_298 : f32 to vector<16xf32>
      %max3A_300 = arith.maximumf %add3A_297, %max3A_299 : vector<16xf32>
      %mul3A_301 = arith.mulf %add3A_286, %add3A_286 : vector<16xf32>
      %mul3A_302 = arith.mulf %mul3A_301, %gather3A_270 : vector<16xf32>
      %mul3A_303 = arith.mulf %sub3A_289, %sub3A_289 : vector<16xf32>
      %mul3A_304 = arith.mulf %mul3A_303, %gather3A_271 : vector<16xf32>
      %add3A_305 = arith.addf %mul3A_302, %mul3A_304 : vector<16xf32>
      %mul3A_306 = arith.constant 2.000000e+00 : f32
      %mul3A_307 = vector.broadcast %mul3A_306 : f32 to vector<16xf32>
      %mul3A_308 = arith.mulf %mul3A_307, %add3A_286 : vector<16xf32>
      %mul3A_309 = arith.mulf %mul3A_308, %sub3A_289 : vector<16xf32>
      %mul3A_310 = arith.mulf %mul3A_309, %scan3A_278 : vector<16xf32>
      %sub3A_311 = arith.subf %add3A_305, %mul3A_310 : vector<16xf32>
      %max3A_312 = arith.constant 0.000000e+00 : f32
      %max3A_313 = vector.broadcast %max3A_312 : f32 to vector<16xf32>
      %max3A_314 = arith.maximumf %sub3A_311, %max3A_313 : vector<16xf32>
      %max3A_315 = arith.constant 1.000000e-30 : f32
      %max3A_316 = vector.broadcast %max3A_315 : f32 to vector<16xf32>
      %max3A_317 = arith.maximumf %max3A_314, %max3A_316 : vector<16xf32>
      %bitcast_convert_type3A_318 = tpu.bitcast %max3A_317 : vector<16xf32> -> vector<16xi32>
      %shift_right_arithmetic3A_319 = arith.constant 1 : i32
      %shift_right_arithmetic3A_320 = vector.broadcast %shift_right_arithmetic3A_319 : i32 to vector<16xi32>
      %shift_right_arithmetic3A_321 = arith.shrsi %bitcast_convert_type3A_318, %shift_right_arithmetic3A_320 : vector<16xi32>
      %sub3A_322 = arith.constant 1597463007 : i32
      %sub3A_323 = vector.broadcast %sub3A_322 : i32 to vector<16xi32>
      %sub3A_324 = arith.subi %sub3A_323, %shift_right_arithmetic3A_321 : vector<16xi32>
      %bitcast_convert_type3A_325 = tpu.bitcast %sub3A_324 : vector<16xi32> -> vector<16xf32>
      %mul3A_326 = arith.constant 5.000000e-01 : f32
      %mul3A_327 = vector.broadcast %mul3A_326 : f32 to vector<16xf32>
      %mul3A_328 = arith.mulf %mul3A_327, %max3A_317 : vector<16xf32>
      %mul3A_329 = arith.mulf %mul3A_328, %bitcast_convert_type3A_325 : vector<16xf32>
      %mul3A_330 = arith.mulf %mul3A_329, %bitcast_convert_type3A_325 : vector<16xf32>
      %sub3A_331 = arith.constant 1.500000e+00 : f32
      %sub3A_332 = vector.broadcast %sub3A_331 : f32 to vector<16xf32>
      %sub3A_333 = arith.subf %sub3A_332, %mul3A_330 : vector<16xf32>
      %mul3A_334 = arith.mulf %bitcast_convert_type3A_325, %sub3A_333 : vector<16xf32>
      %mul3A_335 = arith.constant 5.000000e-01 : f32
      %mul3A_336 = vector.broadcast %mul3A_335 : f32 to vector<16xf32>
      %mul3A_337 = arith.mulf %mul3A_336, %max3A_317 : vector<16xf32>
      %mul3A_338 = arith.mulf %mul3A_337, %mul3A_334 : vector<16xf32>
      %mul3A_339 = arith.mulf %mul3A_338, %mul3A_334 : vector<16xf32>
      %sub3A_340 = arith.constant 1.500000e+00 : f32
      %sub3A_341 = vector.broadcast %sub3A_340 : f32 to vector<16xf32>
      %sub3A_342 = arith.subf %sub3A_341, %mul3A_339 : vector<16xf32>
      %mul3A_343 = arith.mulf %mul3A_334, %sub3A_342 : vector<16xf32>
      %mul3A_344 = arith.constant 5.000000e-01 : f32
      %mul3A_345 = vector.broadcast %mul3A_344 : f32 to vector<16xf32>
      %mul3A_346 = arith.mulf %mul3A_345, %max3A_317 : vector<16xf32>
      %mul3A_347 = arith.mulf %mul3A_346, %mul3A_343 : vector<16xf32>
      %mul3A_348 = arith.mulf %mul3A_347, %mul3A_343 : vector<16xf32>
      %sub3A_349 = arith.constant 1.500000e+00 : f32
      %sub3A_350 = vector.broadcast %sub3A_349 : f32 to vector<16xf32>
      %sub3A_351 = arith.subf %sub3A_350, %mul3A_348 : vector<16xf32>
      %mul3A_352 = arith.mulf %mul3A_343, %sub3A_351 : vector<16xf32>
      %mul3A_353 = arith.mulf %max3A_317, %mul3A_352 : vector<16xf32>
      %div3A_354 = arith.divf %mul3A_353, %max3A_300 : vector<16xf32>
      %min3A_355 = arith.constant 0.99999988 : f32
      %min3A_356 = vector.broadcast %min3A_355 : f32 to vector<16xf32>
      %min3A_357 = arith.minimumf %div3A_354, %min3A_356 : vector<16xf32>
      %sub3A_358 = arith.constant 1.000000e+00 : f32
      %sub3A_359 = vector.broadcast %sub3A_358 : f32 to vector<16xf32>
      %sub3A_360 = arith.subf %sub3A_359, %min3A_357 : vector<16xf32>
      %add3A_361 = arith.constant 1.000000e+00 : f32
      %add3A_362 = vector.broadcast %add3A_361 : f32 to vector<16xf32>
      %add3A_363 = arith.addf %add3A_362, %min3A_357 : vector<16xf32>
      %div3A_364 = arith.divf %sub3A_360, %add3A_363 : vector<16xf32>
      %mul3A_365 = arith.constant 2.000000e-01 : f32
      %mul3A_366 = vector.broadcast %mul3A_365 : f32 to vector<16xf32>
      %mul3A_367 = arith.mulf %mul3A_366, %add3A_266 : vector<16xf32>
      %max3A_368 = arith.maximumf %add3A_266, %mul3A_367 : vector<16xf32>
      %sub3A_369 = arith.subf %max3A_368, %get3A_30 : vector<16xf32>
      %exp3A_370 = math.exp %sub3A_369 : vector<16xf32>
      %mul3A_371 = arith.mulf %exp3A_370, %div3A_364 : vector<16xf32>
      %mul3A_372 = arith.constant 2.000000e-01 : f32
      %mul3A_373 = vector.broadcast %mul3A_372 : f32 to vector<16xf32>
      %mul3A_374 = arith.mulf %mul3A_373, %add3A_269 : vector<16xf32>
      %max3A_375 = arith.maximumf %add3A_269, %mul3A_374 : vector<16xf32>
      %sub3A_376 = arith.subf %max3A_375, %get3A_34 : vector<16xf32>
      %exp3A_377 = math.exp %sub3A_376 : vector<16xf32>
      %swap3A_378 = arith.constant 0 : i32
      %swap3A_379 = arith.index_cast %swap3A_378 : i32 to index
      %swap3A_380 = arith.constant 16 : index
      %swap3A_381 = tpu.vector_load %arg31[%swap3A_379, %swap3A_380] {strides = array<i32>} : memref<1x80xf32, #tpu.memory_space<vmem>>, vector<16xf32>,
      tpu.vector_store %arg31[%swap3A_379, %swap3A_380], %mul3A_371 {strides = array<i32>} : memref<1x80xf32, #tpu.memory_space<vmem>>, vector<16xf32>,
      %swap3A_382 = arith.constant 0 : i32
      %swap3A_383 = arith.index_cast %swap3A_382 : i32 to index
      %swap3A_384 = arith.constant 16 : index
      %swap3A_385 = tpu.vector_load %arg32[%swap3A_383, %swap3A_384] {strides = array<i32>} : memref<1x80xf32, #tpu.memory_space<vmem>>, vector<16xf32>,
      tpu.vector_store %arg32[%swap3A_383, %swap3A_384], %exp3A_377 {strides = array<i32>} : memref<1x80xf32, #tpu.memory_space<vmem>>, vector<16xf32>,
      %scan3A_386 = arith.constant 0 : i32
      %scan3A_387 = arith.constant 0 : i32
      %scan3A_388 = arith.constant 64 : i32
      %scan3A_389 = arith.addi %scan3A_387, %scan3A_388 : i32
      %scan3A_390 = arith.constant 8 : i32
      %scan3A_391 = scf.for %scan3A_859 = %scan3A_387 to %scan3A_389 step %scan3A_390 iter_args(%scan3A_860 = %scan3A_386) -> (i32)  : i32 {
        %broadcast_in_dim3A_861 = arith.constant 0 : i32
        %broadcast_in_dim3A_862 = vector.broadcast %broadcast_in_dim3A_861 : i32 to vector<16xi32>
        %add3A_863 = vector.broadcast %scan3A_859 : i32 to vector<16xi32>
        %add3A_864 = arith.addi %broadcast_in_dim3A_862, %add3A_863 : vector<16xi32>
        %gather3A_865 = tpu.vector_load_idx %arg30[%add3A_243, %add3A_864] : memref<80x64xf32, #tpu.memory_space<vmem>>[vector<16xi32>, vector<16xi32>], vector<16xf32>,
        %mul3A_866 = arith.mulf %gather3A_865, %exp3A_377 : vector<16xf32>
        tpu.vector_store_idx %arg30[%add3A_243, %add3A_864], %mul3A_866 : memref<80x64xf32, #tpu.memory_space<vmem>>[vector<16xi32>, vector<16xi32>], vector<16xf32>,
        %scan3A_867 = arith.constant 0 : i32
        %scan3A_868 = arith.constant 1 : i32
        %scan3A_869 = arith.addi %scan3A_859, %scan3A_868 : i32
        %broadcast_in_dim3A_870 = arith.constant 0 : i32
        %broadcast_in_dim3A_871 = vector.broadcast %broadcast_in_dim3A_870 : i32 to vector<16xi32>
        %add3A_872 = vector.broadcast %scan3A_869 : i32 to vector<16xi32>
        %add3A_873 = arith.addi %broadcast_in_dim3A_871, %add3A_872 : vector<16xi32>
        %gather3A_874 = tpu.vector_load_idx %arg30[%add3A_243, %add3A_873] : memref<80x64xf32, #tpu.memory_space<vmem>>[vector<16xi32>, vector<16xi32>], vector<16xf32>,
        %mul3A_875 = arith.mulf %gather3A_874, %exp3A_377 : vector<16xf32>
        tpu.vector_store_idx %arg30[%add3A_243, %add3A_873], %mul3A_875 : memref<80x64xf32, #tpu.memory_space<vmem>>[vector<16xi32>, vector<16xi32>], vector<16xf32>,
        %scan3A_876 = arith.constant 0 : i32
        %scan3A_877 = arith.constant 2 : i32
        %scan3A_878 = arith.addi %scan3A_859, %scan3A_877 : i32
        %broadcast_in_dim3A_879 = arith.constant 0 : i32
        %broadcast_in_dim3A_880 = vector.broadcast %broadcast_in_dim3A_879 : i32 to vector<16xi32>
        %add3A_881 = vector.broadcast %scan3A_878 : i32 to vector<16xi32>
        %add3A_882 = arith.addi %broadcast_in_dim3A_880, %add3A_881 : vector<16xi32>
        %gather3A_883 = tpu.vector_load_idx %arg30[%add3A_243, %add3A_882] : memref<80x64xf32, #tpu.memory_space<vmem>>[vector<16xi32>, vector<16xi32>], vector<16xf32>,
        %mul3A_884 = arith.mulf %gather3A_883, %exp3A_377 : vector<16xf32>
        tpu.vector_store_idx %arg30[%add3A_243, %add3A_882], %mul3A_884 : memref<80x64xf32, #tpu.memory_space<vmem>>[vector<16xi32>, vector<16xi32>], vector<16xf32>,
        %scan3A_885 = arith.constant 0 : i32
        %scan3A_886 = arith.constant 3 : i32
        %scan3A_887 = arith.addi %scan3A_859, %scan3A_886 : i32
        %broadcast_in_dim3A_888 = arith.constant 0 : i32
        %broadcast_in_dim3A_889 = vector.broadcast %broadcast_in_dim3A_888 : i32 to vector<16xi32>
        %add3A_890 = vector.broadcast %scan3A_887 : i32 to vector<16xi32>
        %add3A_891 = arith.addi %broadcast_in_dim3A_889, %add3A_890 : vector<16xi32>
        %gather3A_892 = tpu.vector_load_idx %arg30[%add3A_243, %add3A_891] : memref<80x64xf32, #tpu.memory_space<vmem>>[vector<16xi32>, vector<16xi32>], vector<16xf32>,
        %mul3A_893 = arith.mulf %gather3A_892, %exp3A_377 : vector<16xf32>
        tpu.vector_store_idx %arg30[%add3A_243, %add3A_891], %mul3A_893 : memref<80x64xf32, #tpu.memory_space<vmem>>[vector<16xi32>, vector<16xi32>], vector<16xf32>,
        %scan3A_894 = arith.constant 0 : i32
        %scan3A_895 = arith.constant 4 : i32
        %scan3A_896 = arith.addi %scan3A_859, %scan3A_895 : i32
        %broadcast_in_dim3A_897 = arith.constant 0 : i32
        %broadcast_in_dim3A_898 = vector.broadcast %broadcast_in_dim3A_897 : i32 to vector<16xi32>
        %add3A_899 = vector.broadcast %scan3A_896 : i32 to vector<16xi32>
        %add3A_900 = arith.addi %broadcast_in_dim3A_898, %add3A_899 : vector<16xi32>
        %gather3A_901 = tpu.vector_load_idx %arg30[%add3A_243, %add3A_900] : memref<80x64xf32, #tpu.memory_space<vmem>>[vector<16xi32>, vector<16xi32>], vector<16xf32>,
        %mul3A_902 = arith.mulf %gather3A_901, %exp3A_377 : vector<16xf32>
        tpu.vector_store_idx %arg30[%add3A_243, %add3A_900], %mul3A_902 : memref<80x64xf32, #tpu.memory_space<vmem>>[vector<16xi32>, vector<16xi32>], vector<16xf32>,
        %scan3A_903 = arith.constant 0 : i32
        %scan3A_904 = arith.constant 5 : i32
        %scan3A_905 = arith.addi %scan3A_859, %scan3A_904 : i32
        %broadcast_in_dim3A_906 = arith.constant 0 : i32
        %broadcast_in_dim3A_907 = vector.broadcast %broadcast_in_dim3A_906 : i32 to vector<16xi32>
        %add3A_908 = vector.broadcast %scan3A_905 : i32 to vector<16xi32>
        %add3A_909 = arith.addi %broadcast_in_dim3A_907, %add3A_908 : vector<16xi32>
        %gather3A_910 = tpu.vector_load_idx %arg30[%add3A_243, %add3A_909] : memref<80x64xf32, #tpu.memory_space<vmem>>[vector<16xi32>, vector<16xi32>], vector<16xf32>,
        %mul3A_911 = arith.mulf %gather3A_910, %exp3A_377 : vector<16xf32>
        tpu.vector_store_idx %arg30[%add3A_243, %add3A_909], %mul3A_911 : memref<80x64xf32, #tpu.memory_space<vmem>>[vector<16xi32>, vector<16xi32>], vector<16xf32>,
        %scan3A_912 = arith.constant 0 : i32
        %scan3A_913 = arith.constant 6 : i32
        %scan3A_914 = arith.addi %scan3A_859, %scan3A_913 : i32
        %broadcast_in_dim3A_915 = arith.constant 0 : i32
        %broadcast_in_dim3A_916 = vector.broadcast %broadcast_in_dim3A_915 : i32 to vector<16xi32>
        %add3A_917 = vector.broadcast %scan3A_914 : i32 to vector<16xi32>
        %add3A_918 = arith.addi %broadcast_in_dim3A_916, %add3A_917 : vector<16xi32>
        %gather3A_919 = tpu.vector_load_idx %arg30[%add3A_243, %add3A_918] : memref<80x64xf32, #tpu.memory_space<vmem>>[vector<16xi32>, vector<16xi32>], vector<16xf32>,
        %mul3A_920 = arith.mulf %gather3A_919, %exp3A_377 : vector<16xf32>
        tpu.vector_store_idx %arg30[%add3A_243, %add3A_918], %mul3A_920 : memref<80x64xf32, #tpu.memory_space<vmem>>[vector<16xi32>, vector<16xi32>], vector<16xf32>,
        %scan3A_921 = arith.constant 0 : i32
        %scan3A_922 = arith.constant 7 : i32
        %scan3A_923 = arith.addi %scan3A_859, %scan3A_922 : i32
        %broadcast_in_dim3A_924 = arith.constant 0 : i32
        %broadcast_in_dim3A_925 = vector.broadcast %broadcast_in_dim3A_924 : i32 to vector<16xi32>
        %add3A_926 = vector.broadcast %scan3A_923 : i32 to vector<16xi32>
        %add3A_927 = arith.addi %broadcast_in_dim3A_925, %add3A_926 : vector<16xi32>
        %gather3A_928 = tpu.vector_load_idx %arg30[%add3A_243, %add3A_927] : memref<80x64xf32, #tpu.memory_space<vmem>>[vector<16xi32>, vector<16xi32>], vector<16xf32>,
        %mul3A_929 = arith.mulf %gather3A_928, %exp3A_377 : vector<16xf32>
        tpu.vector_store_idx %arg30[%add3A_243, %add3A_927], %mul3A_929 : memref<80x64xf32, #tpu.memory_space<vmem>>[vector<16xi32>, vector<16xi32>], vector<16xf32>,
        %scan3A_930 = arith.constant 0 : i32
        scf.yield %scan3A_930 : i32
      }
      %scan3A_392 = arith.constant 64 : i32
      %iota3A_393 = tpu.iota {dimensions = array<i32: 0>} : vector<16xi32>
      %add3A_394 = arith.constant 32 : i32
      %add3A_395 = vector.broadcast %add3A_394 : i32 to vector<16xi32>
      %add3A_396 = arith.addi %iota3A_393, %add3A_395 : vector<16xi32>
      %get3A_397 = arith.constant 0 : i32
      %get3A_398 = arith.index_cast %get3A_397 : i32 to index
      %get3A_399 = arith.constant 32 : index
      %get3A_400 = tpu.vector_load %arg26[%get3A_398, %get3A_399] {strides = array<i32>} : memref<1x80xi32, #tpu.memory_space<vmem>>, vector<16xi32>,
      %get3A_401 = arith.constant 0 : i32
      %get3A_402 = arith.index_cast %get3A_401 : i32 to index
      %get3A_403 = arith.constant 32 : index
      %get3A_404 = tpu.vector_load %arg27[%get3A_402, %get3A_403] {strides = array<i32>} : memref<1x80xi32, #tpu.memory_space<vmem>>, vector<16xi32>,
      %shift_right_logical3A_405 = arith.constant 7 : i32
      %shift_right_logical3A_406 = vector.broadcast %shift_right_logical3A_405 : i32 to vector<16xi32>
      %shift_right_logical3A_407 = arith.shrui %get3A_400, %shift_right_logical3A_406 : vector<16xi32>
      %and3A_408 = arith.constant 127 : i32
      %and3A_409 = vector.broadcast %and3A_408 : i32 to vector<16xi32>
      %and3A_410 = arith.andi %get3A_400, %and3A_409 : vector<16xi32>
      %shift_right_logical3A_411 = arith.constant 7 : i32
      %shift_right_logical3A_412 = vector.broadcast %shift_right_logical3A_411 : i32 to vector<16xi32>
      %shift_right_logical3A_413 = arith.shrui %get3A_404, %shift_right_logical3A_412 : vector<16xi32>
      %and3A_414 = arith.constant 127 : i32
      %and3A_415 = vector.broadcast %and3A_414 : i32 to vector<16xi32>
      %and3A_416 = arith.andi %get3A_404, %and3A_415 : vector<16xi32>
      %gather3A_417 = tpu.vector_load_idx %arg20[%shift_right_logical3A_407, %and3A_410] : memref<79x128xf32, #tpu.memory_space<vmem>>[vector<16xi32>, vector<16xi32>], vector<16xf32>,
      %gather3A_418 = tpu.vector_load_idx %arg21[%shift_right_logical3A_413, %and3A_416] : memref<79x128xf32, #tpu.memory_space<vmem>>[vector<16xi32>, vector<16xi32>], vector<16xf32>,
      %add3A_419 = arith.addf %gather3A_417, %gather3A_418 : vector<16xf32>
      %gather3A_420 = tpu.vector_load_idx %arg22[%shift_right_logical3A_407, %and3A_410] : memref<79x128xf32, #tpu.memory_space<vmem>>[vector<16xi32>, vector<16xi32>], vector<16xf32>,
      %gather3A_421 = tpu.vector_load_idx %arg23[%shift_right_logical3A_413, %and3A_416] : memref<79x128xf32, #tpu.memory_space<vmem>>[vector<16xi32>, vector<16xi32>], vector<16xf32>,
      %add3A_422 = arith.addf %gather3A_420, %gather3A_421 : vector<16xf32>
      %gather3A_423 = tpu.vector_load_idx %arg24[%shift_right_logical3A_407, %and3A_410] : memref<79x128xf32, #tpu.memory_space<vmem>>[vector<16xi32>, vector<16xi32>], vector<16xf32>,
      %gather3A_424 = tpu.vector_load_idx %arg24[%shift_right_logical3A_413, %and3A_416] : memref<79x128xf32, #tpu.memory_space<vmem>>[vector<16xi32>, vector<16xi32>], vector<16xf32>,
      %broadcast_in_dim3A_425 = arith.constant 0.000000e+00 : f32
      %broadcast_in_dim3A_426 = vector.broadcast %broadcast_in_dim3A_425 : f32 to vector<16xf32>
      %scan3A_427 = arith.constant 0 : i32
      %scan3A_428 = arith.constant 128 : i32
      %scan3A_429 = arith.addi %scan3A_427, %scan3A_428 : i32
      %scan3A_430 = arith.constant 8 : i32
      %scan3A_431 = scf.for %scan3A_859 = %scan3A_427 to %scan3A_429 step %scan3A_430 iter_args(%scan3A_860 = %broadcast_in_dim3A_426) -> (vector<16xf32>)  : i32 {
        %broadcast_in_dim3A_861 = arith.constant 0 : i32
        %broadcast_in_dim3A_862 = vector.broadcast %broadcast_in_dim3A_861 : i32 to vector<16xi32>
        %add3A_863 = vector.broadcast %scan3A_859 : i32 to vector<16xi32>
        %add3A_864 = arith.addi %broadcast_in_dim3A_862, %add3A_863 : vector<16xi32>
        %gather3A_865 = tpu.vector_load_idx %arg28[%add3A_396, %add3A_864] : memref<80x128xf32, #tpu.memory_space<vmem>>[vector<16xi32>, vector<16xi32>], vector<16xf32>,
        %gather3A_866 = tpu.vector_load_idx %arg29[%add3A_396, %add3A_864] : memref<80x128xf32, #tpu.memory_space<vmem>>[vector<16xi32>, vector<16xi32>], vector<16xf32>,
        %mul3A_867 = arith.mulf %gather3A_865, %gather3A_866 : vector<16xf32>
        %add3A_868 = arith.addf %scan3A_860, %mul3A_867 : vector<16xf32>
        %scan3A_869 = arith.constant 1 : i32
        %scan3A_870 = arith.addi %scan3A_859, %scan3A_869 : i32
        %broadcast_in_dim3A_871 = arith.constant 0 : i32
        %broadcast_in_dim3A_872 = vector.broadcast %broadcast_in_dim3A_871 : i32 to vector<16xi32>
        %add3A_873 = vector.broadcast %scan3A_870 : i32 to vector<16xi32>
        %add3A_874 = arith.addi %broadcast_in_dim3A_872, %add3A_873 : vector<16xi32>
        %gather3A_875 = tpu.vector_load_idx %arg28[%add3A_396, %add3A_874] : memref<80x128xf32, #tpu.memory_space<vmem>>[vector<16xi32>, vector<16xi32>], vector<16xf32>,
        %gather3A_876 = tpu.vector_load_idx %arg29[%add3A_396, %add3A_874] : memref<80x128xf32, #tpu.memory_space<vmem>>[vector<16xi32>, vector<16xi32>], vector<16xf32>,
        %mul3A_877 = arith.mulf %gather3A_875, %gather3A_876 : vector<16xf32>
        %add3A_878 = arith.addf %add3A_868, %mul3A_877 : vector<16xf32>
        %scan3A_879 = arith.constant 2 : i32
        %scan3A_880 = arith.addi %scan3A_859, %scan3A_879 : i32
        %broadcast_in_dim3A_881 = arith.constant 0 : i32
        %broadcast_in_dim3A_882 = vector.broadcast %broadcast_in_dim3A_881 : i32 to vector<16xi32>
        %add3A_883 = vector.broadcast %scan3A_880 : i32 to vector<16xi32>
        %add3A_884 = arith.addi %broadcast_in_dim3A_882, %add3A_883 : vector<16xi32>
        %gather3A_885 = tpu.vector_load_idx %arg28[%add3A_396, %add3A_884] : memref<80x128xf32, #tpu.memory_space<vmem>>[vector<16xi32>, vector<16xi32>], vector<16xf32>,
        %gather3A_886 = tpu.vector_load_idx %arg29[%add3A_396, %add3A_884] : memref<80x128xf32, #tpu.memory_space<vmem>>[vector<16xi32>, vector<16xi32>], vector<16xf32>,
        %mul3A_887 = arith.mulf %gather3A_885, %gather3A_886 : vector<16xf32>
        %add3A_888 = arith.addf %add3A_878, %mul3A_887 : vector<16xf32>
        %scan3A_889 = arith.constant 3 : i32
        %scan3A_890 = arith.addi %scan3A_859, %scan3A_889 : i32
        %broadcast_in_dim3A_891 = arith.constant 0 : i32
        %broadcast_in_dim3A_892 = vector.broadcast %broadcast_in_dim3A_891 : i32 to vector<16xi32>
        %add3A_893 = vector.broadcast %scan3A_890 : i32 to vector<16xi32>
        %add3A_894 = arith.addi %broadcast_in_dim3A_892, %add3A_893 : vector<16xi32>
        %gather3A_895 = tpu.vector_load_idx %arg28[%add3A_396, %add3A_894] : memref<80x128xf32, #tpu.memory_space<vmem>>[vector<16xi32>, vector<16xi32>], vector<16xf32>,
        %gather3A_896 = tpu.vector_load_idx %arg29[%add3A_396, %add3A_894] : memref<80x128xf32, #tpu.memory_space<vmem>>[vector<16xi32>, vector<16xi32>], vector<16xf32>,
        %mul3A_897 = arith.mulf %gather3A_895, %gather3A_896 : vector<16xf32>
        %add3A_898 = arith.addf %add3A_888, %mul3A_897 : vector<16xf32>
        %scan3A_899 = arith.constant 4 : i32
        %scan3A_900 = arith.addi %scan3A_859, %scan3A_899 : i32
        %broadcast_in_dim3A_901 = arith.constant 0 : i32
        %broadcast_in_dim3A_902 = vector.broadcast %broadcast_in_dim3A_901 : i32 to vector<16xi32>
        %add3A_903 = vector.broadcast %scan3A_900 : i32 to vector<16xi32>
        %add3A_904 = arith.addi %broadcast_in_dim3A_902, %add3A_903 : vector<16xi32>
        %gather3A_905 = tpu.vector_load_idx %arg28[%add3A_396, %add3A_904] : memref<80x128xf32, #tpu.memory_space<vmem>>[vector<16xi32>, vector<16xi32>], vector<16xf32>,
        %gather3A_906 = tpu.vector_load_idx %arg29[%add3A_396, %add3A_904] : memref<80x128xf32, #tpu.memory_space<vmem>>[vector<16xi32>, vector<16xi32>], vector<16xf32>,
        %mul3A_907 = arith.mulf %gather3A_905, %gather3A_906 : vector<16xf32>
        %add3A_908 = arith.addf %add3A_898, %mul3A_907 : vector<16xf32>
        %scan3A_909 = arith.constant 5 : i32
        %scan3A_910 = arith.addi %scan3A_859, %scan3A_909 : i32
        %broadcast_in_dim3A_911 = arith.constant 0 : i32
        %broadcast_in_dim3A_912 = vector.broadcast %broadcast_in_dim3A_911 : i32 to vector<16xi32>
        %add3A_913 = vector.broadcast %scan3A_910 : i32 to vector<16xi32>
        %add3A_914 = arith.addi %broadcast_in_dim3A_912, %add3A_913 : vector<16xi32>
        %gather3A_915 = tpu.vector_load_idx %arg28[%add3A_396, %add3A_914] : memref<80x128xf32, #tpu.memory_space<vmem>>[vector<16xi32>, vector<16xi32>], vector<16xf32>,
        %gather3A_916 = tpu.vector_load_idx %arg29[%add3A_396, %add3A_914] : memref<80x128xf32, #tpu.memory_space<vmem>>[vector<16xi32>, vector<16xi32>], vector<16xf32>,
        %mul3A_917 = arith.mulf %gather3A_915, %gather3A_916 : vector<16xf32>
        %add3A_918 = arith.addf %add3A_908, %mul3A_917 : vector<16xf32>
        %scan3A_919 = arith.constant 6 : i32
        %scan3A_920 = arith.addi %scan3A_859, %scan3A_919 : i32
        %broadcast_in_dim3A_921 = arith.constant 0 : i32
        %broadcast_in_dim3A_922 = vector.broadcast %broadcast_in_dim3A_921 : i32 to vector<16xi32>
        %add3A_923 = vector.broadcast %scan3A_920 : i32 to vector<16xi32>
        %add3A_924 = arith.addi %broadcast_in_dim3A_922, %add3A_923 : vector<16xi32>
        %gather3A_925 = tpu.vector_load_idx %arg28[%add3A_396, %add3A_924] : memref<80x128xf32, #tpu.memory_space<vmem>>[vector<16xi32>, vector<16xi32>], vector<16xf32>,
        %gather3A_926 = tpu.vector_load_idx %arg29[%add3A_396, %add3A_924] : memref<80x128xf32, #tpu.memory_space<vmem>>[vector<16xi32>, vector<16xi32>], vector<16xf32>,
        %mul3A_927 = arith.mulf %gather3A_925, %gather3A_926 : vector<16xf32>
        %add3A_928 = arith.addf %add3A_918, %mul3A_927 : vector<16xf32>
        %scan3A_929 = arith.constant 7 : i32
        %scan3A_930 = arith.addi %scan3A_859, %scan3A_929 : i32
        %broadcast_in_dim3A_931 = arith.constant 0 : i32
        %broadcast_in_dim3A_932 = vector.broadcast %broadcast_in_dim3A_931 : i32 to vector<16xi32>
        %add3A_933 = vector.broadcast %scan3A_930 : i32 to vector<16xi32>
        %add3A_934 = arith.addi %broadcast_in_dim3A_932, %add3A_933 : vector<16xi32>
        %gather3A_935 = tpu.vector_load_idx %arg28[%add3A_396, %add3A_934] : memref<80x128xf32, #tpu.memory_space<vmem>>[vector<16xi32>, vector<16xi32>], vector<16xf32>,
        %gather3A_936 = tpu.vector_load_idx %arg29[%add3A_396, %add3A_934] : memref<80x128xf32, #tpu.memory_space<vmem>>[vector<16xi32>, vector<16xi32>], vector<16xf32>,
        %mul3A_937 = arith.mulf %gather3A_935, %gather3A_936 : vector<16xf32>
        %add3A_938 = arith.addf %add3A_928, %mul3A_937 : vector<16xf32>
        scf.yield %add3A_938 : vector<16xf32>
      }
      %scan3A_432 = arith.constant 128 : i32
      %mul3A_433 = arith.constant 2.000000e+00 : f32
      %mul3A_434 = vector.broadcast %mul3A_433 : f32 to vector<16xf32>
      %mul3A_435 = arith.mulf %mul3A_434, %scan3A_431 : vector<16xf32>
      %sub3A_436 = arith.constant 1.000000e+00 : f32
      %sub3A_437 = vector.broadcast %sub3A_436 : f32 to vector<16xf32>
      %sub3A_438 = arith.subf %sub3A_437, %mul3A_435 : vector<16xf32>
      %add3A_439 = arith.addf %sub3A_438, %gather3A_424 : vector<16xf32>
      %sub3A_440 = arith.constant 1.000000e+00 : f32
      %sub3A_441 = vector.broadcast %sub3A_440 : f32 to vector<16xf32>
      %sub3A_442 = arith.subf %sub3A_441, %gather3A_423 : vector<16xf32>
      %mul3A_443 = arith.constant 2.000000e+00 : f32
      %mul3A_444 = vector.broadcast %mul3A_443 : f32 to vector<16xf32>
      %mul3A_445 = arith.mulf %mul3A_444, %scan3A_431 : vector<16xf32>
      %sub3A_446 = arith.constant 1.000000e+00 : f32
      %sub3A_447 = vector.broadcast %sub3A_446 : f32 to vector<16xf32>
      %sub3A_448 = arith.subf %sub3A_447, %mul3A_445 : vector<16xf32>
      %mul3A_449 = arith.mulf %gather3A_423, %gather3A_424 : vector<16xf32>
      %add3A_450 = arith.addf %sub3A_448, %mul3A_449 : vector<16xf32>
      %max3A_451 = arith.constant 1.000000e-10 : f32
      %max3A_452 = vector.broadcast %max3A_451 : f32 to vector<16xf32>
      %max3A_453 = arith.maximumf %add3A_450, %max3A_452 : vector<16xf32>
      %mul3A_454 = arith.mulf %add3A_439, %add3A_439 : vector<16xf32>
      %mul3A_455 = arith.mulf %mul3A_454, %gather3A_423 : vector<16xf32>
      %mul3A_456 = arith.mulf %sub3A_442, %sub3A_442 : vector<16xf32>
      %mul3A_457 = arith.mulf %mul3A_456, %gather3A_424 : vector<16xf32>
      %add3A_458 = arith.addf %mul3A_455, %mul3A_457 : vector<16xf32>
      %mul3A_459 = arith.constant 2.000000e+00 : f32
      %mul3A_460 = vector.broadcast %mul3A_459 : f32 to vector<16xf32>
      %mul3A_461 = arith.mulf %mul3A_460, %add3A_439 : vector<16xf32>
      %mul3A_462 = arith.mulf %mul3A_461, %sub3A_442 : vector<16xf32>
      %mul3A_463 = arith.mulf %mul3A_462, %scan3A_431 : vector<16xf32>
      %sub3A_464 = arith.subf %add3A_458, %mul3A_463 : vector<16xf32>
      %max3A_465 = arith.constant 0.000000e+00 : f32
      %max3A_466 = vector.broadcast %max3A_465 : f32 to vector<16xf32>
      %max3A_467 = arith.maximumf %sub3A_464, %max3A_466 : vector<16xf32>
      %max3A_468 = arith.constant 1.000000e-30 : f32
      %max3A_469 = vector.broadcast %max3A_468 : f32 to vector<16xf32>
      %max3A_470 = arith.maximumf %max3A_467, %max3A_469 : vector<16xf32>
      %bitcast_convert_type3A_471 = tpu.bitcast %max3A_470 : vector<16xf32> -> vector<16xi32>
      %shift_right_arithmetic3A_472 = arith.constant 1 : i32
      %shift_right_arithmetic3A_473 = vector.broadcast %shift_right_arithmetic3A_472 : i32 to vector<16xi32>
      %shift_right_arithmetic3A_474 = arith.shrsi %bitcast_convert_type3A_471, %shift_right_arithmetic3A_473 : vector<16xi32>
      %sub3A_475 = arith.constant 1597463007 : i32
      %sub3A_476 = vector.broadcast %sub3A_475 : i32 to vector<16xi32>
      %sub3A_477 = arith.subi %sub3A_476, %shift_right_arithmetic3A_474 : vector<16xi32>
      %bitcast_convert_type3A_478 = tpu.bitcast %sub3A_477 : vector<16xi32> -> vector<16xf32>
      %mul3A_479 = arith.constant 5.000000e-01 : f32
      %mul3A_480 = vector.broadcast %mul3A_479 : f32 to vector<16xf32>
      %mul3A_481 = arith.mulf %mul3A_480, %max3A_470 : vector<16xf32>
      %mul3A_482 = arith.mulf %mul3A_481, %bitcast_convert_type3A_478 : vector<16xf32>
      %mul3A_483 = arith.mulf %mul3A_482, %bitcast_convert_type3A_478 : vector<16xf32>
      %sub3A_484 = arith.constant 1.500000e+00 : f32
      %sub3A_485 = vector.broadcast %sub3A_484 : f32 to vector<16xf32>
      %sub3A_486 = arith.subf %sub3A_485, %mul3A_483 : vector<16xf32>
      %mul3A_487 = arith.mulf %bitcast_convert_type3A_478, %sub3A_486 : vector<16xf32>
      %mul3A_488 = arith.constant 5.000000e-01 : f32
      %mul3A_489 = vector.broadcast %mul3A_488 : f32 to vector<16xf32>
      %mul3A_490 = arith.mulf %mul3A_489, %max3A_470 : vector<16xf32>
      %mul3A_491 = arith.mulf %mul3A_490, %mul3A_487 : vector<16xf32>
      %mul3A_492 = arith.mulf %mul3A_491, %mul3A_487 : vector<16xf32>
      %sub3A_493 = arith.constant 1.500000e+00 : f32
      %sub3A_494 = vector.broadcast %sub3A_493 : f32 to vector<16xf32>
      %sub3A_495 = arith.subf %sub3A_494, %mul3A_492 : vector<16xf32>
      %mul3A_496 = arith.mulf %mul3A_487, %sub3A_495 : vector<16xf32>
      %mul3A_497 = arith.constant 5.000000e-01 : f32
      %mul3A_498 = vector.broadcast %mul3A_497 : f32 to vector<16xf32>
      %mul3A_499 = arith.mulf %mul3A_498, %max3A_470 : vector<16xf32>
      %mul3A_500 = arith.mulf %mul3A_499, %mul3A_496 : vector<16xf32>
      %mul3A_501 = arith.mulf %mul3A_500, %mul3A_496 : vector<16xf32>
      %sub3A_502 = arith.constant 1.500000e+00 : f32
      %sub3A_503 = vector.broadcast %sub3A_502 : f32 to vector<16xf32>
      %sub3A_504 = arith.subf %sub3A_503, %mul3A_501 : vector<16xf32>
      %mul3A_505 = arith.mulf %mul3A_496, %sub3A_504 : vector<16xf32>
      %mul3A_506 = arith.mulf %max3A_470, %mul3A_505 : vector<16xf32>
      %div3A_507 = arith.divf %mul3A_506, %max3A_453 : vector<16xf32>
      %min3A_508 = arith.constant 0.99999988 : f32
      %min3A_509 = vector.broadcast %min3A_508 : f32 to vector<16xf32>
      %min3A_510 = arith.minimumf %div3A_507, %min3A_509 : vector<16xf32>
      %sub3A_511 = arith.constant 1.000000e+00 : f32
      %sub3A_512 = vector.broadcast %sub3A_511 : f32 to vector<16xf32>
      %sub3A_513 = arith.subf %sub3A_512, %min3A_510 : vector<16xf32>
      %add3A_514 = arith.constant 1.000000e+00 : f32
      %add3A_515 = vector.broadcast %add3A_514 : f32 to vector<16xf32>
      %add3A_516 = arith.addf %add3A_515, %min3A_510 : vector<16xf32>
      %div3A_517 = arith.divf %sub3A_513, %add3A_516 : vector<16xf32>
      %mul3A_518 = arith.constant 2.000000e-01 : f32
      %mul3A_519 = vector.broadcast %mul3A_518 : f32 to vector<16xf32>
      %mul3A_520 = arith.mulf %mul3A_519, %add3A_419 : vector<16xf32>
      %max3A_521 = arith.maximumf %add3A_419, %mul3A_520 : vector<16xf32>
      %sub3A_522 = arith.subf %max3A_521, %get3A_30 : vector<16xf32>
      %exp3A_523 = math.exp %sub3A_522 : vector<16xf32>
      %mul3A_524 = arith.mulf %exp3A_523, %div3A_517 : vector<16xf32>
      %mul3A_525 = arith.constant 2.000000e-01 : f32
      %mul3A_526 = vector.broadcast %mul3A_525 : f32 to vector<16xf32>
      %mul3A_527 = arith.mulf %mul3A_526, %add3A_422 : vector<16xf32>
      %max3A_528 = arith.maximumf %add3A_422, %mul3A_527 : vector<16xf32>
      %sub3A_529 = arith.subf %max3A_528, %get3A_34 : vector<16xf32>
      %exp3A_530 = math.exp %sub3A_529 : vector<16xf32>
      %swap3A_531 = arith.constant 0 : i32
      %swap3A_532 = arith.index_cast %swap3A_531 : i32 to index
      %swap3A_533 = arith.constant 32 : index
      %swap3A_534 = tpu.vector_load %arg31[%swap3A_532, %swap3A_533] {strides = array<i32>} : memref<1x80xf32, #tpu.memory_space<vmem>>, vector<16xf32>,
      tpu.vector_store %arg31[%swap3A_532, %swap3A_533], %mul3A_524 {strides = array<i32>} : memref<1x80xf32, #tpu.memory_space<vmem>>, vector<16xf32>,
      %swap3A_535 = arith.constant 0 : i32
      %swap3A_536 = arith.index_cast %swap3A_535 : i32 to index
      %swap3A_537 = arith.constant 32 : index
      %swap3A_538 = tpu.vector_load %arg32[%swap3A_536, %swap3A_537] {strides = array<i32>} : memref<1x80xf32, #tpu.memory_space<vmem>>, vector<16xf32>,
      tpu.vector_store %arg32[%swap3A_536, %swap3A_537], %exp3A_530 {strides = array<i32>} : memref<1x80xf32, #tpu.memory_space<vmem>>, vector<16xf32>,
      %scan3A_539 = arith.constant 0 : i32
      %scan3A_540 = arith.constant 0 : i32
      %scan3A_541 = arith.constant 64 : i32
      %scan3A_542 = arith.addi %scan3A_540, %scan3A_541 : i32
      %scan3A_543 = arith.constant 8 : i32
      %scan3A_544 = scf.for %scan3A_859 = %scan3A_540 to %scan3A_542 step %scan3A_543 iter_args(%scan3A_860 = %scan3A_539) -> (i32)  : i32 {
        %broadcast_in_dim3A_861 = arith.constant 0 : i32
        %broadcast_in_dim3A_862 = vector.broadcast %broadcast_in_dim3A_861 : i32 to vector<16xi32>
        %add3A_863 = vector.broadcast %scan3A_859 : i32 to vector<16xi32>
        %add3A_864 = arith.addi %broadcast_in_dim3A_862, %add3A_863 : vector<16xi32>
        %gather3A_865 = tpu.vector_load_idx %arg30[%add3A_396, %add3A_864] : memref<80x64xf32, #tpu.memory_space<vmem>>[vector<16xi32>, vector<16xi32>], vector<16xf32>,
        %mul3A_866 = arith.mulf %gather3A_865, %exp3A_530 : vector<16xf32>
        tpu.vector_store_idx %arg30[%add3A_396, %add3A_864], %mul3A_866 : memref<80x64xf32, #tpu.memory_space<vmem>>[vector<16xi32>, vector<16xi32>], vector<16xf32>,
        %scan3A_867 = arith.constant 0 : i32
        %scan3A_868 = arith.constant 1 : i32
        %scan3A_869 = arith.addi %scan3A_859, %scan3A_868 : i32
        %broadcast_in_dim3A_870 = arith.constant 0 : i32
        %broadcast_in_dim3A_871 = vector.broadcast %broadcast_in_dim3A_870 : i32 to vector<16xi32>
        %add3A_872 = vector.broadcast %scan3A_869 : i32 to vector<16xi32>
        %add3A_873 = arith.addi %broadcast_in_dim3A_871, %add3A_872 : vector<16xi32>
        %gather3A_874 = tpu.vector_load_idx %arg30[%add3A_396, %add3A_873] : memref<80x64xf32, #tpu.memory_space<vmem>>[vector<16xi32>, vector<16xi32>], vector<16xf32>,
        %mul3A_875 = arith.mulf %gather3A_874, %exp3A_530 : vector<16xf32>
        tpu.vector_store_idx %arg30[%add3A_396, %add3A_873], %mul3A_875 : memref<80x64xf32, #tpu.memory_space<vmem>>[vector<16xi32>, vector<16xi32>], vector<16xf32>,
        %scan3A_876 = arith.constant 0 : i32
        %scan3A_877 = arith.constant 2 : i32
        %scan3A_878 = arith.addi %scan3A_859, %scan3A_877 : i32
        %broadcast_in_dim3A_879 = arith.constant 0 : i32
        %broadcast_in_dim3A_880 = vector.broadcast %broadcast_in_dim3A_879 : i32 to vector<16xi32>
        %add3A_881 = vector.broadcast %scan3A_878 : i32 to vector<16xi32>
        %add3A_882 = arith.addi %broadcast_in_dim3A_880, %add3A_881 : vector<16xi32>
        %gather3A_883 = tpu.vector_load_idx %arg30[%add3A_396, %add3A_882] : memref<80x64xf32, #tpu.memory_space<vmem>>[vector<16xi32>, vector<16xi32>], vector<16xf32>,
        %mul3A_884 = arith.mulf %gather3A_883, %exp3A_530 : vector<16xf32>
        tpu.vector_store_idx %arg30[%add3A_396, %add3A_882], %mul3A_884 : memref<80x64xf32, #tpu.memory_space<vmem>>[vector<16xi32>, vector<16xi32>], vector<16xf32>,
        %scan3A_885 = arith.constant 0 : i32
        %scan3A_886 = arith.constant 3 : i32
        %scan3A_887 = arith.addi %scan3A_859, %scan3A_886 : i32
        %broadcast_in_dim3A_888 = arith.constant 0 : i32
        %broadcast_in_dim3A_889 = vector.broadcast %broadcast_in_dim3A_888 : i32 to vector<16xi32>
        %add3A_890 = vector.broadcast %scan3A_887 : i32 to vector<16xi32>
        %add3A_891 = arith.addi %broadcast_in_dim3A_889, %add3A_890 : vector<16xi32>
        %gather3A_892 = tpu.vector_load_idx %arg30[%add3A_396, %add3A_891] : memref<80x64xf32, #tpu.memory_space<vmem>>[vector<16xi32>, vector<16xi32>], vector<16xf32>,
        %mul3A_893 = arith.mulf %gather3A_892, %exp3A_530 : vector<16xf32>
        tpu.vector_store_idx %arg30[%add3A_396, %add3A_891], %mul3A_893 : memref<80x64xf32, #tpu.memory_space<vmem>>[vector<16xi32>, vector<16xi32>], vector<16xf32>,
        %scan3A_894 = arith.constant 0 : i32
        %scan3A_895 = arith.constant 4 : i32
        %scan3A_896 = arith.addi %scan3A_859, %scan3A_895 : i32
        %broadcast_in_dim3A_897 = arith.constant 0 : i32
        %broadcast_in_dim3A_898 = vector.broadcast %broadcast_in_dim3A_897 : i32 to vector<16xi32>
        %add3A_899 = vector.broadcast %scan3A_896 : i32 to vector<16xi32>
        %add3A_900 = arith.addi %broadcast_in_dim3A_898, %add3A_899 : vector<16xi32>
        %gather3A_901 = tpu.vector_load_idx %arg30[%add3A_396, %add3A_900] : memref<80x64xf32, #tpu.memory_space<vmem>>[vector<16xi32>, vector<16xi32>], vector<16xf32>,
        %mul3A_902 = arith.mulf %gather3A_901, %exp3A_530 : vector<16xf32>
        tpu.vector_store_idx %arg30[%add3A_396, %add3A_900], %mul3A_902 : memref<80x64xf32, #tpu.memory_space<vmem>>[vector<16xi32>, vector<16xi32>], vector<16xf32>,
        %scan3A_903 = arith.constant 0 : i32
        %scan3A_904 = arith.constant 5 : i32
        %scan3A_905 = arith.addi %scan3A_859, %scan3A_904 : i32
        %broadcast_in_dim3A_906 = arith.constant 0 : i32
        %broadcast_in_dim3A_907 = vector.broadcast %broadcast_in_dim3A_906 : i32 to vector<16xi32>
        %add3A_908 = vector.broadcast %scan3A_905 : i32 to vector<16xi32>
        %add3A_909 = arith.addi %broadcast_in_dim3A_907, %add3A_908 : vector<16xi32>
        %gather3A_910 = tpu.vector_load_idx %arg30[%add3A_396, %add3A_909] : memref<80x64xf32, #tpu.memory_space<vmem>>[vector<16xi32>, vector<16xi32>], vector<16xf32>,
        %mul3A_911 = arith.mulf %gather3A_910, %exp3A_530 : vector<16xf32>
        tpu.vector_store_idx %arg30[%add3A_396, %add3A_909], %mul3A_911 : memref<80x64xf32, #tpu.memory_space<vmem>>[vector<16xi32>, vector<16xi32>], vector<16xf32>,
        %scan3A_912 = arith.constant 0 : i32
        %scan3A_913 = arith.constant 6 : i32
        %scan3A_914 = arith.addi %scan3A_859, %scan3A_913 : i32
        %broadcast_in_dim3A_915 = arith.constant 0 : i32
        %broadcast_in_dim3A_916 = vector.broadcast %broadcast_in_dim3A_915 : i32 to vector<16xi32>
        %add3A_917 = vector.broadcast %scan3A_914 : i32 to vector<16xi32>
        %add3A_918 = arith.addi %broadcast_in_dim3A_916, %add3A_917 : vector<16xi32>
        %gather3A_919 = tpu.vector_load_idx %arg30[%add3A_396, %add3A_918] : memref<80x64xf32, #tpu.memory_space<vmem>>[vector<16xi32>, vector<16xi32>], vector<16xf32>,
        %mul3A_920 = arith.mulf %gather3A_919, %exp3A_530 : vector<16xf32>
        tpu.vector_store_idx %arg30[%add3A_396, %add3A_918], %mul3A_920 : memref<80x64xf32, #tpu.memory_space<vmem>>[vector<16xi32>, vector<16xi32>], vector<16xf32>,
        %scan3A_921 = arith.constant 0 : i32
        %scan3A_922 = arith.constant 7 : i32
        %scan3A_923 = arith.addi %scan3A_859, %scan3A_922 : i32
        %broadcast_in_dim3A_924 = arith.constant 0 : i32
        %broadcast_in_dim3A_925 = vector.broadcast %broadcast_in_dim3A_924 : i32 to vector<16xi32>
        %add3A_926 = vector.broadcast %scan3A_923 : i32 to vector<16xi32>
        %add3A_927 = arith.addi %broadcast_in_dim3A_925, %add3A_926 : vector<16xi32>
        %gather3A_928 = tpu.vector_load_idx %arg30[%add3A_396, %add3A_927] : memref<80x64xf32, #tpu.memory_space<vmem>>[vector<16xi32>, vector<16xi32>], vector<16xf32>,
        %mul3A_929 = arith.mulf %gather3A_928, %exp3A_530 : vector<16xf32>
        tpu.vector_store_idx %arg30[%add3A_396, %add3A_927], %mul3A_929 : memref<80x64xf32, #tpu.memory_space<vmem>>[vector<16xi32>, vector<16xi32>], vector<16xf32>,
        %scan3A_930 = arith.constant 0 : i32
        scf.yield %scan3A_930 : i32
      }
      %scan3A_545 = arith.constant 64 : i32
      %iota3A_546 = tpu.iota {dimensions = array<i32: 0>} : vector<16xi32>
      %add3A_547 = arith.constant 48 : i32
      %add3A_548 = vector.broadcast %add3A_547 : i32 to vector<16xi32>
      %add3A_549 = arith.addi %iota3A_546, %add3A_548 : vector<16xi32>
      %get3A_550 = arith.constant 0 : i32
      %get3A_551 = arith.index_cast %get3A_550 : i32 to index
      %get3A_552 = arith.constant 48 : index
      %get3A_553 = tpu.vector_load %arg26[%get3A_551, %get3A_552] {strides = array<i32>} : memref<1x80xi32, #tpu.memory_space<vmem>>, vector<16xi32>,
      %get3A_554 = arith.constant 0 : i32
      %get3A_555 = arith.index_cast %get3A_554 : i32 to index
      %get3A_556 = arith.constant 48 : index
      %get3A_557 = tpu.vector_load %arg27[%get3A_555, %get3A_556] {strides = array<i32>} : memref<1x80xi32, #tpu.memory_space<vmem>>, vector<16xi32>,
      %shift_right_logical3A_558 = arith.constant 7 : i32
      %shift_right_logical3A_559 = vector.broadcast %shift_right_logical3A_558 : i32 to vector<16xi32>
      %shift_right_logical3A_560 = arith.shrui %get3A_553, %shift_right_logical3A_559 : vector<16xi32>
      %and3A_561 = arith.constant 127 : i32
      %and3A_562 = vector.broadcast %and3A_561 : i32 to vector<16xi32>
      %and3A_563 = arith.andi %get3A_553, %and3A_562 : vector<16xi32>
      %shift_right_logical3A_564 = arith.constant 7 : i32
      %shift_right_logical3A_565 = vector.broadcast %shift_right_logical3A_564 : i32 to vector<16xi32>
      %shift_right_logical3A_566 = arith.shrui %get3A_557, %shift_right_logical3A_565 : vector<16xi32>
      %and3A_567 = arith.constant 127 : i32
      %and3A_568 = vector.broadcast %and3A_567 : i32 to vector<16xi32>
      %and3A_569 = arith.andi %get3A_557, %and3A_568 : vector<16xi32>
      %gather3A_570 = tpu.vector_load_idx %arg20[%shift_right_logical3A_560, %and3A_563] : memref<79x128xf32, #tpu.memory_space<vmem>>[vector<16xi32>, vector<16xi32>], vector<16xf32>,
      %gather3A_571 = tpu.vector_load_idx %arg21[%shift_right_logical3A_566, %and3A_569] : memref<79x128xf32, #tpu.memory_space<vmem>>[vector<16xi32>, vector<16xi32>], vector<16xf32>,
      %add3A_572 = arith.addf %gather3A_570, %gather3A_571 : vector<16xf32>
      %gather3A_573 = tpu.vector_load_idx %arg22[%shift_right_logical3A_560, %and3A_563] : memref<79x128xf32, #tpu.memory_space<vmem>>[vector<16xi32>, vector<16xi32>], vector<16xf32>,
      %gather3A_574 = tpu.vector_load_idx %arg23[%shift_right_logical3A_566, %and3A_569] : memref<79x128xf32, #tpu.memory_space<vmem>>[vector<16xi32>, vector<16xi32>], vector<16xf32>,
      %add3A_575 = arith.addf %gather3A_573, %gather3A_574 : vector<16xf32>
      %gather3A_576 = tpu.vector_load_idx %arg24[%shift_right_logical3A_560, %and3A_563] : memref<79x128xf32, #tpu.memory_space<vmem>>[vector<16xi32>, vector<16xi32>], vector<16xf32>,
      %gather3A_577 = tpu.vector_load_idx %arg24[%shift_right_logical3A_566, %and3A_569] : memref<79x128xf32, #tpu.memory_space<vmem>>[vector<16xi32>, vector<16xi32>], vector<16xf32>,
      %broadcast_in_dim3A_578 = arith.constant 0.000000e+00 : f32
      %broadcast_in_dim3A_579 = vector.broadcast %broadcast_in_dim3A_578 : f32 to vector<16xf32>
      %scan3A_580 = arith.constant 0 : i32
      %scan3A_581 = arith.constant 128 : i32
      %scan3A_582 = arith.addi %scan3A_580, %scan3A_581 : i32
      %scan3A_583 = arith.constant 8 : i32
      %scan3A_584 = scf.for %scan3A_859 = %scan3A_580 to %scan3A_582 step %scan3A_583 iter_args(%scan3A_860 = %broadcast_in_dim3A_579) -> (vector<16xf32>)  : i32 {
        %broadcast_in_dim3A_861 = arith.constant 0 : i32
        %broadcast_in_dim3A_862 = vector.broadcast %broadcast_in_dim3A_861 : i32 to vector<16xi32>
        %add3A_863 = vector.broadcast %scan3A_859 : i32 to vector<16xi32>
        %add3A_864 = arith.addi %broadcast_in_dim3A_862, %add3A_863 : vector<16xi32>
        %gather3A_865 = tpu.vector_load_idx %arg28[%add3A_549, %add3A_864] : memref<80x128xf32, #tpu.memory_space<vmem>>[vector<16xi32>, vector<16xi32>], vector<16xf32>,
        %gather3A_866 = tpu.vector_load_idx %arg29[%add3A_549, %add3A_864] : memref<80x128xf32, #tpu.memory_space<vmem>>[vector<16xi32>, vector<16xi32>], vector<16xf32>,
        %mul3A_867 = arith.mulf %gather3A_865, %gather3A_866 : vector<16xf32>
        %add3A_868 = arith.addf %scan3A_860, %mul3A_867 : vector<16xf32>
        %scan3A_869 = arith.constant 1 : i32
        %scan3A_870 = arith.addi %scan3A_859, %scan3A_869 : i32
        %broadcast_in_dim3A_871 = arith.constant 0 : i32
        %broadcast_in_dim3A_872 = vector.broadcast %broadcast_in_dim3A_871 : i32 to vector<16xi32>
        %add3A_873 = vector.broadcast %scan3A_870 : i32 to vector<16xi32>
        %add3A_874 = arith.addi %broadcast_in_dim3A_872, %add3A_873 : vector<16xi32>
        %gather3A_875 = tpu.vector_load_idx %arg28[%add3A_549, %add3A_874] : memref<80x128xf32, #tpu.memory_space<vmem>>[vector<16xi32>, vector<16xi32>], vector<16xf32>,
        %gather3A_876 = tpu.vector_load_idx %arg29[%add3A_549, %add3A_874] : memref<80x128xf32, #tpu.memory_space<vmem>>[vector<16xi32>, vector<16xi32>], vector<16xf32>,
        %mul3A_877 = arith.mulf %gather3A_875, %gather3A_876 : vector<16xf32>
        %add3A_878 = arith.addf %add3A_868, %mul3A_877 : vector<16xf32>
        %scan3A_879 = arith.constant 2 : i32
        %scan3A_880 = arith.addi %scan3A_859, %scan3A_879 : i32
        %broadcast_in_dim3A_881 = arith.constant 0 : i32
        %broadcast_in_dim3A_882 = vector.broadcast %broadcast_in_dim3A_881 : i32 to vector<16xi32>
        %add3A_883 = vector.broadcast %scan3A_880 : i32 to vector<16xi32>
        %add3A_884 = arith.addi %broadcast_in_dim3A_882, %add3A_883 : vector<16xi32>
        %gather3A_885 = tpu.vector_load_idx %arg28[%add3A_549, %add3A_884] : memref<80x128xf32, #tpu.memory_space<vmem>>[vector<16xi32>, vector<16xi32>], vector<16xf32>,
        %gather3A_886 = tpu.vector_load_idx %arg29[%add3A_549, %add3A_884] : memref<80x128xf32, #tpu.memory_space<vmem>>[vector<16xi32>, vector<16xi32>], vector<16xf32>,
        %mul3A_887 = arith.mulf %gather3A_885, %gather3A_886 : vector<16xf32>
        %add3A_888 = arith.addf %add3A_878, %mul3A_887 : vector<16xf32>
        %scan3A_889 = arith.constant 3 : i32
        %scan3A_890 = arith.addi %scan3A_859, %scan3A_889 : i32
        %broadcast_in_dim3A_891 = arith.constant 0 : i32
        %broadcast_in_dim3A_892 = vector.broadcast %broadcast_in_dim3A_891 : i32 to vector<16xi32>
        %add3A_893 = vector.broadcast %scan3A_890 : i32 to vector<16xi32>
        %add3A_894 = arith.addi %broadcast_in_dim3A_892, %add3A_893 : vector<16xi32>
        %gather3A_895 = tpu.vector_load_idx %arg28[%add3A_549, %add3A_894] : memref<80x128xf32, #tpu.memory_space<vmem>>[vector<16xi32>, vector<16xi32>], vector<16xf32>,
        %gather3A_896 = tpu.vector_load_idx %arg29[%add3A_549, %add3A_894] : memref<80x128xf32, #tpu.memory_space<vmem>>[vector<16xi32>, vector<16xi32>], vector<16xf32>,
        %mul3A_897 = arith.mulf %gather3A_895, %gather3A_896 : vector<16xf32>
        %add3A_898 = arith.addf %add3A_888, %mul3A_897 : vector<16xf32>
        %scan3A_899 = arith.constant 4 : i32
        %scan3A_900 = arith.addi %scan3A_859, %scan3A_899 : i32
        %broadcast_in_dim3A_901 = arith.constant 0 : i32
        %broadcast_in_dim3A_902 = vector.broadcast %broadcast_in_dim3A_901 : i32 to vector<16xi32>
        %add3A_903 = vector.broadcast %scan3A_900 : i32 to vector<16xi32>
        %add3A_904 = arith.addi %broadcast_in_dim3A_902, %add3A_903 : vector<16xi32>
        %gather3A_905 = tpu.vector_load_idx %arg28[%add3A_549, %add3A_904] : memref<80x128xf32, #tpu.memory_space<vmem>>[vector<16xi32>, vector<16xi32>], vector<16xf32>,
        %gather3A_906 = tpu.vector_load_idx %arg29[%add3A_549, %add3A_904] : memref<80x128xf32, #tpu.memory_space<vmem>>[vector<16xi32>, vector<16xi32>], vector<16xf32>,
        %mul3A_907 = arith.mulf %gather3A_905, %gather3A_906 : vector<16xf32>
        %add3A_908 = arith.addf %add3A_898, %mul3A_907 : vector<16xf32>
        %scan3A_909 = arith.constant 5 : i32
        %scan3A_910 = arith.addi %scan3A_859, %scan3A_909 : i32
        %broadcast_in_dim3A_911 = arith.constant 0 : i32
        %broadcast_in_dim3A_912 = vector.broadcast %broadcast_in_dim3A_911 : i32 to vector<16xi32>
        %add3A_913 = vector.broadcast %scan3A_910 : i32 to vector<16xi32>
        %add3A_914 = arith.addi %broadcast_in_dim3A_912, %add3A_913 : vector<16xi32>
        %gather3A_915 = tpu.vector_load_idx %arg28[%add3A_549, %add3A_914] : memref<80x128xf32, #tpu.memory_space<vmem>>[vector<16xi32>, vector<16xi32>], vector<16xf32>,
        %gather3A_916 = tpu.vector_load_idx %arg29[%add3A_549, %add3A_914] : memref<80x128xf32, #tpu.memory_space<vmem>>[vector<16xi32>, vector<16xi32>], vector<16xf32>,
        %mul3A_917 = arith.mulf %gather3A_915, %gather3A_916 : vector<16xf32>
        %add3A_918 = arith.addf %add3A_908, %mul3A_917 : vector<16xf32>
        %scan3A_919 = arith.constant 6 : i32
        %scan3A_920 = arith.addi %scan3A_859, %scan3A_919 : i32
        %broadcast_in_dim3A_921 = arith.constant 0 : i32
        %broadcast_in_dim3A_922 = vector.broadcast %broadcast_in_dim3A_921 : i32 to vector<16xi32>
        %add3A_923 = vector.broadcast %scan3A_920 : i32 to vector<16xi32>
        %add3A_924 = arith.addi %broadcast_in_dim3A_922, %add3A_923 : vector<16xi32>
        %gather3A_925 = tpu.vector_load_idx %arg28[%add3A_549, %add3A_924] : memref<80x128xf32, #tpu.memory_space<vmem>>[vector<16xi32>, vector<16xi32>], vector<16xf32>,
        %gather3A_926 = tpu.vector_load_idx %arg29[%add3A_549, %add3A_924] : memref<80x128xf32, #tpu.memory_space<vmem>>[vector<16xi32>, vector<16xi32>], vector<16xf32>,
        %mul3A_927 = arith.mulf %gather3A_925, %gather3A_926 : vector<16xf32>
        %add3A_928 = arith.addf %add3A_918, %mul3A_927 : vector<16xf32>
        %scan3A_929 = arith.constant 7 : i32
        %scan3A_930 = arith.addi %scan3A_859, %scan3A_929 : i32
        %broadcast_in_dim3A_931 = arith.constant 0 : i32
        %broadcast_in_dim3A_932 = vector.broadcast %broadcast_in_dim3A_931 : i32 to vector<16xi32>
        %add3A_933 = vector.broadcast %scan3A_930 : i32 to vector<16xi32>
        %add3A_934 = arith.addi %broadcast_in_dim3A_932, %add3A_933 : vector<16xi32>
        %gather3A_935 = tpu.vector_load_idx %arg28[%add3A_549, %add3A_934] : memref<80x128xf32, #tpu.memory_space<vmem>>[vector<16xi32>, vector<16xi32>], vector<16xf32>,
        %gather3A_936 = tpu.vector_load_idx %arg29[%add3A_549, %add3A_934] : memref<80x128xf32, #tpu.memory_space<vmem>>[vector<16xi32>, vector<16xi32>], vector<16xf32>,
        %mul3A_937 = arith.mulf %gather3A_935, %gather3A_936 : vector<16xf32>
        %add3A_938 = arith.addf %add3A_928, %mul3A_937 : vector<16xf32>
        scf.yield %add3A_938 : vector<16xf32>
      }
      %scan3A_585 = arith.constant 128 : i32
      %mul3A_586 = arith.constant 2.000000e+00 : f32
      %mul3A_587 = vector.broadcast %mul3A_586 : f32 to vector<16xf32>
      %mul3A_588 = arith.mulf %mul3A_587, %scan3A_584 : vector<16xf32>
      %sub3A_589 = arith.constant 1.000000e+00 : f32
      %sub3A_590 = vector.broadcast %sub3A_589 : f32 to vector<16xf32>
      %sub3A_591 = arith.subf %sub3A_590, %mul3A_588 : vector<16xf32>
      %add3A_592 = arith.addf %sub3A_591, %gather3A_577 : vector<16xf32>
      %sub3A_593 = arith.constant 1.000000e+00 : f32
      %sub3A_594 = vector.broadcast %sub3A_593 : f32 to vector<16xf32>
      %sub3A_595 = arith.subf %sub3A_594, %gather3A_576 : vector<16xf32>
      %mul3A_596 = arith.constant 2.000000e+00 : f32
      %mul3A_597 = vector.broadcast %mul3A_596 : f32 to vector<16xf32>
      %mul3A_598 = arith.mulf %mul3A_597, %scan3A_584 : vector<16xf32>
      %sub3A_599 = arith.constant 1.000000e+00 : f32
      %sub3A_600 = vector.broadcast %sub3A_599 : f32 to vector<16xf32>
      %sub3A_601 = arith.subf %sub3A_600, %mul3A_598 : vector<16xf32>
      %mul3A_602 = arith.mulf %gather3A_576, %gather3A_577 : vector<16xf32>
      %add3A_603 = arith.addf %sub3A_601, %mul3A_602 : vector<16xf32>
      %max3A_604 = arith.constant 1.000000e-10 : f32
      %max3A_605 = vector.broadcast %max3A_604 : f32 to vector<16xf32>
      %max3A_606 = arith.maximumf %add3A_603, %max3A_605 : vector<16xf32>
      %mul3A_607 = arith.mulf %add3A_592, %add3A_592 : vector<16xf32>
      %mul3A_608 = arith.mulf %mul3A_607, %gather3A_576 : vector<16xf32>
      %mul3A_609 = arith.mulf %sub3A_595, %sub3A_595 : vector<16xf32>
      %mul3A_610 = arith.mulf %mul3A_609, %gather3A_577 : vector<16xf32>
      %add3A_611 = arith.addf %mul3A_608, %mul3A_610 : vector<16xf32>
      %mul3A_612 = arith.constant 2.000000e+00 : f32
      %mul3A_613 = vector.broadcast %mul3A_612 : f32 to vector<16xf32>
      %mul3A_614 = arith.mulf %mul3A_613, %add3A_592 : vector<16xf32>
      %mul3A_615 = arith.mulf %mul3A_614, %sub3A_595 : vector<16xf32>
      %mul3A_616 = arith.mulf %mul3A_615, %scan3A_584 : vector<16xf32>
      %sub3A_617 = arith.subf %add3A_611, %mul3A_616 : vector<16xf32>
      %max3A_618 = arith.constant 0.000000e+00 : f32
      %max3A_619 = vector.broadcast %max3A_618 : f32 to vector<16xf32>
      %max3A_620 = arith.maximumf %sub3A_617, %max3A_619 : vector<16xf32>
      %max3A_621 = arith.constant 1.000000e-30 : f32
      %max3A_622 = vector.broadcast %max3A_621 : f32 to vector<16xf32>
      %max3A_623 = arith.maximumf %max3A_620, %max3A_622 : vector<16xf32>
      %bitcast_convert_type3A_624 = tpu.bitcast %max3A_623 : vector<16xf32> -> vector<16xi32>
      %shift_right_arithmetic3A_625 = arith.constant 1 : i32
      %shift_right_arithmetic3A_626 = vector.broadcast %shift_right_arithmetic3A_625 : i32 to vector<16xi32>
      %shift_right_arithmetic3A_627 = arith.shrsi %bitcast_convert_type3A_624, %shift_right_arithmetic3A_626 : vector<16xi32>
      %sub3A_628 = arith.constant 1597463007 : i32
      %sub3A_629 = vector.broadcast %sub3A_628 : i32 to vector<16xi32>
      %sub3A_630 = arith.subi %sub3A_629, %shift_right_arithmetic3A_627 : vector<16xi32>
      %bitcast_convert_type3A_631 = tpu.bitcast %sub3A_630 : vector<16xi32> -> vector<16xf32>
      %mul3A_632 = arith.constant 5.000000e-01 : f32
      %mul3A_633 = vector.broadcast %mul3A_632 : f32 to vector<16xf32>
      %mul3A_634 = arith.mulf %mul3A_633, %max3A_623 : vector<16xf32>
      %mul3A_635 = arith.mulf %mul3A_634, %bitcast_convert_type3A_631 : vector<16xf32>
      %mul3A_636 = arith.mulf %mul3A_635, %bitcast_convert_type3A_631 : vector<16xf32>
      %sub3A_637 = arith.constant 1.500000e+00 : f32
      %sub3A_638 = vector.broadcast %sub3A_637 : f32 to vector<16xf32>
      %sub3A_639 = arith.subf %sub3A_638, %mul3A_636 : vector<16xf32>
      %mul3A_640 = arith.mulf %bitcast_convert_type3A_631, %sub3A_639 : vector<16xf32>
      %mul3A_641 = arith.constant 5.000000e-01 : f32
      %mul3A_642 = vector.broadcast %mul3A_641 : f32 to vector<16xf32>
      %mul3A_643 = arith.mulf %mul3A_642, %max3A_623 : vector<16xf32>
      %mul3A_644 = arith.mulf %mul3A_643, %mul3A_640 : vector<16xf32>
      %mul3A_645 = arith.mulf %mul3A_644, %mul3A_640 : vector<16xf32>
      %sub3A_646 = arith.constant 1.500000e+00 : f32
      %sub3A_647 = vector.broadcast %sub3A_646 : f32 to vector<16xf32>
      %sub3A_648 = arith.subf %sub3A_647, %mul3A_645 : vector<16xf32>
      %mul3A_649 = arith.mulf %mul3A_640, %sub3A_648 : vector<16xf32>
      %mul3A_650 = arith.constant 5.000000e-01 : f32
      %mul3A_651 = vector.broadcast %mul3A_650 : f32 to vector<16xf32>
      %mul3A_652 = arith.mulf %mul3A_651, %max3A_623 : vector<16xf32>
      %mul3A_653 = arith.mulf %mul3A_652, %mul3A_649 : vector<16xf32>
      %mul3A_654 = arith.mulf %mul3A_653, %mul3A_649 : vector<16xf32>
      %sub3A_655 = arith.constant 1.500000e+00 : f32
      %sub3A_656 = vector.broadcast %sub3A_655 : f32 to vector<16xf32>
      %sub3A_657 = arith.subf %sub3A_656, %mul3A_654 : vector<16xf32>
      %mul3A_658 = arith.mulf %mul3A_649, %sub3A_657 : vector<16xf32>
      %mul3A_659 = arith.mulf %max3A_623, %mul3A_658 : vector<16xf32>
      %div3A_660 = arith.divf %mul3A_659, %max3A_606 : vector<16xf32>
      %min3A_661 = arith.constant 0.99999988 : f32
      %min3A_662 = vector.broadcast %min3A_661 : f32 to vector<16xf32>
      %min3A_663 = arith.minimumf %div3A_660, %min3A_662 : vector<16xf32>
      %sub3A_664 = arith.constant 1.000000e+00 : f32
      %sub3A_665 = vector.broadcast %sub3A_664 : f32 to vector<16xf32>
      %sub3A_666 = arith.subf %sub3A_665, %min3A_663 : vector<16xf32>
      %add3A_667 = arith.constant 1.000000e+00 : f32
      %add3A_668 = vector.broadcast %add3A_667 : f32 to vector<16xf32>
      %add3A_669 = arith.addf %add3A_668, %min3A_663 : vector<16xf32>
      %div3A_670 = arith.divf %sub3A_666, %add3A_669 : vector<16xf32>
      %mul3A_671 = arith.constant 2.000000e-01 : f32
      %mul3A_672 = vector.broadcast %mul3A_671 : f32 to vector<16xf32>
      %mul3A_673 = arith.mulf %mul3A_672, %add3A_572 : vector<16xf32>
      %max3A_674 = arith.maximumf %add3A_572, %mul3A_673 : vector<16xf32>
      %sub3A_675 = arith.subf %max3A_674, %get3A_30 : vector<16xf32>
      %exp3A_676 = math.exp %sub3A_675 : vector<16xf32>
      %mul3A_677 = arith.mulf %exp3A_676, %div3A_670 : vector<16xf32>
      %mul3A_678 = arith.constant 2.000000e-01 : f32
      %mul3A_679 = vector.broadcast %mul3A_678 : f32 to vector<16xf32>
      %mul3A_680 = arith.mulf %mul3A_679, %add3A_575 : vector<16xf32>
      %max3A_681 = arith.maximumf %add3A_575, %mul3A_680 : vector<16xf32>
      %sub3A_682 = arith.subf %max3A_681, %get3A_34 : vector<16xf32>
      %exp3A_683 = math.exp %sub3A_682 : vector<16xf32>
      %swap3A_684 = arith.constant 0 : i32
      %swap3A_685 = arith.index_cast %swap3A_684 : i32 to index
      %swap3A_686 = arith.constant 48 : index
      %swap3A_687 = tpu.vector_load %arg31[%swap3A_685, %swap3A_686] {strides = array<i32>} : memref<1x80xf32, #tpu.memory_space<vmem>>, vector<16xf32>,
      tpu.vector_store %arg31[%swap3A_685, %swap3A_686], %mul3A_677 {strides = array<i32>} : memref<1x80xf32, #tpu.memory_space<vmem>>, vector<16xf32>,
      %swap3A_688 = arith.constant 0 : i32
      %swap3A_689 = arith.index_cast %swap3A_688 : i32 to index
      %swap3A_690 = arith.constant 48 : index
      %swap3A_691 = tpu.vector_load %arg32[%swap3A_689, %swap3A_690] {strides = array<i32>} : memref<1x80xf32, #tpu.memory_space<vmem>>, vector<16xf32>,
      tpu.vector_store %arg32[%swap3A_689, %swap3A_690], %exp3A_683 {strides = array<i32>} : memref<1x80xf32, #tpu.memory_space<vmem>>, vector<16xf32>,
      %scan3A_692 = arith.constant 0 : i32
      %scan3A_693 = arith.constant 0 : i32
      %scan3A_694 = arith.constant 64 : i32
      %scan3A_695 = arith.addi %scan3A_693, %scan3A_694 : i32
      %scan3A_696 = arith.constant 8 : i32
      %scan3A_697 = scf.for %scan3A_859 = %scan3A_693 to %scan3A_695 step %scan3A_696 iter_args(%scan3A_860 = %scan3A_692) -> (i32)  : i32 {
        %broadcast_in_dim3A_861 = arith.constant 0 : i32
        %broadcast_in_dim3A_862 = vector.broadcast %broadcast_in_dim3A_861 : i32 to vector<16xi32>
        %add3A_863 = vector.broadcast %scan3A_859 : i32 to vector<16xi32>
        %add3A_864 = arith.addi %broadcast_in_dim3A_862, %add3A_863 : vector<16xi32>
        %gather3A_865 = tpu.vector_load_idx %arg30[%add3A_549, %add3A_864] : memref<80x64xf32, #tpu.memory_space<vmem>>[vector<16xi32>, vector<16xi32>], vector<16xf32>,
        %mul3A_866 = arith.mulf %gather3A_865, %exp3A_683 : vector<16xf32>
        tpu.vector_store_idx %arg30[%add3A_549, %add3A_864], %mul3A_866 : memref<80x64xf32, #tpu.memory_space<vmem>>[vector<16xi32>, vector<16xi32>], vector<16xf32>,
        %scan3A_867 = arith.constant 0 : i32
        %scan3A_868 = arith.constant 1 : i32
        %scan3A_869 = arith.addi %scan3A_859, %scan3A_868 : i32
        %broadcast_in_dim3A_870 = arith.constant 0 : i32
        %broadcast_in_dim3A_871 = vector.broadcast %broadcast_in_dim3A_870 : i32 to vector<16xi32>
        %add3A_872 = vector.broadcast %scan3A_869 : i32 to vector<16xi32>
        %add3A_873 = arith.addi %broadcast_in_dim3A_871, %add3A_872 : vector<16xi32>
        %gather3A_874 = tpu.vector_load_idx %arg30[%add3A_549, %add3A_873] : memref<80x64xf32, #tpu.memory_space<vmem>>[vector<16xi32>, vector<16xi32>], vector<16xf32>,
        %mul3A_875 = arith.mulf %gather3A_874, %exp3A_683 : vector<16xf32>
        tpu.vector_store_idx %arg30[%add3A_549, %add3A_873], %mul3A_875 : memref<80x64xf32, #tpu.memory_space<vmem>>[vector<16xi32>, vector<16xi32>], vector<16xf32>,
        %scan3A_876 = arith.constant 0 : i32
        %scan3A_877 = arith.constant 2 : i32
        %scan3A_878 = arith.addi %scan3A_859, %scan3A_877 : i32
        %broadcast_in_dim3A_879 = arith.constant 0 : i32
        %broadcast_in_dim3A_880 = vector.broadcast %broadcast_in_dim3A_879 : i32 to vector<16xi32>
        %add3A_881 = vector.broadcast %scan3A_878 : i32 to vector<16xi32>
        %add3A_882 = arith.addi %broadcast_in_dim3A_880, %add3A_881 : vector<16xi32>
        %gather3A_883 = tpu.vector_load_idx %arg30[%add3A_549, %add3A_882] : memref<80x64xf32, #tpu.memory_space<vmem>>[vector<16xi32>, vector<16xi32>], vector<16xf32>,
        %mul3A_884 = arith.mulf %gather3A_883, %exp3A_683 : vector<16xf32>
        tpu.vector_store_idx %arg30[%add3A_549, %add3A_882], %mul3A_884 : memref<80x64xf32, #tpu.memory_space<vmem>>[vector<16xi32>, vector<16xi32>], vector<16xf32>,
        %scan3A_885 = arith.constant 0 : i32
        %scan3A_886 = arith.constant 3 : i32
        %scan3A_887 = arith.addi %scan3A_859, %scan3A_886 : i32
        %broadcast_in_dim3A_888 = arith.constant 0 : i32
        %broadcast_in_dim3A_889 = vector.broadcast %broadcast_in_dim3A_888 : i32 to vector<16xi32>
        %add3A_890 = vector.broadcast %scan3A_887 : i32 to vector<16xi32>
        %add3A_891 = arith.addi %broadcast_in_dim3A_889, %add3A_890 : vector<16xi32>
        %gather3A_892 = tpu.vector_load_idx %arg30[%add3A_549, %add3A_891] : memref<80x64xf32, #tpu.memory_space<vmem>>[vector<16xi32>, vector<16xi32>], vector<16xf32>,
        %mul3A_893 = arith.mulf %gather3A_892, %exp3A_683 : vector<16xf32>
        tpu.vector_store_idx %arg30[%add3A_549, %add3A_891], %mul3A_893 : memref<80x64xf32, #tpu.memory_space<vmem>>[vector<16xi32>, vector<16xi32>], vector<16xf32>,
        %scan3A_894 = arith.constant 0 : i32
        %scan3A_895 = arith.constant 4 : i32
        %scan3A_896 = arith.addi %scan3A_859, %scan3A_895 : i32
        %broadcast_in_dim3A_897 = arith.constant 0 : i32
        %broadcast_in_dim3A_898 = vector.broadcast %broadcast_in_dim3A_897 : i32 to vector<16xi32>
        %add3A_899 = vector.broadcast %scan3A_896 : i32 to vector<16xi32>
        %add3A_900 = arith.addi %broadcast_in_dim3A_898, %add3A_899 : vector<16xi32>
        %gather3A_901 = tpu.vector_load_idx %arg30[%add3A_549, %add3A_900] : memref<80x64xf32, #tpu.memory_space<vmem>>[vector<16xi32>, vector<16xi32>], vector<16xf32>,
        %mul3A_902 = arith.mulf %gather3A_901, %exp3A_683 : vector<16xf32>
        tpu.vector_store_idx %arg30[%add3A_549, %add3A_900], %mul3A_902 : memref<80x64xf32, #tpu.memory_space<vmem>>[vector<16xi32>, vector<16xi32>], vector<16xf32>,
        %scan3A_903 = arith.constant 0 : i32
        %scan3A_904 = arith.constant 5 : i32
        %scan3A_905 = arith.addi %scan3A_859, %scan3A_904 : i32
        %broadcast_in_dim3A_906 = arith.constant 0 : i32
        %broadcast_in_dim3A_907 = vector.broadcast %broadcast_in_dim3A_906 : i32 to vector<16xi32>
        %add3A_908 = vector.broadcast %scan3A_905 : i32 to vector<16xi32>
        %add3A_909 = arith.addi %broadcast_in_dim3A_907, %add3A_908 : vector<16xi32>
        %gather3A_910 = tpu.vector_load_idx %arg30[%add3A_549, %add3A_909] : memref<80x64xf32, #tpu.memory_space<vmem>>[vector<16xi32>, vector<16xi32>], vector<16xf32>,
        %mul3A_911 = arith.mulf %gather3A_910, %exp3A_683 : vector<16xf32>
        tpu.vector_store_idx %arg30[%add3A_549, %add3A_909], %mul3A_911 : memref<80x64xf32, #tpu.memory_space<vmem>>[vector<16xi32>, vector<16xi32>], vector<16xf32>,
        %scan3A_912 = arith.constant 0 : i32
        %scan3A_913 = arith.constant 6 : i32
        %scan3A_914 = arith.addi %scan3A_859, %scan3A_913 : i32
        %broadcast_in_dim3A_915 = arith.constant 0 : i32
        %broadcast_in_dim3A_916 = vector.broadcast %broadcast_in_dim3A_915 : i32 to vector<16xi32>
        %add3A_917 = vector.broadcast %scan3A_914 : i32 to vector<16xi32>
        %add3A_918 = arith.addi %broadcast_in_dim3A_916, %add3A_917 : vector<16xi32>
        %gather3A_919 = tpu.vector_load_idx %arg30[%add3A_549, %add3A_918] : memref<80x64xf32, #tpu.memory_space<vmem>>[vector<16xi32>, vector<16xi32>], vector<16xf32>,
        %mul3A_920 = arith.mulf %gather3A_919, %exp3A_683 : vector<16xf32>
        tpu.vector_store_idx %arg30[%add3A_549, %add3A_918], %mul3A_920 : memref<80x64xf32, #tpu.memory_space<vmem>>[vector<16xi32>, vector<16xi32>], vector<16xf32>,
        %scan3A_921 = arith.constant 0 : i32
        %scan3A_922 = arith.constant 7 : i32
        %scan3A_923 = arith.addi %scan3A_859, %scan3A_922 : i32
        %broadcast_in_dim3A_924 = arith.constant 0 : i32
        %broadcast_in_dim3A_925 = vector.broadcast %broadcast_in_dim3A_924 : i32 to vector<16xi32>
        %add3A_926 = vector.broadcast %scan3A_923 : i32 to vector<16xi32>
        %add3A_927 = arith.addi %broadcast_in_dim3A_925, %add3A_926 : vector<16xi32>
        %gather3A_928 = tpu.vector_load_idx %arg30[%add3A_549, %add3A_927] : memref<80x64xf32, #tpu.memory_space<vmem>>[vector<16xi32>, vector<16xi32>], vector<16xf32>,
        %mul3A_929 = arith.mulf %gather3A_928, %exp3A_683 : vector<16xf32>
        tpu.vector_store_idx %arg30[%add3A_549, %add3A_927], %mul3A_929 : memref<80x64xf32, #tpu.memory_space<vmem>>[vector<16xi32>, vector<16xi32>], vector<16xf32>,
        %scan3A_930 = arith.constant 0 : i32
        scf.yield %scan3A_930 : i32
      }
      %scan3A_698 = arith.constant 64 : i32
      %iota3A_699 = tpu.iota {dimensions = array<i32: 0>} : vector<16xi32>
      %add3A_700 = arith.constant 64 : i32
      %add3A_701 = vector.broadcast %add3A_700 : i32 to vector<16xi32>
      %add3A_702 = arith.addi %iota3A_699, %add3A_701 : vector<16xi32>
      %get3A_703 = arith.constant 0 : i32
      %get3A_704 = arith.index_cast %get3A_703 : i32 to index
      %get3A_705 = arith.constant 64 : index
      %get3A_706 = tpu.vector_load %arg26[%get3A_704, %get3A_705] {strides = array<i32>} : memref<1x80xi32, #tpu.memory_space<vmem>>, vector<16xi32>,
      %get3A_707 = arith.constant 0 : i32
      %get3A_708 = arith.index_cast %get3A_707 : i32 to index
      %get3A_709 = arith.constant 64 : index
      %get3A_710 = tpu.vector_load %arg27[%get3A_708, %get3A_709] {strides = array<i32>} : memref<1x80xi32, #tpu.memory_space<vmem>>, vector<16xi32>,
      %shift_right_logical3A_711 = arith.constant 7 : i32
      %shift_right_logical3A_712 = vector.broadcast %shift_right_logical3A_711 : i32 to vector<16xi32>
      %shift_right_logical3A_713 = arith.shrui %get3A_706, %shift_right_logical3A_712 : vector<16xi32>
      %and3A_714 = arith.constant 127 : i32
      %and3A_715 = vector.broadcast %and3A_714 : i32 to vector<16xi32>
      %and3A_716 = arith.andi %get3A_706, %and3A_715 : vector<16xi32>
      %shift_right_logical3A_717 = arith.constant 7 : i32
      %shift_right_logical3A_718 = vector.broadcast %shift_right_logical3A_717 : i32 to vector<16xi32>
      %shift_right_logical3A_719 = arith.shrui %get3A_710, %shift_right_logical3A_718 : vector<16xi32>
      %and3A_720 = arith.constant 127 : i32
      %and3A_721 = vector.broadcast %and3A_720 : i32 to vector<16xi32>
      %and3A_722 = arith.andi %get3A_710, %and3A_721 : vector<16xi32>
      %gather3A_723 = tpu.vector_load_idx %arg20[%shift_right_logical3A_713, %and3A_716] : memref<79x128xf32, #tpu.memory_space<vmem>>[vector<16xi32>, vector<16xi32>], vector<16xf32>,
      %gather3A_724 = tpu.vector_load_idx %arg21[%shift_right_logical3A_719, %and3A_722] : memref<79x128xf32, #tpu.memory_space<vmem>>[vector<16xi32>, vector<16xi32>], vector<16xf32>,
      %add3A_725 = arith.addf %gather3A_723, %gather3A_724 : vector<16xf32>
      %gather3A_726 = tpu.vector_load_idx %arg22[%shift_right_logical3A_713, %and3A_716] : memref<79x128xf32, #tpu.memory_space<vmem>>[vector<16xi32>, vector<16xi32>], vector<16xf32>,
      %gather3A_727 = tpu.vector_load_idx %arg23[%shift_right_logical3A_719, %and3A_722] : memref<79x128xf32, #tpu.memory_space<vmem>>[vector<16xi32>, vector<16xi32>], vector<16xf32>,
      %add3A_728 = arith.addf %gather3A_726, %gather3A_727 : vector<16xf32>
      %gather3A_729 = tpu.vector_load_idx %arg24[%shift_right_logical3A_713, %and3A_716] : memref<79x128xf32, #tpu.memory_space<vmem>>[vector<16xi32>, vector<16xi32>], vector<16xf32>,
      %gather3A_730 = tpu.vector_load_idx %arg24[%shift_right_logical3A_719, %and3A_722] : memref<79x128xf32, #tpu.memory_space<vmem>>[vector<16xi32>, vector<16xi32>], vector<16xf32>,
      %broadcast_in_dim3A_731 = arith.constant 0.000000e+00 : f32
      %broadcast_in_dim3A_732 = vector.broadcast %broadcast_in_dim3A_731 : f32 to vector<16xf32>
      %scan3A_733 = arith.constant 0 : i32
      %scan3A_734 = arith.constant 128 : i32
      %scan3A_735 = arith.addi %scan3A_733, %scan3A_734 : i32
      %scan3A_736 = arith.constant 8 : i32
      %scan3A_737 = scf.for %scan3A_859 = %scan3A_733 to %scan3A_735 step %scan3A_736 iter_args(%scan3A_860 = %broadcast_in_dim3A_732) -> (vector<16xf32>)  : i32 {
        %broadcast_in_dim3A_861 = arith.constant 0 : i32
        %broadcast_in_dim3A_862 = vector.broadcast %broadcast_in_dim3A_861 : i32 to vector<16xi32>
        %add3A_863 = vector.broadcast %scan3A_859 : i32 to vector<16xi32>
        %add3A_864 = arith.addi %broadcast_in_dim3A_862, %add3A_863 : vector<16xi32>
        %gather3A_865 = tpu.vector_load_idx %arg28[%add3A_702, %add3A_864] : memref<80x128xf32, #tpu.memory_space<vmem>>[vector<16xi32>, vector<16xi32>], vector<16xf32>,
        %gather3A_866 = tpu.vector_load_idx %arg29[%add3A_702, %add3A_864] : memref<80x128xf32, #tpu.memory_space<vmem>>[vector<16xi32>, vector<16xi32>], vector<16xf32>,
        %mul3A_867 = arith.mulf %gather3A_865, %gather3A_866 : vector<16xf32>
        %add3A_868 = arith.addf %scan3A_860, %mul3A_867 : vector<16xf32>
        %scan3A_869 = arith.constant 1 : i32
        %scan3A_870 = arith.addi %scan3A_859, %scan3A_869 : i32
        %broadcast_in_dim3A_871 = arith.constant 0 : i32
        %broadcast_in_dim3A_872 = vector.broadcast %broadcast_in_dim3A_871 : i32 to vector<16xi32>
        %add3A_873 = vector.broadcast %scan3A_870 : i32 to vector<16xi32>
        %add3A_874 = arith.addi %broadcast_in_dim3A_872, %add3A_873 : vector<16xi32>
        %gather3A_875 = tpu.vector_load_idx %arg28[%add3A_702, %add3A_874] : memref<80x128xf32, #tpu.memory_space<vmem>>[vector<16xi32>, vector<16xi32>], vector<16xf32>,
        %gather3A_876 = tpu.vector_load_idx %arg29[%add3A_702, %add3A_874] : memref<80x128xf32, #tpu.memory_space<vmem>>[vector<16xi32>, vector<16xi32>], vector<16xf32>,
        %mul3A_877 = arith.mulf %gather3A_875, %gather3A_876 : vector<16xf32>
        %add3A_878 = arith.addf %add3A_868, %mul3A_877 : vector<16xf32>
        %scan3A_879 = arith.constant 2 : i32
        %scan3A_880 = arith.addi %scan3A_859, %scan3A_879 : i32
        %broadcast_in_dim3A_881 = arith.constant 0 : i32
        %broadcast_in_dim3A_882 = vector.broadcast %broadcast_in_dim3A_881 : i32 to vector<16xi32>
        %add3A_883 = vector.broadcast %scan3A_880 : i32 to vector<16xi32>
        %add3A_884 = arith.addi %broadcast_in_dim3A_882, %add3A_883 : vector<16xi32>
        %gather3A_885 = tpu.vector_load_idx %arg28[%add3A_702, %add3A_884] : memref<80x128xf32, #tpu.memory_space<vmem>>[vector<16xi32>, vector<16xi32>], vector<16xf32>,
        %gather3A_886 = tpu.vector_load_idx %arg29[%add3A_702, %add3A_884] : memref<80x128xf32, #tpu.memory_space<vmem>>[vector<16xi32>, vector<16xi32>], vector<16xf32>,
        %mul3A_887 = arith.mulf %gather3A_885, %gather3A_886 : vector<16xf32>
        %add3A_888 = arith.addf %add3A_878, %mul3A_887 : vector<16xf32>
        %scan3A_889 = arith.constant 3 : i32
        %scan3A_890 = arith.addi %scan3A_859, %scan3A_889 : i32
        %broadcast_in_dim3A_891 = arith.constant 0 : i32
        %broadcast_in_dim3A_892 = vector.broadcast %broadcast_in_dim3A_891 : i32 to vector<16xi32>
        %add3A_893 = vector.broadcast %scan3A_890 : i32 to vector<16xi32>
        %add3A_894 = arith.addi %broadcast_in_dim3A_892, %add3A_893 : vector<16xi32>
        %gather3A_895 = tpu.vector_load_idx %arg28[%add3A_702, %add3A_894] : memref<80x128xf32, #tpu.memory_space<vmem>>[vector<16xi32>, vector<16xi32>], vector<16xf32>,
        %gather3A_896 = tpu.vector_load_idx %arg29[%add3A_702, %add3A_894] : memref<80x128xf32, #tpu.memory_space<vmem>>[vector<16xi32>, vector<16xi32>], vector<16xf32>,
        %mul3A_897 = arith.mulf %gather3A_895, %gather3A_896 : vector<16xf32>
        %add3A_898 = arith.addf %add3A_888, %mul3A_897 : vector<16xf32>
        %scan3A_899 = arith.constant 4 : i32
        %scan3A_900 = arith.addi %scan3A_859, %scan3A_899 : i32
        %broadcast_in_dim3A_901 = arith.constant 0 : i32
        %broadcast_in_dim3A_902 = vector.broadcast %broadcast_in_dim3A_901 : i32 to vector<16xi32>
        %add3A_903 = vector.broadcast %scan3A_900 : i32 to vector<16xi32>
        %add3A_904 = arith.addi %broadcast_in_dim3A_902, %add3A_903 : vector<16xi32>
        %gather3A_905 = tpu.vector_load_idx %arg28[%add3A_702, %add3A_904] : memref<80x128xf32, #tpu.memory_space<vmem>>[vector<16xi32>, vector<16xi32>], vector<16xf32>,
        %gather3A_906 = tpu.vector_load_idx %arg29[%add3A_702, %add3A_904] : memref<80x128xf32, #tpu.memory_space<vmem>>[vector<16xi32>, vector<16xi32>], vector<16xf32>,
        %mul3A_907 = arith.mulf %gather3A_905, %gather3A_906 : vector<16xf32>
        %add3A_908 = arith.addf %add3A_898, %mul3A_907 : vector<16xf32>
        %scan3A_909 = arith.constant 5 : i32
        %scan3A_910 = arith.addi %scan3A_859, %scan3A_909 : i32
        %broadcast_in_dim3A_911 = arith.constant 0 : i32
        %broadcast_in_dim3A_912 = vector.broadcast %broadcast_in_dim3A_911 : i32 to vector<16xi32>
        %add3A_913 = vector.broadcast %scan3A_910 : i32 to vector<16xi32>
        %add3A_914 = arith.addi %broadcast_in_dim3A_912, %add3A_913 : vector<16xi32>
        %gather3A_915 = tpu.vector_load_idx %arg28[%add3A_702, %add3A_914] : memref<80x128xf32, #tpu.memory_space<vmem>>[vector<16xi32>, vector<16xi32>], vector<16xf32>,
        %gather3A_916 = tpu.vector_load_idx %arg29[%add3A_702, %add3A_914] : memref<80x128xf32, #tpu.memory_space<vmem>>[vector<16xi32>, vector<16xi32>], vector<16xf32>,
        %mul3A_917 = arith.mulf %gather3A_915, %gather3A_916 : vector<16xf32>
        %add3A_918 = arith.addf %add3A_908, %mul3A_917 : vector<16xf32>
        %scan3A_919 = arith.constant 6 : i32
        %scan3A_920 = arith.addi %scan3A_859, %scan3A_919 : i32
        %broadcast_in_dim3A_921 = arith.constant 0 : i32
        %broadcast_in_dim3A_922 = vector.broadcast %broadcast_in_dim3A_921 : i32 to vector<16xi32>
        %add3A_923 = vector.broadcast %scan3A_920 : i32 to vector<16xi32>
        %add3A_924 = arith.addi %broadcast_in_dim3A_922, %add3A_923 : vector<16xi32>
        %gather3A_925 = tpu.vector_load_idx %arg28[%add3A_702, %add3A_924] : memref<80x128xf32, #tpu.memory_space<vmem>>[vector<16xi32>, vector<16xi32>], vector<16xf32>,
        %gather3A_926 = tpu.vector_load_idx %arg29[%add3A_702, %add3A_924] : memref<80x128xf32, #tpu.memory_space<vmem>>[vector<16xi32>, vector<16xi32>], vector<16xf32>,
        %mul3A_927 = arith.mulf %gather3A_925, %gather3A_926 : vector<16xf32>
        %add3A_928 = arith.addf %add3A_918, %mul3A_927 : vector<16xf32>
        %scan3A_929 = arith.constant 7 : i32
        %scan3A_930 = arith.addi %scan3A_859, %scan3A_929 : i32
        %broadcast_in_dim3A_931 = arith.constant 0 : i32
        %broadcast_in_dim3A_932 = vector.broadcast %broadcast_in_dim3A_931 : i32 to vector<16xi32>
        %add3A_933 = vector.broadcast %scan3A_930 : i32 to vector<16xi32>
        %add3A_934 = arith.addi %broadcast_in_dim3A_932, %add3A_933 : vector<16xi32>
        %gather3A_935 = tpu.vector_load_idx %arg28[%add3A_702, %add3A_934] : memref<80x128xf32, #tpu.memory_space<vmem>>[vector<16xi32>, vector<16xi32>], vector<16xf32>,
        %gather3A_936 = tpu.vector_load_idx %arg29[%add3A_702, %add3A_934] : memref<80x128xf32, #tpu.memory_space<vmem>>[vector<16xi32>, vector<16xi32>], vector<16xf32>,
        %mul3A_937 = arith.mulf %gather3A_935, %gather3A_936 : vector<16xf32>
        %add3A_938 = arith.addf %add3A_928, %mul3A_937 : vector<16xf32>
        scf.yield %add3A_938 : vector<16xf32>
      }
      %scan3A_738 = arith.constant 128 : i32
      %mul3A_739 = arith.constant 2.000000e+00 : f32
      %mul3A_740 = vector.broadcast %mul3A_739 : f32 to vector<16xf32>
      %mul3A_741 = arith.mulf %mul3A_740, %scan3A_737 : vector<16xf32>
      %sub3A_742 = arith.constant 1.000000e+00 : f32
      %sub3A_743 = vector.broadcast %sub3A_742 : f32 to vector<16xf32>
      %sub3A_744 = arith.subf %sub3A_743, %mul3A_741 : vector<16xf32>
      %add3A_745 = arith.addf %sub3A_744, %gather3A_730 : vector<16xf32>
      %sub3A_746 = arith.constant 1.000000e+00 : f32
      %sub3A_747 = vector.broadcast %sub3A_746 : f32 to vector<16xf32>
      %sub3A_748 = arith.subf %sub3A_747, %gather3A_729 : vector<16xf32>
      %mul3A_749 = arith.constant 2.000000e+00 : f32
      %mul3A_750 = vector.broadcast %mul3A_749 : f32 to vector<16xf32>
      %mul3A_751 = arith.mulf %mul3A_750, %scan3A_737 : vector<16xf32>
      %sub3A_752 = arith.constant 1.000000e+00 : f32
      %sub3A_753 = vector.broadcast %sub3A_752 : f32 to vector<16xf32>
      %sub3A_754 = arith.subf %sub3A_753, %mul3A_751 : vector<16xf32>
      %mul3A_755 = arith.mulf %gather3A_729, %gather3A_730 : vector<16xf32>
      %add3A_756 = arith.addf %sub3A_754, %mul3A_755 : vector<16xf32>
      %max3A_757 = arith.constant 1.000000e-10 : f32
      %max3A_758 = vector.broadcast %max3A_757 : f32 to vector<16xf32>
      %max3A_759 = arith.maximumf %add3A_756, %max3A_758 : vector<16xf32>
      %mul3A_760 = arith.mulf %add3A_745, %add3A_745 : vector<16xf32>
      %mul3A_761 = arith.mulf %mul3A_760, %gather3A_729 : vector<16xf32>
      %mul3A_762 = arith.mulf %sub3A_748, %sub3A_748 : vector<16xf32>
      %mul3A_763 = arith.mulf %mul3A_762, %gather3A_730 : vector<16xf32>
      %add3A_764 = arith.addf %mul3A_761, %mul3A_763 : vector<16xf32>
      %mul3A_765 = arith.constant 2.000000e+00 : f32
      %mul3A_766 = vector.broadcast %mul3A_765 : f32 to vector<16xf32>
      %mul3A_767 = arith.mulf %mul3A_766, %add3A_745 : vector<16xf32>
      %mul3A_768 = arith.mulf %mul3A_767, %sub3A_748 : vector<16xf32>
      %mul3A_769 = arith.mulf %mul3A_768, %scan3A_737 : vector<16xf32>
      %sub3A_770 = arith.subf %add3A_764, %mul3A_769 : vector<16xf32>
      %max3A_771 = arith.constant 0.000000e+00 : f32
      %max3A_772 = vector.broadcast %max3A_771 : f32 to vector<16xf32>
      %max3A_773 = arith.maximumf %sub3A_770, %max3A_772 : vector<16xf32>
      %max3A_774 = arith.constant 1.000000e-30 : f32
      %max3A_775 = vector.broadcast %max3A_774 : f32 to vector<16xf32>
      %max3A_776 = arith.maximumf %max3A_773, %max3A_775 : vector<16xf32>
      %bitcast_convert_type3A_777 = tpu.bitcast %max3A_776 : vector<16xf32> -> vector<16xi32>
      %shift_right_arithmetic3A_778 = arith.constant 1 : i32
      %shift_right_arithmetic3A_779 = vector.broadcast %shift_right_arithmetic3A_778 : i32 to vector<16xi32>
      %shift_right_arithmetic3A_780 = arith.shrsi %bitcast_convert_type3A_777, %shift_right_arithmetic3A_779 : vector<16xi32>
      %sub3A_781 = arith.constant 1597463007 : i32
      %sub3A_782 = vector.broadcast %sub3A_781 : i32 to vector<16xi32>
      %sub3A_783 = arith.subi %sub3A_782, %shift_right_arithmetic3A_780 : vector<16xi32>
      %bitcast_convert_type3A_784 = tpu.bitcast %sub3A_783 : vector<16xi32> -> vector<16xf32>
      %mul3A_785 = arith.constant 5.000000e-01 : f32
      %mul3A_786 = vector.broadcast %mul3A_785 : f32 to vector<16xf32>
      %mul3A_787 = arith.mulf %mul3A_786, %max3A_776 : vector<16xf32>
      %mul3A_788 = arith.mulf %mul3A_787, %bitcast_convert_type3A_784 : vector<16xf32>
      %mul3A_789 = arith.mulf %mul3A_788, %bitcast_convert_type3A_784 : vector<16xf32>
      %sub3A_790 = arith.constant 1.500000e+00 : f32
      %sub3A_791 = vector.broadcast %sub3A_790 : f32 to vector<16xf32>
      %sub3A_792 = arith.subf %sub3A_791, %mul3A_789 : vector<16xf32>
      %mul3A_793 = arith.mulf %bitcast_convert_type3A_784, %sub3A_792 : vector<16xf32>
      %mul3A_794 = arith.constant 5.000000e-01 : f32
      %mul3A_795 = vector.broadcast %mul3A_794 : f32 to vector<16xf32>
      %mul3A_796 = arith.mulf %mul3A_795, %max3A_776 : vector<16xf32>
      %mul3A_797 = arith.mulf %mul3A_796, %mul3A_793 : vector<16xf32>
      %mul3A_798 = arith.mulf %mul3A_797, %mul3A_793 : vector<16xf32>
      %sub3A_799 = arith.constant 1.500000e+00 : f32
      %sub3A_800 = vector.broadcast %sub3A_799 : f32 to vector<16xf32>
      %sub3A_801 = arith.subf %sub3A_800, %mul3A_798 : vector<16xf32>
      %mul3A_802 = arith.mulf %mul3A_793, %sub3A_801 : vector<16xf32>
      %mul3A_803 = arith.constant 5.000000e-01 : f32
      %mul3A_804 = vector.broadcast %mul3A_803 : f32 to vector<16xf32>
      %mul3A_805 = arith.mulf %mul3A_804, %max3A_776 : vector<16xf32>
      %mul3A_806 = arith.mulf %mul3A_805, %mul3A_802 : vector<16xf32>
      %mul3A_807 = arith.mulf %mul3A_806, %mul3A_802 : vector<16xf32>
      %sub3A_808 = arith.constant 1.500000e+00 : f32
      %sub3A_809 = vector.broadcast %sub3A_808 : f32 to vector<16xf32>
      %sub3A_810 = arith.subf %sub3A_809, %mul3A_807 : vector<16xf32>
      %mul3A_811 = arith.mulf %mul3A_802, %sub3A_810 : vector<16xf32>
      %mul3A_812 = arith.mulf %max3A_776, %mul3A_811 : vector<16xf32>
      %div3A_813 = arith.divf %mul3A_812, %max3A_759 : vector<16xf32>
      %min3A_814 = arith.constant 0.99999988 : f32
      %min3A_815 = vector.broadcast %min3A_814 : f32 to vector<16xf32>
      %min3A_816 = arith.minimumf %div3A_813, %min3A_815 : vector<16xf32>
      %sub3A_817 = arith.constant 1.000000e+00 : f32
      %sub3A_818 = vector.broadcast %sub3A_817 : f32 to vector<16xf32>
      %sub3A_819 = arith.subf %sub3A_818, %min3A_816 : vector<16xf32>
      %add3A_820 = arith.constant 1.000000e+00 : f32
      %add3A_821 = vector.broadcast %add3A_820 : f32 to vector<16xf32>
      %add3A_822 = arith.addf %add3A_821, %min3A_816 : vector<16xf32>
      %div3A_823 = arith.divf %sub3A_819, %add3A_822 : vector<16xf32>
      %mul3A_824 = arith.constant 2.000000e-01 : f32
      %mul3A_825 = vector.broadcast %mul3A_824 : f32 to vector<16xf32>
      %mul3A_826 = arith.mulf %mul3A_825, %add3A_725 : vector<16xf32>
      %max3A_827 = arith.maximumf %add3A_725, %mul3A_826 : vector<16xf32>
      %sub3A_828 = arith.subf %max3A_827, %get3A_30 : vector<16xf32>
      %exp3A_829 = math.exp %sub3A_828 : vector<16xf32>
      %mul3A_830 = arith.mulf %exp3A_829, %div3A_823 : vector<16xf32>
      %mul3A_831 = arith.constant 2.000000e-01 : f32
      %mul3A_832 = vector.broadcast %mul3A_831 : f32 to vector<16xf32>
      %mul3A_833 = arith.mulf %mul3A_832, %add3A_728 : vector<16xf32>
      %max3A_834 = arith.maximumf %add3A_728, %mul3A_833 : vector<16xf32>
      %sub3A_835 = arith.subf %max3A_834, %get3A_34 : vector<16xf32>
      %exp3A_836 = math.exp %sub3A_835 : vector<16xf32>
      %swap3A_837 = arith.constant 0 : i32
      %swap3A_838 = arith.index_cast %swap3A_837 : i32 to index
      %swap3A_839 = arith.constant 64 : index
      %swap3A_840 = tpu.vector_load %arg31[%swap3A_838, %swap3A_839] {strides = array<i32>} : memref<1x80xf32, #tpu.memory_space<vmem>>, vector<16xf32>,
      tpu.vector_store %arg31[%swap3A_838, %swap3A_839], %mul3A_830 {strides = array<i32>} : memref<1x80xf32, #tpu.memory_space<vmem>>, vector<16xf32>,
      %swap3A_841 = arith.constant 0 : i32
      %swap3A_842 = arith.index_cast %swap3A_841 : i32 to index
      %swap3A_843 = arith.constant 64 : index
      %swap3A_844 = tpu.vector_load %arg32[%swap3A_842, %swap3A_843] {strides = array<i32>} : memref<1x80xf32, #tpu.memory_space<vmem>>, vector<16xf32>,
      tpu.vector_store %arg32[%swap3A_842, %swap3A_843], %exp3A_836 {strides = array<i32>} : memref<1x80xf32, #tpu.memory_space<vmem>>, vector<16xf32>,
      %scan3A_845 = arith.constant 0 : i32
      %scan3A_846 = arith.constant 0 : i32
      %scan3A_847 = arith.constant 64 : i32
      %scan3A_848 = arith.addi %scan3A_846, %scan3A_847 : i32
      %scan3A_849 = arith.constant 8 : i32
      %scan3A_850 = scf.for %scan3A_859 = %scan3A_846 to %scan3A_848 step %scan3A_849 iter_args(%scan3A_860 = %scan3A_845) -> (i32)  : i32 {
        %broadcast_in_dim3A_861 = arith.constant 0 : i32
        %broadcast_in_dim3A_862 = vector.broadcast %broadcast_in_dim3A_861 : i32 to vector<16xi32>
        %add3A_863 = vector.broadcast %scan3A_859 : i32 to vector<16xi32>
        %add3A_864 = arith.addi %broadcast_in_dim3A_862, %add3A_863 : vector<16xi32>
        %gather3A_865 = tpu.vector_load_idx %arg30[%add3A_702, %add3A_864] : memref<80x64xf32, #tpu.memory_space<vmem>>[vector<16xi32>, vector<16xi32>], vector<16xf32>,
        %mul3A_866 = arith.mulf %gather3A_865, %exp3A_836 : vector<16xf32>
        tpu.vector_store_idx %arg30[%add3A_702, %add3A_864], %mul3A_866 : memref<80x64xf32, #tpu.memory_space<vmem>>[vector<16xi32>, vector<16xi32>], vector<16xf32>,
        %scan3A_867 = arith.constant 0 : i32
        %scan3A_868 = arith.constant 1 : i32
        %scan3A_869 = arith.addi %scan3A_859, %scan3A_868 : i32
        %broadcast_in_dim3A_870 = arith.constant 0 : i32
        %broadcast_in_dim3A_871 = vector.broadcast %broadcast_in_dim3A_870 : i32 to vector<16xi32>
        %add3A_872 = vector.broadcast %scan3A_869 : i32 to vector<16xi32>
        %add3A_873 = arith.addi %broadcast_in_dim3A_871, %add3A_872 : vector<16xi32>
        %gather3A_874 = tpu.vector_load_idx %arg30[%add3A_702, %add3A_873] : memref<80x64xf32, #tpu.memory_space<vmem>>[vector<16xi32>, vector<16xi32>], vector<16xf32>,
        %mul3A_875 = arith.mulf %gather3A_874, %exp3A_836 : vector<16xf32>
        tpu.vector_store_idx %arg30[%add3A_702, %add3A_873], %mul3A_875 : memref<80x64xf32, #tpu.memory_space<vmem>>[vector<16xi32>, vector<16xi32>], vector<16xf32>,
        %scan3A_876 = arith.constant 0 : i32
        %scan3A_877 = arith.constant 2 : i32
        %scan3A_878 = arith.addi %scan3A_859, %scan3A_877 : i32
        %broadcast_in_dim3A_879 = arith.constant 0 : i32
        %broadcast_in_dim3A_880 = vector.broadcast %broadcast_in_dim3A_879 : i32 to vector<16xi32>
        %add3A_881 = vector.broadcast %scan3A_878 : i32 to vector<16xi32>
        %add3A_882 = arith.addi %broadcast_in_dim3A_880, %add3A_881 : vector<16xi32>
        %gather3A_883 = tpu.vector_load_idx %arg30[%add3A_702, %add3A_882] : memref<80x64xf32, #tpu.memory_space<vmem>>[vector<16xi32>, vector<16xi32>], vector<16xf32>,
        %mul3A_884 = arith.mulf %gather3A_883, %exp3A_836 : vector<16xf32>
        tpu.vector_store_idx %arg30[%add3A_702, %add3A_882], %mul3A_884 : memref<80x64xf32, #tpu.memory_space<vmem>>[vector<16xi32>, vector<16xi32>], vector<16xf32>,
        %scan3A_885 = arith.constant 0 : i32
        %scan3A_886 = arith.constant 3 : i32
        %scan3A_887 = arith.addi %scan3A_859, %scan3A_886 : i32
        %broadcast_in_dim3A_888 = arith.constant 0 : i32
        %broadcast_in_dim3A_889 = vector.broadcast %broadcast_in_dim3A_888 : i32 to vector<16xi32>
        %add3A_890 = vector.broadcast %scan3A_887 : i32 to vector<16xi32>
        %add3A_891 = arith.addi %broadcast_in_dim3A_889, %add3A_890 : vector<16xi32>
        %gather3A_892 = tpu.vector_load_idx %arg30[%add3A_702, %add3A_891] : memref<80x64xf32, #tpu.memory_space<vmem>>[vector<16xi32>, vector<16xi32>], vector<16xf32>,
        %mul3A_893 = arith.mulf %gather3A_892, %exp3A_836 : vector<16xf32>
        tpu.vector_store_idx %arg30[%add3A_702, %add3A_891], %mul3A_893 : memref<80x64xf32, #tpu.memory_space<vmem>>[vector<16xi32>, vector<16xi32>], vector<16xf32>,
        %scan3A_894 = arith.constant 0 : i32
        %scan3A_895 = arith.constant 4 : i32
        %scan3A_896 = arith.addi %scan3A_859, %scan3A_895 : i32
        %broadcast_in_dim3A_897 = arith.constant 0 : i32
        %broadcast_in_dim3A_898 = vector.broadcast %broadcast_in_dim3A_897 : i32 to vector<16xi32>
        %add3A_899 = vector.broadcast %scan3A_896 : i32 to vector<16xi32>
        %add3A_900 = arith.addi %broadcast_in_dim3A_898, %add3A_899 : vector<16xi32>
        %gather3A_901 = tpu.vector_load_idx %arg30[%add3A_702, %add3A_900] : memref<80x64xf32, #tpu.memory_space<vmem>>[vector<16xi32>, vector<16xi32>], vector<16xf32>,
        %mul3A_902 = arith.mulf %gather3A_901, %exp3A_836 : vector<16xf32>
        tpu.vector_store_idx %arg30[%add3A_702, %add3A_900], %mul3A_902 : memref<80x64xf32, #tpu.memory_space<vmem>>[vector<16xi32>, vector<16xi32>], vector<16xf32>,
        %scan3A_903 = arith.constant 0 : i32
        %scan3A_904 = arith.constant 5 : i32
        %scan3A_905 = arith.addi %scan3A_859, %scan3A_904 : i32
        %broadcast_in_dim3A_906 = arith.constant 0 : i32
        %broadcast_in_dim3A_907 = vector.broadcast %broadcast_in_dim3A_906 : i32 to vector<16xi32>
        %add3A_908 = vector.broadcast %scan3A_905 : i32 to vector<16xi32>
        %add3A_909 = arith.addi %broadcast_in_dim3A_907, %add3A_908 : vector<16xi32>
        %gather3A_910 = tpu.vector_load_idx %arg30[%add3A_702, %add3A_909] : memref<80x64xf32, #tpu.memory_space<vmem>>[vector<16xi32>, vector<16xi32>], vector<16xf32>,
        %mul3A_911 = arith.mulf %gather3A_910, %exp3A_836 : vector<16xf32>
        tpu.vector_store_idx %arg30[%add3A_702, %add3A_909], %mul3A_911 : memref<80x64xf32, #tpu.memory_space<vmem>>[vector<16xi32>, vector<16xi32>], vector<16xf32>,
        %scan3A_912 = arith.constant 0 : i32
        %scan3A_913 = arith.constant 6 : i32
        %scan3A_914 = arith.addi %scan3A_859, %scan3A_913 : i32
        %broadcast_in_dim3A_915 = arith.constant 0 : i32
        %broadcast_in_dim3A_916 = vector.broadcast %broadcast_in_dim3A_915 : i32 to vector<16xi32>
        %add3A_917 = vector.broadcast %scan3A_914 : i32 to vector<16xi32>
        %add3A_918 = arith.addi %broadcast_in_dim3A_916, %add3A_917 : vector<16xi32>
        %gather3A_919 = tpu.vector_load_idx %arg30[%add3A_702, %add3A_918] : memref<80x64xf32, #tpu.memory_space<vmem>>[vector<16xi32>, vector<16xi32>], vector<16xf32>,
        %mul3A_920 = arith.mulf %gather3A_919, %exp3A_836 : vector<16xf32>
        tpu.vector_store_idx %arg30[%add3A_702, %add3A_918], %mul3A_920 : memref<80x64xf32, #tpu.memory_space<vmem>>[vector<16xi32>, vector<16xi32>], vector<16xf32>,
        %scan3A_921 = arith.constant 0 : i32
        %scan3A_922 = arith.constant 7 : i32
        %scan3A_923 = arith.addi %scan3A_859, %scan3A_922 : i32
        %broadcast_in_dim3A_924 = arith.constant 0 : i32
        %broadcast_in_dim3A_925 = vector.broadcast %broadcast_in_dim3A_924 : i32 to vector<16xi32>
        %add3A_926 = vector.broadcast %scan3A_923 : i32 to vector<16xi32>
        %add3A_927 = arith.addi %broadcast_in_dim3A_925, %add3A_926 : vector<16xi32>
        %gather3A_928 = tpu.vector_load_idx %arg30[%add3A_702, %add3A_927] : memref<80x64xf32, #tpu.memory_space<vmem>>[vector<16xi32>, vector<16xi32>], vector<16xf32>,
        %mul3A_929 = arith.mulf %gather3A_928, %exp3A_836 : vector<16xf32>
        tpu.vector_store_idx %arg30[%add3A_702, %add3A_927], %mul3A_929 : memref<80x64xf32, #tpu.memory_space<vmem>>[vector<16xi32>, vector<16xi32>], vector<16xf32>,
        %scan3A_930 = arith.constant 0 : i32
        scf.yield %scan3A_930 : i32
      }
      %scan3A_851 = arith.constant 64 : i32
      %run_scoped3A_852 = arith.constant 0 : i32
      %run_scoped3A_853 = arith.constant 0 : i32
      "tpu.region"() ({
        %run_scoped3A_859 = tpu.sem_alloc : memref<!tpu.dma_semaphore, #tpu.memory_space<semaphore_mem>>
        %dma_start3A = arith.constant 0 : i32
        %dma_start3A_860 = tpu.memref_slice %arg31[%run_scoped3A_852, %dma_start3A] : memref<1x80xf32, #tpu.memory_space<vmem>> -> memref<1x80xf32, #tpu.memory_space<vmem>>
        %dma_start3A_861 = tpu.memref_squeeze %dma_start3A_860 : memref<1x80xf32, #tpu.memory_space<vmem>> -> memref<80xf32, #tpu.memory_space<vmem>>
        %dma_start3A_862 = arith.constant 0 : i32
        %dma_start3A_863 = tpu.memref_slice %arg27[%run_scoped3A_853, %dma_start3A_862] : memref<1x80xi32, #tpu.memory_space<vmem>> -> memref<1x80xi32, #tpu.memory_space<vmem>>
        %dma_start3A_864 = tpu.memref_squeeze %dma_start3A_863 : memref<1x80xi32, #tpu.memory_space<vmem>> -> memref<80xi32, #tpu.memory_space<vmem>>
        %dma_start3A_865 = arith.constant 0 : i32
        %dma_start3A_866 = tpu.memref_slice %arg36[%dma_start3A_865] : memref<10240xf32, #tpu.memory_space<vmem_shared>> -> memref<10240xf32, #tpu.memory_space<vmem_shared>>
        tpu.enqueue_indirect_dma source(%dma_start3A_861 : memref<80xf32, #tpu.memory_space<vmem>>) target(%dma_start3A_866 : memref<10240xf32, #tpu.memory_space<vmem_shared>>) offsets(%dma_start3A_864 : memref<80xi32, #tpu.memory_space<vmem>>) semaphore(%run_scoped3A_859 : memref<!tpu.dma_semaphore, #tpu.memory_space<semaphore_mem>>) {add = true}
        %dma_wait3A = arith.constant 0 : i32
        %dma_wait3A_867 = tpu.memref_slice %arg31[%run_scoped3A_852, %dma_wait3A] : memref<1x80xf32, #tpu.memory_space<vmem>> -> memref<1x80xf32, #tpu.memory_space<vmem>>
        %dma_wait3A_868 = tpu.memref_squeeze %dma_wait3A_867 : memref<1x80xf32, #tpu.memory_space<vmem>> -> memref<80xf32, #tpu.memory_space<vmem>>
        %dma_wait3A_869 = arith.constant 0 : i32
        %dma_wait3A_870 = tpu.memref_slice %arg27[%run_scoped3A_853, %dma_wait3A_869] : memref<1x80xi32, #tpu.memory_space<vmem>> -> memref<1x80xi32, #tpu.memory_space<vmem>>
        %dma_wait3A_871 = tpu.memref_squeeze %dma_wait3A_870 : memref<1x80xi32, #tpu.memory_space<vmem>> -> memref<80xi32, #tpu.memory_space<vmem>>
        %dma_wait3A_872 = arith.constant 0 : i32
        %dma_wait3A_873 = tpu.memref_slice %arg36[%dma_wait3A_872] : memref<10240xf32, #tpu.memory_space<vmem_shared>> -> memref<10240xf32, #tpu.memory_space<vmem_shared>>
        tpu.wait_indirect_dma semaphore(%run_scoped3A_859 : memref<!tpu.dma_semaphore, #tpu.memory_space<semaphore_mem>>) src(%dma_wait3A_868 : memref<80xf32, #tpu.memory_space<vmem>>) dst(%dma_wait3A_873 : memref<10240xf32, #tpu.memory_space<vmem_shared>>)
        tpu.yield
      }) : () -> ()
      %run_scoped3A_854 = arith.constant 0 : i32
      %run_scoped3A_855 = arith.constant 0 : i32
      "tpu.region"() ({
        %run_scoped3A_859 = tpu.sem_alloc : memref<!tpu.dma_semaphore, #tpu.memory_space<semaphore_mem>>
        %dma_start3A = arith.constant 0 : i32
        %dma_start3A_860 = tpu.memref_slice %arg32[%run_scoped3A_854, %dma_start3A] : memref<1x80xf32, #tpu.memory_space<vmem>> -> memref<1x80xf32, #tpu.memory_space<vmem>>
        %dma_start3A_861 = tpu.memref_squeeze %dma_start3A_860 : memref<1x80xf32, #tpu.memory_space<vmem>> -> memref<80xf32, #tpu.memory_space<vmem>>
        %dma_start3A_862 = arith.constant 0 : i32
        %dma_start3A_863 = tpu.memref_slice %arg27[%run_scoped3A_855, %dma_start3A_862] : memref<1x80xi32, #tpu.memory_space<vmem>> -> memref<1x80xi32, #tpu.memory_space<vmem>>
        %dma_start3A_864 = tpu.memref_squeeze %dma_start3A_863 : memref<1x80xi32, #tpu.memory_space<vmem>> -> memref<80xi32, #tpu.memory_space<vmem>>
        %dma_start3A_865 = arith.constant 0 : i32
        %dma_start3A_866 = tpu.memref_slice %arg37[%dma_start3A_865] : memref<10240xf32, #tpu.memory_space<vmem_shared>> -> memref<10240xf32, #tpu.memory_space<vmem_shared>>
        tpu.enqueue_indirect_dma source(%dma_start3A_861 : memref<80xf32, #tpu.memory_space<vmem>>) target(%dma_start3A_866 : memref<10240xf32, #tpu.memory_space<vmem_shared>>) offsets(%dma_start3A_864 : memref<80xi32, #tpu.memory_space<vmem>>) semaphore(%run_scoped3A_859 : memref<!tpu.dma_semaphore, #tpu.memory_space<semaphore_mem>>) {add = true}
        %dma_wait3A = arith.constant 0 : i32
        %dma_wait3A_867 = tpu.memref_slice %arg32[%run_scoped3A_854, %dma_wait3A] : memref<1x80xf32, #tpu.memory_space<vmem>> -> memref<1x80xf32, #tpu.memory_space<vmem>>
        %dma_wait3A_868 = tpu.memref_squeeze %dma_wait3A_867 : memref<1x80xf32, #tpu.memory_space<vmem>> -> memref<80xf32, #tpu.memory_space<vmem>>
        %dma_wait3A_869 = arith.constant 0 : i32
        %dma_wait3A_870 = tpu.memref_slice %arg27[%run_scoped3A_855, %dma_wait3A_869] : memref<1x80xi32, #tpu.memory_space<vmem>> -> memref<1x80xi32, #tpu.memory_space<vmem>>
        %dma_wait3A_871 = tpu.memref_squeeze %dma_wait3A_870 : memref<1x80xi32, #tpu.memory_space<vmem>> -> memref<80xi32, #tpu.memory_space<vmem>>
        %dma_wait3A_872 = arith.constant 0 : i32
        %dma_wait3A_873 = tpu.memref_slice %arg37[%dma_wait3A_872] : memref<10240xf32, #tpu.memory_space<vmem_shared>> -> memref<10240xf32, #tpu.memory_space<vmem_shared>>
        tpu.wait_indirect_dma semaphore(%run_scoped3A_859 : memref<!tpu.dma_semaphore, #tpu.memory_space<semaphore_mem>>) src(%dma_wait3A_868 : memref<80xf32, #tpu.memory_space<vmem>>) dst(%dma_wait3A_873 : memref<10240xf32, #tpu.memory_space<vmem_shared>>)
        tpu.yield
      }) : () -> ()
      %run_scoped3A_856 = arith.constant 0 : i32
      "tpu.region"() ({
        %run_scoped3A_859 = tpu.sem_alloc : memref<!tpu.dma_semaphore, #tpu.memory_space<semaphore_mem>>
        %dma_start3A = arith.constant 0 : i32
        %dma_start3A_860 = tpu.memref_slice %arg27[%run_scoped3A_856, %dma_start3A] : memref<1x80xi32, #tpu.memory_space<vmem>> -> memref<1x80xi32, #tpu.memory_space<vmem>>
        %dma_start3A_861 = tpu.memref_squeeze %dma_start3A_860 : memref<1x80xi32, #tpu.memory_space<vmem>> -> memref<80xi32, #tpu.memory_space<vmem>>
        %dma_start3A_862 = arith.constant 0 : i32
        %dma_start3A_863 = arith.constant 0 : i32
        %dma_start3A_864 = tpu.memref_slice %arg35[%dma_start3A_862, %dma_start3A_863] : memref<10000x64xf32, #tpu.memory_space<vmem_shared>> -> memref<10000x64xf32, #tpu.memory_space<vmem_shared>>
        tpu.enqueue_indirect_dma source(%arg30 : memref<80x64xf32, #tpu.memory_space<vmem>>) target(%dma_start3A_864 : memref<10000x64xf32, #tpu.memory_space<vmem_shared>>) offsets(%dma_start3A_861 : memref<80xi32, #tpu.memory_space<vmem>>) semaphore(%run_scoped3A_859 : memref<!tpu.dma_semaphore, #tpu.memory_space<semaphore_mem>>) {add = true}
        %dma_wait3A = arith.constant 0 : i32
        %dma_wait3A_865 = tpu.memref_slice %arg27[%run_scoped3A_856, %dma_wait3A] : memref<1x80xi32, #tpu.memory_space<vmem>> -> memref<1x80xi32, #tpu.memory_space<vmem>>
        %dma_wait3A_866 = tpu.memref_squeeze %dma_wait3A_865 : memref<1x80xi32, #tpu.memory_space<vmem>> -> memref<80xi32, #tpu.memory_space<vmem>>
        %dma_wait3A_867 = arith.constant 0 : i32
        %dma_wait3A_868 = arith.constant 0 : i32
        %dma_wait3A_869 = tpu.memref_slice %arg35[%dma_wait3A_867, %dma_wait3A_868] : memref<10000x64xf32, #tpu.memory_space<vmem_shared>> -> memref<10000x64xf32, #tpu.memory_space<vmem_shared>>
        tpu.wait_indirect_dma semaphore(%run_scoped3A_859 : memref<!tpu.dma_semaphore, #tpu.memory_space<semaphore_mem>>) src(%arg30 : memref<80x64xf32, #tpu.memory_space<vmem>>) dst(%dma_wait3A_869 : memref<10000x64xf32, #tpu.memory_space<vmem_shared>>)
        tpu.yield
      }) : () -> ()
      %run_scoped3A_857 = arith.constant 0 : i32
      "tpu.region"() ({
        %run_scoped3A_859 = tpu.sem_alloc : memref<!tpu.dma_semaphore, #tpu.memory_space<semaphore_mem>>
        %dma_start3A = arith.constant 0 : i32
        %dma_start3A_860 = tpu.memref_slice %arg31[%run_scoped3A_857, %dma_start3A] : memref<1x80xf32, #tpu.memory_space<vmem>> -> memref<1x80xf32, #tpu.memory_space<vmem>>
        %dma_start3A_861 = tpu.memref_squeeze %dma_start3A_860 : memref<1x80xf32, #tpu.memory_space<vmem>> -> memref<80xf32, #tpu.memory_space<vmem>>
        %dma_start3A_862 = tpu.memref_slice %arg19[%add3A_94] : memref<320000xf32, #tpu.memory_space<hbm>> -> memref<80xf32, #tpu.memory_space<hbm>>
        %dma_start3A_863 = tpu.memref_slice %arg19[%add3A_94] : memref<320000xf32, #tpu.memory_space<hbm>> -> memref<80xf32, #tpu.memory_space<hbm>>
        %dma_start3A_864 = arith.constant 0 : i32
        %dma_start3A_865 = tpu.memref_slice %arg31[%run_scoped3A_857, %dma_start3A_864] : memref<1x80xf32, #tpu.memory_space<vmem>> -> memref<1x80xf32, #tpu.memory_space<vmem>>
        %dma_start3A_866 = tpu.memref_squeeze %dma_start3A_865 : memref<1x80xf32, #tpu.memory_space<vmem>> -> memref<80xf32, #tpu.memory_space<vmem>>
        tpu.enqueue_dma source(%dma_start3A_866 : memref<80xf32, #tpu.memory_space<vmem>>) target(%dma_start3A_863 : memref<80xf32, #tpu.memory_space<hbm>>) target_semaphore(%run_scoped3A_859 : memref<!tpu.dma_semaphore, #tpu.memory_space<semaphore_mem>>)
        %dma_wait3A = arith.constant 0 : i32
        %dma_wait3A_867 = tpu.memref_slice %arg31[%run_scoped3A_857, %dma_wait3A] : memref<1x80xf32, #tpu.memory_space<vmem>> -> memref<1x80xf32, #tpu.memory_space<vmem>>
        %dma_wait3A_868 = tpu.memref_squeeze %dma_wait3A_867 : memref<1x80xf32, #tpu.memory_space<vmem>> -> memref<80xf32, #tpu.memory_space<vmem>>
        %dma_wait3A_869 = tpu.memref_slice %arg19[%add3A_94] : memref<320000xf32, #tpu.memory_space<hbm>> -> memref<80xf32, #tpu.memory_space<hbm>>
        %dma_wait3A_870 = tpu.memref_slice %arg19[%add3A_94] : memref<320000xf32, #tpu.memory_space<hbm>> -> memref<80xf32, #tpu.memory_space<hbm>>
        %dma_wait3A_871 = arith.constant 0 : i32
        %dma_wait3A_872 = tpu.memref_slice %arg31[%run_scoped3A_857, %dma_wait3A_871] : memref<1x80xf32, #tpu.memory_space<vmem>> -> memref<1x80xf32, #tpu.memory_space<vmem>>
        %dma_wait3A_873 = tpu.memref_squeeze %dma_wait3A_872 : memref<1x80xf32, #tpu.memory_space<vmem>> -> memref<80xf32, #tpu.memory_space<vmem>>
        tpu.wait_dma2 semaphore(%run_scoped3A_859 : memref<!tpu.dma_semaphore, #tpu.memory_space<semaphore_mem>>) src(%dma_wait3A_873 : memref<80xf32, #tpu.memory_space<vmem>>) dst(%dma_wait3A_870 : memref<80xf32, #tpu.memory_space<hbm>>)
        tpu.yield
      }) : () -> ()
      %scan3A_858 = arith.constant 0 : i32
      scf.yield %scan3A_858 : i32
    }
    %scan3A_41 = arith.constant 125 : i32
    %barrier3A_42 = arith.constant 0 : index
    tpu.barrier barrier_id(%barrier3A_42)
    %eq3A = arith.constant 0 : i32
    %eq3A_43 = arith.cmpi eq, %arg1, %eq3A : i32
    %convert_element_type3A = arith.extui %eq3A_43 : i1 to i32
    %cond3A = arith.constant 0 : i32
    %cond3A_44 = arith.cmpi ne, %convert_element_type3A, %cond3A : i32
    scf.if %cond3A_44 {
      "tpu.region"() ({
        %run_scoped3A = tpu.sem_alloc : memref<!tpu.dma_semaphore, #tpu.memory_space<semaphore_mem>>
        %dma_start3A = arith.constant 0 : i32
        %dma_start3A_90 = arith.constant 0 : i32
        %dma_start3A_91 = tpu.memref_slice %arg14[%arg0, %dma_start3A, %dma_start3A_90] : memref<2x10000x64xf32, #tpu.memory_space<hbm>> -> memref<1x10000x64xf32, #tpu.memory_space<hbm>>
        %dma_start3A_92 = tpu.memref_squeeze %dma_start3A_91 : memref<1x10000x64xf32, #tpu.memory_space<hbm>> -> memref<10000x64xf32, #tpu.memory_space<hbm>>
        tpu.enqueue_dma source(%arg35 : memref<10000x64xf32, #tpu.memory_space<vmem_shared>>) target(%dma_start3A_92 : memref<10000x64xf32, #tpu.memory_space<hbm>>) target_semaphore(%run_scoped3A : memref<!tpu.dma_semaphore, #tpu.memory_space<semaphore_mem>>)
        %dma_wait3A = arith.constant 0 : i32
        %dma_wait3A_93 = arith.constant 0 : i32
        %dma_wait3A_94 = tpu.memref_slice %arg14[%arg0, %dma_wait3A, %dma_wait3A_93] : memref<2x10000x64xf32, #tpu.memory_space<hbm>> -> memref<1x10000x64xf32, #tpu.memory_space<hbm>>
        %dma_wait3A_95 = tpu.memref_squeeze %dma_wait3A_94 : memref<1x10000x64xf32, #tpu.memory_space<hbm>> -> memref<10000x64xf32, #tpu.memory_space<hbm>>
        tpu.wait_dma2 semaphore(%run_scoped3A : memref<!tpu.dma_semaphore, #tpu.memory_space<semaphore_mem>>) src(%arg35 : memref<10000x64xf32, #tpu.memory_space<vmem_shared>>) dst(%dma_wait3A_95 : memref<10000x64xf32, #tpu.memory_space<hbm>>)
        tpu.yield
      }) : () -> ()
      "tpu.region"() ({
        %run_scoped3A = tpu.sem_alloc : memref<!tpu.dma_semaphore, #tpu.memory_space<semaphore_mem>>
        %dma_start3A = arith.constant 0 : i32
        %dma_start3A_90 = tpu.memref_slice %arg17[%arg0, %dma_start3A] : memref<2x10240xf32, #tpu.memory_space<hbm>> -> memref<1x10240xf32, #tpu.memory_space<hbm>>
        %dma_start3A_91 = tpu.memref_squeeze %dma_start3A_90 : memref<1x10240xf32, #tpu.memory_space<hbm>> -> memref<10240xf32, #tpu.memory_space<hbm>>
        tpu.enqueue_dma source(%arg36 : memref<10240xf32, #tpu.memory_space<vmem_shared>>) target(%dma_start3A_91 : memref<10240xf32, #tpu.memory_space<hbm>>) target_semaphore(%run_scoped3A : memref<!tpu.dma_semaphore, #tpu.memory_space<semaphore_mem>>)
        %dma_wait3A = arith.constant 0 : i32
        %dma_wait3A_92 = tpu.memref_slice %arg17[%arg0, %dma_wait3A] : memref<2x10240xf32, #tpu.memory_space<hbm>> -> memref<1x10240xf32, #tpu.memory_space<hbm>>
        %dma_wait3A_93 = tpu.memref_squeeze %dma_wait3A_92 : memref<1x10240xf32, #tpu.memory_space<hbm>> -> memref<10240xf32, #tpu.memory_space<hbm>>
        tpu.wait_dma2 semaphore(%run_scoped3A : memref<!tpu.dma_semaphore, #tpu.memory_space<semaphore_mem>>) src(%arg36 : memref<10240xf32, #tpu.memory_space<vmem_shared>>) dst(%dma_wait3A_93 : memref<10240xf32, #tpu.memory_space<hbm>>)
        tpu.yield
      }) : () -> ()
      "tpu.region"() ({
        %run_scoped3A = tpu.sem_alloc : memref<!tpu.dma_semaphore, #tpu.memory_space<semaphore_mem>>
        %dma_start3A = arith.constant 0 : i32
        %dma_start3A_90 = tpu.memref_slice %arg18[%arg0, %dma_start3A] : memref<2x10240xf32, #tpu.memory_space<hbm>> -> memref<1x10240xf32, #tpu.memory_space<hbm>>
        %dma_start3A_91 = tpu.memref_squeeze %dma_start3A_90 : memref<1x10240xf32, #tpu.memory_space<hbm>> -> memref<10240xf32, #tpu.memory_space<hbm>>
        tpu.enqueue_dma source(%arg37 : memref<10240xf32, #tpu.memory_space<vmem_shared>>) target(%dma_start3A_91 : memref<10240xf32, #tpu.memory_space<hbm>>) target_semaphore(%run_scoped3A : memref<!tpu.dma_semaphore, #tpu.memory_space<semaphore_mem>>)
        %dma_wait3A = arith.constant 0 : i32
        %dma_wait3A_92 = tpu.memref_slice %arg18[%arg0, %dma_wait3A] : memref<2x10240xf32, #tpu.memory_space<hbm>> -> memref<1x10240xf32, #tpu.memory_space<hbm>>
        %dma_wait3A_93 = tpu.memref_squeeze %dma_wait3A_92 : memref<1x10240xf32, #tpu.memory_space<hbm>> -> memref<10240xf32, #tpu.memory_space<hbm>>
        tpu.wait_dma2 semaphore(%run_scoped3A : memref<!tpu.dma_semaphore, #tpu.memory_space<semaphore_mem>>) src(%arg37 : memref<10240xf32, #tpu.memory_space<vmem_shared>>) dst(%dma_wait3A_93 : memref<10240xf32, #tpu.memory_space<hbm>>)
        tpu.yield
      }) : () -> ()
    } else {
    }
    %barrier3A_45 = arith.constant 0 : index
    tpu.barrier barrier_id(%barrier3A_45)
    %scan3A_46 = arith.constant 0 : i32
    %scan3A_47 = arith.constant 0 : i32
    %scan3A_48 = arith.constant 5 : i32
    %scan3A_49 = arith.addi %scan3A_47, %scan3A_48 : i32
    %scan3A_50 = arith.constant 1 : i32
    %scan3A_51 = scf.for %scan3A_90 = %scan3A_47 to %scan3A_49 step %scan3A_50 iter_args(%scan3A_91 = %scan3A_46) -> (i32)  : i32 {
      %mul3A_92 = arith.constant 625 : i32
      %mul3A_93 = arith.muli %arg1, %mul3A_92 : i32
      %mul3A_94 = arith.constant 125 : i32
      %mul3A_95 = arith.muli %scan3A_90, %mul3A_94 : i32
      %add3A_96 = arith.addi %mul3A_93, %mul3A_95 : i32
      "tpu.region"() ({
        %run_scoped3A = tpu.sem_alloc : memref<!tpu.dma_semaphore, #tpu.memory_space<semaphore_mem>>
        %dma_start3A = arith.constant 0 : i32
        %dma_start3A_98 = tpu.memref_slice %arg35[%add3A_96, %dma_start3A] : memref<10000x64xf32, #tpu.memory_space<vmem_shared>> -> memref<125x64xf32, #tpu.memory_space<vmem_shared>>
        %dma_start3A_99 = arith.constant 0 : i32
        %dma_start3A_100 = tpu.memref_slice %arg35[%add3A_96, %dma_start3A_99] : memref<10000x64xf32, #tpu.memory_space<vmem_shared>> -> memref<125x64xf32, #tpu.memory_space<vmem_shared>>
        tpu.enqueue_dma source(%arg33 : memref<125x64xf32, #tpu.memory_space<vmem>>) target(%dma_start3A_100 : memref<125x64xf32, #tpu.memory_space<vmem_shared>>) target_semaphore(%run_scoped3A : memref<!tpu.dma_semaphore, #tpu.memory_space<semaphore_mem>>)
        %dma_wait3A = arith.constant 0 : i32
        %dma_wait3A_101 = tpu.memref_slice %arg35[%add3A_96, %dma_wait3A] : memref<10000x64xf32, #tpu.memory_space<vmem_shared>> -> memref<125x64xf32, #tpu.memory_space<vmem_shared>>
        %dma_wait3A_102 = arith.constant 0 : i32
        %dma_wait3A_103 = tpu.memref_slice %arg35[%add3A_96, %dma_wait3A_102] : memref<10000x64xf32, #tpu.memory_space<vmem_shared>> -> memref<125x64xf32, #tpu.memory_space<vmem_shared>>
        tpu.wait_dma2 semaphore(%run_scoped3A : memref<!tpu.dma_semaphore, #tpu.memory_space<semaphore_mem>>) src(%arg33 : memref<125x64xf32, #tpu.memory_space<vmem>>) dst(%dma_wait3A_103 : memref<125x64xf32, #tpu.memory_space<vmem_shared>>)
        tpu.yield
      }) : () -> ()
      %scan3A_97 = arith.constant 0 : i32
      scf.yield %scan3A_97 : i32
    }
    %scan3A_52 = arith.constant 5 : i32
    %barrier3A_53 = arith.constant 0 : index
    tpu.barrier barrier_id(%barrier3A_53)
    %scan3A_54 = arith.constant 0 : i32
    %scan3A_55 = arith.constant 0 : i32
    %scan3A_56 = arith.constant 125 : i32
    %scan3A_57 = arith.addi %scan3A_55, %scan3A_56 : i32
    %scan3A_58 = arith.constant 1 : i32
    %scan3A_59 = scf.for %scan3A_90 = %scan3A_55 to %scan3A_57 step %scan3A_58 iter_args(%scan3A_91 = %scan3A_54) -> (i32)  : i32 {
      %mul3A_92 = arith.constant 80 : i32
      %mul3A_93 = arith.muli %scan3A_90, %mul3A_92 : i32
      %add3A_94 = arith.addi %mul3A_2, %mul3A_93 : i32
      %run_scoped3A = arith.constant 0 : i32
      "tpu.region"() ({
        %run_scoped3A_174 = tpu.sem_alloc : memref<!tpu.dma_semaphore, #tpu.memory_space<semaphore_mem>>
        %dma_start3A = arith.constant 0 : i32
        %dma_start3A_175 = tpu.memref_slice %arg26[%run_scoped3A, %dma_start3A] : memref<1x80xi32, #tpu.memory_space<vmem>> -> memref<1x80xi32, #tpu.memory_space<vmem>>
        %dma_start3A_176 = tpu.memref_squeeze %dma_start3A_175 : memref<1x80xi32, #tpu.memory_space<vmem>> -> memref<80xi32, #tpu.memory_space<vmem>>
        %dma_start3A_177 = tpu.memref_slice %arg2[%add3A_94] : memref<320000xi32, #tpu.memory_space<hbm>> -> memref<80xi32, #tpu.memory_space<hbm>>
        %dma_start3A_178 = arith.constant 0 : i32
        %dma_start3A_179 = tpu.memref_slice %arg26[%run_scoped3A, %dma_start3A_178] : memref<1x80xi32, #tpu.memory_space<vmem>> -> memref<1x80xi32, #tpu.memory_space<vmem>>
        %dma_start3A_180 = tpu.memref_squeeze %dma_start3A_179 : memref<1x80xi32, #tpu.memory_space<vmem>> -> memref<80xi32, #tpu.memory_space<vmem>>
        %dma_start3A_181 = tpu.memref_slice %arg2[%add3A_94] : memref<320000xi32, #tpu.memory_space<hbm>> -> memref<80xi32, #tpu.memory_space<hbm>>
        tpu.enqueue_dma source(%dma_start3A_181 : memref<80xi32, #tpu.memory_space<hbm>>) target(%dma_start3A_180 : memref<80xi32, #tpu.memory_space<vmem>>) target_semaphore(%run_scoped3A_174 : memref<!tpu.dma_semaphore, #tpu.memory_space<semaphore_mem>>)
        %dma_wait3A = arith.constant 0 : i32
        %dma_wait3A_182 = tpu.memref_slice %arg26[%run_scoped3A, %dma_wait3A] : memref<1x80xi32, #tpu.memory_space<vmem>> -> memref<1x80xi32, #tpu.memory_space<vmem>>
        %dma_wait3A_183 = tpu.memref_squeeze %dma_wait3A_182 : memref<1x80xi32, #tpu.memory_space<vmem>> -> memref<80xi32, #tpu.memory_space<vmem>>
        %dma_wait3A_184 = tpu.memref_slice %arg2[%add3A_94] : memref<320000xi32, #tpu.memory_space<hbm>> -> memref<80xi32, #tpu.memory_space<hbm>>
        %dma_wait3A_185 = arith.constant 0 : i32
        %dma_wait3A_186 = tpu.memref_slice %arg26[%run_scoped3A, %dma_wait3A_185] : memref<1x80xi32, #tpu.memory_space<vmem>> -> memref<1x80xi32, #tpu.memory_space<vmem>>
        %dma_wait3A_187 = tpu.memref_squeeze %dma_wait3A_186 : memref<1x80xi32, #tpu.memory_space<vmem>> -> memref<80xi32, #tpu.memory_space<vmem>>
        %dma_wait3A_188 = tpu.memref_slice %arg2[%add3A_94] : memref<320000xi32, #tpu.memory_space<hbm>> -> memref<80xi32, #tpu.memory_space<hbm>>
        tpu.wait_dma2 semaphore(%run_scoped3A_174 : memref<!tpu.dma_semaphore, #tpu.memory_space<semaphore_mem>>) src(%dma_wait3A_188 : memref<80xi32, #tpu.memory_space<hbm>>) dst(%dma_wait3A_187 : memref<80xi32, #tpu.memory_space<vmem>>)
        tpu.yield
      }) : () -> ()
      %run_scoped3A_95 = arith.constant 0 : i32
      "tpu.region"() ({
        %run_scoped3A_174 = tpu.sem_alloc : memref<!tpu.dma_semaphore, #tpu.memory_space<semaphore_mem>>
        %dma_start3A = arith.constant 0 : i32
        %dma_start3A_175 = tpu.memref_slice %arg27[%run_scoped3A_95, %dma_start3A] : memref<1x80xi32, #tpu.memory_space<vmem>> -> memref<1x80xi32, #tpu.memory_space<vmem>>
        %dma_start3A_176 = tpu.memref_squeeze %dma_start3A_175 : memref<1x80xi32, #tpu.memory_space<vmem>> -> memref<80xi32, #tpu.memory_space<vmem>>
        %dma_start3A_177 = tpu.memref_slice %arg3[%add3A_94] : memref<320000xi32, #tpu.memory_space<hbm>> -> memref<80xi32, #tpu.memory_space<hbm>>
        %dma_start3A_178 = arith.constant 0 : i32
        %dma_start3A_179 = tpu.memref_slice %arg27[%run_scoped3A_95, %dma_start3A_178] : memref<1x80xi32, #tpu.memory_space<vmem>> -> memref<1x80xi32, #tpu.memory_space<vmem>>
        %dma_start3A_180 = tpu.memref_squeeze %dma_start3A_179 : memref<1x80xi32, #tpu.memory_space<vmem>> -> memref<80xi32, #tpu.memory_space<vmem>>
        %dma_start3A_181 = tpu.memref_slice %arg3[%add3A_94] : memref<320000xi32, #tpu.memory_space<hbm>> -> memref<80xi32, #tpu.memory_space<hbm>>
        tpu.enqueue_dma source(%dma_start3A_181 : memref<80xi32, #tpu.memory_space<hbm>>) target(%dma_start3A_180 : memref<80xi32, #tpu.memory_space<vmem>>) target_semaphore(%run_scoped3A_174 : memref<!tpu.dma_semaphore, #tpu.memory_space<semaphore_mem>>)
        %dma_wait3A = arith.constant 0 : i32
        %dma_wait3A_182 = tpu.memref_slice %arg27[%run_scoped3A_95, %dma_wait3A] : memref<1x80xi32, #tpu.memory_space<vmem>> -> memref<1x80xi32, #tpu.memory_space<vmem>>
        %dma_wait3A_183 = tpu.memref_squeeze %dma_wait3A_182 : memref<1x80xi32, #tpu.memory_space<vmem>> -> memref<80xi32, #tpu.memory_space<vmem>>
        %dma_wait3A_184 = tpu.memref_slice %arg3[%add3A_94] : memref<320000xi32, #tpu.memory_space<hbm>> -> memref<80xi32, #tpu.memory_space<hbm>>
        %dma_wait3A_185 = arith.constant 0 : i32
        %dma_wait3A_186 = tpu.memref_slice %arg27[%run_scoped3A_95, %dma_wait3A_185] : memref<1x80xi32, #tpu.memory_space<vmem>> -> memref<1x80xi32, #tpu.memory_space<vmem>>
        %dma_wait3A_187 = tpu.memref_squeeze %dma_wait3A_186 : memref<1x80xi32, #tpu.memory_space<vmem>> -> memref<80xi32, #tpu.memory_space<vmem>>
        %dma_wait3A_188 = tpu.memref_slice %arg3[%add3A_94] : memref<320000xi32, #tpu.memory_space<hbm>> -> memref<80xi32, #tpu.memory_space<hbm>>
        tpu.wait_dma2 semaphore(%run_scoped3A_174 : memref<!tpu.dma_semaphore, #tpu.memory_space<semaphore_mem>>) src(%dma_wait3A_188 : memref<80xi32, #tpu.memory_space<hbm>>) dst(%dma_wait3A_187 : memref<80xi32, #tpu.memory_space<vmem>>)
        tpu.yield
      }) : () -> ()
      %run_scoped3A_96 = arith.constant 0 : i32
      "tpu.region"() ({
        %run_scoped3A_174 = tpu.sem_alloc : memref<!tpu.dma_semaphore, #tpu.memory_space<semaphore_mem>>
        %dma_start3A = arith.constant 0 : i32
        %dma_start3A_175 = tpu.memref_slice %arg31[%run_scoped3A_96, %dma_start3A] : memref<1x80xf32, #tpu.memory_space<vmem>> -> memref<1x80xf32, #tpu.memory_space<vmem>>
        %dma_start3A_176 = tpu.memref_squeeze %dma_start3A_175 : memref<1x80xf32, #tpu.memory_space<vmem>> -> memref<80xf32, #tpu.memory_space<vmem>>
        %dma_start3A_177 = tpu.memref_slice %arg19[%add3A_94] : memref<320000xf32, #tpu.memory_space<hbm>> -> memref<80xf32, #tpu.memory_space<hbm>>
        %dma_start3A_178 = arith.constant 0 : i32
        %dma_start3A_179 = tpu.memref_slice %arg31[%run_scoped3A_96, %dma_start3A_178] : memref<1x80xf32, #tpu.memory_space<vmem>> -> memref<1x80xf32, #tpu.memory_space<vmem>>
        %dma_start3A_180 = tpu.memref_squeeze %dma_start3A_179 : memref<1x80xf32, #tpu.memory_space<vmem>> -> memref<80xf32, #tpu.memory_space<vmem>>
        %dma_start3A_181 = tpu.memref_slice %arg19[%add3A_94] : memref<320000xf32, #tpu.memory_space<hbm>> -> memref<80xf32, #tpu.memory_space<hbm>>
        tpu.enqueue_dma source(%dma_start3A_181 : memref<80xf32, #tpu.memory_space<hbm>>) target(%dma_start3A_180 : memref<80xf32, #tpu.memory_space<vmem>>) target_semaphore(%run_scoped3A_174 : memref<!tpu.dma_semaphore, #tpu.memory_space<semaphore_mem>>)
        %dma_wait3A = arith.constant 0 : i32
        %dma_wait3A_182 = tpu.memref_slice %arg31[%run_scoped3A_96, %dma_wait3A] : memref<1x80xf32, #tpu.memory_space<vmem>> -> memref<1x80xf32, #tpu.memory_space<vmem>>
        %dma_wait3A_183 = tpu.memref_squeeze %dma_wait3A_182 : memref<1x80xf32, #tpu.memory_space<vmem>> -> memref<80xf32, #tpu.memory_space<vmem>>
        %dma_wait3A_184 = tpu.memref_slice %arg19[%add3A_94] : memref<320000xf32, #tpu.memory_space<hbm>> -> memref<80xf32, #tpu.memory_space<hbm>>
        %dma_wait3A_185 = arith.constant 0 : i32
        %dma_wait3A_186 = tpu.memref_slice %arg31[%run_scoped3A_96, %dma_wait3A_185] : memref<1x80xf32, #tpu.memory_space<vmem>> -> memref<1x80xf32, #tpu.memory_space<vmem>>
        %dma_wait3A_187 = tpu.memref_squeeze %dma_wait3A_186 : memref<1x80xf32, #tpu.memory_space<vmem>> -> memref<80xf32, #tpu.memory_space<vmem>>
        %dma_wait3A_188 = tpu.memref_slice %arg19[%add3A_94] : memref<320000xf32, #tpu.memory_space<hbm>> -> memref<80xf32, #tpu.memory_space<hbm>>
        tpu.wait_dma2 semaphore(%run_scoped3A_174 : memref<!tpu.dma_semaphore, #tpu.memory_space<semaphore_mem>>) src(%dma_wait3A_188 : memref<80xf32, #tpu.memory_space<hbm>>) dst(%dma_wait3A_187 : memref<80xf32, #tpu.memory_space<vmem>>)
        tpu.yield
      }) : () -> ()
      %run_scoped3A_97 = arith.constant 0 : i32
      "tpu.region"() ({
        %run_scoped3A_174 = tpu.sem_alloc : memref<!tpu.dma_semaphore, #tpu.memory_space<semaphore_mem>>
        %dma_start3A = arith.constant 0 : i32
        %dma_start3A_175 = tpu.memref_slice %arg26[%run_scoped3A_97, %dma_start3A] : memref<1x80xi32, #tpu.memory_space<vmem>> -> memref<1x80xi32, #tpu.memory_space<vmem>>
        %dma_start3A_176 = tpu.memref_squeeze %dma_start3A_175 : memref<1x80xi32, #tpu.memory_space<vmem>> -> memref<80xi32, #tpu.memory_space<vmem>>
        %dma_start3A_177 = arith.constant 0 : i32
        %dma_start3A_178 = arith.constant 0 : i32
        %dma_start3A_179 = tpu.memref_slice %arg11[%dma_start3A_177, %dma_start3A_178] : memref<10000x64xf32, #tpu.memory_space<hbm>> -> memref<10000x64xf32, #tpu.memory_space<hbm>>
        tpu.enqueue_indirect_dma source(%dma_start3A_179 : memref<10000x64xf32, #tpu.memory_space<hbm>>) target(%arg30 : memref<80x64xf32, #tpu.memory_space<vmem>>) offsets(%dma_start3A_176 : memref<80xi32, #tpu.memory_space<vmem>>) semaphore(%run_scoped3A_174 : memref<!tpu.dma_semaphore, #tpu.memory_space<semaphore_mem>>)
        %dma_wait3A = arith.constant 0 : i32
        %dma_wait3A_180 = tpu.memref_slice %arg26[%run_scoped3A_97, %dma_wait3A] : memref<1x80xi32, #tpu.memory_space<vmem>> -> memref<1x80xi32, #tpu.memory_space<vmem>>
        %dma_wait3A_181 = tpu.memref_squeeze %dma_wait3A_180 : memref<1x80xi32, #tpu.memory_space<vmem>> -> memref<80xi32, #tpu.memory_space<vmem>>
        %dma_wait3A_182 = arith.constant 0 : i32
        %dma_wait3A_183 = arith.constant 0 : i32
        %dma_wait3A_184 = tpu.memref_slice %arg11[%dma_wait3A_182, %dma_wait3A_183] : memref<10000x64xf32, #tpu.memory_space<hbm>> -> memref<10000x64xf32, #tpu.memory_space<hbm>>
        tpu.wait_indirect_dma semaphore(%run_scoped3A_174 : memref<!tpu.dma_semaphore, #tpu.memory_space<semaphore_mem>>) src(%dma_wait3A_184 : memref<10000x64xf32, #tpu.memory_space<hbm>>) dst(%arg30 : memref<80x64xf32, #tpu.memory_space<vmem>>)
        tpu.yield
      }) : () -> ()
      %iota3A = tpu.iota {dimensions = array<i32: 0>} : vector<16xi32>
      %add3A_98 = arith.constant 0 : i32
      %add3A_99 = vector.broadcast %add3A_98 : i32 to vector<16xi32>
      %add3A_100 = arith.addi %iota3A, %add3A_99 : vector<16xi32>
      %get3A_101 = arith.constant 0 : i32
      %get3A_102 = arith.index_cast %get3A_101 : i32 to index
      %get3A_103 = arith.constant 0 : index
      %get3A_104 = tpu.vector_load %arg31[%get3A_102, %get3A_103] {strides = array<i32>} : memref<1x80xf32, #tpu.memory_space<vmem>>, vector<16xf32>,
      %scan3A_105 = arith.constant 0 : i32
      %scan3A_106 = arith.constant 0 : i32
      %scan3A_107 = arith.constant 64 : i32
      %scan3A_108 = arith.addi %scan3A_106, %scan3A_107 : i32
      %scan3A_109 = arith.constant 8 : i32
      %scan3A_110 = scf.for %scan3A_174 = %scan3A_106 to %scan3A_108 step %scan3A_109 iter_args(%scan3A_175 = %scan3A_105) -> (i32)  : i32 {
        %broadcast_in_dim3A_176 = arith.constant 0 : i32
        %broadcast_in_dim3A_177 = vector.broadcast %broadcast_in_dim3A_176 : i32 to vector<16xi32>
        %add3A_178 = vector.broadcast %scan3A_174 : i32 to vector<16xi32>
        %add3A_179 = arith.addi %broadcast_in_dim3A_177, %add3A_178 : vector<16xi32>
        %gather3A = tpu.vector_load_idx %arg30[%add3A_100, %add3A_179] : memref<80x64xf32, #tpu.memory_space<vmem>>[vector<16xi32>, vector<16xi32>], vector<16xf32>,
        %mul3A_180 = arith.mulf %gather3A, %get3A_104 : vector<16xf32>
        tpu.vector_store_idx %arg30[%add3A_100, %add3A_179], %mul3A_180 : memref<80x64xf32, #tpu.memory_space<vmem>>[vector<16xi32>, vector<16xi32>], vector<16xf32>,
        %scan3A_181 = arith.constant 0 : i32
        %scan3A_182 = arith.constant 1 : i32
        %scan3A_183 = arith.addi %scan3A_174, %scan3A_182 : i32
        %broadcast_in_dim3A_184 = arith.constant 0 : i32
        %broadcast_in_dim3A_185 = vector.broadcast %broadcast_in_dim3A_184 : i32 to vector<16xi32>
        %add3A_186 = vector.broadcast %scan3A_183 : i32 to vector<16xi32>
        %add3A_187 = arith.addi %broadcast_in_dim3A_185, %add3A_186 : vector<16xi32>
        %gather3A_188 = tpu.vector_load_idx %arg30[%add3A_100, %add3A_187] : memref<80x64xf32, #tpu.memory_space<vmem>>[vector<16xi32>, vector<16xi32>], vector<16xf32>,
        %mul3A_189 = arith.mulf %gather3A_188, %get3A_104 : vector<16xf32>
        tpu.vector_store_idx %arg30[%add3A_100, %add3A_187], %mul3A_189 : memref<80x64xf32, #tpu.memory_space<vmem>>[vector<16xi32>, vector<16xi32>], vector<16xf32>,
        %scan3A_190 = arith.constant 0 : i32
        %scan3A_191 = arith.constant 2 : i32
        %scan3A_192 = arith.addi %scan3A_174, %scan3A_191 : i32
        %broadcast_in_dim3A_193 = arith.constant 0 : i32
        %broadcast_in_dim3A_194 = vector.broadcast %broadcast_in_dim3A_193 : i32 to vector<16xi32>
        %add3A_195 = vector.broadcast %scan3A_192 : i32 to vector<16xi32>
        %add3A_196 = arith.addi %broadcast_in_dim3A_194, %add3A_195 : vector<16xi32>
        %gather3A_197 = tpu.vector_load_idx %arg30[%add3A_100, %add3A_196] : memref<80x64xf32, #tpu.memory_space<vmem>>[vector<16xi32>, vector<16xi32>], vector<16xf32>,
        %mul3A_198 = arith.mulf %gather3A_197, %get3A_104 : vector<16xf32>
        tpu.vector_store_idx %arg30[%add3A_100, %add3A_196], %mul3A_198 : memref<80x64xf32, #tpu.memory_space<vmem>>[vector<16xi32>, vector<16xi32>], vector<16xf32>,
        %scan3A_199 = arith.constant 0 : i32
        %scan3A_200 = arith.constant 3 : i32
        %scan3A_201 = arith.addi %scan3A_174, %scan3A_200 : i32
        %broadcast_in_dim3A_202 = arith.constant 0 : i32
        %broadcast_in_dim3A_203 = vector.broadcast %broadcast_in_dim3A_202 : i32 to vector<16xi32>
        %add3A_204 = vector.broadcast %scan3A_201 : i32 to vector<16xi32>
        %add3A_205 = arith.addi %broadcast_in_dim3A_203, %add3A_204 : vector<16xi32>
        %gather3A_206 = tpu.vector_load_idx %arg30[%add3A_100, %add3A_205] : memref<80x64xf32, #tpu.memory_space<vmem>>[vector<16xi32>, vector<16xi32>], vector<16xf32>,
        %mul3A_207 = arith.mulf %gather3A_206, %get3A_104 : vector<16xf32>
        tpu.vector_store_idx %arg30[%add3A_100, %add3A_205], %mul3A_207 : memref<80x64xf32, #tpu.memory_space<vmem>>[vector<16xi32>, vector<16xi32>], vector<16xf32>,
        %scan3A_208 = arith.constant 0 : i32
        %scan3A_209 = arith.constant 4 : i32
        %scan3A_210 = arith.addi %scan3A_174, %scan3A_209 : i32
        %broadcast_in_dim3A_211 = arith.constant 0 : i32
        %broadcast_in_dim3A_212 = vector.broadcast %broadcast_in_dim3A_211 : i32 to vector<16xi32>
        %add3A_213 = vector.broadcast %scan3A_210 : i32 to vector<16xi32>
        %add3A_214 = arith.addi %broadcast_in_dim3A_212, %add3A_213 : vector<16xi32>
        %gather3A_215 = tpu.vector_load_idx %arg30[%add3A_100, %add3A_214] : memref<80x64xf32, #tpu.memory_space<vmem>>[vector<16xi32>, vector<16xi32>], vector<16xf32>,
        %mul3A_216 = arith.mulf %gather3A_215, %get3A_104 : vector<16xf32>
        tpu.vector_store_idx %arg30[%add3A_100, %add3A_214], %mul3A_216 : memref<80x64xf32, #tpu.memory_space<vmem>>[vector<16xi32>, vector<16xi32>], vector<16xf32>,
        %scan3A_217 = arith.constant 0 : i32
        %scan3A_218 = arith.constant 5 : i32
        %scan3A_219 = arith.addi %scan3A_174, %scan3A_218 : i32
        %broadcast_in_dim3A_220 = arith.constant 0 : i32
        %broadcast_in_dim3A_221 = vector.broadcast %broadcast_in_dim3A_220 : i32 to vector<16xi32>
        %add3A_222 = vector.broadcast %scan3A_219 : i32 to vector<16xi32>
        %add3A_223 = arith.addi %broadcast_in_dim3A_221, %add3A_222 : vector<16xi32>
        %gather3A_224 = tpu.vector_load_idx %arg30[%add3A_100, %add3A_223] : memref<80x64xf32, #tpu.memory_space<vmem>>[vector<16xi32>, vector<16xi32>], vector<16xf32>,
        %mul3A_225 = arith.mulf %gather3A_224, %get3A_104 : vector<16xf32>
        tpu.vector_store_idx %arg30[%add3A_100, %add3A_223], %mul3A_225 : memref<80x64xf32, #tpu.memory_space<vmem>>[vector<16xi32>, vector<16xi32>], vector<16xf32>,
        %scan3A_226 = arith.constant 0 : i32
        %scan3A_227 = arith.constant 6 : i32
        %scan3A_228 = arith.addi %scan3A_174, %scan3A_227 : i32
        %broadcast_in_dim3A_229 = arith.constant 0 : i32
        %broadcast_in_dim3A_230 = vector.broadcast %broadcast_in_dim3A_229 : i32 to vector<16xi32>
        %add3A_231 = vector.broadcast %scan3A_228 : i32 to vector<16xi32>
        %add3A_232 = arith.addi %broadcast_in_dim3A_230, %add3A_231 : vector<16xi32>
        %gather3A_233 = tpu.vector_load_idx %arg30[%add3A_100, %add3A_232] : memref<80x64xf32, #tpu.memory_space<vmem>>[vector<16xi32>, vector<16xi32>], vector<16xf32>,
        %mul3A_234 = arith.mulf %gather3A_233, %get3A_104 : vector<16xf32>
        tpu.vector_store_idx %arg30[%add3A_100, %add3A_232], %mul3A_234 : memref<80x64xf32, #tpu.memory_space<vmem>>[vector<16xi32>, vector<16xi32>], vector<16xf32>,
        %scan3A_235 = arith.constant 0 : i32
        %scan3A_236 = arith.constant 7 : i32
        %scan3A_237 = arith.addi %scan3A_174, %scan3A_236 : i32
        %broadcast_in_dim3A_238 = arith.constant 0 : i32
        %broadcast_in_dim3A_239 = vector.broadcast %broadcast_in_dim3A_238 : i32 to vector<16xi32>
        %add3A_240 = vector.broadcast %scan3A_237 : i32 to vector<16xi32>
        %add3A_241 = arith.addi %broadcast_in_dim3A_239, %add3A_240 : vector<16xi32>
        %gather3A_242 = tpu.vector_load_idx %arg30[%add3A_100, %add3A_241] : memref<80x64xf32, #tpu.memory_space<vmem>>[vector<16xi32>, vector<16xi32>], vector<16xf32>,
        %mul3A_243 = arith.mulf %gather3A_242, %get3A_104 : vector<16xf32>
        tpu.vector_store_idx %arg30[%add3A_100, %add3A_241], %mul3A_243 : memref<80x64xf32, #tpu.memory_space<vmem>>[vector<16xi32>, vector<16xi32>], vector<16xf32>,
        %scan3A_244 = arith.constant 0 : i32
        scf.yield %scan3A_244 : i32
      }
      %scan3A_111 = arith.constant 64 : i32
      %iota3A_112 = tpu.iota {dimensions = array<i32: 0>} : vector<16xi32>
      %add3A_113 = arith.constant 16 : i32
      %add3A_114 = vector.broadcast %add3A_113 : i32 to vector<16xi32>
      %add3A_115 = arith.addi %iota3A_112, %add3A_114 : vector<16xi32>
      %get3A_116 = arith.constant 0 : i32
      %get3A_117 = arith.index_cast %get3A_116 : i32 to index
      %get3A_118 = arith.constant 16 : index
      %get3A_119 = tpu.vector_load %arg31[%get3A_117, %get3A_118] {strides = array<i32>} : memref<1x80xf32, #tpu.memory_space<vmem>>, vector<16xf32>,
      %scan3A_120 = arith.constant 0 : i32
      %scan3A_121 = arith.constant 0 : i32
      %scan3A_122 = arith.constant 64 : i32
      %scan3A_123 = arith.addi %scan3A_121, %scan3A_122 : i32
      %scan3A_124 = arith.constant 8 : i32
      %scan3A_125 = scf.for %scan3A_174 = %scan3A_121 to %scan3A_123 step %scan3A_124 iter_args(%scan3A_175 = %scan3A_120) -> (i32)  : i32 {
        %broadcast_in_dim3A_176 = arith.constant 0 : i32
        %broadcast_in_dim3A_177 = vector.broadcast %broadcast_in_dim3A_176 : i32 to vector<16xi32>
        %add3A_178 = vector.broadcast %scan3A_174 : i32 to vector<16xi32>
        %add3A_179 = arith.addi %broadcast_in_dim3A_177, %add3A_178 : vector<16xi32>
        %gather3A = tpu.vector_load_idx %arg30[%add3A_115, %add3A_179] : memref<80x64xf32, #tpu.memory_space<vmem>>[vector<16xi32>, vector<16xi32>], vector<16xf32>,
        %mul3A_180 = arith.mulf %gather3A, %get3A_119 : vector<16xf32>
        tpu.vector_store_idx %arg30[%add3A_115, %add3A_179], %mul3A_180 : memref<80x64xf32, #tpu.memory_space<vmem>>[vector<16xi32>, vector<16xi32>], vector<16xf32>,
        %scan3A_181 = arith.constant 0 : i32
        %scan3A_182 = arith.constant 1 : i32
        %scan3A_183 = arith.addi %scan3A_174, %scan3A_182 : i32
        %broadcast_in_dim3A_184 = arith.constant 0 : i32
        %broadcast_in_dim3A_185 = vector.broadcast %broadcast_in_dim3A_184 : i32 to vector<16xi32>
        %add3A_186 = vector.broadcast %scan3A_183 : i32 to vector<16xi32>
        %add3A_187 = arith.addi %broadcast_in_dim3A_185, %add3A_186 : vector<16xi32>
        %gather3A_188 = tpu.vector_load_idx %arg30[%add3A_115, %add3A_187] : memref<80x64xf32, #tpu.memory_space<vmem>>[vector<16xi32>, vector<16xi32>], vector<16xf32>,
        %mul3A_189 = arith.mulf %gather3A_188, %get3A_119 : vector<16xf32>
        tpu.vector_store_idx %arg30[%add3A_115, %add3A_187], %mul3A_189 : memref<80x64xf32, #tpu.memory_space<vmem>>[vector<16xi32>, vector<16xi32>], vector<16xf32>,
        %scan3A_190 = arith.constant 0 : i32
        %scan3A_191 = arith.constant 2 : i32
        %scan3A_192 = arith.addi %scan3A_174, %scan3A_191 : i32
        %broadcast_in_dim3A_193 = arith.constant 0 : i32
        %broadcast_in_dim3A_194 = vector.broadcast %broadcast_in_dim3A_193 : i32 to vector<16xi32>
        %add3A_195 = vector.broadcast %scan3A_192 : i32 to vector<16xi32>
        %add3A_196 = arith.addi %broadcast_in_dim3A_194, %add3A_195 : vector<16xi32>
        %gather3A_197 = tpu.vector_load_idx %arg30[%add3A_115, %add3A_196] : memref<80x64xf32, #tpu.memory_space<vmem>>[vector<16xi32>, vector<16xi32>], vector<16xf32>,
        %mul3A_198 = arith.mulf %gather3A_197, %get3A_119 : vector<16xf32>
        tpu.vector_store_idx %arg30[%add3A_115, %add3A_196], %mul3A_198 : memref<80x64xf32, #tpu.memory_space<vmem>>[vector<16xi32>, vector<16xi32>], vector<16xf32>,
        %scan3A_199 = arith.constant 0 : i32
        %scan3A_200 = arith.constant 3 : i32
        %scan3A_201 = arith.addi %scan3A_174, %scan3A_200 : i32
        %broadcast_in_dim3A_202 = arith.constant 0 : i32
        %broadcast_in_dim3A_203 = vector.broadcast %broadcast_in_dim3A_202 : i32 to vector<16xi32>
        %add3A_204 = vector.broadcast %scan3A_201 : i32 to vector<16xi32>
        %add3A_205 = arith.addi %broadcast_in_dim3A_203, %add3A_204 : vector<16xi32>
        %gather3A_206 = tpu.vector_load_idx %arg30[%add3A_115, %add3A_205] : memref<80x64xf32, #tpu.memory_space<vmem>>[vector<16xi32>, vector<16xi32>], vector<16xf32>,
        %mul3A_207 = arith.mulf %gather3A_206, %get3A_119 : vector<16xf32>
        tpu.vector_store_idx %arg30[%add3A_115, %add3A_205], %mul3A_207 : memref<80x64xf32, #tpu.memory_space<vmem>>[vector<16xi32>, vector<16xi32>], vector<16xf32>,
        %scan3A_208 = arith.constant 0 : i32
        %scan3A_209 = arith.constant 4 : i32
        %scan3A_210 = arith.addi %scan3A_174, %scan3A_209 : i32
        %broadcast_in_dim3A_211 = arith.constant 0 : i32
        %broadcast_in_dim3A_212 = vector.broadcast %broadcast_in_dim3A_211 : i32 to vector<16xi32>
        %add3A_213 = vector.broadcast %scan3A_210 : i32 to vector<16xi32>
        %add3A_214 = arith.addi %broadcast_in_dim3A_212, %add3A_213 : vector<16xi32>
        %gather3A_215 = tpu.vector_load_idx %arg30[%add3A_115, %add3A_214] : memref<80x64xf32, #tpu.memory_space<vmem>>[vector<16xi32>, vector<16xi32>], vector<16xf32>,
        %mul3A_216 = arith.mulf %gather3A_215, %get3A_119 : vector<16xf32>
        tpu.vector_store_idx %arg30[%add3A_115, %add3A_214], %mul3A_216 : memref<80x64xf32, #tpu.memory_space<vmem>>[vector<16xi32>, vector<16xi32>], vector<16xf32>,
        %scan3A_217 = arith.constant 0 : i32
        %scan3A_218 = arith.constant 5 : i32
        %scan3A_219 = arith.addi %scan3A_174, %scan3A_218 : i32
        %broadcast_in_dim3A_220 = arith.constant 0 : i32
        %broadcast_in_dim3A_221 = vector.broadcast %broadcast_in_dim3A_220 : i32 to vector<16xi32>
        %add3A_222 = vector.broadcast %scan3A_219 : i32 to vector<16xi32>
        %add3A_223 = arith.addi %broadcast_in_dim3A_221, %add3A_222 : vector<16xi32>
        %gather3A_224 = tpu.vector_load_idx %arg30[%add3A_115, %add3A_223] : memref<80x64xf32, #tpu.memory_space<vmem>>[vector<16xi32>, vector<16xi32>], vector<16xf32>,
        %mul3A_225 = arith.mulf %gather3A_224, %get3A_119 : vector<16xf32>
        tpu.vector_store_idx %arg30[%add3A_115, %add3A_223], %mul3A_225 : memref<80x64xf32, #tpu.memory_space<vmem>>[vector<16xi32>, vector<16xi32>], vector<16xf32>,
        %scan3A_226 = arith.constant 0 : i32
        %scan3A_227 = arith.constant 6 : i32
        %scan3A_228 = arith.addi %scan3A_174, %scan3A_227 : i32
        %broadcast_in_dim3A_229 = arith.constant 0 : i32
        %broadcast_in_dim3A_230 = vector.broadcast %broadcast_in_dim3A_229 : i32 to vector<16xi32>
        %add3A_231 = vector.broadcast %scan3A_228 : i32 to vector<16xi32>
        %add3A_232 = arith.addi %broadcast_in_dim3A_230, %add3A_231 : vector<16xi32>
        %gather3A_233 = tpu.vector_load_idx %arg30[%add3A_115, %add3A_232] : memref<80x64xf32, #tpu.memory_space<vmem>>[vector<16xi32>, vector<16xi32>], vector<16xf32>,
        %mul3A_234 = arith.mulf %gather3A_233, %get3A_119 : vector<16xf32>
        tpu.vector_store_idx %arg30[%add3A_115, %add3A_232], %mul3A_234 : memref<80x64xf32, #tpu.memory_space<vmem>>[vector<16xi32>, vector<16xi32>], vector<16xf32>,
        %scan3A_235 = arith.constant 0 : i32
        %scan3A_236 = arith.constant 7 : i32
        %scan3A_237 = arith.addi %scan3A_174, %scan3A_236 : i32
        %broadcast_in_dim3A_238 = arith.constant 0 : i32
        %broadcast_in_dim3A_239 = vector.broadcast %broadcast_in_dim3A_238 : i32 to vector<16xi32>
        %add3A_240 = vector.broadcast %scan3A_237 : i32 to vector<16xi32>
        %add3A_241 = arith.addi %broadcast_in_dim3A_239, %add3A_240 : vector<16xi32>
        %gather3A_242 = tpu.vector_load_idx %arg30[%add3A_115, %add3A_241] : memref<80x64xf32, #tpu.memory_space<vmem>>[vector<16xi32>, vector<16xi32>], vector<16xf32>,
        %mul3A_243 = arith.mulf %gather3A_242, %get3A_119 : vector<16xf32>
        tpu.vector_store_idx %arg30[%add3A_115, %add3A_241], %mul3A_243 : memref<80x64xf32, #tpu.memory_space<vmem>>[vector<16xi32>, vector<16xi32>], vector<16xf32>,
        %scan3A_244 = arith.constant 0 : i32
        scf.yield %scan3A_244 : i32
      }
      %scan3A_126 = arith.constant 64 : i32
      %iota3A_127 = tpu.iota {dimensions = array<i32: 0>} : vector<16xi32>
      %add3A_128 = arith.constant 32 : i32
      %add3A_129 = vector.broadcast %add3A_128 : i32 to vector<16xi32>
      %add3A_130 = arith.addi %iota3A_127, %add3A_129 : vector<16xi32>
      %get3A_131 = arith.constant 0 : i32
      %get3A_132 = arith.index_cast %get3A_131 : i32 to index
      %get3A_133 = arith.constant 32 : index
      %get3A_134 = tpu.vector_load %arg31[%get3A_132, %get3A_133] {strides = array<i32>} : memref<1x80xf32, #tpu.memory_space<vmem>>, vector<16xf32>,
      %scan3A_135 = arith.constant 0 : i32
      %scan3A_136 = arith.constant 0 : i32
      %scan3A_137 = arith.constant 64 : i32
      %scan3A_138 = arith.addi %scan3A_136, %scan3A_137 : i32
      %scan3A_139 = arith.constant 8 : i32
      %scan3A_140 = scf.for %scan3A_174 = %scan3A_136 to %scan3A_138 step %scan3A_139 iter_args(%scan3A_175 = %scan3A_135) -> (i32)  : i32 {
        %broadcast_in_dim3A_176 = arith.constant 0 : i32
        %broadcast_in_dim3A_177 = vector.broadcast %broadcast_in_dim3A_176 : i32 to vector<16xi32>
        %add3A_178 = vector.broadcast %scan3A_174 : i32 to vector<16xi32>
        %add3A_179 = arith.addi %broadcast_in_dim3A_177, %add3A_178 : vector<16xi32>
        %gather3A = tpu.vector_load_idx %arg30[%add3A_130, %add3A_179] : memref<80x64xf32, #tpu.memory_space<vmem>>[vector<16xi32>, vector<16xi32>], vector<16xf32>,
        %mul3A_180 = arith.mulf %gather3A, %get3A_134 : vector<16xf32>
        tpu.vector_store_idx %arg30[%add3A_130, %add3A_179], %mul3A_180 : memref<80x64xf32, #tpu.memory_space<vmem>>[vector<16xi32>, vector<16xi32>], vector<16xf32>,
        %scan3A_181 = arith.constant 0 : i32
        %scan3A_182 = arith.constant 1 : i32
        %scan3A_183 = arith.addi %scan3A_174, %scan3A_182 : i32
        %broadcast_in_dim3A_184 = arith.constant 0 : i32
        %broadcast_in_dim3A_185 = vector.broadcast %broadcast_in_dim3A_184 : i32 to vector<16xi32>
        %add3A_186 = vector.broadcast %scan3A_183 : i32 to vector<16xi32>
        %add3A_187 = arith.addi %broadcast_in_dim3A_185, %add3A_186 : vector<16xi32>
        %gather3A_188 = tpu.vector_load_idx %arg30[%add3A_130, %add3A_187] : memref<80x64xf32, #tpu.memory_space<vmem>>[vector<16xi32>, vector<16xi32>], vector<16xf32>,
        %mul3A_189 = arith.mulf %gather3A_188, %get3A_134 : vector<16xf32>
        tpu.vector_store_idx %arg30[%add3A_130, %add3A_187], %mul3A_189 : memref<80x64xf32, #tpu.memory_space<vmem>>[vector<16xi32>, vector<16xi32>], vector<16xf32>,
        %scan3A_190 = arith.constant 0 : i32
        %scan3A_191 = arith.constant 2 : i32
        %scan3A_192 = arith.addi %scan3A_174, %scan3A_191 : i32
        %broadcast_in_dim3A_193 = arith.constant 0 : i32
        %broadcast_in_dim3A_194 = vector.broadcast %broadcast_in_dim3A_193 : i32 to vector<16xi32>
        %add3A_195 = vector.broadcast %scan3A_192 : i32 to vector<16xi32>
        %add3A_196 = arith.addi %broadcast_in_dim3A_194, %add3A_195 : vector<16xi32>
        %gather3A_197 = tpu.vector_load_idx %arg30[%add3A_130, %add3A_196] : memref<80x64xf32, #tpu.memory_space<vmem>>[vector<16xi32>, vector<16xi32>], vector<16xf32>,
        %mul3A_198 = arith.mulf %gather3A_197, %get3A_134 : vector<16xf32>
        tpu.vector_store_idx %arg30[%add3A_130, %add3A_196], %mul3A_198 : memref<80x64xf32, #tpu.memory_space<vmem>>[vector<16xi32>, vector<16xi32>], vector<16xf32>,
        %scan3A_199 = arith.constant 0 : i32
        %scan3A_200 = arith.constant 3 : i32
        %scan3A_201 = arith.addi %scan3A_174, %scan3A_200 : i32
        %broadcast_in_dim3A_202 = arith.constant 0 : i32
        %broadcast_in_dim3A_203 = vector.broadcast %broadcast_in_dim3A_202 : i32 to vector<16xi32>
        %add3A_204 = vector.broadcast %scan3A_201 : i32 to vector<16xi32>
        %add3A_205 = arith.addi %broadcast_in_dim3A_203, %add3A_204 : vector<16xi32>
        %gather3A_206 = tpu.vector_load_idx %arg30[%add3A_130, %add3A_205] : memref<80x64xf32, #tpu.memory_space<vmem>>[vector<16xi32>, vector<16xi32>], vector<16xf32>,
        %mul3A_207 = arith.mulf %gather3A_206, %get3A_134 : vector<16xf32>
        tpu.vector_store_idx %arg30[%add3A_130, %add3A_205], %mul3A_207 : memref<80x64xf32, #tpu.memory_space<vmem>>[vector<16xi32>, vector<16xi32>], vector<16xf32>,
        %scan3A_208 = arith.constant 0 : i32
        %scan3A_209 = arith.constant 4 : i32
        %scan3A_210 = arith.addi %scan3A_174, %scan3A_209 : i32
        %broadcast_in_dim3A_211 = arith.constant 0 : i32
        %broadcast_in_dim3A_212 = vector.broadcast %broadcast_in_dim3A_211 : i32 to vector<16xi32>
        %add3A_213 = vector.broadcast %scan3A_210 : i32 to vector<16xi32>
        %add3A_214 = arith.addi %broadcast_in_dim3A_212, %add3A_213 : vector<16xi32>
        %gather3A_215 = tpu.vector_load_idx %arg30[%add3A_130, %add3A_214] : memref<80x64xf32, #tpu.memory_space<vmem>>[vector<16xi32>, vector<16xi32>], vector<16xf32>,
        %mul3A_216 = arith.mulf %gather3A_215, %get3A_134 : vector<16xf32>
        tpu.vector_store_idx %arg30[%add3A_130, %add3A_214], %mul3A_216 : memref<80x64xf32, #tpu.memory_space<vmem>>[vector<16xi32>, vector<16xi32>], vector<16xf32>,
        %scan3A_217 = arith.constant 0 : i32
        %scan3A_218 = arith.constant 5 : i32
        %scan3A_219 = arith.addi %scan3A_174, %scan3A_218 : i32
        %broadcast_in_dim3A_220 = arith.constant 0 : i32
        %broadcast_in_dim3A_221 = vector.broadcast %broadcast_in_dim3A_220 : i32 to vector<16xi32>
        %add3A_222 = vector.broadcast %scan3A_219 : i32 to vector<16xi32>
        %add3A_223 = arith.addi %broadcast_in_dim3A_221, %add3A_222 : vector<16xi32>
        %gather3A_224 = tpu.vector_load_idx %arg30[%add3A_130, %add3A_223] : memref<80x64xf32, #tpu.memory_space<vmem>>[vector<16xi32>, vector<16xi32>], vector<16xf32>,
        %mul3A_225 = arith.mulf %gather3A_224, %get3A_134 : vector<16xf32>
        tpu.vector_store_idx %arg30[%add3A_130, %add3A_223], %mul3A_225 : memref<80x64xf32, #tpu.memory_space<vmem>>[vector<16xi32>, vector<16xi32>], vector<16xf32>,
        %scan3A_226 = arith.constant 0 : i32
        %scan3A_227 = arith.constant 6 : i32
        %scan3A_228 = arith.addi %scan3A_174, %scan3A_227 : i32
        %broadcast_in_dim3A_229 = arith.constant 0 : i32
        %broadcast_in_dim3A_230 = vector.broadcast %broadcast_in_dim3A_229 : i32 to vector<16xi32>
        %add3A_231 = vector.broadcast %scan3A_228 : i32 to vector<16xi32>
        %add3A_232 = arith.addi %broadcast_in_dim3A_230, %add3A_231 : vector<16xi32>
        %gather3A_233 = tpu.vector_load_idx %arg30[%add3A_130, %add3A_232] : memref<80x64xf32, #tpu.memory_space<vmem>>[vector<16xi32>, vector<16xi32>], vector<16xf32>,
        %mul3A_234 = arith.mulf %gather3A_233, %get3A_134 : vector<16xf32>
        tpu.vector_store_idx %arg30[%add3A_130, %add3A_232], %mul3A_234 : memref<80x64xf32, #tpu.memory_space<vmem>>[vector<16xi32>, vector<16xi32>], vector<16xf32>,
        %scan3A_235 = arith.constant 0 : i32
        %scan3A_236 = arith.constant 7 : i32
        %scan3A_237 = arith.addi %scan3A_174, %scan3A_236 : i32
        %broadcast_in_dim3A_238 = arith.constant 0 : i32
        %broadcast_in_dim3A_239 = vector.broadcast %broadcast_in_dim3A_238 : i32 to vector<16xi32>
        %add3A_240 = vector.broadcast %scan3A_237 : i32 to vector<16xi32>
        %add3A_241 = arith.addi %broadcast_in_dim3A_239, %add3A_240 : vector<16xi32>
        %gather3A_242 = tpu.vector_load_idx %arg30[%add3A_130, %add3A_241] : memref<80x64xf32, #tpu.memory_space<vmem>>[vector<16xi32>, vector<16xi32>], vector<16xf32>,
        %mul3A_243 = arith.mulf %gather3A_242, %get3A_134 : vector<16xf32>
        tpu.vector_store_idx %arg30[%add3A_130, %add3A_241], %mul3A_243 : memref<80x64xf32, #tpu.memory_space<vmem>>[vector<16xi32>, vector<16xi32>], vector<16xf32>,
        %scan3A_244 = arith.constant 0 : i32
        scf.yield %scan3A_244 : i32
      }
      %scan3A_141 = arith.constant 64 : i32
      %iota3A_142 = tpu.iota {dimensions = array<i32: 0>} : vector<16xi32>
      %add3A_143 = arith.constant 48 : i32
      %add3A_144 = vector.broadcast %add3A_143 : i32 to vector<16xi32>
      %add3A_145 = arith.addi %iota3A_142, %add3A_144 : vector<16xi32>
      %get3A_146 = arith.constant 0 : i32
      %get3A_147 = arith.index_cast %get3A_146 : i32 to index
      %get3A_148 = arith.constant 48 : index
      %get3A_149 = tpu.vector_load %arg31[%get3A_147, %get3A_148] {strides = array<i32>} : memref<1x80xf32, #tpu.memory_space<vmem>>, vector<16xf32>,
      %scan3A_150 = arith.constant 0 : i32
      %scan3A_151 = arith.constant 0 : i32
      %scan3A_152 = arith.constant 64 : i32
      %scan3A_153 = arith.addi %scan3A_151, %scan3A_152 : i32
      %scan3A_154 = arith.constant 8 : i32
      %scan3A_155 = scf.for %scan3A_174 = %scan3A_151 to %scan3A_153 step %scan3A_154 iter_args(%scan3A_175 = %scan3A_150) -> (i32)  : i32 {
        %broadcast_in_dim3A_176 = arith.constant 0 : i32
        %broadcast_in_dim3A_177 = vector.broadcast %broadcast_in_dim3A_176 : i32 to vector<16xi32>
        %add3A_178 = vector.broadcast %scan3A_174 : i32 to vector<16xi32>
        %add3A_179 = arith.addi %broadcast_in_dim3A_177, %add3A_178 : vector<16xi32>
        %gather3A = tpu.vector_load_idx %arg30[%add3A_145, %add3A_179] : memref<80x64xf32, #tpu.memory_space<vmem>>[vector<16xi32>, vector<16xi32>], vector<16xf32>,
        %mul3A_180 = arith.mulf %gather3A, %get3A_149 : vector<16xf32>
        tpu.vector_store_idx %arg30[%add3A_145, %add3A_179], %mul3A_180 : memref<80x64xf32, #tpu.memory_space<vmem>>[vector<16xi32>, vector<16xi32>], vector<16xf32>,
        %scan3A_181 = arith.constant 0 : i32
        %scan3A_182 = arith.constant 1 : i32
        %scan3A_183 = arith.addi %scan3A_174, %scan3A_182 : i32
        %broadcast_in_dim3A_184 = arith.constant 0 : i32
        %broadcast_in_dim3A_185 = vector.broadcast %broadcast_in_dim3A_184 : i32 to vector<16xi32>
        %add3A_186 = vector.broadcast %scan3A_183 : i32 to vector<16xi32>
        %add3A_187 = arith.addi %broadcast_in_dim3A_185, %add3A_186 : vector<16xi32>
        %gather3A_188 = tpu.vector_load_idx %arg30[%add3A_145, %add3A_187] : memref<80x64xf32, #tpu.memory_space<vmem>>[vector<16xi32>, vector<16xi32>], vector<16xf32>,
        %mul3A_189 = arith.mulf %gather3A_188, %get3A_149 : vector<16xf32>
        tpu.vector_store_idx %arg30[%add3A_145, %add3A_187], %mul3A_189 : memref<80x64xf32, #tpu.memory_space<vmem>>[vector<16xi32>, vector<16xi32>], vector<16xf32>,
        %scan3A_190 = arith.constant 0 : i32
        %scan3A_191 = arith.constant 2 : i32
        %scan3A_192 = arith.addi %scan3A_174, %scan3A_191 : i32
        %broadcast_in_dim3A_193 = arith.constant 0 : i32
        %broadcast_in_dim3A_194 = vector.broadcast %broadcast_in_dim3A_193 : i32 to vector<16xi32>
        %add3A_195 = vector.broadcast %scan3A_192 : i32 to vector<16xi32>
        %add3A_196 = arith.addi %broadcast_in_dim3A_194, %add3A_195 : vector<16xi32>
        %gather3A_197 = tpu.vector_load_idx %arg30[%add3A_145, %add3A_196] : memref<80x64xf32, #tpu.memory_space<vmem>>[vector<16xi32>, vector<16xi32>], vector<16xf32>,
        %mul3A_198 = arith.mulf %gather3A_197, %get3A_149 : vector<16xf32>
        tpu.vector_store_idx %arg30[%add3A_145, %add3A_196], %mul3A_198 : memref<80x64xf32, #tpu.memory_space<vmem>>[vector<16xi32>, vector<16xi32>], vector<16xf32>,
        %scan3A_199 = arith.constant 0 : i32
        %scan3A_200 = arith.constant 3 : i32
        %scan3A_201 = arith.addi %scan3A_174, %scan3A_200 : i32
        %broadcast_in_dim3A_202 = arith.constant 0 : i32
        %broadcast_in_dim3A_203 = vector.broadcast %broadcast_in_dim3A_202 : i32 to vector<16xi32>
        %add3A_204 = vector.broadcast %scan3A_201 : i32 to vector<16xi32>
        %add3A_205 = arith.addi %broadcast_in_dim3A_203, %add3A_204 : vector<16xi32>
        %gather3A_206 = tpu.vector_load_idx %arg30[%add3A_145, %add3A_205] : memref<80x64xf32, #tpu.memory_space<vmem>>[vector<16xi32>, vector<16xi32>], vector<16xf32>,
        %mul3A_207 = arith.mulf %gather3A_206, %get3A_149 : vector<16xf32>
        tpu.vector_store_idx %arg30[%add3A_145, %add3A_205], %mul3A_207 : memref<80x64xf32, #tpu.memory_space<vmem>>[vector<16xi32>, vector<16xi32>], vector<16xf32>,
        %scan3A_208 = arith.constant 0 : i32
        %scan3A_209 = arith.constant 4 : i32
        %scan3A_210 = arith.addi %scan3A_174, %scan3A_209 : i32
        %broadcast_in_dim3A_211 = arith.constant 0 : i32
        %broadcast_in_dim3A_212 = vector.broadcast %broadcast_in_dim3A_211 : i32 to vector<16xi32>
        %add3A_213 = vector.broadcast %scan3A_210 : i32 to vector<16xi32>
        %add3A_214 = arith.addi %broadcast_in_dim3A_212, %add3A_213 : vector<16xi32>
        %gather3A_215 = tpu.vector_load_idx %arg30[%add3A_145, %add3A_214] : memref<80x64xf32, #tpu.memory_space<vmem>>[vector<16xi32>, vector<16xi32>], vector<16xf32>,
        %mul3A_216 = arith.mulf %gather3A_215, %get3A_149 : vector<16xf32>
        tpu.vector_store_idx %arg30[%add3A_145, %add3A_214], %mul3A_216 : memref<80x64xf32, #tpu.memory_space<vmem>>[vector<16xi32>, vector<16xi32>], vector<16xf32>,
        %scan3A_217 = arith.constant 0 : i32
        %scan3A_218 = arith.constant 5 : i32
        %scan3A_219 = arith.addi %scan3A_174, %scan3A_218 : i32
        %broadcast_in_dim3A_220 = arith.constant 0 : i32
        %broadcast_in_dim3A_221 = vector.broadcast %broadcast_in_dim3A_220 : i32 to vector<16xi32>
        %add3A_222 = vector.broadcast %scan3A_219 : i32 to vector<16xi32>
        %add3A_223 = arith.addi %broadcast_in_dim3A_221, %add3A_222 : vector<16xi32>
        %gather3A_224 = tpu.vector_load_idx %arg30[%add3A_145, %add3A_223] : memref<80x64xf32, #tpu.memory_space<vmem>>[vector<16xi32>, vector<16xi32>], vector<16xf32>,
        %mul3A_225 = arith.mulf %gather3A_224, %get3A_149 : vector<16xf32>
        tpu.vector_store_idx %arg30[%add3A_145, %add3A_223], %mul3A_225 : memref<80x64xf32, #tpu.memory_space<vmem>>[vector<16xi32>, vector<16xi32>], vector<16xf32>,
        %scan3A_226 = arith.constant 0 : i32
        %scan3A_227 = arith.constant 6 : i32
        %scan3A_228 = arith.addi %scan3A_174, %scan3A_227 : i32
        %broadcast_in_dim3A_229 = arith.constant 0 : i32
        %broadcast_in_dim3A_230 = vector.broadcast %broadcast_in_dim3A_229 : i32 to vector<16xi32>
        %add3A_231 = vector.broadcast %scan3A_228 : i32 to vector<16xi32>
        %add3A_232 = arith.addi %broadcast_in_dim3A_230, %add3A_231 : vector<16xi32>
        %gather3A_233 = tpu.vector_load_idx %arg30[%add3A_145, %add3A_232] : memref<80x64xf32, #tpu.memory_space<vmem>>[vector<16xi32>, vector<16xi32>], vector<16xf32>,
        %mul3A_234 = arith.mulf %gather3A_233, %get3A_149 : vector<16xf32>
        tpu.vector_store_idx %arg30[%add3A_145, %add3A_232], %mul3A_234 : memref<80x64xf32, #tpu.memory_space<vmem>>[vector<16xi32>, vector<16xi32>], vector<16xf32>,
        %scan3A_235 = arith.constant 0 : i32
        %scan3A_236 = arith.constant 7 : i32
        %scan3A_237 = arith.addi %scan3A_174, %scan3A_236 : i32
        %broadcast_in_dim3A_238 = arith.constant 0 : i32
        %broadcast_in_dim3A_239 = vector.broadcast %broadcast_in_dim3A_238 : i32 to vector<16xi32>
        %add3A_240 = vector.broadcast %scan3A_237 : i32 to vector<16xi32>
        %add3A_241 = arith.addi %broadcast_in_dim3A_239, %add3A_240 : vector<16xi32>
        %gather3A_242 = tpu.vector_load_idx %arg30[%add3A_145, %add3A_241] : memref<80x64xf32, #tpu.memory_space<vmem>>[vector<16xi32>, vector<16xi32>], vector<16xf32>,
        %mul3A_243 = arith.mulf %gather3A_242, %get3A_149 : vector<16xf32>
        tpu.vector_store_idx %arg30[%add3A_145, %add3A_241], %mul3A_243 : memref<80x64xf32, #tpu.memory_space<vmem>>[vector<16xi32>, vector<16xi32>], vector<16xf32>,
        %scan3A_244 = arith.constant 0 : i32
        scf.yield %scan3A_244 : i32
      }
      %scan3A_156 = arith.constant 64 : i32
      %iota3A_157 = tpu.iota {dimensions = array<i32: 0>} : vector<16xi32>
      %add3A_158 = arith.constant 64 : i32
      %add3A_159 = vector.broadcast %add3A_158 : i32 to vector<16xi32>
      %add3A_160 = arith.addi %iota3A_157, %add3A_159 : vector<16xi32>
      %get3A_161 = arith.constant 0 : i32
      %get3A_162 = arith.index_cast %get3A_161 : i32 to index
      %get3A_163 = arith.constant 64 : index
      %get3A_164 = tpu.vector_load %arg31[%get3A_162, %get3A_163] {strides = array<i32>} : memref<1x80xf32, #tpu.memory_space<vmem>>, vector<16xf32>,
      %scan3A_165 = arith.constant 0 : i32
      %scan3A_166 = arith.constant 0 : i32
      %scan3A_167 = arith.constant 64 : i32
      %scan3A_168 = arith.addi %scan3A_166, %scan3A_167 : i32
      %scan3A_169 = arith.constant 8 : i32
      %scan3A_170 = scf.for %scan3A_174 = %scan3A_166 to %scan3A_168 step %scan3A_169 iter_args(%scan3A_175 = %scan3A_165) -> (i32)  : i32 {
        %broadcast_in_dim3A_176 = arith.constant 0 : i32
        %broadcast_in_dim3A_177 = vector.broadcast %broadcast_in_dim3A_176 : i32 to vector<16xi32>
        %add3A_178 = vector.broadcast %scan3A_174 : i32 to vector<16xi32>
        %add3A_179 = arith.addi %broadcast_in_dim3A_177, %add3A_178 : vector<16xi32>
        %gather3A = tpu.vector_load_idx %arg30[%add3A_160, %add3A_179] : memref<80x64xf32, #tpu.memory_space<vmem>>[vector<16xi32>, vector<16xi32>], vector<16xf32>,
        %mul3A_180 = arith.mulf %gather3A, %get3A_164 : vector<16xf32>
        tpu.vector_store_idx %arg30[%add3A_160, %add3A_179], %mul3A_180 : memref<80x64xf32, #tpu.memory_space<vmem>>[vector<16xi32>, vector<16xi32>], vector<16xf32>,
        %scan3A_181 = arith.constant 0 : i32
        %scan3A_182 = arith.constant 1 : i32
        %scan3A_183 = arith.addi %scan3A_174, %scan3A_182 : i32
        %broadcast_in_dim3A_184 = arith.constant 0 : i32
        %broadcast_in_dim3A_185 = vector.broadcast %broadcast_in_dim3A_184 : i32 to vector<16xi32>
        %add3A_186 = vector.broadcast %scan3A_183 : i32 to vector<16xi32>
        %add3A_187 = arith.addi %broadcast_in_dim3A_185, %add3A_186 : vector<16xi32>
        %gather3A_188 = tpu.vector_load_idx %arg30[%add3A_160, %add3A_187] : memref<80x64xf32, #tpu.memory_space<vmem>>[vector<16xi32>, vector<16xi32>], vector<16xf32>,
        %mul3A_189 = arith.mulf %gather3A_188, %get3A_164 : vector<16xf32>
        tpu.vector_store_idx %arg30[%add3A_160, %add3A_187], %mul3A_189 : memref<80x64xf32, #tpu.memory_space<vmem>>[vector<16xi32>, vector<16xi32>], vector<16xf32>,
        %scan3A_190 = arith.constant 0 : i32
        %scan3A_191 = arith.constant 2 : i32
        %scan3A_192 = arith.addi %scan3A_174, %scan3A_191 : i32
        %broadcast_in_dim3A_193 = arith.constant 0 : i32
        %broadcast_in_dim3A_194 = vector.broadcast %broadcast_in_dim3A_193 : i32 to vector<16xi32>
        %add3A_195 = vector.broadcast %scan3A_192 : i32 to vector<16xi32>
        %add3A_196 = arith.addi %broadcast_in_dim3A_194, %add3A_195 : vector<16xi32>
        %gather3A_197 = tpu.vector_load_idx %arg30[%add3A_160, %add3A_196] : memref<80x64xf32, #tpu.memory_space<vmem>>[vector<16xi32>, vector<16xi32>], vector<16xf32>,
        %mul3A_198 = arith.mulf %gather3A_197, %get3A_164 : vector<16xf32>
        tpu.vector_store_idx %arg30[%add3A_160, %add3A_196], %mul3A_198 : memref<80x64xf32, #tpu.memory_space<vmem>>[vector<16xi32>, vector<16xi32>], vector<16xf32>,
        %scan3A_199 = arith.constant 0 : i32
        %scan3A_200 = arith.constant 3 : i32
        %scan3A_201 = arith.addi %scan3A_174, %scan3A_200 : i32
        %broadcast_in_dim3A_202 = arith.constant 0 : i32
        %broadcast_in_dim3A_203 = vector.broadcast %broadcast_in_dim3A_202 : i32 to vector<16xi32>
        %add3A_204 = vector.broadcast %scan3A_201 : i32 to vector<16xi32>
        %add3A_205 = arith.addi %broadcast_in_dim3A_203, %add3A_204 : vector<16xi32>
        %gather3A_206 = tpu.vector_load_idx %arg30[%add3A_160, %add3A_205] : memref<80x64xf32, #tpu.memory_space<vmem>>[vector<16xi32>, vector<16xi32>], vector<16xf32>,
        %mul3A_207 = arith.mulf %gather3A_206, %get3A_164 : vector<16xf32>
        tpu.vector_store_idx %arg30[%add3A_160, %add3A_205], %mul3A_207 : memref<80x64xf32, #tpu.memory_space<vmem>>[vector<16xi32>, vector<16xi32>], vector<16xf32>,
        %scan3A_208 = arith.constant 0 : i32
        %scan3A_209 = arith.constant 4 : i32
        %scan3A_210 = arith.addi %scan3A_174, %scan3A_209 : i32
        %broadcast_in_dim3A_211 = arith.constant 0 : i32
        %broadcast_in_dim3A_212 = vector.broadcast %broadcast_in_dim3A_211 : i32 to vector<16xi32>
        %add3A_213 = vector.broadcast %scan3A_210 : i32 to vector<16xi32>
        %add3A_214 = arith.addi %broadcast_in_dim3A_212, %add3A_213 : vector<16xi32>
        %gather3A_215 = tpu.vector_load_idx %arg30[%add3A_160, %add3A_214] : memref<80x64xf32, #tpu.memory_space<vmem>>[vector<16xi32>, vector<16xi32>], vector<16xf32>,
        %mul3A_216 = arith.mulf %gather3A_215, %get3A_164 : vector<16xf32>
        tpu.vector_store_idx %arg30[%add3A_160, %add3A_214], %mul3A_216 : memref<80x64xf32, #tpu.memory_space<vmem>>[vector<16xi32>, vector<16xi32>], vector<16xf32>,
        %scan3A_217 = arith.constant 0 : i32
        %scan3A_218 = arith.constant 5 : i32
        %scan3A_219 = arith.addi %scan3A_174, %scan3A_218 : i32
        %broadcast_in_dim3A_220 = arith.constant 0 : i32
        %broadcast_in_dim3A_221 = vector.broadcast %broadcast_in_dim3A_220 : i32 to vector<16xi32>
        %add3A_222 = vector.broadcast %scan3A_219 : i32 to vector<16xi32>
        %add3A_223 = arith.addi %broadcast_in_dim3A_221, %add3A_222 : vector<16xi32>
        %gather3A_224 = tpu.vector_load_idx %arg30[%add3A_160, %add3A_223] : memref<80x64xf32, #tpu.memory_space<vmem>>[vector<16xi32>, vector<16xi32>], vector<16xf32>,
        %mul3A_225 = arith.mulf %gather3A_224, %get3A_164 : vector<16xf32>
        tpu.vector_store_idx %arg30[%add3A_160, %add3A_223], %mul3A_225 : memref<80x64xf32, #tpu.memory_space<vmem>>[vector<16xi32>, vector<16xi32>], vector<16xf32>,
        %scan3A_226 = arith.constant 0 : i32
        %scan3A_227 = arith.constant 6 : i32
        %scan3A_228 = arith.addi %scan3A_174, %scan3A_227 : i32
        %broadcast_in_dim3A_229 = arith.constant 0 : i32
        %broadcast_in_dim3A_230 = vector.broadcast %broadcast_in_dim3A_229 : i32 to vector<16xi32>
        %add3A_231 = vector.broadcast %scan3A_228 : i32 to vector<16xi32>
        %add3A_232 = arith.addi %broadcast_in_dim3A_230, %add3A_231 : vector<16xi32>
        %gather3A_233 = tpu.vector_load_idx %arg30[%add3A_160, %add3A_232] : memref<80x64xf32, #tpu.memory_space<vmem>>[vector<16xi32>, vector<16xi32>], vector<16xf32>,
        %mul3A_234 = arith.mulf %gather3A_233, %get3A_164 : vector<16xf32>
        tpu.vector_store_idx %arg30[%add3A_160, %add3A_232], %mul3A_234 : memref<80x64xf32, #tpu.memory_space<vmem>>[vector<16xi32>, vector<16xi32>], vector<16xf32>,
        %scan3A_235 = arith.constant 0 : i32
        %scan3A_236 = arith.constant 7 : i32
        %scan3A_237 = arith.addi %scan3A_174, %scan3A_236 : i32
        %broadcast_in_dim3A_238 = arith.constant 0 : i32
        %broadcast_in_dim3A_239 = vector.broadcast %broadcast_in_dim3A_238 : i32 to vector<16xi32>
        %add3A_240 = vector.broadcast %scan3A_237 : i32 to vector<16xi32>
        %add3A_241 = arith.addi %broadcast_in_dim3A_239, %add3A_240 : vector<16xi32>
        %gather3A_242 = tpu.vector_load_idx %arg30[%add3A_160, %add3A_241] : memref<80x64xf32, #tpu.memory_space<vmem>>[vector<16xi32>, vector<16xi32>], vector<16xf32>,
        %mul3A_243 = arith.mulf %gather3A_242, %get3A_164 : vector<16xf32>
        tpu.vector_store_idx %arg30[%add3A_160, %add3A_241], %mul3A_243 : memref<80x64xf32, #tpu.memory_space<vmem>>[vector<16xi32>, vector<16xi32>], vector<16xf32>,
        %scan3A_244 = arith.constant 0 : i32
        scf.yield %scan3A_244 : i32
      }
      %scan3A_171 = arith.constant 64 : i32
      %run_scoped3A_172 = arith.constant 0 : i32
      "tpu.region"() ({
        %run_scoped3A_174 = tpu.sem_alloc : memref<!tpu.dma_semaphore, #tpu.memory_space<semaphore_mem>>
        %dma_start3A = arith.constant 0 : i32
        %dma_start3A_175 = tpu.memref_slice %arg27[%run_scoped3A_172, %dma_start3A] : memref<1x80xi32, #tpu.memory_space<vmem>> -> memref<1x80xi32, #tpu.memory_space<vmem>>
        %dma_start3A_176 = tpu.memref_squeeze %dma_start3A_175 : memref<1x80xi32, #tpu.memory_space<vmem>> -> memref<80xi32, #tpu.memory_space<vmem>>
        %dma_start3A_177 = arith.constant 0 : i32
        %dma_start3A_178 = arith.constant 0 : i32
        %dma_start3A_179 = tpu.memref_slice %arg35[%dma_start3A_177, %dma_start3A_178] : memref<10000x64xf32, #tpu.memory_space<vmem_shared>> -> memref<10000x64xf32, #tpu.memory_space<vmem_shared>>
        tpu.enqueue_indirect_dma source(%arg30 : memref<80x64xf32, #tpu.memory_space<vmem>>) target(%dma_start3A_179 : memref<10000x64xf32, #tpu.memory_space<vmem_shared>>) offsets(%dma_start3A_176 : memref<80xi32, #tpu.memory_space<vmem>>) semaphore(%run_scoped3A_174 : memref<!tpu.dma_semaphore, #tpu.memory_space<semaphore_mem>>) {add = true}
        %dma_wait3A = arith.constant 0 : i32
        %dma_wait3A_180 = tpu.memref_slice %arg27[%run_scoped3A_172, %dma_wait3A] : memref<1x80xi32, #tpu.memory_space<vmem>> -> memref<1x80xi32, #tpu.memory_space<vmem>>
        %dma_wait3A_181 = tpu.memref_squeeze %dma_wait3A_180 : memref<1x80xi32, #tpu.memory_space<vmem>> -> memref<80xi32, #tpu.memory_space<vmem>>
        %dma_wait3A_182 = arith.constant 0 : i32
        %dma_wait3A_183 = arith.constant 0 : i32
        %dma_wait3A_184 = tpu.memref_slice %arg35[%dma_wait3A_182, %dma_wait3A_183] : memref<10000x64xf32, #tpu.memory_space<vmem_shared>> -> memref<10000x64xf32, #tpu.memory_space<vmem_shared>>
        tpu.wait_indirect_dma semaphore(%run_scoped3A_174 : memref<!tpu.dma_semaphore, #tpu.memory_space<semaphore_mem>>) src(%arg30 : memref<80x64xf32, #tpu.memory_space<vmem>>) dst(%dma_wait3A_184 : memref<10000x64xf32, #tpu.memory_space<vmem_shared>>)
        tpu.yield
      }) : () -> ()
      %scan3A_173 = arith.constant 0 : i32
      scf.yield %scan3A_173 : i32
    }
    %scan3A_60 = arith.constant 125 : i32
    %barrier3A_61 = arith.constant 0 : index
    tpu.barrier barrier_id(%barrier3A_61)
    %eq3A_62 = arith.constant 0 : i32
    %eq3A_63 = arith.cmpi eq, %arg1, %eq3A_62 : i32
    %convert_element_type3A_64 = arith.extui %eq3A_63 : i1 to i32
    %cond3A_65 = arith.constant 0 : i32
    %cond3A_66 = arith.cmpi ne, %convert_element_type3A_64, %cond3A_65 : i32
    scf.if %cond3A_66 {
      "tpu.region"() ({
        %run_scoped3A = tpu.sem_alloc : memref<!tpu.dma_semaphore, #tpu.memory_space<semaphore_mem>>
        %dma_start3A = arith.constant 0 : i32
        %dma_start3A_90 = arith.constant 0 : i32
        %dma_start3A_91 = tpu.memref_slice %arg15[%arg0, %dma_start3A, %dma_start3A_90] : memref<2x10000x64xf32, #tpu.memory_space<hbm>> -> memref<1x10000x64xf32, #tpu.memory_space<hbm>>
        %dma_start3A_92 = tpu.memref_squeeze %dma_start3A_91 : memref<1x10000x64xf32, #tpu.memory_space<hbm>> -> memref<10000x64xf32, #tpu.memory_space<hbm>>
        tpu.enqueue_dma source(%arg35 : memref<10000x64xf32, #tpu.memory_space<vmem_shared>>) target(%dma_start3A_92 : memref<10000x64xf32, #tpu.memory_space<hbm>>) target_semaphore(%run_scoped3A : memref<!tpu.dma_semaphore, #tpu.memory_space<semaphore_mem>>)
        %dma_wait3A = arith.constant 0 : i32
        %dma_wait3A_93 = arith.constant 0 : i32
        %dma_wait3A_94 = tpu.memref_slice %arg15[%arg0, %dma_wait3A, %dma_wait3A_93] : memref<2x10000x64xf32, #tpu.memory_space<hbm>> -> memref<1x10000x64xf32, #tpu.memory_space<hbm>>
        %dma_wait3A_95 = tpu.memref_squeeze %dma_wait3A_94 : memref<1x10000x64xf32, #tpu.memory_space<hbm>> -> memref<10000x64xf32, #tpu.memory_space<hbm>>
        tpu.wait_dma2 semaphore(%run_scoped3A : memref<!tpu.dma_semaphore, #tpu.memory_space<semaphore_mem>>) src(%arg35 : memref<10000x64xf32, #tpu.memory_space<vmem_shared>>) dst(%dma_wait3A_95 : memref<10000x64xf32, #tpu.memory_space<hbm>>)
        tpu.yield
      }) : () -> ()
    } else {
    }
    %barrier3A_67 = arith.constant 0 : index
    tpu.barrier barrier_id(%barrier3A_67)
    %scan3A_68 = arith.constant 0 : i32
    %scan3A_69 = arith.constant 0 : i32
    %scan3A_70 = arith.constant 5 : i32
    %scan3A_71 = arith.addi %scan3A_69, %scan3A_70 : i32
    %scan3A_72 = arith.constant 1 : i32
    %scan3A_73 = scf.for %scan3A_90 = %scan3A_69 to %scan3A_71 step %scan3A_72 iter_args(%scan3A_91 = %scan3A_68) -> (i32)  : i32 {
      %mul3A_92 = arith.constant 625 : i32
      %mul3A_93 = arith.muli %arg1, %mul3A_92 : i32
      %mul3A_94 = arith.constant 125 : i32
      %mul3A_95 = arith.muli %scan3A_90, %mul3A_94 : i32
      %add3A_96 = arith.addi %mul3A_93, %mul3A_95 : i32
      "tpu.region"() ({
        %run_scoped3A = tpu.sem_alloc : memref<!tpu.dma_semaphore, #tpu.memory_space<semaphore_mem>>
        %dma_start3A = arith.constant 0 : i32
        %dma_start3A_98 = tpu.memref_slice %arg35[%add3A_96, %dma_start3A] : memref<10000x64xf32, #tpu.memory_space<vmem_shared>> -> memref<125x64xf32, #tpu.memory_space<vmem_shared>>
        %dma_start3A_99 = arith.constant 0 : i32
        %dma_start3A_100 = tpu.memref_slice %arg35[%add3A_96, %dma_start3A_99] : memref<10000x64xf32, #tpu.memory_space<vmem_shared>> -> memref<125x64xf32, #tpu.memory_space<vmem_shared>>
        tpu.enqueue_dma source(%arg33 : memref<125x64xf32, #tpu.memory_space<vmem>>) target(%dma_start3A_100 : memref<125x64xf32, #tpu.memory_space<vmem_shared>>) target_semaphore(%run_scoped3A : memref<!tpu.dma_semaphore, #tpu.memory_space<semaphore_mem>>)
        %dma_wait3A = arith.constant 0 : i32
        %dma_wait3A_101 = tpu.memref_slice %arg35[%add3A_96, %dma_wait3A] : memref<10000x64xf32, #tpu.memory_space<vmem_shared>> -> memref<125x64xf32, #tpu.memory_space<vmem_shared>>
        %dma_wait3A_102 = arith.constant 0 : i32
        %dma_wait3A_103 = tpu.memref_slice %arg35[%add3A_96, %dma_wait3A_102] : memref<10000x64xf32, #tpu.memory_space<vmem_shared>> -> memref<125x64xf32, #tpu.memory_space<vmem_shared>>
        tpu.wait_dma2 semaphore(%run_scoped3A : memref<!tpu.dma_semaphore, #tpu.memory_space<semaphore_mem>>) src(%arg33 : memref<125x64xf32, #tpu.memory_space<vmem>>) dst(%dma_wait3A_103 : memref<125x64xf32, #tpu.memory_space<vmem_shared>>)
        tpu.yield
      }) : () -> ()
      %scan3A_97 = arith.constant 0 : i32
      scf.yield %scan3A_97 : i32
    }
    %scan3A_74 = arith.constant 5 : i32
    %barrier3A_75 = arith.constant 0 : index
    tpu.barrier barrier_id(%barrier3A_75)
    %scan3A_76 = arith.constant 0 : i32
    %scan3A_77 = arith.constant 0 : i32
    %scan3A_78 = arith.constant 125 : i32
    %scan3A_79 = arith.addi %scan3A_77, %scan3A_78 : i32
    %scan3A_80 = arith.constant 1 : i32
    %scan3A_81 = scf.for %scan3A_90 = %scan3A_77 to %scan3A_79 step %scan3A_80 iter_args(%scan3A_91 = %scan3A_76) -> (i32)  : i32 {
      %mul3A_92 = arith.constant 80 : i32
      %mul3A_93 = arith.muli %scan3A_90, %mul3A_92 : i32
      %add3A_94 = arith.addi %mul3A_2, %mul3A_93 : i32
      %run_scoped3A = arith.constant 0 : i32
      "tpu.region"() ({
        %run_scoped3A_174 = tpu.sem_alloc : memref<!tpu.dma_semaphore, #tpu.memory_space<semaphore_mem>>
        %dma_start3A = arith.constant 0 : i32
        %dma_start3A_175 = tpu.memref_slice %arg26[%run_scoped3A, %dma_start3A] : memref<1x80xi32, #tpu.memory_space<vmem>> -> memref<1x80xi32, #tpu.memory_space<vmem>>
        %dma_start3A_176 = tpu.memref_squeeze %dma_start3A_175 : memref<1x80xi32, #tpu.memory_space<vmem>> -> memref<80xi32, #tpu.memory_space<vmem>>
        %dma_start3A_177 = tpu.memref_slice %arg2[%add3A_94] : memref<320000xi32, #tpu.memory_space<hbm>> -> memref<80xi32, #tpu.memory_space<hbm>>
        %dma_start3A_178 = arith.constant 0 : i32
        %dma_start3A_179 = tpu.memref_slice %arg26[%run_scoped3A, %dma_start3A_178] : memref<1x80xi32, #tpu.memory_space<vmem>> -> memref<1x80xi32, #tpu.memory_space<vmem>>
        %dma_start3A_180 = tpu.memref_squeeze %dma_start3A_179 : memref<1x80xi32, #tpu.memory_space<vmem>> -> memref<80xi32, #tpu.memory_space<vmem>>
        %dma_start3A_181 = tpu.memref_slice %arg2[%add3A_94] : memref<320000xi32, #tpu.memory_space<hbm>> -> memref<80xi32, #tpu.memory_space<hbm>>
        tpu.enqueue_dma source(%dma_start3A_181 : memref<80xi32, #tpu.memory_space<hbm>>) target(%dma_start3A_180 : memref<80xi32, #tpu.memory_space<vmem>>) target_semaphore(%run_scoped3A_174 : memref<!tpu.dma_semaphore, #tpu.memory_space<semaphore_mem>>)
        %dma_wait3A = arith.constant 0 : i32
        %dma_wait3A_182 = tpu.memref_slice %arg26[%run_scoped3A, %dma_wait3A] : memref<1x80xi32, #tpu.memory_space<vmem>> -> memref<1x80xi32, #tpu.memory_space<vmem>>
        %dma_wait3A_183 = tpu.memref_squeeze %dma_wait3A_182 : memref<1x80xi32, #tpu.memory_space<vmem>> -> memref<80xi32, #tpu.memory_space<vmem>>
        %dma_wait3A_184 = tpu.memref_slice %arg2[%add3A_94] : memref<320000xi32, #tpu.memory_space<hbm>> -> memref<80xi32, #tpu.memory_space<hbm>>
        %dma_wait3A_185 = arith.constant 0 : i32
        %dma_wait3A_186 = tpu.memref_slice %arg26[%run_scoped3A, %dma_wait3A_185] : memref<1x80xi32, #tpu.memory_space<vmem>> -> memref<1x80xi32, #tpu.memory_space<vmem>>
        %dma_wait3A_187 = tpu.memref_squeeze %dma_wait3A_186 : memref<1x80xi32, #tpu.memory_space<vmem>> -> memref<80xi32, #tpu.memory_space<vmem>>
        %dma_wait3A_188 = tpu.memref_slice %arg2[%add3A_94] : memref<320000xi32, #tpu.memory_space<hbm>> -> memref<80xi32, #tpu.memory_space<hbm>>
        tpu.wait_dma2 semaphore(%run_scoped3A_174 : memref<!tpu.dma_semaphore, #tpu.memory_space<semaphore_mem>>) src(%dma_wait3A_188 : memref<80xi32, #tpu.memory_space<hbm>>) dst(%dma_wait3A_187 : memref<80xi32, #tpu.memory_space<vmem>>)
        tpu.yield
      }) : () -> ()
      %run_scoped3A_95 = arith.constant 0 : i32
      "tpu.region"() ({
        %run_scoped3A_174 = tpu.sem_alloc : memref<!tpu.dma_semaphore, #tpu.memory_space<semaphore_mem>>
        %dma_start3A = arith.constant 0 : i32
        %dma_start3A_175 = tpu.memref_slice %arg27[%run_scoped3A_95, %dma_start3A] : memref<1x80xi32, #tpu.memory_space<vmem>> -> memref<1x80xi32, #tpu.memory_space<vmem>>
        %dma_start3A_176 = tpu.memref_squeeze %dma_start3A_175 : memref<1x80xi32, #tpu.memory_space<vmem>> -> memref<80xi32, #tpu.memory_space<vmem>>
        %dma_start3A_177 = tpu.memref_slice %arg3[%add3A_94] : memref<320000xi32, #tpu.memory_space<hbm>> -> memref<80xi32, #tpu.memory_space<hbm>>
        %dma_start3A_178 = arith.constant 0 : i32
        %dma_start3A_179 = tpu.memref_slice %arg27[%run_scoped3A_95, %dma_start3A_178] : memref<1x80xi32, #tpu.memory_space<vmem>> -> memref<1x80xi32, #tpu.memory_space<vmem>>
        %dma_start3A_180 = tpu.memref_squeeze %dma_start3A_179 : memref<1x80xi32, #tpu.memory_space<vmem>> -> memref<80xi32, #tpu.memory_space<vmem>>
        %dma_start3A_181 = tpu.memref_slice %arg3[%add3A_94] : memref<320000xi32, #tpu.memory_space<hbm>> -> memref<80xi32, #tpu.memory_space<hbm>>
        tpu.enqueue_dma source(%dma_start3A_181 : memref<80xi32, #tpu.memory_space<hbm>>) target(%dma_start3A_180 : memref<80xi32, #tpu.memory_space<vmem>>) target_semaphore(%run_scoped3A_174 : memref<!tpu.dma_semaphore, #tpu.memory_space<semaphore_mem>>)
        %dma_wait3A = arith.constant 0 : i32
        %dma_wait3A_182 = tpu.memref_slice %arg27[%run_scoped3A_95, %dma_wait3A] : memref<1x80xi32, #tpu.memory_space<vmem>> -> memref<1x80xi32, #tpu.memory_space<vmem>>
        %dma_wait3A_183 = tpu.memref_squeeze %dma_wait3A_182 : memref<1x80xi32, #tpu.memory_space<vmem>> -> memref<80xi32, #tpu.memory_space<vmem>>
        %dma_wait3A_184 = tpu.memref_slice %arg3[%add3A_94] : memref<320000xi32, #tpu.memory_space<hbm>> -> memref<80xi32, #tpu.memory_space<hbm>>
        %dma_wait3A_185 = arith.constant 0 : i32
        %dma_wait3A_186 = tpu.memref_slice %arg27[%run_scoped3A_95, %dma_wait3A_185] : memref<1x80xi32, #tpu.memory_space<vmem>> -> memref<1x80xi32, #tpu.memory_space<vmem>>
        %dma_wait3A_187 = tpu.memref_squeeze %dma_wait3A_186 : memref<1x80xi32, #tpu.memory_space<vmem>> -> memref<80xi32, #tpu.memory_space<vmem>>
        %dma_wait3A_188 = tpu.memref_slice %arg3[%add3A_94] : memref<320000xi32, #tpu.memory_space<hbm>> -> memref<80xi32, #tpu.memory_space<hbm>>
        tpu.wait_dma2 semaphore(%run_scoped3A_174 : memref<!tpu.dma_semaphore, #tpu.memory_space<semaphore_mem>>) src(%dma_wait3A_188 : memref<80xi32, #tpu.memory_space<hbm>>) dst(%dma_wait3A_187 : memref<80xi32, #tpu.memory_space<vmem>>)
        tpu.yield
      }) : () -> ()
      %run_scoped3A_96 = arith.constant 0 : i32
      "tpu.region"() ({
        %run_scoped3A_174 = tpu.sem_alloc : memref<!tpu.dma_semaphore, #tpu.memory_space<semaphore_mem>>
        %dma_start3A = arith.constant 0 : i32
        %dma_start3A_175 = tpu.memref_slice %arg31[%run_scoped3A_96, %dma_start3A] : memref<1x80xf32, #tpu.memory_space<vmem>> -> memref<1x80xf32, #tpu.memory_space<vmem>>
        %dma_start3A_176 = tpu.memref_squeeze %dma_start3A_175 : memref<1x80xf32, #tpu.memory_space<vmem>> -> memref<80xf32, #tpu.memory_space<vmem>>
        %dma_start3A_177 = tpu.memref_slice %arg19[%add3A_94] : memref<320000xf32, #tpu.memory_space<hbm>> -> memref<80xf32, #tpu.memory_space<hbm>>
        %dma_start3A_178 = arith.constant 0 : i32
        %dma_start3A_179 = tpu.memref_slice %arg31[%run_scoped3A_96, %dma_start3A_178] : memref<1x80xf32, #tpu.memory_space<vmem>> -> memref<1x80xf32, #tpu.memory_space<vmem>>
        %dma_start3A_180 = tpu.memref_squeeze %dma_start3A_179 : memref<1x80xf32, #tpu.memory_space<vmem>> -> memref<80xf32, #tpu.memory_space<vmem>>
        %dma_start3A_181 = tpu.memref_slice %arg19[%add3A_94] : memref<320000xf32, #tpu.memory_space<hbm>> -> memref<80xf32, #tpu.memory_space<hbm>>
        tpu.enqueue_dma source(%dma_start3A_181 : memref<80xf32, #tpu.memory_space<hbm>>) target(%dma_start3A_180 : memref<80xf32, #tpu.memory_space<vmem>>) target_semaphore(%run_scoped3A_174 : memref<!tpu.dma_semaphore, #tpu.memory_space<semaphore_mem>>)
        %dma_wait3A = arith.constant 0 : i32
        %dma_wait3A_182 = tpu.memref_slice %arg31[%run_scoped3A_96, %dma_wait3A] : memref<1x80xf32, #tpu.memory_space<vmem>> -> memref<1x80xf32, #tpu.memory_space<vmem>>
        %dma_wait3A_183 = tpu.memref_squeeze %dma_wait3A_182 : memref<1x80xf32, #tpu.memory_space<vmem>> -> memref<80xf32, #tpu.memory_space<vmem>>
        %dma_wait3A_184 = tpu.memref_slice %arg19[%add3A_94] : memref<320000xf32, #tpu.memory_space<hbm>> -> memref<80xf32, #tpu.memory_space<hbm>>
        %dma_wait3A_185 = arith.constant 0 : i32
        %dma_wait3A_186 = tpu.memref_slice %arg31[%run_scoped3A_96, %dma_wait3A_185] : memref<1x80xf32, #tpu.memory_space<vmem>> -> memref<1x80xf32, #tpu.memory_space<vmem>>
        %dma_wait3A_187 = tpu.memref_squeeze %dma_wait3A_186 : memref<1x80xf32, #tpu.memory_space<vmem>> -> memref<80xf32, #tpu.memory_space<vmem>>
        %dma_wait3A_188 = tpu.memref_slice %arg19[%add3A_94] : memref<320000xf32, #tpu.memory_space<hbm>> -> memref<80xf32, #tpu.memory_space<hbm>>
        tpu.wait_dma2 semaphore(%run_scoped3A_174 : memref<!tpu.dma_semaphore, #tpu.memory_space<semaphore_mem>>) src(%dma_wait3A_188 : memref<80xf32, #tpu.memory_space<hbm>>) dst(%dma_wait3A_187 : memref<80xf32, #tpu.memory_space<vmem>>)
        tpu.yield
      }) : () -> ()
      %run_scoped3A_97 = arith.constant 0 : i32
      "tpu.region"() ({
        %run_scoped3A_174 = tpu.sem_alloc : memref<!tpu.dma_semaphore, #tpu.memory_space<semaphore_mem>>
        %dma_start3A = arith.constant 0 : i32
        %dma_start3A_175 = tpu.memref_slice %arg26[%run_scoped3A_97, %dma_start3A] : memref<1x80xi32, #tpu.memory_space<vmem>> -> memref<1x80xi32, #tpu.memory_space<vmem>>
        %dma_start3A_176 = tpu.memref_squeeze %dma_start3A_175 : memref<1x80xi32, #tpu.memory_space<vmem>> -> memref<80xi32, #tpu.memory_space<vmem>>
        %dma_start3A_177 = arith.constant 0 : i32
        %dma_start3A_178 = arith.constant 0 : i32
        %dma_start3A_179 = tpu.memref_slice %arg12[%dma_start3A_177, %dma_start3A_178] : memref<10000x64xf32, #tpu.memory_space<hbm>> -> memref<10000x64xf32, #tpu.memory_space<hbm>>
        tpu.enqueue_indirect_dma source(%dma_start3A_179 : memref<10000x64xf32, #tpu.memory_space<hbm>>) target(%arg30 : memref<80x64xf32, #tpu.memory_space<vmem>>) offsets(%dma_start3A_176 : memref<80xi32, #tpu.memory_space<vmem>>) semaphore(%run_scoped3A_174 : memref<!tpu.dma_semaphore, #tpu.memory_space<semaphore_mem>>)
        %dma_wait3A = arith.constant 0 : i32
        %dma_wait3A_180 = tpu.memref_slice %arg26[%run_scoped3A_97, %dma_wait3A] : memref<1x80xi32, #tpu.memory_space<vmem>> -> memref<1x80xi32, #tpu.memory_space<vmem>>
        %dma_wait3A_181 = tpu.memref_squeeze %dma_wait3A_180 : memref<1x80xi32, #tpu.memory_space<vmem>> -> memref<80xi32, #tpu.memory_space<vmem>>
        %dma_wait3A_182 = arith.constant 0 : i32
        %dma_wait3A_183 = arith.constant 0 : i32
        %dma_wait3A_184 = tpu.memref_slice %arg12[%dma_wait3A_182, %dma_wait3A_183] : memref<10000x64xf32, #tpu.memory_space<hbm>> -> memref<10000x64xf32, #tpu.memory_space<hbm>>
        tpu.wait_indirect_dma semaphore(%run_scoped3A_174 : memref<!tpu.dma_semaphore, #tpu.memory_space<semaphore_mem>>) src(%dma_wait3A_184 : memref<10000x64xf32, #tpu.memory_space<hbm>>) dst(%arg30 : memref<80x64xf32, #tpu.memory_space<vmem>>)
        tpu.yield
      }) : () -> ()
      %iota3A = tpu.iota {dimensions = array<i32: 0>} : vector<16xi32>
      %add3A_98 = arith.constant 0 : i32
      %add3A_99 = vector.broadcast %add3A_98 : i32 to vector<16xi32>
      %add3A_100 = arith.addi %iota3A, %add3A_99 : vector<16xi32>
      %get3A_101 = arith.constant 0 : i32
      %get3A_102 = arith.index_cast %get3A_101 : i32 to index
      %get3A_103 = arith.constant 0 : index
      %get3A_104 = tpu.vector_load %arg31[%get3A_102, %get3A_103] {strides = array<i32>} : memref<1x80xf32, #tpu.memory_space<vmem>>, vector<16xf32>,
      %scan3A_105 = arith.constant 0 : i32
      %scan3A_106 = arith.constant 0 : i32
      %scan3A_107 = arith.constant 64 : i32
      %scan3A_108 = arith.addi %scan3A_106, %scan3A_107 : i32
      %scan3A_109 = arith.constant 8 : i32
      %scan3A_110 = scf.for %scan3A_174 = %scan3A_106 to %scan3A_108 step %scan3A_109 iter_args(%scan3A_175 = %scan3A_105) -> (i32)  : i32 {
        %broadcast_in_dim3A_176 = arith.constant 0 : i32
        %broadcast_in_dim3A_177 = vector.broadcast %broadcast_in_dim3A_176 : i32 to vector<16xi32>
        %add3A_178 = vector.broadcast %scan3A_174 : i32 to vector<16xi32>
        %add3A_179 = arith.addi %broadcast_in_dim3A_177, %add3A_178 : vector<16xi32>
        %gather3A = tpu.vector_load_idx %arg30[%add3A_100, %add3A_179] : memref<80x64xf32, #tpu.memory_space<vmem>>[vector<16xi32>, vector<16xi32>], vector<16xf32>,
        %mul3A_180 = arith.mulf %gather3A, %get3A_104 : vector<16xf32>
        tpu.vector_store_idx %arg30[%add3A_100, %add3A_179], %mul3A_180 : memref<80x64xf32, #tpu.memory_space<vmem>>[vector<16xi32>, vector<16xi32>], vector<16xf32>,
        %scan3A_181 = arith.constant 0 : i32
        %scan3A_182 = arith.constant 1 : i32
        %scan3A_183 = arith.addi %scan3A_174, %scan3A_182 : i32
        %broadcast_in_dim3A_184 = arith.constant 0 : i32
        %broadcast_in_dim3A_185 = vector.broadcast %broadcast_in_dim3A_184 : i32 to vector<16xi32>
        %add3A_186 = vector.broadcast %scan3A_183 : i32 to vector<16xi32>
        %add3A_187 = arith.addi %broadcast_in_dim3A_185, %add3A_186 : vector<16xi32>
        %gather3A_188 = tpu.vector_load_idx %arg30[%add3A_100, %add3A_187] : memref<80x64xf32, #tpu.memory_space<vmem>>[vector<16xi32>, vector<16xi32>], vector<16xf32>,
        %mul3A_189 = arith.mulf %gather3A_188, %get3A_104 : vector<16xf32>
        tpu.vector_store_idx %arg30[%add3A_100, %add3A_187], %mul3A_189 : memref<80x64xf32, #tpu.memory_space<vmem>>[vector<16xi32>, vector<16xi32>], vector<16xf32>,
        %scan3A_190 = arith.constant 0 : i32
        %scan3A_191 = arith.constant 2 : i32
        %scan3A_192 = arith.addi %scan3A_174, %scan3A_191 : i32
        %broadcast_in_dim3A_193 = arith.constant 0 : i32
        %broadcast_in_dim3A_194 = vector.broadcast %broadcast_in_dim3A_193 : i32 to vector<16xi32>
        %add3A_195 = vector.broadcast %scan3A_192 : i32 to vector<16xi32>
        %add3A_196 = arith.addi %broadcast_in_dim3A_194, %add3A_195 : vector<16xi32>
        %gather3A_197 = tpu.vector_load_idx %arg30[%add3A_100, %add3A_196] : memref<80x64xf32, #tpu.memory_space<vmem>>[vector<16xi32>, vector<16xi32>], vector<16xf32>,
        %mul3A_198 = arith.mulf %gather3A_197, %get3A_104 : vector<16xf32>
        tpu.vector_store_idx %arg30[%add3A_100, %add3A_196], %mul3A_198 : memref<80x64xf32, #tpu.memory_space<vmem>>[vector<16xi32>, vector<16xi32>], vector<16xf32>,
        %scan3A_199 = arith.constant 0 : i32
        %scan3A_200 = arith.constant 3 : i32
        %scan3A_201 = arith.addi %scan3A_174, %scan3A_200 : i32
        %broadcast_in_dim3A_202 = arith.constant 0 : i32
        %broadcast_in_dim3A_203 = vector.broadcast %broadcast_in_dim3A_202 : i32 to vector<16xi32>
        %add3A_204 = vector.broadcast %scan3A_201 : i32 to vector<16xi32>
        %add3A_205 = arith.addi %broadcast_in_dim3A_203, %add3A_204 : vector<16xi32>
        %gather3A_206 = tpu.vector_load_idx %arg30[%add3A_100, %add3A_205] : memref<80x64xf32, #tpu.memory_space<vmem>>[vector<16xi32>, vector<16xi32>], vector<16xf32>,
        %mul3A_207 = arith.mulf %gather3A_206, %get3A_104 : vector<16xf32>
        tpu.vector_store_idx %arg30[%add3A_100, %add3A_205], %mul3A_207 : memref<80x64xf32, #tpu.memory_space<vmem>>[vector<16xi32>, vector<16xi32>], vector<16xf32>,
        %scan3A_208 = arith.constant 0 : i32
        %scan3A_209 = arith.constant 4 : i32
        %scan3A_210 = arith.addi %scan3A_174, %scan3A_209 : i32
        %broadcast_in_dim3A_211 = arith.constant 0 : i32
        %broadcast_in_dim3A_212 = vector.broadcast %broadcast_in_dim3A_211 : i32 to vector<16xi32>
        %add3A_213 = vector.broadcast %scan3A_210 : i32 to vector<16xi32>
        %add3A_214 = arith.addi %broadcast_in_dim3A_212, %add3A_213 : vector<16xi32>
        %gather3A_215 = tpu.vector_load_idx %arg30[%add3A_100, %add3A_214] : memref<80x64xf32, #tpu.memory_space<vmem>>[vector<16xi32>, vector<16xi32>], vector<16xf32>,
        %mul3A_216 = arith.mulf %gather3A_215, %get3A_104 : vector<16xf32>
        tpu.vector_store_idx %arg30[%add3A_100, %add3A_214], %mul3A_216 : memref<80x64xf32, #tpu.memory_space<vmem>>[vector<16xi32>, vector<16xi32>], vector<16xf32>,
        %scan3A_217 = arith.constant 0 : i32
        %scan3A_218 = arith.constant 5 : i32
        %scan3A_219 = arith.addi %scan3A_174, %scan3A_218 : i32
        %broadcast_in_dim3A_220 = arith.constant 0 : i32
        %broadcast_in_dim3A_221 = vector.broadcast %broadcast_in_dim3A_220 : i32 to vector<16xi32>
        %add3A_222 = vector.broadcast %scan3A_219 : i32 to vector<16xi32>
        %add3A_223 = arith.addi %broadcast_in_dim3A_221, %add3A_222 : vector<16xi32>
        %gather3A_224 = tpu.vector_load_idx %arg30[%add3A_100, %add3A_223] : memref<80x64xf32, #tpu.memory_space<vmem>>[vector<16xi32>, vector<16xi32>], vector<16xf32>,
        %mul3A_225 = arith.mulf %gather3A_224, %get3A_104 : vector<16xf32>
        tpu.vector_store_idx %arg30[%add3A_100, %add3A_223], %mul3A_225 : memref<80x64xf32, #tpu.memory_space<vmem>>[vector<16xi32>, vector<16xi32>], vector<16xf32>,
        %scan3A_226 = arith.constant 0 : i32
        %scan3A_227 = arith.constant 6 : i32
        %scan3A_228 = arith.addi %scan3A_174, %scan3A_227 : i32
        %broadcast_in_dim3A_229 = arith.constant 0 : i32
        %broadcast_in_dim3A_230 = vector.broadcast %broadcast_in_dim3A_229 : i32 to vector<16xi32>
        %add3A_231 = vector.broadcast %scan3A_228 : i32 to vector<16xi32>
        %add3A_232 = arith.addi %broadcast_in_dim3A_230, %add3A_231 : vector<16xi32>
        %gather3A_233 = tpu.vector_load_idx %arg30[%add3A_100, %add3A_232] : memref<80x64xf32, #tpu.memory_space<vmem>>[vector<16xi32>, vector<16xi32>], vector<16xf32>,
        %mul3A_234 = arith.mulf %gather3A_233, %get3A_104 : vector<16xf32>
        tpu.vector_store_idx %arg30[%add3A_100, %add3A_232], %mul3A_234 : memref<80x64xf32, #tpu.memory_space<vmem>>[vector<16xi32>, vector<16xi32>], vector<16xf32>,
        %scan3A_235 = arith.constant 0 : i32
        %scan3A_236 = arith.constant 7 : i32
        %scan3A_237 = arith.addi %scan3A_174, %scan3A_236 : i32
        %broadcast_in_dim3A_238 = arith.constant 0 : i32
        %broadcast_in_dim3A_239 = vector.broadcast %broadcast_in_dim3A_238 : i32 to vector<16xi32>
        %add3A_240 = vector.broadcast %scan3A_237 : i32 to vector<16xi32>
        %add3A_241 = arith.addi %broadcast_in_dim3A_239, %add3A_240 : vector<16xi32>
        %gather3A_242 = tpu.vector_load_idx %arg30[%add3A_100, %add3A_241] : memref<80x64xf32, #tpu.memory_space<vmem>>[vector<16xi32>, vector<16xi32>], vector<16xf32>,
        %mul3A_243 = arith.mulf %gather3A_242, %get3A_104 : vector<16xf32>
        tpu.vector_store_idx %arg30[%add3A_100, %add3A_241], %mul3A_243 : memref<80x64xf32, #tpu.memory_space<vmem>>[vector<16xi32>, vector<16xi32>], vector<16xf32>,
        %scan3A_244 = arith.constant 0 : i32
        scf.yield %scan3A_244 : i32
      }
      %scan3A_111 = arith.constant 64 : i32
      %iota3A_112 = tpu.iota {dimensions = array<i32: 0>} : vector<16xi32>
      %add3A_113 = arith.constant 16 : i32
      %add3A_114 = vector.broadcast %add3A_113 : i32 to vector<16xi32>
      %add3A_115 = arith.addi %iota3A_112, %add3A_114 : vector<16xi32>
      %get3A_116 = arith.constant 0 : i32
      %get3A_117 = arith.index_cast %get3A_116 : i32 to index
      %get3A_118 = arith.constant 16 : index
      %get3A_119 = tpu.vector_load %arg31[%get3A_117, %get3A_118] {strides = array<i32>} : memref<1x80xf32, #tpu.memory_space<vmem>>, vector<16xf32>,
      %scan3A_120 = arith.constant 0 : i32
      %scan3A_121 = arith.constant 0 : i32
      %scan3A_122 = arith.constant 64 : i32
      %scan3A_123 = arith.addi %scan3A_121, %scan3A_122 : i32
      %scan3A_124 = arith.constant 8 : i32
      %scan3A_125 = scf.for %scan3A_174 = %scan3A_121 to %scan3A_123 step %scan3A_124 iter_args(%scan3A_175 = %scan3A_120) -> (i32)  : i32 {
        %broadcast_in_dim3A_176 = arith.constant 0 : i32
        %broadcast_in_dim3A_177 = vector.broadcast %broadcast_in_dim3A_176 : i32 to vector<16xi32>
        %add3A_178 = vector.broadcast %scan3A_174 : i32 to vector<16xi32>
        %add3A_179 = arith.addi %broadcast_in_dim3A_177, %add3A_178 : vector<16xi32>
        %gather3A = tpu.vector_load_idx %arg30[%add3A_115, %add3A_179] : memref<80x64xf32, #tpu.memory_space<vmem>>[vector<16xi32>, vector<16xi32>], vector<16xf32>,
        %mul3A_180 = arith.mulf %gather3A, %get3A_119 : vector<16xf32>
        tpu.vector_store_idx %arg30[%add3A_115, %add3A_179], %mul3A_180 : memref<80x64xf32, #tpu.memory_space<vmem>>[vector<16xi32>, vector<16xi32>], vector<16xf32>,
        %scan3A_181 = arith.constant 0 : i32
        %scan3A_182 = arith.constant 1 : i32
        %scan3A_183 = arith.addi %scan3A_174, %scan3A_182 : i32
        %broadcast_in_dim3A_184 = arith.constant 0 : i32
        %broadcast_in_dim3A_185 = vector.broadcast %broadcast_in_dim3A_184 : i32 to vector<16xi32>
        %add3A_186 = vector.broadcast %scan3A_183 : i32 to vector<16xi32>
        %add3A_187 = arith.addi %broadcast_in_dim3A_185, %add3A_186 : vector<16xi32>
        %gather3A_188 = tpu.vector_load_idx %arg30[%add3A_115, %add3A_187] : memref<80x64xf32, #tpu.memory_space<vmem>>[vector<16xi32>, vector<16xi32>], vector<16xf32>,
        %mul3A_189 = arith.mulf %gather3A_188, %get3A_119 : vector<16xf32>
        tpu.vector_store_idx %arg30[%add3A_115, %add3A_187], %mul3A_189 : memref<80x64xf32, #tpu.memory_space<vmem>>[vector<16xi32>, vector<16xi32>], vector<16xf32>,
        %scan3A_190 = arith.constant 0 : i32
        %scan3A_191 = arith.constant 2 : i32
        %scan3A_192 = arith.addi %scan3A_174, %scan3A_191 : i32
        %broadcast_in_dim3A_193 = arith.constant 0 : i32
        %broadcast_in_dim3A_194 = vector.broadcast %broadcast_in_dim3A_193 : i32 to vector<16xi32>
        %add3A_195 = vector.broadcast %scan3A_192 : i32 to vector<16xi32>
        %add3A_196 = arith.addi %broadcast_in_dim3A_194, %add3A_195 : vector<16xi32>
        %gather3A_197 = tpu.vector_load_idx %arg30[%add3A_115, %add3A_196] : memref<80x64xf32, #tpu.memory_space<vmem>>[vector<16xi32>, vector<16xi32>], vector<16xf32>,
        %mul3A_198 = arith.mulf %gather3A_197, %get3A_119 : vector<16xf32>
        tpu.vector_store_idx %arg30[%add3A_115, %add3A_196], %mul3A_198 : memref<80x64xf32, #tpu.memory_space<vmem>>[vector<16xi32>, vector<16xi32>], vector<16xf32>,
        %scan3A_199 = arith.constant 0 : i32
        %scan3A_200 = arith.constant 3 : i32
        %scan3A_201 = arith.addi %scan3A_174, %scan3A_200 : i32
        %broadcast_in_dim3A_202 = arith.constant 0 : i32
        %broadcast_in_dim3A_203 = vector.broadcast %broadcast_in_dim3A_202 : i32 to vector<16xi32>
        %add3A_204 = vector.broadcast %scan3A_201 : i32 to vector<16xi32>
        %add3A_205 = arith.addi %broadcast_in_dim3A_203, %add3A_204 : vector<16xi32>
        %gather3A_206 = tpu.vector_load_idx %arg30[%add3A_115, %add3A_205] : memref<80x64xf32, #tpu.memory_space<vmem>>[vector<16xi32>, vector<16xi32>], vector<16xf32>,
        %mul3A_207 = arith.mulf %gather3A_206, %get3A_119 : vector<16xf32>
        tpu.vector_store_idx %arg30[%add3A_115, %add3A_205], %mul3A_207 : memref<80x64xf32, #tpu.memory_space<vmem>>[vector<16xi32>, vector<16xi32>], vector<16xf32>,
        %scan3A_208 = arith.constant 0 : i32
        %scan3A_209 = arith.constant 4 : i32
        %scan3A_210 = arith.addi %scan3A_174, %scan3A_209 : i32
        %broadcast_in_dim3A_211 = arith.constant 0 : i32
        %broadcast_in_dim3A_212 = vector.broadcast %broadcast_in_dim3A_211 : i32 to vector<16xi32>
        %add3A_213 = vector.broadcast %scan3A_210 : i32 to vector<16xi32>
        %add3A_214 = arith.addi %broadcast_in_dim3A_212, %add3A_213 : vector<16xi32>
        %gather3A_215 = tpu.vector_load_idx %arg30[%add3A_115, %add3A_214] : memref<80x64xf32, #tpu.memory_space<vmem>>[vector<16xi32>, vector<16xi32>], vector<16xf32>,
        %mul3A_216 = arith.mulf %gather3A_215, %get3A_119 : vector<16xf32>
        tpu.vector_store_idx %arg30[%add3A_115, %add3A_214], %mul3A_216 : memref<80x64xf32, #tpu.memory_space<vmem>>[vector<16xi32>, vector<16xi32>], vector<16xf32>,
        %scan3A_217 = arith.constant 0 : i32
        %scan3A_218 = arith.constant 5 : i32
        %scan3A_219 = arith.addi %scan3A_174, %scan3A_218 : i32
        %broadcast_in_dim3A_220 = arith.constant 0 : i32
        %broadcast_in_dim3A_221 = vector.broadcast %broadcast_in_dim3A_220 : i32 to vector<16xi32>
        %add3A_222 = vector.broadcast %scan3A_219 : i32 to vector<16xi32>
        %add3A_223 = arith.addi %broadcast_in_dim3A_221, %add3A_222 : vector<16xi32>
        %gather3A_224 = tpu.vector_load_idx %arg30[%add3A_115, %add3A_223] : memref<80x64xf32, #tpu.memory_space<vmem>>[vector<16xi32>, vector<16xi32>], vector<16xf32>,
        %mul3A_225 = arith.mulf %gather3A_224, %get3A_119 : vector<16xf32>
        tpu.vector_store_idx %arg30[%add3A_115, %add3A_223], %mul3A_225 : memref<80x64xf32, #tpu.memory_space<vmem>>[vector<16xi32>, vector<16xi32>], vector<16xf32>,
        %scan3A_226 = arith.constant 0 : i32
        %scan3A_227 = arith.constant 6 : i32
        %scan3A_228 = arith.addi %scan3A_174, %scan3A_227 : i32
        %broadcast_in_dim3A_229 = arith.constant 0 : i32
        %broadcast_in_dim3A_230 = vector.broadcast %broadcast_in_dim3A_229 : i32 to vector<16xi32>
        %add3A_231 = vector.broadcast %scan3A_228 : i32 to vector<16xi32>
        %add3A_232 = arith.addi %broadcast_in_dim3A_230, %add3A_231 : vector<16xi32>
        %gather3A_233 = tpu.vector_load_idx %arg30[%add3A_115, %add3A_232] : memref<80x64xf32, #tpu.memory_space<vmem>>[vector<16xi32>, vector<16xi32>], vector<16xf32>,
        %mul3A_234 = arith.mulf %gather3A_233, %get3A_119 : vector<16xf32>
        tpu.vector_store_idx %arg30[%add3A_115, %add3A_232], %mul3A_234 : memref<80x64xf32, #tpu.memory_space<vmem>>[vector<16xi32>, vector<16xi32>], vector<16xf32>,
        %scan3A_235 = arith.constant 0 : i32
        %scan3A_236 = arith.constant 7 : i32
        %scan3A_237 = arith.addi %scan3A_174, %scan3A_236 : i32
        %broadcast_in_dim3A_238 = arith.constant 0 : i32
        %broadcast_in_dim3A_239 = vector.broadcast %broadcast_in_dim3A_238 : i32 to vector<16xi32>
        %add3A_240 = vector.broadcast %scan3A_237 : i32 to vector<16xi32>
        %add3A_241 = arith.addi %broadcast_in_dim3A_239, %add3A_240 : vector<16xi32>
        %gather3A_242 = tpu.vector_load_idx %arg30[%add3A_115, %add3A_241] : memref<80x64xf32, #tpu.memory_space<vmem>>[vector<16xi32>, vector<16xi32>], vector<16xf32>,
        %mul3A_243 = arith.mulf %gather3A_242, %get3A_119 : vector<16xf32>
        tpu.vector_store_idx %arg30[%add3A_115, %add3A_241], %mul3A_243 : memref<80x64xf32, #tpu.memory_space<vmem>>[vector<16xi32>, vector<16xi32>], vector<16xf32>,
        %scan3A_244 = arith.constant 0 : i32
        scf.yield %scan3A_244 : i32
      }
      %scan3A_126 = arith.constant 64 : i32
      %iota3A_127 = tpu.iota {dimensions = array<i32: 0>} : vector<16xi32>
      %add3A_128 = arith.constant 32 : i32
      %add3A_129 = vector.broadcast %add3A_128 : i32 to vector<16xi32>
      %add3A_130 = arith.addi %iota3A_127, %add3A_129 : vector<16xi32>
      %get3A_131 = arith.constant 0 : i32
      %get3A_132 = arith.index_cast %get3A_131 : i32 to index
      %get3A_133 = arith.constant 32 : index
      %get3A_134 = tpu.vector_load %arg31[%get3A_132, %get3A_133] {strides = array<i32>} : memref<1x80xf32, #tpu.memory_space<vmem>>, vector<16xf32>,
      %scan3A_135 = arith.constant 0 : i32
      %scan3A_136 = arith.constant 0 : i32
      %scan3A_137 = arith.constant 64 : i32
      %scan3A_138 = arith.addi %scan3A_136, %scan3A_137 : i32
      %scan3A_139 = arith.constant 8 : i32
      %scan3A_140 = scf.for %scan3A_174 = %scan3A_136 to %scan3A_138 step %scan3A_139 iter_args(%scan3A_175 = %scan3A_135) -> (i32)  : i32 {
        %broadcast_in_dim3A_176 = arith.constant 0 : i32
        %broadcast_in_dim3A_177 = vector.broadcast %broadcast_in_dim3A_176 : i32 to vector<16xi32>
        %add3A_178 = vector.broadcast %scan3A_174 : i32 to vector<16xi32>
        %add3A_179 = arith.addi %broadcast_in_dim3A_177, %add3A_178 : vector<16xi32>
        %gather3A = tpu.vector_load_idx %arg30[%add3A_130, %add3A_179] : memref<80x64xf32, #tpu.memory_space<vmem>>[vector<16xi32>, vector<16xi32>], vector<16xf32>,
        %mul3A_180 = arith.mulf %gather3A, %get3A_134 : vector<16xf32>
        tpu.vector_store_idx %arg30[%add3A_130, %add3A_179], %mul3A_180 : memref<80x64xf32, #tpu.memory_space<vmem>>[vector<16xi32>, vector<16xi32>], vector<16xf32>,
        %scan3A_181 = arith.constant 0 : i32
        %scan3A_182 = arith.constant 1 : i32
        %scan3A_183 = arith.addi %scan3A_174, %scan3A_182 : i32
        %broadcast_in_dim3A_184 = arith.constant 0 : i32
        %broadcast_in_dim3A_185 = vector.broadcast %broadcast_in_dim3A_184 : i32 to vector<16xi32>
        %add3A_186 = vector.broadcast %scan3A_183 : i32 to vector<16xi32>
        %add3A_187 = arith.addi %broadcast_in_dim3A_185, %add3A_186 : vector<16xi32>
        %gather3A_188 = tpu.vector_load_idx %arg30[%add3A_130, %add3A_187] : memref<80x64xf32, #tpu.memory_space<vmem>>[vector<16xi32>, vector<16xi32>], vector<16xf32>,
        %mul3A_189 = arith.mulf %gather3A_188, %get3A_134 : vector<16xf32>
        tpu.vector_store_idx %arg30[%add3A_130, %add3A_187], %mul3A_189 : memref<80x64xf32, #tpu.memory_space<vmem>>[vector<16xi32>, vector<16xi32>], vector<16xf32>,
        %scan3A_190 = arith.constant 0 : i32
        %scan3A_191 = arith.constant 2 : i32
        %scan3A_192 = arith.addi %scan3A_174, %scan3A_191 : i32
        %broadcast_in_dim3A_193 = arith.constant 0 : i32
        %broadcast_in_dim3A_194 = vector.broadcast %broadcast_in_dim3A_193 : i32 to vector<16xi32>
        %add3A_195 = vector.broadcast %scan3A_192 : i32 to vector<16xi32>
        %add3A_196 = arith.addi %broadcast_in_dim3A_194, %add3A_195 : vector<16xi32>
        %gather3A_197 = tpu.vector_load_idx %arg30[%add3A_130, %add3A_196] : memref<80x64xf32, #tpu.memory_space<vmem>>[vector<16xi32>, vector<16xi32>], vector<16xf32>,
        %mul3A_198 = arith.mulf %gather3A_197, %get3A_134 : vector<16xf32>
        tpu.vector_store_idx %arg30[%add3A_130, %add3A_196], %mul3A_198 : memref<80x64xf32, #tpu.memory_space<vmem>>[vector<16xi32>, vector<16xi32>], vector<16xf32>,
        %scan3A_199 = arith.constant 0 : i32
        %scan3A_200 = arith.constant 3 : i32
        %scan3A_201 = arith.addi %scan3A_174, %scan3A_200 : i32
        %broadcast_in_dim3A_202 = arith.constant 0 : i32
        %broadcast_in_dim3A_203 = vector.broadcast %broadcast_in_dim3A_202 : i32 to vector<16xi32>
        %add3A_204 = vector.broadcast %scan3A_201 : i32 to vector<16xi32>
        %add3A_205 = arith.addi %broadcast_in_dim3A_203, %add3A_204 : vector<16xi32>
        %gather3A_206 = tpu.vector_load_idx %arg30[%add3A_130, %add3A_205] : memref<80x64xf32, #tpu.memory_space<vmem>>[vector<16xi32>, vector<16xi32>], vector<16xf32>,
        %mul3A_207 = arith.mulf %gather3A_206, %get3A_134 : vector<16xf32>
        tpu.vector_store_idx %arg30[%add3A_130, %add3A_205], %mul3A_207 : memref<80x64xf32, #tpu.memory_space<vmem>>[vector<16xi32>, vector<16xi32>], vector<16xf32>,
        %scan3A_208 = arith.constant 0 : i32
        %scan3A_209 = arith.constant 4 : i32
        %scan3A_210 = arith.addi %scan3A_174, %scan3A_209 : i32
        %broadcast_in_dim3A_211 = arith.constant 0 : i32
        %broadcast_in_dim3A_212 = vector.broadcast %broadcast_in_dim3A_211 : i32 to vector<16xi32>
        %add3A_213 = vector.broadcast %scan3A_210 : i32 to vector<16xi32>
        %add3A_214 = arith.addi %broadcast_in_dim3A_212, %add3A_213 : vector<16xi32>
        %gather3A_215 = tpu.vector_load_idx %arg30[%add3A_130, %add3A_214] : memref<80x64xf32, #tpu.memory_space<vmem>>[vector<16xi32>, vector<16xi32>], vector<16xf32>,
        %mul3A_216 = arith.mulf %gather3A_215, %get3A_134 : vector<16xf32>
        tpu.vector_store_idx %arg30[%add3A_130, %add3A_214], %mul3A_216 : memref<80x64xf32, #tpu.memory_space<vmem>>[vector<16xi32>, vector<16xi32>], vector<16xf32>,
        %scan3A_217 = arith.constant 0 : i32
        %scan3A_218 = arith.constant 5 : i32
        %scan3A_219 = arith.addi %scan3A_174, %scan3A_218 : i32
        %broadcast_in_dim3A_220 = arith.constant 0 : i32
        %broadcast_in_dim3A_221 = vector.broadcast %broadcast_in_dim3A_220 : i32 to vector<16xi32>
        %add3A_222 = vector.broadcast %scan3A_219 : i32 to vector<16xi32>
        %add3A_223 = arith.addi %broadcast_in_dim3A_221, %add3A_222 : vector<16xi32>
        %gather3A_224 = tpu.vector_load_idx %arg30[%add3A_130, %add3A_223] : memref<80x64xf32, #tpu.memory_space<vmem>>[vector<16xi32>, vector<16xi32>], vector<16xf32>,
        %mul3A_225 = arith.mulf %gather3A_224, %get3A_134 : vector<16xf32>
        tpu.vector_store_idx %arg30[%add3A_130, %add3A_223], %mul3A_225 : memref<80x64xf32, #tpu.memory_space<vmem>>[vector<16xi32>, vector<16xi32>], vector<16xf32>,
        %scan3A_226 = arith.constant 0 : i32
        %scan3A_227 = arith.constant 6 : i32
        %scan3A_228 = arith.addi %scan3A_174, %scan3A_227 : i32
        %broadcast_in_dim3A_229 = arith.constant 0 : i32
        %broadcast_in_dim3A_230 = vector.broadcast %broadcast_in_dim3A_229 : i32 to vector<16xi32>
        %add3A_231 = vector.broadcast %scan3A_228 : i32 to vector<16xi32>
        %add3A_232 = arith.addi %broadcast_in_dim3A_230, %add3A_231 : vector<16xi32>
        %gather3A_233 = tpu.vector_load_idx %arg30[%add3A_130, %add3A_232] : memref<80x64xf32, #tpu.memory_space<vmem>>[vector<16xi32>, vector<16xi32>], vector<16xf32>,
        %mul3A_234 = arith.mulf %gather3A_233, %get3A_134 : vector<16xf32>
        tpu.vector_store_idx %arg30[%add3A_130, %add3A_232], %mul3A_234 : memref<80x64xf32, #tpu.memory_space<vmem>>[vector<16xi32>, vector<16xi32>], vector<16xf32>,
        %scan3A_235 = arith.constant 0 : i32
        %scan3A_236 = arith.constant 7 : i32
        %scan3A_237 = arith.addi %scan3A_174, %scan3A_236 : i32
        %broadcast_in_dim3A_238 = arith.constant 0 : i32
        %broadcast_in_dim3A_239 = vector.broadcast %broadcast_in_dim3A_238 : i32 to vector<16xi32>
        %add3A_240 = vector.broadcast %scan3A_237 : i32 to vector<16xi32>
        %add3A_241 = arith.addi %broadcast_in_dim3A_239, %add3A_240 : vector<16xi32>
        %gather3A_242 = tpu.vector_load_idx %arg30[%add3A_130, %add3A_241] : memref<80x64xf32, #tpu.memory_space<vmem>>[vector<16xi32>, vector<16xi32>], vector<16xf32>,
        %mul3A_243 = arith.mulf %gather3A_242, %get3A_134 : vector<16xf32>
        tpu.vector_store_idx %arg30[%add3A_130, %add3A_241], %mul3A_243 : memref<80x64xf32, #tpu.memory_space<vmem>>[vector<16xi32>, vector<16xi32>], vector<16xf32>,
        %scan3A_244 = arith.constant 0 : i32
        scf.yield %scan3A_244 : i32
      }
      %scan3A_141 = arith.constant 64 : i32
      %iota3A_142 = tpu.iota {dimensions = array<i32: 0>} : vector<16xi32>
      %add3A_143 = arith.constant 48 : i32
      %add3A_144 = vector.broadcast %add3A_143 : i32 to vector<16xi32>
      %add3A_145 = arith.addi %iota3A_142, %add3A_144 : vector<16xi32>
      %get3A_146 = arith.constant 0 : i32
      %get3A_147 = arith.index_cast %get3A_146 : i32 to index
      %get3A_148 = arith.constant 48 : index
      %get3A_149 = tpu.vector_load %arg31[%get3A_147, %get3A_148] {strides = array<i32>} : memref<1x80xf32, #tpu.memory_space<vmem>>, vector<16xf32>,
      %scan3A_150 = arith.constant 0 : i32
      %scan3A_151 = arith.constant 0 : i32
      %scan3A_152 = arith.constant 64 : i32
      %scan3A_153 = arith.addi %scan3A_151, %scan3A_152 : i32
      %scan3A_154 = arith.constant 8 : i32
      %scan3A_155 = scf.for %scan3A_174 = %scan3A_151 to %scan3A_153 step %scan3A_154 iter_args(%scan3A_175 = %scan3A_150) -> (i32)  : i32 {
        %broadcast_in_dim3A_176 = arith.constant 0 : i32
        %broadcast_in_dim3A_177 = vector.broadcast %broadcast_in_dim3A_176 : i32 to vector<16xi32>
        %add3A_178 = vector.broadcast %scan3A_174 : i32 to vector<16xi32>
        %add3A_179 = arith.addi %broadcast_in_dim3A_177, %add3A_178 : vector<16xi32>
        %gather3A = tpu.vector_load_idx %arg30[%add3A_145, %add3A_179] : memref<80x64xf32, #tpu.memory_space<vmem>>[vector<16xi32>, vector<16xi32>], vector<16xf32>,
        %mul3A_180 = arith.mulf %gather3A, %get3A_149 : vector<16xf32>
        tpu.vector_store_idx %arg30[%add3A_145, %add3A_179], %mul3A_180 : memref<80x64xf32, #tpu.memory_space<vmem>>[vector<16xi32>, vector<16xi32>], vector<16xf32>,
        %scan3A_181 = arith.constant 0 : i32
        %scan3A_182 = arith.constant 1 : i32
        %scan3A_183 = arith.addi %scan3A_174, %scan3A_182 : i32
        %broadcast_in_dim3A_184 = arith.constant 0 : i32
        %broadcast_in_dim3A_185 = vector.broadcast %broadcast_in_dim3A_184 : i32 to vector<16xi32>
        %add3A_186 = vector.broadcast %scan3A_183 : i32 to vector<16xi32>
        %add3A_187 = arith.addi %broadcast_in_dim3A_185, %add3A_186 : vector<16xi32>
        %gather3A_188 = tpu.vector_load_idx %arg30[%add3A_145, %add3A_187] : memref<80x64xf32, #tpu.memory_space<vmem>>[vector<16xi32>, vector<16xi32>], vector<16xf32>,
        %mul3A_189 = arith.mulf %gather3A_188, %get3A_149 : vector<16xf32>
        tpu.vector_store_idx %arg30[%add3A_145, %add3A_187], %mul3A_189 : memref<80x64xf32, #tpu.memory_space<vmem>>[vector<16xi32>, vector<16xi32>], vector<16xf32>,
        %scan3A_190 = arith.constant 0 : i32
        %scan3A_191 = arith.constant 2 : i32
        %scan3A_192 = arith.addi %scan3A_174, %scan3A_191 : i32
        %broadcast_in_dim3A_193 = arith.constant 0 : i32
        %broadcast_in_dim3A_194 = vector.broadcast %broadcast_in_dim3A_193 : i32 to vector<16xi32>
        %add3A_195 = vector.broadcast %scan3A_192 : i32 to vector<16xi32>
        %add3A_196 = arith.addi %broadcast_in_dim3A_194, %add3A_195 : vector<16xi32>
        %gather3A_197 = tpu.vector_load_idx %arg30[%add3A_145, %add3A_196] : memref<80x64xf32, #tpu.memory_space<vmem>>[vector<16xi32>, vector<16xi32>], vector<16xf32>,
        %mul3A_198 = arith.mulf %gather3A_197, %get3A_149 : vector<16xf32>
        tpu.vector_store_idx %arg30[%add3A_145, %add3A_196], %mul3A_198 : memref<80x64xf32, #tpu.memory_space<vmem>>[vector<16xi32>, vector<16xi32>], vector<16xf32>,
        %scan3A_199 = arith.constant 0 : i32
        %scan3A_200 = arith.constant 3 : i32
        %scan3A_201 = arith.addi %scan3A_174, %scan3A_200 : i32
        %broadcast_in_dim3A_202 = arith.constant 0 : i32
        %broadcast_in_dim3A_203 = vector.broadcast %broadcast_in_dim3A_202 : i32 to vector<16xi32>
        %add3A_204 = vector.broadcast %scan3A_201 : i32 to vector<16xi32>
        %add3A_205 = arith.addi %broadcast_in_dim3A_203, %add3A_204 : vector<16xi32>
        %gather3A_206 = tpu.vector_load_idx %arg30[%add3A_145, %add3A_205] : memref<80x64xf32, #tpu.memory_space<vmem>>[vector<16xi32>, vector<16xi32>], vector<16xf32>,
        %mul3A_207 = arith.mulf %gather3A_206, %get3A_149 : vector<16xf32>
        tpu.vector_store_idx %arg30[%add3A_145, %add3A_205], %mul3A_207 : memref<80x64xf32, #tpu.memory_space<vmem>>[vector<16xi32>, vector<16xi32>], vector<16xf32>,
        %scan3A_208 = arith.constant 0 : i32
        %scan3A_209 = arith.constant 4 : i32
        %scan3A_210 = arith.addi %scan3A_174, %scan3A_209 : i32
        %broadcast_in_dim3A_211 = arith.constant 0 : i32
        %broadcast_in_dim3A_212 = vector.broadcast %broadcast_in_dim3A_211 : i32 to vector<16xi32>
        %add3A_213 = vector.broadcast %scan3A_210 : i32 to vector<16xi32>
        %add3A_214 = arith.addi %broadcast_in_dim3A_212, %add3A_213 : vector<16xi32>
        %gather3A_215 = tpu.vector_load_idx %arg30[%add3A_145, %add3A_214] : memref<80x64xf32, #tpu.memory_space<vmem>>[vector<16xi32>, vector<16xi32>], vector<16xf32>,
        %mul3A_216 = arith.mulf %gather3A_215, %get3A_149 : vector<16xf32>
        tpu.vector_store_idx %arg30[%add3A_145, %add3A_214], %mul3A_216 : memref<80x64xf32, #tpu.memory_space<vmem>>[vector<16xi32>, vector<16xi32>], vector<16xf32>,
        %scan3A_217 = arith.constant 0 : i32
        %scan3A_218 = arith.constant 5 : i32
        %scan3A_219 = arith.addi %scan3A_174, %scan3A_218 : i32
        %broadcast_in_dim3A_220 = arith.constant 0 : i32
        %broadcast_in_dim3A_221 = vector.broadcast %broadcast_in_dim3A_220 : i32 to vector<16xi32>
        %add3A_222 = vector.broadcast %scan3A_219 : i32 to vector<16xi32>
        %add3A_223 = arith.addi %broadcast_in_dim3A_221, %add3A_222 : vector<16xi32>
        %gather3A_224 = tpu.vector_load_idx %arg30[%add3A_145, %add3A_223] : memref<80x64xf32, #tpu.memory_space<vmem>>[vector<16xi32>, vector<16xi32>], vector<16xf32>,
        %mul3A_225 = arith.mulf %gather3A_224, %get3A_149 : vector<16xf32>
        tpu.vector_store_idx %arg30[%add3A_145, %add3A_223], %mul3A_225 : memref<80x64xf32, #tpu.memory_space<vmem>>[vector<16xi32>, vector<16xi32>], vector<16xf32>,
        %scan3A_226 = arith.constant 0 : i32
        %scan3A_227 = arith.constant 6 : i32
        %scan3A_228 = arith.addi %scan3A_174, %scan3A_227 : i32
        %broadcast_in_dim3A_229 = arith.constant 0 : i32
        %broadcast_in_dim3A_230 = vector.broadcast %broadcast_in_dim3A_229 : i32 to vector<16xi32>
        %add3A_231 = vector.broadcast %scan3A_228 : i32 to vector<16xi32>
        %add3A_232 = arith.addi %broadcast_in_dim3A_230, %add3A_231 : vector<16xi32>
        %gather3A_233 = tpu.vector_load_idx %arg30[%add3A_145, %add3A_232] : memref<80x64xf32, #tpu.memory_space<vmem>>[vector<16xi32>, vector<16xi32>], vector<16xf32>,
        %mul3A_234 = arith.mulf %gather3A_233, %get3A_149 : vector<16xf32>
        tpu.vector_store_idx %arg30[%add3A_145, %add3A_232], %mul3A_234 : memref<80x64xf32, #tpu.memory_space<vmem>>[vector<16xi32>, vector<16xi32>], vector<16xf32>,
        %scan3A_235 = arith.constant 0 : i32
        %scan3A_236 = arith.constant 7 : i32
        %scan3A_237 = arith.addi %scan3A_174, %scan3A_236 : i32
        %broadcast_in_dim3A_238 = arith.constant 0 : i32
        %broadcast_in_dim3A_239 = vector.broadcast %broadcast_in_dim3A_238 : i32 to vector<16xi32>
        %add3A_240 = vector.broadcast %scan3A_237 : i32 to vector<16xi32>
        %add3A_241 = arith.addi %broadcast_in_dim3A_239, %add3A_240 : vector<16xi32>
        %gather3A_242 = tpu.vector_load_idx %arg30[%add3A_145, %add3A_241] : memref<80x64xf32, #tpu.memory_space<vmem>>[vector<16xi32>, vector<16xi32>], vector<16xf32>,
        %mul3A_243 = arith.mulf %gather3A_242, %get3A_149 : vector<16xf32>
        tpu.vector_store_idx %arg30[%add3A_145, %add3A_241], %mul3A_243 : memref<80x64xf32, #tpu.memory_space<vmem>>[vector<16xi32>, vector<16xi32>], vector<16xf32>,
        %scan3A_244 = arith.constant 0 : i32
        scf.yield %scan3A_244 : i32
      }
      %scan3A_156 = arith.constant 64 : i32
      %iota3A_157 = tpu.iota {dimensions = array<i32: 0>} : vector<16xi32>
      %add3A_158 = arith.constant 64 : i32
      %add3A_159 = vector.broadcast %add3A_158 : i32 to vector<16xi32>
      %add3A_160 = arith.addi %iota3A_157, %add3A_159 : vector<16xi32>
      %get3A_161 = arith.constant 0 : i32
      %get3A_162 = arith.index_cast %get3A_161 : i32 to index
      %get3A_163 = arith.constant 64 : index
      %get3A_164 = tpu.vector_load %arg31[%get3A_162, %get3A_163] {strides = array<i32>} : memref<1x80xf32, #tpu.memory_space<vmem>>, vector<16xf32>,
      %scan3A_165 = arith.constant 0 : i32
      %scan3A_166 = arith.constant 0 : i32
      %scan3A_167 = arith.constant 64 : i32
      %scan3A_168 = arith.addi %scan3A_166, %scan3A_167 : i32
      %scan3A_169 = arith.constant 8 : i32
      %scan3A_170 = scf.for %scan3A_174 = %scan3A_166 to %scan3A_168 step %scan3A_169 iter_args(%scan3A_175 = %scan3A_165) -> (i32)  : i32 {
        %broadcast_in_dim3A_176 = arith.constant 0 : i32
        %broadcast_in_dim3A_177 = vector.broadcast %broadcast_in_dim3A_176 : i32 to vector<16xi32>
        %add3A_178 = vector.broadcast %scan3A_174 : i32 to vector<16xi32>
        %add3A_179 = arith.addi %broadcast_in_dim3A_177, %add3A_178 : vector<16xi32>
        %gather3A = tpu.vector_load_idx %arg30[%add3A_160, %add3A_179] : memref<80x64xf32, #tpu.memory_space<vmem>>[vector<16xi32>, vector<16xi32>], vector<16xf32>,
        %mul3A_180 = arith.mulf %gather3A, %get3A_164 : vector<16xf32>
        tpu.vector_store_idx %arg30[%add3A_160, %add3A_179], %mul3A_180 : memref<80x64xf32, #tpu.memory_space<vmem>>[vector<16xi32>, vector<16xi32>], vector<16xf32>,
        %scan3A_181 = arith.constant 0 : i32
        %scan3A_182 = arith.constant 1 : i32
        %scan3A_183 = arith.addi %scan3A_174, %scan3A_182 : i32
        %broadcast_in_dim3A_184 = arith.constant 0 : i32
        %broadcast_in_dim3A_185 = vector.broadcast %broadcast_in_dim3A_184 : i32 to vector<16xi32>
        %add3A_186 = vector.broadcast %scan3A_183 : i32 to vector<16xi32>
        %add3A_187 = arith.addi %broadcast_in_dim3A_185, %add3A_186 : vector<16xi32>
        %gather3A_188 = tpu.vector_load_idx %arg30[%add3A_160, %add3A_187] : memref<80x64xf32, #tpu.memory_space<vmem>>[vector<16xi32>, vector<16xi32>], vector<16xf32>,
        %mul3A_189 = arith.mulf %gather3A_188, %get3A_164 : vector<16xf32>
        tpu.vector_store_idx %arg30[%add3A_160, %add3A_187], %mul3A_189 : memref<80x64xf32, #tpu.memory_space<vmem>>[vector<16xi32>, vector<16xi32>], vector<16xf32>,
        %scan3A_190 = arith.constant 0 : i32
        %scan3A_191 = arith.constant 2 : i32
        %scan3A_192 = arith.addi %scan3A_174, %scan3A_191 : i32
        %broadcast_in_dim3A_193 = arith.constant 0 : i32
        %broadcast_in_dim3A_194 = vector.broadcast %broadcast_in_dim3A_193 : i32 to vector<16xi32>
        %add3A_195 = vector.broadcast %scan3A_192 : i32 to vector<16xi32>
        %add3A_196 = arith.addi %broadcast_in_dim3A_194, %add3A_195 : vector<16xi32>
        %gather3A_197 = tpu.vector_load_idx %arg30[%add3A_160, %add3A_196] : memref<80x64xf32, #tpu.memory_space<vmem>>[vector<16xi32>, vector<16xi32>], vector<16xf32>,
        %mul3A_198 = arith.mulf %gather3A_197, %get3A_164 : vector<16xf32>
        tpu.vector_store_idx %arg30[%add3A_160, %add3A_196], %mul3A_198 : memref<80x64xf32, #tpu.memory_space<vmem>>[vector<16xi32>, vector<16xi32>], vector<16xf32>,
        %scan3A_199 = arith.constant 0 : i32
        %scan3A_200 = arith.constant 3 : i32
        %scan3A_201 = arith.addi %scan3A_174, %scan3A_200 : i32
        %broadcast_in_dim3A_202 = arith.constant 0 : i32
        %broadcast_in_dim3A_203 = vector.broadcast %broadcast_in_dim3A_202 : i32 to vector<16xi32>
        %add3A_204 = vector.broadcast %scan3A_201 : i32 to vector<16xi32>
        %add3A_205 = arith.addi %broadcast_in_dim3A_203, %add3A_204 : vector<16xi32>
        %gather3A_206 = tpu.vector_load_idx %arg30[%add3A_160, %add3A_205] : memref<80x64xf32, #tpu.memory_space<vmem>>[vector<16xi32>, vector<16xi32>], vector<16xf32>,
        %mul3A_207 = arith.mulf %gather3A_206, %get3A_164 : vector<16xf32>
        tpu.vector_store_idx %arg30[%add3A_160, %add3A_205], %mul3A_207 : memref<80x64xf32, #tpu.memory_space<vmem>>[vector<16xi32>, vector<16xi32>], vector<16xf32>,
        %scan3A_208 = arith.constant 0 : i32
        %scan3A_209 = arith.constant 4 : i32
        %scan3A_210 = arith.addi %scan3A_174, %scan3A_209 : i32
        %broadcast_in_dim3A_211 = arith.constant 0 : i32
        %broadcast_in_dim3A_212 = vector.broadcast %broadcast_in_dim3A_211 : i32 to vector<16xi32>
        %add3A_213 = vector.broadcast %scan3A_210 : i32 to vector<16xi32>
        %add3A_214 = arith.addi %broadcast_in_dim3A_212, %add3A_213 : vector<16xi32>
        %gather3A_215 = tpu.vector_load_idx %arg30[%add3A_160, %add3A_214] : memref<80x64xf32, #tpu.memory_space<vmem>>[vector<16xi32>, vector<16xi32>], vector<16xf32>,
        %mul3A_216 = arith.mulf %gather3A_215, %get3A_164 : vector<16xf32>
        tpu.vector_store_idx %arg30[%add3A_160, %add3A_214], %mul3A_216 : memref<80x64xf32, #tpu.memory_space<vmem>>[vector<16xi32>, vector<16xi32>], vector<16xf32>,
        %scan3A_217 = arith.constant 0 : i32
        %scan3A_218 = arith.constant 5 : i32
        %scan3A_219 = arith.addi %scan3A_174, %scan3A_218 : i32
        %broadcast_in_dim3A_220 = arith.constant 0 : i32
        %broadcast_in_dim3A_221 = vector.broadcast %broadcast_in_dim3A_220 : i32 to vector<16xi32>
        %add3A_222 = vector.broadcast %scan3A_219 : i32 to vector<16xi32>
        %add3A_223 = arith.addi %broadcast_in_dim3A_221, %add3A_222 : vector<16xi32>
        %gather3A_224 = tpu.vector_load_idx %arg30[%add3A_160, %add3A_223] : memref<80x64xf32, #tpu.memory_space<vmem>>[vector<16xi32>, vector<16xi32>], vector<16xf32>,
        %mul3A_225 = arith.mulf %gather3A_224, %get3A_164 : vector<16xf32>
        tpu.vector_store_idx %arg30[%add3A_160, %add3A_223], %mul3A_225 : memref<80x64xf32, #tpu.memory_space<vmem>>[vector<16xi32>, vector<16xi32>], vector<16xf32>,
        %scan3A_226 = arith.constant 0 : i32
        %scan3A_227 = arith.constant 6 : i32
        %scan3A_228 = arith.addi %scan3A_174, %scan3A_227 : i32
        %broadcast_in_dim3A_229 = arith.constant 0 : i32
        %broadcast_in_dim3A_230 = vector.broadcast %broadcast_in_dim3A_229 : i32 to vector<16xi32>
        %add3A_231 = vector.broadcast %scan3A_228 : i32 to vector<16xi32>
        %add3A_232 = arith.addi %broadcast_in_dim3A_230, %add3A_231 : vector<16xi32>
        %gather3A_233 = tpu.vector_load_idx %arg30[%add3A_160, %add3A_232] : memref<80x64xf32, #tpu.memory_space<vmem>>[vector<16xi32>, vector<16xi32>], vector<16xf32>,
        %mul3A_234 = arith.mulf %gather3A_233, %get3A_164 : vector<16xf32>
        tpu.vector_store_idx %arg30[%add3A_160, %add3A_232], %mul3A_234 : memref<80x64xf32, #tpu.memory_space<vmem>>[vector<16xi32>, vector<16xi32>], vector<16xf32>,
        %scan3A_235 = arith.constant 0 : i32
        %scan3A_236 = arith.constant 7 : i32
        %scan3A_237 = arith.addi %scan3A_174, %scan3A_236 : i32
        %broadcast_in_dim3A_238 = arith.constant 0 : i32
        %broadcast_in_dim3A_239 = vector.broadcast %broadcast_in_dim3A_238 : i32 to vector<16xi32>
        %add3A_240 = vector.broadcast %scan3A_237 : i32 to vector<16xi32>
        %add3A_241 = arith.addi %broadcast_in_dim3A_239, %add3A_240 : vector<16xi32>
        %gather3A_242 = tpu.vector_load_idx %arg30[%add3A_160, %add3A_241] : memref<80x64xf32, #tpu.memory_space<vmem>>[vector<16xi32>, vector<16xi32>], vector<16xf32>,
        %mul3A_243 = arith.mulf %gather3A_242, %get3A_164 : vector<16xf32>
        tpu.vector_store_idx %arg30[%add3A_160, %add3A_241], %mul3A_243 : memref<80x64xf32, #tpu.memory_space<vmem>>[vector<16xi32>, vector<16xi32>], vector<16xf32>,
        %scan3A_244 = arith.constant 0 : i32
        scf.yield %scan3A_244 : i32
      }
      %scan3A_171 = arith.constant 64 : i32
      %run_scoped3A_172 = arith.constant 0 : i32
      "tpu.region"() ({
        %run_scoped3A_174 = tpu.sem_alloc : memref<!tpu.dma_semaphore, #tpu.memory_space<semaphore_mem>>
        %dma_start3A = arith.constant 0 : i32
        %dma_start3A_175 = tpu.memref_slice %arg27[%run_scoped3A_172, %dma_start3A] : memref<1x80xi32, #tpu.memory_space<vmem>> -> memref<1x80xi32, #tpu.memory_space<vmem>>
        %dma_start3A_176 = tpu.memref_squeeze %dma_start3A_175 : memref<1x80xi32, #tpu.memory_space<vmem>> -> memref<80xi32, #tpu.memory_space<vmem>>
        %dma_start3A_177 = arith.constant 0 : i32
        %dma_start3A_178 = arith.constant 0 : i32
        %dma_start3A_179 = tpu.memref_slice %arg35[%dma_start3A_177, %dma_start3A_178] : memref<10000x64xf32, #tpu.memory_space<vmem_shared>> -> memref<10000x64xf32, #tpu.memory_space<vmem_shared>>
        tpu.enqueue_indirect_dma source(%arg30 : memref<80x64xf32, #tpu.memory_space<vmem>>) target(%dma_start3A_179 : memref<10000x64xf32, #tpu.memory_space<vmem_shared>>) offsets(%dma_start3A_176 : memref<80xi32, #tpu.memory_space<vmem>>) semaphore(%run_scoped3A_174 : memref<!tpu.dma_semaphore, #tpu.memory_space<semaphore_mem>>) {add = true}
        %dma_wait3A = arith.constant 0 : i32
        %dma_wait3A_180 = tpu.memref_slice %arg27[%run_scoped3A_172, %dma_wait3A] : memref<1x80xi32, #tpu.memory_space<vmem>> -> memref<1x80xi32, #tpu.memory_space<vmem>>
        %dma_wait3A_181 = tpu.memref_squeeze %dma_wait3A_180 : memref<1x80xi32, #tpu.memory_space<vmem>> -> memref<80xi32, #tpu.memory_space<vmem>>
        %dma_wait3A_182 = arith.constant 0 : i32
        %dma_wait3A_183 = arith.constant 0 : i32
        %dma_wait3A_184 = tpu.memref_slice %arg35[%dma_wait3A_182, %dma_wait3A_183] : memref<10000x64xf32, #tpu.memory_space<vmem_shared>> -> memref<10000x64xf32, #tpu.memory_space<vmem_shared>>
        tpu.wait_indirect_dma semaphore(%run_scoped3A_174 : memref<!tpu.dma_semaphore, #tpu.memory_space<semaphore_mem>>) src(%arg30 : memref<80x64xf32, #tpu.memory_space<vmem>>) dst(%dma_wait3A_184 : memref<10000x64xf32, #tpu.memory_space<vmem_shared>>)
        tpu.yield
      }) : () -> ()
      %scan3A_173 = arith.constant 0 : i32
      scf.yield %scan3A_173 : i32
    }
    %scan3A_82 = arith.constant 125 : i32
    %barrier3A_83 = arith.constant 0 : index
    tpu.barrier barrier_id(%barrier3A_83)
    %eq3A_84 = arith.constant 0 : i32
    %eq3A_85 = arith.cmpi eq, %arg1, %eq3A_84 : i32
    %convert_element_type3A_86 = arith.extui %eq3A_85 : i1 to i32
    %cond3A_87 = arith.constant 0 : i32
    %cond3A_88 = arith.cmpi ne, %convert_element_type3A_86, %cond3A_87 : i32
    scf.if %cond3A_88 {
      "tpu.region"() ({
        %run_scoped3A = tpu.sem_alloc : memref<!tpu.dma_semaphore, #tpu.memory_space<semaphore_mem>>
        %dma_start3A = arith.constant 0 : i32
        %dma_start3A_90 = arith.constant 0 : i32
        %dma_start3A_91 = tpu.memref_slice %arg16[%arg0, %dma_start3A, %dma_start3A_90] : memref<2x10000x64xf32, #tpu.memory_space<hbm>> -> memref<1x10000x64xf32, #tpu.memory_space<hbm>>
        %dma_start3A_92 = tpu.memref_squeeze %dma_start3A_91 : memref<1x10000x64xf32, #tpu.memory_space<hbm>> -> memref<10000x64xf32, #tpu.memory_space<hbm>>
        tpu.enqueue_dma source(%arg35 : memref<10000x64xf32, #tpu.memory_space<vmem_shared>>) target(%dma_start3A_92 : memref<10000x64xf32, #tpu.memory_space<hbm>>) target_semaphore(%run_scoped3A : memref<!tpu.dma_semaphore, #tpu.memory_space<semaphore_mem>>)
        %dma_wait3A = arith.constant 0 : i32
        %dma_wait3A_93 = arith.constant 0 : i32
        %dma_wait3A_94 = tpu.memref_slice %arg16[%arg0, %dma_wait3A, %dma_wait3A_93] : memref<2x10000x64xf32, #tpu.memory_space<hbm>> -> memref<1x10000x64xf32, #tpu.memory_space<hbm>>
        %dma_wait3A_95 = tpu.memref_squeeze %dma_wait3A_94 : memref<1x10000x64xf32, #tpu.memory_space<hbm>> -> memref<10000x64xf32, #tpu.memory_space<hbm>>
        tpu.wait_dma2 semaphore(%run_scoped3A : memref<!tpu.dma_semaphore, #tpu.memory_space<semaphore_mem>>) src(%arg35 : memref<10000x64xf32, #tpu.memory_space<vmem_shared>>) dst(%dma_wait3A_95 : memref<10000x64xf32, #tpu.memory_space<hbm>>)
        tpu.yield
      }) : () -> ()
    } else {
    }
    %barrier3A_89 = arith.constant 0 : index
    tpu.barrier barrier_id(%barrier3A_89)
    return
  }
}

module attributes {stable_mosaic.version = 14 : i64} {
  func.func @_prologue_body(%arg0: memref<10000x128xf32, #tpu.memory_space<vmem>>, %arg1: memref<10000x128xf32, #tpu.memory_space<vmem>>, %arg2: memref<128x40xf32, #tpu.memory_space<vmem>>, %arg3: memref<128x128xf32, #tpu.memory_space<vmem>>, %arg4: memref<40x1xf32, #tpu.memory_space<vmem>>, %arg5: memref<40x1xf32, #tpu.memory_space<vmem>>, %arg6: memref<128x1xf32, #tpu.memory_space<vmem>>, %arg7: memref<128x1xf32, #tpu.memory_space<vmem>>, %arg8: memref<1x128xf32, #tpu.memory_space<vmem>>, %arg9: memref<10000x64xf32, #tpu.memory_space<vmem>>, %arg10: memref<10000x64xf32, #tpu.memory_space<vmem>>, %arg11: memref<10000x64xf32, #tpu.memory_space<vmem>>, %arg12: memref<10000x8xf32, #tpu.memory_space<vmem>>, %arg13: memref<2x16xf32, #tpu.memory_space<vmem>>) attributes {dimension_semantics = [], scalar_prefetch = 0 : i64, scratch_operands = 0 : i64, tpu.core_type = #tpu.core_type<tc>} {
    %get3A = arith.constant 0 : index
    %get3A_0 = arith.constant 0 : index
    %get3A_1 = vector.load %arg0[%get3A, %get3A_0] : memref<10000x128xf32, #tpu.memory_space<vmem>>, vector<10000x128xf32>
    %get3A_2 = arith.constant 0 : index
    %get3A_3 = arith.constant 0 : index
    %get3A_4 = vector.load %arg1[%get3A_2, %get3A_3] : memref<10000x128xf32, #tpu.memory_space<vmem>>, vector<10000x128xf32>
    %mul3A = arith.mulf %get3A_1, %get3A_1 : vector<10000x128xf32>
    %reduce_sum3A = arith.constant dense<0.000000e+00> : vector<10000xf32>
    %reduce_sum3A_5 = vector.multi_reduction <add>, %mul3A, %reduce_sum3A [1] : vector<10000x128xf32> to vector<10000xf32>
    %broadcast_in_dim3A = vector.shape_cast %reduce_sum3A_5 : vector<10000xf32> to vector<10000x1xf32>
    %sqrt3A = math.sqrt %broadcast_in_dim3A : vector<10000x1xf32>
    %max3A = arith.constant 1.000000e-10 : f32
    %max3A_6 = vector.broadcast %max3A : f32 to vector<10000x1xf32>
    %max3A_7 = arith.maximumf %sqrt3A, %max3A_6 : vector<10000x1xf32>
    %min3A = arith.constant 0.99999988 : f32
    %min3A_8 = vector.broadcast %min3A : f32 to vector<10000x1xf32>
    %min3A_9 = arith.minimumf %max3A_7, %min3A_8 : vector<10000x1xf32>
    %log1p3A = math.log1p %min3A_9 : vector<10000x1xf32>
    %neg3A = arith.constant 0.000000e+00 : f32
    %neg3A_10 = vector.broadcast %neg3A : f32 to vector<10000x1xf32>
    %neg3A_11 = arith.subf %neg3A_10, %min3A_9 : vector<10000x1xf32>
    %log1p3A_12 = math.log1p %neg3A_11 : vector<10000x1xf32>
    %sub3A = arith.subf %log1p3A, %log1p3A_12 : vector<10000x1xf32>
    %mul3A_13 = arith.constant 5.000000e-01 : f32
    %mul3A_14 = vector.broadcast %mul3A_13 : f32 to vector<10000x1xf32>
    %mul3A_15 = arith.mulf %mul3A_14, %sub3A : vector<10000x1xf32>
    %mul3A_16 = vector.broadcast %mul3A_15 : vector<10000x1xf32> to vector<10000x128xf32>
    %mul3A_17 = arith.mulf %mul3A_16, %get3A_1 : vector<10000x128xf32>
    %div3A = vector.broadcast %max3A_7 : vector<10000x1xf32> to vector<10000x128xf32>
    %div3A_18 = arith.divf %mul3A_17, %div3A : vector<10000x128xf32>
    %get3A_19 = arith.constant 0 : index
    %get3A_20 = arith.constant 0 : index
    %get3A_21 = vector.load %arg3[%get3A_19, %get3A_20] : memref<128x128xf32, #tpu.memory_space<vmem>>, vector<128x128xf32>
    %dot_general3A = arith.constant dense<0.000000e+00> : vector<10000x128xf32>
    %dot_general3A_22 = tpu.matmul %div3A_18, %get3A_21, %dot_general3A {dimension_numbers = #tpu.dot_dimension_numbers<[1], [0], [0], [1], [0, 0, 1, 1], [], []>, transpose_lhs_hint = false} : vector<10000x128xf32>, vector<128x128xf32>, vector<10000x128xf32> -> vector<10000x128xf32>
    %get3A_23 = arith.constant 0 : index
    %get3A_24 = arith.constant 0 : index
    %get3A_25 = vector.load %arg8[%get3A_23, %get3A_24] : memref<1x128xf32, #tpu.memory_space<vmem>>, vector<1x128xf32>
    %add3A = vector.broadcast %get3A_25 : vector<1x128xf32> to vector<10000x128xf32>
    %add3A_26 = arith.addf %dot_general3A_22, %add3A : vector<10000x128xf32>
    %get3A_27 = arith.constant 0 : index
    %get3A_28 = arith.constant 0 : index
    %get3A_29 = vector.load %arg2[%get3A_27, %get3A_28] : memref<128x40xf32, #tpu.memory_space<vmem>>, vector<128x40xf32>
    %dot_general3A_30 = arith.constant dense<0.000000e+00> : vector<10000x40xf32>
    %dot_general3A_31 = tpu.matmul %get3A_4, %get3A_29, %dot_general3A_30 {dimension_numbers = #tpu.dot_dimension_numbers<[1], [0], [0], [1], [0, 0, 1, 1], [], []>, transpose_lhs_hint = false} : vector<10000x128xf32>, vector<128x40xf32>, vector<10000x40xf32> -> vector<10000x40xf32>
    %slice3A = vector.extract_strided_slice %add3A_26 {offsets = [0, 0], sizes = [10000, 64], strides = [1, 1]} : vector<10000x128xf32> to vector<10000x64xf32>
    %swap3A = arith.constant 0 : index
    %swap3A_32 = arith.constant 0 : index
    %swap3A_33 = vector.load %arg9[%swap3A, %swap3A_32] : memref<10000x64xf32, #tpu.memory_space<vmem>>, vector<10000x64xf32>
    tpu.vector_store %arg9[%swap3A, %swap3A_32], %slice3A {strides = array<i32>} : memref<10000x64xf32, #tpu.memory_space<vmem>>, vector<10000x64xf32>,
    %slice3A_34 = vector.extract_strided_slice %add3A_26 {offsets = [0, 64], sizes = [10000, 64], strides = [1, 1]} : vector<10000x128xf32> to vector<10000x64xf32>
    %swap3A_35 = arith.constant 0 : index
    %swap3A_36 = arith.constant 0 : index
    %swap3A_37 = vector.load %arg10[%swap3A_35, %swap3A_36] : memref<10000x64xf32, #tpu.memory_space<vmem>>, vector<10000x64xf32>
    tpu.vector_store %arg10[%swap3A_35, %swap3A_36], %slice3A_34 {strides = array<i32>} : memref<10000x64xf32, #tpu.memory_space<vmem>>, vector<10000x64xf32>,
    %broadcast_in_dim3A_38 = arith.constant 0.000000e+00 : f32
    %broadcast_in_dim3A_39 = vector.broadcast %broadcast_in_dim3A_38 : f32 to vector<10000x24xf32>
    %concatenate3A = tpu.concatenate %dot_general3A_31, %broadcast_in_dim3A_39 in 1 : vector<10000x40xf32>, vector<10000x24xf32> -> vector<10000x64xf32>
    %swap3A_40 = arith.constant 0 : index
    %swap3A_41 = arith.constant 0 : index
    %swap3A_42 = vector.load %arg11[%swap3A_40, %swap3A_41] : memref<10000x64xf32, #tpu.memory_space<vmem>>, vector<10000x64xf32>
    tpu.vector_store %arg11[%swap3A_40, %swap3A_41], %concatenate3A {strides = array<i32>} : memref<10000x64xf32, #tpu.memory_space<vmem>>, vector<10000x64xf32>,
    %get3A_43 = arith.constant 0 : index
    %get3A_44 = arith.constant 0 : index
    %get3A_45 = vector.load %arg6[%get3A_43, %get3A_44] : memref<128x1xf32, #tpu.memory_space<vmem>>, vector<128x1xf32>
    %dot_general3A_46 = arith.constant dense<0.000000e+00> : vector<10000x1xf32>
    %dot_general3A_47 = tpu.matmul %add3A_26, %get3A_45, %dot_general3A_46 {dimension_numbers = #tpu.dot_dimension_numbers<[1], [0], [0], [1], [0, 0, 1, 1], [], []>, transpose_lhs_hint = false} : vector<10000x128xf32>, vector<128x1xf32>, vector<10000x1xf32> -> vector<10000x1xf32>
    %get3A_48 = arith.constant 0 : index
    %get3A_49 = arith.constant 0 : index
    %get3A_50 = vector.load %arg7[%get3A_48, %get3A_49] : memref<128x1xf32, #tpu.memory_space<vmem>>, vector<128x1xf32>
    %dot_general3A_51 = arith.constant dense<0.000000e+00> : vector<10000x1xf32>
    %dot_general3A_52 = tpu.matmul %add3A_26, %get3A_50, %dot_general3A_51 {dimension_numbers = #tpu.dot_dimension_numbers<[1], [0], [0], [1], [0, 0, 1, 1], [], []>, transpose_lhs_hint = false} : vector<10000x128xf32>, vector<128x1xf32>, vector<10000x1xf32> -> vector<10000x1xf32>
    %get3A_53 = arith.constant 0 : index
    %get3A_54 = arith.constant 0 : index
    %get3A_55 = vector.load %arg4[%get3A_53, %get3A_54] : memref<40x1xf32, #tpu.memory_space<vmem>>, vector<40x1xf32>
    %dot_general3A_56 = arith.constant dense<0.000000e+00> : vector<10000x1xf32>
    %dot_general3A_57 = tpu.matmul %dot_general3A_31, %get3A_55, %dot_general3A_56 {dimension_numbers = #tpu.dot_dimension_numbers<[1], [0], [0], [1], [0, 0, 1, 1], [], []>, transpose_lhs_hint = false} : vector<10000x40xf32>, vector<40x1xf32>, vector<10000x1xf32> -> vector<10000x1xf32>
    %get3A_58 = arith.constant 0 : index
    %get3A_59 = arith.constant 0 : index
    %get3A_60 = vector.load %arg5[%get3A_58, %get3A_59] : memref<40x1xf32, #tpu.memory_space<vmem>>, vector<40x1xf32>
    %dot_general3A_61 = arith.constant dense<0.000000e+00> : vector<10000x1xf32>
    %dot_general3A_62 = tpu.matmul %dot_general3A_31, %get3A_60, %dot_general3A_61 {dimension_numbers = #tpu.dot_dimension_numbers<[1], [0], [0], [1], [0, 0, 1, 1], [], []>, transpose_lhs_hint = false} : vector<10000x40xf32>, vector<40x1xf32>, vector<10000x1xf32> -> vector<10000x1xf32>
    %broadcast_in_dim3A_63 = arith.constant 0.000000e+00 : f32
    %broadcast_in_dim3A_64 = vector.broadcast %broadcast_in_dim3A_63 : f32 to vector<10000x3xf32>
    %concatenate3A_65 = tpu.concatenate %dot_general3A_47, %dot_general3A_52, %dot_general3A_57, %dot_general3A_62, %broadcast_in_dim3A, %broadcast_in_dim3A_64 in 1 : vector<10000x1xf32>, vector<10000x1xf32>, vector<10000x1xf32>, vector<10000x1xf32>, vector<10000x1xf32>, vector<10000x3xf32> -> vector<10000x8xf32>
    %swap3A_66 = arith.constant 0 : index
    %swap3A_67 = arith.constant 0 : index
    %swap3A_68 = vector.load %arg12[%swap3A_66, %swap3A_67] : memref<10000x8xf32, #tpu.memory_space<vmem>>, vector<10000x8xf32>
    tpu.vector_store %arg12[%swap3A_66, %swap3A_67], %concatenate3A_65 {strides = array<i32>} : memref<10000x8xf32, #tpu.memory_space<vmem>>, vector<10000x8xf32>,
    %reduce_max3A = vector.shape_cast %dot_general3A_47 : vector<10000x1xf32> to vector<1x10000x1xf32>
    %reduce_max3A_69 = arith.constant dense<0xFF800000> : vector<1xf32>
    %reduce_max3A_70 = vector.multi_reduction <maximumf>, %reduce_max3A, %reduce_max3A_69 [1, 2] : vector<1x10000x1xf32> to vector<1xf32>
    %reduce_max3A_71 = vector.shape_cast %reduce_max3A_70 : vector<1xf32> to vector<1x1x1xf32>
    %reduce_max3A_72 = vector.extract %reduce_max3A_71[0, 0, 0] : f32 from vector<1x1x1xf32>
    %reduce_max3A_73 = vector.shape_cast %dot_general3A_52 : vector<10000x1xf32> to vector<1x10000x1xf32>
    %reduce_max3A_74 = arith.constant dense<0xFF800000> : vector<1xf32>
    %reduce_max3A_75 = vector.multi_reduction <maximumf>, %reduce_max3A_73, %reduce_max3A_74 [1, 2] : vector<1x10000x1xf32> to vector<1xf32>
    %reduce_max3A_76 = vector.shape_cast %reduce_max3A_75 : vector<1xf32> to vector<1x1x1xf32>
    %reduce_max3A_77 = vector.extract %reduce_max3A_76[0, 0, 0] : f32 from vector<1x1x1xf32>
    %add3A_78 = arith.addf %reduce_max3A_72, %reduce_max3A_77 : f32
    %mul3A_79 = arith.constant 2.000000e-01 : f32
    %mul3A_80 = arith.mulf %mul3A_79, %add3A_78 : f32
    %max3A_81 = arith.maximumf %add3A_78, %mul3A_80 : f32
    %reduce_max3A_82 = vector.shape_cast %dot_general3A_57 : vector<10000x1xf32> to vector<1x10000x1xf32>
    %reduce_max3A_83 = arith.constant dense<0xFF800000> : vector<1xf32>
    %reduce_max3A_84 = vector.multi_reduction <maximumf>, %reduce_max3A_82, %reduce_max3A_83 [1, 2] : vector<1x10000x1xf32> to vector<1xf32>
    %reduce_max3A_85 = vector.shape_cast %reduce_max3A_84 : vector<1xf32> to vector<1x1x1xf32>
    %reduce_max3A_86 = vector.extract %reduce_max3A_85[0, 0, 0] : f32 from vector<1x1x1xf32>
    %reduce_max3A_87 = vector.shape_cast %dot_general3A_62 : vector<10000x1xf32> to vector<1x10000x1xf32>
    %reduce_max3A_88 = arith.constant dense<0xFF800000> : vector<1xf32>
    %reduce_max3A_89 = vector.multi_reduction <maximumf>, %reduce_max3A_87, %reduce_max3A_88 [1, 2] : vector<1x10000x1xf32> to vector<1xf32>
    %reduce_max3A_90 = vector.shape_cast %reduce_max3A_89 : vector<1xf32> to vector<1x1x1xf32>
    %reduce_max3A_91 = vector.extract %reduce_max3A_90[0, 0, 0] : f32 from vector<1x1x1xf32>
    %add3A_92 = arith.addf %reduce_max3A_86, %reduce_max3A_91 : f32
    %mul3A_93 = arith.constant 2.000000e-01 : f32
    %mul3A_94 = arith.mulf %mul3A_93, %add3A_92 : f32
    %max3A_95 = arith.maximumf %add3A_92, %mul3A_94 : f32
    %broadcast_in_dim3A_96 = arith.constant 1.000000e+00 : f32
    %broadcast_in_dim3A_97 = vector.broadcast %broadcast_in_dim3A_96 : f32 to vector<1x16xf32>
    %mul3A_98 = vector.broadcast %max3A_81 : f32 to vector<1x16xf32>
    %mul3A_99 = arith.mulf %broadcast_in_dim3A_97, %mul3A_98 : vector<1x16xf32>
    %broadcast_in_dim3A_100 = arith.constant 1.000000e+00 : f32
    %broadcast_in_dim3A_101 = vector.broadcast %broadcast_in_dim3A_100 : f32 to vector<1x16xf32>
    %mul3A_102 = vector.broadcast %max3A_95 : f32 to vector<1x16xf32>
    %mul3A_103 = arith.mulf %broadcast_in_dim3A_101, %mul3A_102 : vector<1x16xf32>
    %concatenate3A_104 = tpu.concatenate %mul3A_99, %mul3A_103 in 0 : vector<1x16xf32>, vector<1x16xf32> -> vector<2x16xf32>
    %swap3A_105 = arith.constant 0 : index
    %swap3A_106 = arith.constant 0 : index
    %swap3A_107 = vector.load %arg13[%swap3A_105, %swap3A_106] : memref<2x16xf32, #tpu.memory_space<vmem>>, vector<2x16xf32>
    tpu.vector_store %arg13[%swap3A_105, %swap3A_106], %concatenate3A_104 {strides = array<i32>} : memref<2x16xf32, #tpu.memory_space<vmem>>, vector<2x16xf32>,
    return
  }
}

module attributes {stable_mosaic.version = 14 : i64} {
  func.func @_epilogue_body(%arg0: memref<2x10000x128xf32, #tpu.memory_space<vmem>>, %arg1: memref<2x10000x66xf32, #tpu.memory_space<vmem>>, %arg2: memref<128x40xf32, #tpu.memory_space<vmem>>, %arg3: memref<128x40xf32, #tpu.memory_space<vmem>>, %arg4: memref<1x40xf32, #tpu.memory_space<vmem>>, %arg5: memref<1x40xf32, #tpu.memory_space<vmem>>, %arg6: memref<128x1xf32, #tpu.memory_space<vmem>>, %arg7: memref<40x1xf32, #tpu.memory_space<vmem>>, %arg8: memref<10000x40xf32, #tpu.memory_space<vmem>>) attributes {dimension_semantics = [], scalar_prefetch = 0 : i64, scratch_operands = 0 : i64, tpu.core_type = #tpu.core_type<tc>} {
    %get3A = arith.constant 0 : index
    %get3A_0 = arith.constant 0 : index
    %get3A_1 = arith.constant 0 : index
    %get3A_2 = vector.load %arg0[%get3A, %get3A_0, %get3A_1] : memref<2x10000x128xf32, #tpu.memory_space<vmem>>, vector<1x10000x128xf32>
    %get3A_3 = vector.shape_cast %get3A_2 : vector<1x10000x128xf32> to vector<10000x128xf32>
    %get3A_4 = arith.constant 1 : index
    %get3A_5 = arith.constant 0 : index
    %get3A_6 = arith.constant 0 : index
    %get3A_7 = vector.load %arg0[%get3A_4, %get3A_5, %get3A_6] : memref<2x10000x128xf32, #tpu.memory_space<vmem>>, vector<1x10000x128xf32>
    %get3A_8 = vector.shape_cast %get3A_7 : vector<1x10000x128xf32> to vector<10000x128xf32>
    %add3A = arith.addf %get3A_3, %get3A_8 : vector<10000x128xf32>
    %get3A_9 = arith.constant 0 : index
    %get3A_10 = arith.constant 0 : index
    %get3A_11 = arith.constant 0 : index
    %get3A_12 = vector.load %arg1[%get3A_9, %get3A_10, %get3A_11] : memref<2x10000x66xf32, #tpu.memory_space<vmem>>, vector<1x10000x66xf32>
    %get3A_13 = vector.shape_cast %get3A_12 : vector<1x10000x66xf32> to vector<10000x66xf32>
    %get3A_14 = arith.constant 1 : index
    %get3A_15 = arith.constant 0 : index
    %get3A_16 = arith.constant 0 : index
    %get3A_17 = vector.load %arg1[%get3A_14, %get3A_15, %get3A_16] : memref<2x10000x66xf32, #tpu.memory_space<vmem>>, vector<1x10000x66xf32>
    %get3A_18 = vector.shape_cast %get3A_17 : vector<1x10000x66xf32> to vector<10000x66xf32>
    %add3A_19 = arith.addf %get3A_13, %get3A_18 : vector<10000x66xf32>
    %slice3A = vector.extract_strided_slice %add3A_19 {offsets = [0, 0], sizes = [10000, 64], strides = [1, 1]} : vector<10000x66xf32> to vector<10000x64xf32>
    %slice3A_20 = vector.extract_strided_slice %add3A_19 {offsets = [0, 64], sizes = [10000, 1], strides = [1, 1]} : vector<10000x66xf32> to vector<10000x1xf32>
    %slice3A_21 = vector.extract_strided_slice %add3A_19 {offsets = [0, 65], sizes = [10000, 1], strides = [1, 1]} : vector<10000x66xf32> to vector<10000x1xf32>
    %jit3A = arith.constant 1.000000e-10 : f32
    %max3A = vector.broadcast %jit3A : f32 to vector<10000x1xf32>
    %max3A_22 = arith.maximumf %max3A, %slice3A_20 : vector<10000x1xf32>
    %div3A = vector.broadcast %max3A_22 : vector<10000x1xf32> to vector<10000x128xf32>
    %div3A_23 = arith.divf %add3A, %div3A : vector<10000x128xf32>
    %max3A_24 = arith.constant 0.000000e+00 : f32
    %max3A_25 = vector.broadcast %max3A_24 : f32 to vector<10000x128xf32>
    %max3A_26 = arith.maximumf %div3A_23, %max3A_25 : vector<10000x128xf32>
    %slice3A_27 = vector.extract_strided_slice %slice3A {offsets = [0, 0], sizes = [10000, 40], strides = [1, 1]} : vector<10000x64xf32> to vector<10000x40xf32>
    %jit3A_28 = arith.constant 1.000000e-10 : f32
    %max3A_29 = vector.broadcast %jit3A_28 : f32 to vector<10000x1xf32>
    %max3A_30 = arith.maximumf %max3A_29, %slice3A_21 : vector<10000x1xf32>
    %div3A_31 = vector.broadcast %max3A_30 : vector<10000x1xf32> to vector<10000x40xf32>
    %div3A_32 = arith.divf %slice3A_27, %div3A_31 : vector<10000x40xf32>
    %get3A_33 = arith.constant 0 : index
    %get3A_34 = arith.constant 0 : index
    %get3A_35 = vector.load %arg5[%get3A_33, %get3A_34] : memref<1x40xf32, #tpu.memory_space<vmem>>, vector<1x40xf32>
    %add3A_36 = vector.broadcast %get3A_35 : vector<1x40xf32> to vector<10000x40xf32>
    %add3A_37 = arith.addf %div3A_32, %add3A_36 : vector<10000x40xf32>
    %mul3A = arith.mulf %max3A_26, %max3A_26 : vector<10000x128xf32>
    %reduce_sum3A = arith.constant dense<0.000000e+00> : vector<10000xf32>
    %reduce_sum3A_38 = vector.multi_reduction <add>, %mul3A, %reduce_sum3A [1] : vector<10000x128xf32> to vector<10000xf32>
    %broadcast_in_dim3A = vector.shape_cast %reduce_sum3A_38 : vector<10000xf32> to vector<10000x1xf32>
    %sqrt3A = math.sqrt %broadcast_in_dim3A : vector<10000x1xf32>
    %max3A_39 = arith.constant 1.000000e-10 : f32
    %max3A_40 = vector.broadcast %max3A_39 : f32 to vector<10000x1xf32>
    %max3A_41 = arith.maximumf %sqrt3A, %max3A_40 : vector<10000x1xf32>
    %tanh3A = math.tanh %max3A_41 : vector<10000x1xf32>
    %mul3A_42 = vector.broadcast %tanh3A : vector<10000x1xf32> to vector<10000x128xf32>
    %mul3A_43 = arith.mulf %mul3A_42, %max3A_26 : vector<10000x128xf32>
    %div3A_44 = vector.broadcast %max3A_41 : vector<10000x1xf32> to vector<10000x128xf32>
    %div3A_45 = arith.divf %mul3A_43, %div3A_44 : vector<10000x128xf32>
    %get3A_46 = arith.constant 0 : index
    %get3A_47 = arith.constant 0 : index
    %get3A_48 = vector.load %arg2[%get3A_46, %get3A_47] : memref<128x40xf32, #tpu.memory_space<vmem>>, vector<128x40xf32>
    %get3A_49 = arith.constant 0 : index
    %get3A_50 = arith.constant 0 : index
    %get3A_51 = vector.load %arg3[%get3A_49, %get3A_50] : memref<128x40xf32, #tpu.memory_space<vmem>>, vector<128x40xf32>
    %dot_general3A = arith.constant dense<0.000000e+00> : vector<10000x40xf32>
    %dot_general3A_52 = tpu.matmul %div3A_45, %get3A_48, %dot_general3A {dimension_numbers = #tpu.dot_dimension_numbers<[1], [0], [0], [1], [0, 0, 1, 1], [], []>, transpose_lhs_hint = false} : vector<10000x128xf32>, vector<128x40xf32>, vector<10000x40xf32> -> vector<10000x40xf32>
    %dot_general3A_53 = arith.constant dense<0.000000e+00> : vector<10000x40xf32>
    %dot_general3A_54 = tpu.matmul %div3A_45, %get3A_51, %dot_general3A_53 {dimension_numbers = #tpu.dot_dimension_numbers<[1], [0], [0], [1], [0, 0, 1, 1], [], []>, transpose_lhs_hint = false} : vector<10000x128xf32>, vector<128x40xf32>, vector<10000x40xf32> -> vector<10000x40xf32>
    %mul3A_55 = arith.mulf %div3A_45, %div3A_45 : vector<10000x128xf32>
    %reduce_sum3A_56 = arith.constant dense<0.000000e+00> : vector<10000xf32>
    %reduce_sum3A_57 = vector.multi_reduction <add>, %mul3A_55, %reduce_sum3A_56 [1] : vector<10000x128xf32> to vector<10000xf32>
    %broadcast_in_dim3A_58 = vector.shape_cast %reduce_sum3A_57 : vector<10000xf32> to vector<10000x1xf32>
    %mul3A_59 = arith.mulf %get3A_48, %get3A_48 : vector<128x40xf32>
    %reduce_sum3A_60 = arith.constant dense<0.000000e+00> : vector<40xf32>
    %reduce_sum3A_61 = vector.multi_reduction <add>, %mul3A_59, %reduce_sum3A_60 [0] : vector<128x40xf32> to vector<40xf32>
    %broadcast_in_dim3A_62 = vector.shape_cast %reduce_sum3A_61 : vector<40xf32> to vector<1x40xf32>
    %mul3A_63 = arith.mulf %get3A_48, %get3A_51 : vector<128x40xf32>
    %reduce_sum3A_64 = arith.constant dense<0.000000e+00> : vector<40xf32>
    %reduce_sum3A_65 = vector.multi_reduction <add>, %mul3A_63, %reduce_sum3A_64 [0] : vector<128x40xf32> to vector<40xf32>
    %broadcast_in_dim3A_66 = vector.shape_cast %reduce_sum3A_65 : vector<40xf32> to vector<1x40xf32>
    %mul3A_67 = arith.mulf %get3A_51, %get3A_51 : vector<128x40xf32>
    %reduce_sum3A_68 = arith.constant dense<0.000000e+00> : vector<40xf32>
    %reduce_sum3A_69 = vector.multi_reduction <add>, %mul3A_67, %reduce_sum3A_68 [0] : vector<128x40xf32> to vector<40xf32>
    %broadcast_in_dim3A_70 = vector.shape_cast %reduce_sum3A_69 : vector<40xf32> to vector<1x40xf32>
    %sqrt3A_71 = math.sqrt %broadcast_in_dim3A_70 : vector<1x40xf32>
    %mul3A_72 = arith.constant 2.000000e+00 : f32
    %mul3A_73 = vector.broadcast %mul3A_72 : f32 to vector<10000x40xf32>
    %mul3A_74 = arith.mulf %mul3A_73, %dot_general3A_52 : vector<10000x40xf32>
    %sub3A = arith.constant 1.000000e+00 : f32
    %sub3A_75 = vector.broadcast %sub3A : f32 to vector<10000x40xf32>
    %sub3A_76 = arith.subf %sub3A_75, %mul3A_74 : vector<10000x40xf32>
    %add3A_77 = vector.broadcast %broadcast_in_dim3A_58 : vector<10000x1xf32> to vector<10000x40xf32>
    %add3A_78 = arith.addf %sub3A_76, %add3A_77 : vector<10000x40xf32>
    %sub3A_79 = arith.constant 1.000000e+00 : f32
    %sub3A_80 = vector.broadcast %sub3A_79 : f32 to vector<1x40xf32>
    %sub3A_81 = arith.subf %sub3A_80, %broadcast_in_dim3A_62 : vector<1x40xf32>
    %mul3A_82 = arith.constant 2.000000e+00 : f32
    %mul3A_83 = vector.broadcast %mul3A_82 : f32 to vector<10000x40xf32>
    %mul3A_84 = arith.mulf %mul3A_83, %dot_general3A_52 : vector<10000x40xf32>
    %sub3A_85 = arith.constant 1.000000e+00 : f32
    %sub3A_86 = vector.broadcast %sub3A_85 : f32 to vector<10000x40xf32>
    %sub3A_87 = arith.subf %sub3A_86, %mul3A_84 : vector<10000x40xf32>
    %mul3A_88 = vector.broadcast %broadcast_in_dim3A_62 : vector<1x40xf32> to vector<10000x40xf32>
    %mul3A_89 = vector.broadcast %broadcast_in_dim3A_58 : vector<10000x1xf32> to vector<10000x40xf32>
    %mul3A_90 = arith.mulf %mul3A_88, %mul3A_89 : vector<10000x40xf32>
    %add3A_91 = arith.addf %sub3A_87, %mul3A_90 : vector<10000x40xf32>
    %max3A_92 = arith.constant 1.000000e-10 : f32
    %max3A_93 = vector.broadcast %max3A_92 : f32 to vector<10000x40xf32>
    %max3A_94 = arith.maximumf %add3A_91, %max3A_93 : vector<10000x40xf32>
    %mul3A_95 = arith.mulf %add3A_78, %add3A_78 : vector<10000x40xf32>
    %mul3A_96 = vector.broadcast %broadcast_in_dim3A_62 : vector<1x40xf32> to vector<10000x40xf32>
    %mul3A_97 = arith.mulf %mul3A_95, %mul3A_96 : vector<10000x40xf32>
    %mul3A_98 = arith.mulf %sub3A_81, %sub3A_81 : vector<1x40xf32>
    %mul3A_99 = vector.broadcast %mul3A_98 : vector<1x40xf32> to vector<10000x40xf32>
    %mul3A_100 = vector.broadcast %broadcast_in_dim3A_58 : vector<10000x1xf32> to vector<10000x40xf32>
    %mul3A_101 = arith.mulf %mul3A_99, %mul3A_100 : vector<10000x40xf32>
    %add3A_102 = arith.addf %mul3A_97, %mul3A_101 : vector<10000x40xf32>
    %mul3A_103 = arith.constant 2.000000e+00 : f32
    %mul3A_104 = vector.broadcast %mul3A_103 : f32 to vector<10000x40xf32>
    %mul3A_105 = arith.mulf %mul3A_104, %add3A_78 : vector<10000x40xf32>
    %mul3A_106 = vector.broadcast %sub3A_81 : vector<1x40xf32> to vector<10000x40xf32>
    %mul3A_107 = arith.mulf %mul3A_105, %mul3A_106 : vector<10000x40xf32>
    %mul3A_108 = arith.mulf %mul3A_107, %dot_general3A_52 : vector<10000x40xf32>
    %sub3A_109 = arith.subf %add3A_102, %mul3A_108 : vector<10000x40xf32>
    %mul3A_110 = arith.mulf %max3A_94, %max3A_94 : vector<10000x40xf32>
    %div3A_111 = arith.divf %sub3A_109, %mul3A_110 : vector<10000x40xf32>
    %mul3A_112 = vector.broadcast %sub3A_81 : vector<1x40xf32> to vector<10000x40xf32>
    %mul3A_113 = arith.mulf %mul3A_112, %dot_general3A_54 : vector<10000x40xf32>
    %mul3A_114 = vector.broadcast %broadcast_in_dim3A_66 : vector<1x40xf32> to vector<10000x40xf32>
    %mul3A_115 = arith.mulf %add3A_78, %mul3A_114 : vector<10000x40xf32>
    %sub3A_116 = arith.subf %mul3A_113, %mul3A_115 : vector<10000x40xf32>
    %div3A_117 = arith.divf %sub3A_116, %max3A_94 : vector<10000x40xf32>
    %sub3A_118 = arith.constant 1.000000e+00 : f32
    %sub3A_119 = vector.broadcast %sub3A_118 : f32 to vector<10000x40xf32>
    %sub3A_120 = arith.subf %sub3A_119, %div3A_111 : vector<10000x40xf32>
    %jit3A_121 = arith.constant 1.000000e-10 : f32
    %max3A_122 = vector.broadcast %jit3A_121 : f32 to vector<10000x40xf32>
    %max3A_123 = arith.maximumf %max3A_122, %sub3A_120 : vector<10000x40xf32>
    %jit3A_124 = arith.constant 1.000000e-10 : f32
    %max3A_125 = vector.broadcast %jit3A_124 : f32 to vector<1x40xf32>
    %max3A_126 = arith.maximumf %max3A_125, %sqrt3A_71 : vector<1x40xf32>
    %mul3A_127 = vector.broadcast %max3A_126 : vector<1x40xf32> to vector<10000x40xf32>
    %mul3A_128 = arith.mulf %max3A_123, %mul3A_127 : vector<10000x40xf32>
    %mul3A_129 = arith.constant 2.000000e+00 : f32
    %mul3A_130 = vector.broadcast %mul3A_129 : f32 to vector<10000x40xf32>
    %mul3A_131 = arith.mulf %mul3A_130, %div3A_117 : vector<10000x40xf32>
    %div3A_132 = arith.divf %mul3A_131, %mul3A_128 : vector<10000x40xf32>
    %abs3A = math.absf %div3A_132 : vector<10000x40xf32>
    %sign3A = tpu.bitcast %div3A_132 : vector<10000x40xf32> -> vector<10000x40xi32>
    %sign3A_133 = arith.constant -2147483648 : i32
    %sign3A_134 = vector.broadcast %sign3A_133 : i32 to vector<10000x40xi32>
    %sign3A_135 = arith.andi %sign3A, %sign3A_134 : vector<10000x40xi32>
    %sign3A_136 = arith.constant 1065353216 : i32
    %sign3A_137 = vector.broadcast %sign3A_136 : i32 to vector<10000x40xi32>
    %sign3A_138 = arith.ori %sign3A_137, %sign3A_135 : vector<10000x40xi32>
    %sign3A_139 = tpu.bitcast %sign3A_138 : vector<10000x40xi32> -> vector<10000x40xf32>
    %sign3A_140 = math.absf %div3A_132 : vector<10000x40xf32>
    %sign3A_141 = arith.constant 0.000000e+00 : f32
    %sign3A_142 = vector.broadcast %sign3A_141 : f32 to vector<10000x40xf32>
    %sign3A_143 = arith.cmpf ogt, %sign3A_140, %sign3A_142 : vector<10000x40xf32>
    %sign3A_144 = arith.select %sign3A_143, %sign3A_139, %div3A_132 : vector<10000x40xi1>, vector<10000x40xf32>
    %mul3A_145 = arith.mulf %abs3A, %abs3A : vector<10000x40xf32>
    %add3A_146 = arith.constant 1.000000e+00 : f32
    %add3A_147 = vector.broadcast %add3A_146 : f32 to vector<10000x40xf32>
    %add3A_148 = arith.addf %mul3A_145, %add3A_147 : vector<10000x40xf32>
    %sqrt3A_149 = math.sqrt %add3A_148 : vector<10000x40xf32>
    %add3A_150 = arith.addf %abs3A, %sqrt3A_149 : vector<10000x40xf32>
    %log3A = math.log %add3A_150 : vector<10000x40xf32>
    %mul3A_151 = arith.mulf %sign3A_144, %log3A : vector<10000x40xf32>
    %get3A_152 = arith.constant 0 : index
    %get3A_153 = arith.constant 0 : index
    %get3A_154 = vector.load %arg4[%get3A_152, %get3A_153] : memref<1x40xf32, #tpu.memory_space<vmem>>, vector<1x40xf32>
    %exp3A = math.exp %get3A_154 : vector<1x40xf32>
    %mul3A_155 = vector.broadcast %exp3A : vector<1x40xf32> to vector<10000x40xf32>
    %mul3A_156 = arith.mulf %mul3A_151, %mul3A_155 : vector<10000x40xf32>
    %slice3A_157 = vector.extract_strided_slice %div3A_45 {offsets = [9999, 0], sizes = [1, 128], strides = [1, 1]} : vector<10000x128xf32> to vector<1x128xf32>
    %mul3A_158 = arith.mulf %slice3A_157, %slice3A_157 : vector<1x128xf32>
    %reduce_sum3A_159 = arith.constant dense<0.000000e+00> : vector<1xf32>
    %reduce_sum3A_160 = vector.multi_reduction <add>, %mul3A_158, %reduce_sum3A_159 [1] : vector<1x128xf32> to vector<1xf32>
    %broadcast_in_dim3A_161 = vector.shape_cast %reduce_sum3A_160 : vector<1xf32> to vector<1x1xf32>
    %sqrt3A_162 = math.sqrt %broadcast_in_dim3A_161 : vector<1x1xf32>
    %max3A_163 = arith.constant 1.000000e-10 : f32
    %max3A_164 = vector.broadcast %max3A_163 : f32 to vector<1x1xf32>
    %max3A_165 = arith.maximumf %sqrt3A_162, %max3A_164 : vector<1x1xf32>
    %min3A = arith.constant 0.99999988 : f32
    %min3A_166 = vector.broadcast %min3A : f32 to vector<1x1xf32>
    %min3A_167 = arith.minimumf %max3A_165, %min3A_166 : vector<1x1xf32>
    %log1p3A = math.log1p %min3A_167 : vector<1x1xf32>
    %neg3A = arith.constant 0.000000e+00 : f32
    %neg3A_168 = vector.broadcast %neg3A : f32 to vector<1x1xf32>
    %neg3A_169 = arith.subf %neg3A_168, %min3A_167 : vector<1x1xf32>
    %log1p3A_170 = math.log1p %neg3A_169 : vector<1x1xf32>
    %sub3A_171 = arith.subf %log1p3A, %log1p3A_170 : vector<1x1xf32>
    %mul3A_172 = arith.constant 5.000000e-01 : f32
    %mul3A_173 = vector.broadcast %mul3A_172 : f32 to vector<1x1xf32>
    %mul3A_174 = arith.mulf %mul3A_173, %sub3A_171 : vector<1x1xf32>
    %mul3A_175 = vector.broadcast %mul3A_174 : vector<1x1xf32> to vector<1x128xf32>
    %mul3A_176 = arith.mulf %mul3A_175, %slice3A_157 : vector<1x128xf32>
    %div3A_177 = vector.broadcast %max3A_165 : vector<1x1xf32> to vector<1x128xf32>
    %div3A_178 = arith.divf %mul3A_176, %div3A_177 : vector<1x128xf32>
    %get3A_179 = arith.constant 0 : index
    %get3A_180 = arith.constant 0 : index
    %get3A_181 = vector.load %arg6[%get3A_179, %get3A_180] : memref<128x1xf32, #tpu.memory_space<vmem>>, vector<128x1xf32>
    %dot_general3A_182 = arith.constant dense<0.000000e+00> : vector<1x1xf32>
    %dot_general3A_183 = tpu.matmul %div3A_178, %get3A_181, %dot_general3A_182 {dimension_numbers = #tpu.dot_dimension_numbers<[1], [0], [0], [1], [0, 0, 1, 1], [], []>, transpose_lhs_hint = false} : vector<1x128xf32>, vector<128x1xf32>, vector<1x1xf32> -> vector<1x1xf32>
    %logistic3A = arith.negf %dot_general3A_183 : vector<1x1xf32>
    %logistic3A_184 = math.exp %logistic3A : vector<1x1xf32>
    %logistic3A_185 = arith.constant 1.000000e+00 : f32
    %logistic3A_186 = vector.broadcast %logistic3A_185 : f32 to vector<1x1xf32>
    %logistic3A_187 = arith.addf %logistic3A_186, %logistic3A_184 : vector<1x1xf32>
    %logistic3A_188 = arith.divf %logistic3A_186, %logistic3A_187 : vector<1x1xf32>
    %slice3A_189 = vector.extract_strided_slice %add3A_37 {offsets = [9999, 0], sizes = [1, 40], strides = [1, 1]} : vector<10000x40xf32> to vector<1x40xf32>
    %get3A_190 = arith.constant 0 : index
    %get3A_191 = arith.constant 0 : index
    %get3A_192 = vector.load %arg7[%get3A_190, %get3A_191] : memref<40x1xf32, #tpu.memory_space<vmem>>, vector<40x1xf32>
    %dot_general3A_193 = arith.constant dense<0.000000e+00> : vector<1x1xf32>
    %dot_general3A_194 = tpu.matmul %slice3A_189, %get3A_192, %dot_general3A_193 {dimension_numbers = #tpu.dot_dimension_numbers<[1], [0], [0], [1], [0, 0, 1, 1], [], []>, transpose_lhs_hint = false} : vector<1x40xf32>, vector<40x1xf32>, vector<1x1xf32> -> vector<1x1xf32>
    %logistic3A_195 = arith.negf %dot_general3A_194 : vector<1x1xf32>
    %logistic3A_196 = math.exp %logistic3A_195 : vector<1x1xf32>
    %logistic3A_197 = arith.constant 1.000000e+00 : f32
    %logistic3A_198 = vector.broadcast %logistic3A_197 : f32 to vector<1x1xf32>
    %logistic3A_199 = arith.addf %logistic3A_198, %logistic3A_196 : vector<1x1xf32>
    %logistic3A_200 = arith.divf %logistic3A_198, %logistic3A_199 : vector<1x1xf32>
    %abs3A_201 = math.absf %logistic3A_188 : vector<1x1xf32>
    %abs3A_202 = math.absf %logistic3A_200 : vector<1x1xf32>
    %add3A_203 = arith.addf %abs3A_201, %abs3A_202 : vector<1x1xf32>
    %jit3A_204 = arith.constant 1.000000e-10 : f32
    %max3A_205 = vector.broadcast %jit3A_204 : f32 to vector<1x1xf32>
    %max3A_206 = arith.maximumf %max3A_205, %add3A_203 : vector<1x1xf32>
    %div3A_207 = arith.divf %logistic3A_188, %max3A_206 : vector<1x1xf32>
    %mul3A_208 = vector.broadcast %div3A_207 : vector<1x1xf32> to vector<10000x40xf32>
    %mul3A_209 = arith.mulf %mul3A_208, %mul3A_156 : vector<10000x40xf32>
    %div3A_210 = arith.divf %logistic3A_200, %max3A_206 : vector<1x1xf32>
    %mul3A_211 = vector.broadcast %div3A_210 : vector<1x1xf32> to vector<10000x40xf32>
    %mul3A_212 = arith.mulf %mul3A_211, %add3A_37 : vector<10000x40xf32>
    %add3A_213 = arith.addf %mul3A_209, %mul3A_212 : vector<10000x40xf32>
    %swap3A = arith.constant 0 : index
    %swap3A_214 = arith.constant 0 : index
    %swap3A_215 = vector.load %arg8[%swap3A, %swap3A_214] : memref<10000x40xf32, #tpu.memory_space<vmem>>, vector<10000x40xf32>
    tpu.vector_store %arg8[%swap3A, %swap3A_214], %add3A_213 {strides = array<i32>} : memref<10000x40xf32, #tpu.memory_space<vmem>>, vector<10000x40xf32>,
    return
  }
}

</mosaic_0001>

<sc_bundles>
// kernel: kernel.5.cloned.1.call-start
scs
__scs_entry_jumppad:
0x0: {  	(pc) =	sbr.rel $0x88, $3  }
0x1: {  	(tag) =	ssettag $0x0;
	lr =	simm.s32 $0x1  }
0x2: {  	[smem:$0x3F91] =	sst lr;
	_ =	strace $0xD0000000  }
0x3: {  	_ = 	snop  }
0x4: {  	_ = 	snop  }
0x5: {  	_ = 	snop  }
0x6: {  	_ = 	snop  }
0x7: {  	_ = 	snop  }
__scs_overlays_trampoline_lowered:
0x8: {  	[smem:$0x3FA0] =	sst s0  }
0x9: {  	[smem:$0x3FA1] =	sst s1  }
0xa: {  	[smem:$0x3FA2] =	sst s2  }
0xb: {  	[smem:$0x3FA3] =	sst s3  }
0xc: {  	[smem:$0x3FA4] =	sst s4  }
0xd: {  	[smem:$0x3FA5] =	sst s5  }
0xe: {  	[smem:$0x3FA6] =	sst s6  }
0xf: {  	[smem:$0x3FA7] =	sst s7  }
0x10: {  	[smem:$0x3FA8] =	sst s8  }
0x11: {  	[smem:$0x3FA9] =	sst s9;
	s0 =	simm.s32 @!p0 $0x0  }
0x12: {  	s1 =	sld [smem:$0x3F8F];
	s0 =	simm.s32 @p0 $0x1  }
0x13: {  	[smem:$0x3FAA] =	sst s0;
	s0 =	simm.s32 @!p1 $0x0  }
0x14: {  	s2 =	sld [smem:$0x3F8E];
	s0 =	simm.s32 @p1 $0x1  }
0x15: {  	[smem:$0x3FAB] =	sst s0;
	s0 =	simm.s32 @!p2 $0x0  }
0x16: {  	s3 =	sld [smem:$0x3FDB];
	s0 =	simm.s32 @p2 $0x1  }
0x17: {  	s4 =	simm.s32 $0x1BF5;
	[smem:$0x3FAD] =	sst s0  }
0x18: {  	s0 =	sld [smem:$0x3F90];
	_ =	swait.ge [sflag:s4], $0x0  }
0x19: {  	s7 =	sld [smem:$0x3F91]  }
0x1a: {  	s8 =	sadd.s32 $0xFFFFE003, lr  }
0x1b: {  	s9 =	sadd.s32 $0xFFFFFEF7, lr;
	s5 =	simm.s32 $0xFFFFFFFF;
	p2 =	slt.u32 s8, $0xFFFFF086  }
0x1c: {  	p1 =	slt.u32 s9, $0xF7A;
	s5 =	simm.s32 @!p2 $0x0  }
0x1d: {  	s5 =	simm.s32 @p1 $0x1;
	p0 =	seq.s32 s7, s2  }
0x1e: {  	s7 =	smul.u32 @!p0 $0xF7A, s2;
	p2 =	seq.s32 @!p0 s5, $0x0  }
0x1f: {  	s9 =	smul.u32 $0xF7A, s1;
	s8 =	simm.s32 @!p0 $0x1BF5;
	p2 =	por !p2, p0  }
0x20: {  	[sflag:s8] =	ssyncset.s32 @!p0 $0xFFFFF086;
	s6 =	sadd.s32 @!p0 s3, s7;
	s7 =	simm.s32 @!p0 $0x108  }
0x21: {  	s3 =	sadd.s32 s3, s9;
	s6 =	sadd.s32 @!p0 $0x88, s6;
	s7 =	simm.s32 @p2 $0x1082  }
0x22: {  	[simem:s7], [sflag:s8] =	dma.local @!p0 [hbm:s6], $0xF7A  }
0x23: {  	s9 =	sor.u32 $0xD0000000, s2;
	s6 =	simm.s32 $0x108;
	_ =	swait.ge @!p0 [sflag:s8], $0x0  }
0x24: {  	s3 =	sadd.s32 $0x88, s3;
	s6 =	simm.s32 @!p1 $0x1082;
	[sflag:s4] =	ssyncset.s32 $0xFFFFF086  }
0x25: {  	[simem:s6], [sflag:s4] =	dma.local [hbm:s3], $0xF7A  }
0x26: {  	[smem:$0x3F91] =	sst s1;
	(tag) =	ssettag s2;
	_ =	strace s9  }
0x27: {  	s1 =	sld [smem:$0x3FA1]  }
0x28: {  	s2 =	sld [smem:$0x3FA2]  }
0x29: {  	s4 =	sld [smem:$0x3FA4]  }
0x2a: {  	p0 =	seq.s32 s5, $0x0;
	s5 =	sld [smem:$0x3FA5]  }
0x2b: {  	s6 =	sld [smem:$0x3FA6]  }
0x2c: {  	s7 =	sld [smem:$0x3FA7]  }
0x2d: {  	s3 =	simm.s32 $0x108;
	s8 =	sld [smem:$0x3FA8]  }
0x2e: {  	s3 =	simm.s32 @!p0 $0x1082;
	s9 =	sld [smem:$0x3FA9]  }
0x2f: {  	lr =	sadd.s32 s0, s3;
	s0 =	sld [smem:$0x3FA0]  }
0x30: {  	s3 =	sld [smem:$0x3FA3]  }
0x31: {  	[smem:$0x3FAC] =	sst s10  }
0x32: {  	s10 =	sld [smem:$0x3FAA];
	_ =	sdelay $0x3  }
0x33: {  	p0 =	seq.s32 s10, $0x1;
	s10 =	sld [smem:$0x3FAC];
	_ =	sdelay $0x3  }
0x34: {  	[smem:$0x3FAC] =	sst s10  }
0x35: {  	s10 =	sld [smem:$0x3FAB];
	_ =	sdelay $0x3  }
0x36: {  	p1 =	seq.s32 s10, $0x1;
	s10 =	sld [smem:$0x3FAC];
	_ =	sdelay $0x3  }
0x37: {  	[smem:$0x3FAC] =	sst s10  }
0x38: {  	s10 =	sld [smem:$0x3FAD]  }
0x39: {  	_ = 	snop;
	(pc) =	sbr.ind lr, $3  }
0x3a: {  	_ = 	snop  }
0x3b: {  	_ = 	snop  }
0x3c: {  	p2 =	seq.s32 s10, $0x1;
	s10 =	sld [smem:$0x3FAC]  }
0x3d: {  	_ =	shalt  }
0x3e: {  	_ =	shalt  }
0x3f: {  	_ =	shalt  }
0x40: {  	_ =	shalt  }
0x41: {  	_ =	shalt  }
0x42: {  	_ =	shalt  }
0x43: {  	_ =	shalt  }
0x44: {  	_ =	shalt  }
0x45: {  	_ =	shalt  }
0x46: {  	_ =	shalt  }
0x47: {  	_ =	shalt  }
0x48: {  	_ =	shalt  }
0x49: {  	_ =	shalt  }
0x4a: {  	_ =	shalt  }
0x4b: {  	_ =	shalt  }
0x4c: {  	_ =	shalt  }
0x4d: {  	_ =	shalt  }
0x4e: {  	_ =	shalt  }
0x4f: {  	_ =	shalt  }
0x50: {  	_ =	shalt  }
0x51: {  	_ =	shalt  }
0x52: {  	_ =	shalt  }
0x53: {  	_ =	shalt  }
0x54: {  	_ =	shalt  }
0x55: {  	_ =	shalt  }
0x56: {  	_ =	shalt  }
0x57: {  	_ =	shalt  }
0x58: {  	_ =	shalt  }
0x59: {  	_ =	shalt  }
0x5a: {  	_ =	shalt  }
0x5b: {  	_ =	shalt  }
0x5c: {  	_ =	shalt  }
0x5d: {  	_ =	shalt  }
0x5e: {  	_ =	shalt  }
0x5f: {  	_ =	shalt  }
0x60: {  	_ =	shalt  }
0x61: {  	_ =	shalt  }
0x62: {  	_ =	shalt  }
0x63: {  	_ =	shalt  }
0x64: {  	_ =	shalt  }
0x65: {  	_ =	shalt  }
0x66: {  	_ =	shalt  }
0x67: {  	_ =	shalt  }
0x68: {  	_ =	shalt  }
0x69: {  	_ =	shalt  }
0x6a: {  	_ =	shalt  }
0x6b: {  	_ =	shalt  }
0x6c: {  	_ =	shalt  }
0x6d: {  	_ =	shalt  }
0x6e: {  	_ =	shalt  }
0x6f: {  	_ =	shalt  }
0x70: {  	_ =	shalt  }
0x71: {  	_ =	shalt  }
0x72: {  	_ =	shalt  }
0x73: {  	_ =	shalt  }
0x74: {  	_ =	shalt  }
0x75: {  	_ =	shalt  }
0x76: {  	_ =	shalt  }
0x77: {  	_ =	shalt  }
0x78: {  	_ =	shalt  }
0x79: {  	_ =	shalt  }
0x7a: {  	_ =	shalt  }
0x7b: {  	_ =	shalt  }
0x7c: {  	_ =	shalt  }
0x7d: {  	_ =	shalt  }
0x7e: {  	_ =	shalt  }
0x7f: {  	_ =	shalt  }
0x80: {  	_ =	shalt  }
0x81: {  	_ =	shalt  }
0x82: {  	_ =	shalt  }
0x83: {  	_ =	shalt  }
0x84: {  	_ =	shalt  }
0x85: {  	_ =	shalt  }
0x86: {  	_ =	shalt  }
0x87: {  	_ =	shalt  }
.Lfunc_end0:
.L_simem_size_0:
called_computation_lowered:
.L_overlay_start_0:
0x88: {  	s2 =	sld [smem:$0x3FD9]  }
0x89: {  	s3 =	sld [smem:$0x3FFE];
	_ =	sdelay $0x1  }
0x8a: {  	s1 =	srdreg.scid  }
0x8b: {  	s0 =	sand.u32 $0x1, s1  }
0x8c: {  	s17 =	sshll.u32 s0, $0xA;
	s2 =	sadd.s32 s3, s2  }
0x8d: {  	s2 =	sadd.s32 s2, s17  }
0x8e: {  	[smem:$0x3FB8] =	sst s2  }
0x8f: {  	_ = 	snop  }
0x90: {  	s2 =	sld [smem:$0x3FC9]  }
0x91: {  	s18 =	sld [smem:$0x3FD0];
	(tm) =	ssettm $0x1  }
0x92: {  	s4 =	sld [smem:$0x3FFB];
	_ =	sdelay $0x3  }
0x93: {  	_ =	strace s4  }
0x94: {  	s4 =	sld [smem:$0x3FFC];
	_ =	sdelay $0x3  }
0x95: {  	_ =	strace s4  }
0x96: {  	s4 =	sld [smem:$0x3FFD];
	_ =	sdelay $0x3  }
0x97: {  	_ =	strace s4  }
0x98: {  	_ =	strace $0x8FFFFFFF  }
0x99: {  	s19 =	sld [smem:$0x3FDB];
	_ =	sdelay $0x1  }
0x9a: {  	s5 =	simm.s32 $_scs_section_size  }
0x9b: {  	s6 =	simm.s32 $_size__tile_overlayer_lowered;
	s7 =	simm.s32 $_tile_overlayer_lowered  }
0x9c: {  	s22 =	simm.s32 $0x1BFF;
	s21 =	sshll.u32 s7, $0x1;
	s4 =	sadd.s32 s5, s19  }
0x9d: {  	s8 =	simm.s32 $0x0;
	s20 =	sshll.u32 s6, $0x1;
	s6 =	sadd.s32 s21, s4  }
0x9e: {  	[timem:s8], [sflag:s22] =	dma.local [hbm:s6], s20  }
0x9f: {  	_ =	swait.ge [sflag:s22], s20  }
0xa0: {  	s5 =	ssub.s32 $0x0, s20;
	[sflag:s22] =	ssyncset.done $0x0  }
0xa1: {  	[sflag:s22] =	ssyncadd.s32 s5;
	_ =	sdelay $0x1  }
0xa2: {  	s23 =	simm.s32 $0x1B8B  }
0xa3: {  	_ =	swait.ge [sflag:s23], $0x1  }
0xa4: {  	[sflag:s23] =	ssyncset.done $0x0  }
0xa5: {  	s25 =	simm.s32 $0x1B8E;
	s24 =	sld [smem:$0x3FFE];
	[sflag:s23] =	ssyncadd.s32 $0xFFFFFFFF  }
0xa6: {  	s26 =	simm.s32 $execute0_lowered;
	[smem:$0x3FD2] =	sst s25  }
0xa7: {  	s6 =	sshll.u32 s26, $0x1;
	_ =	strace $0x80000046;
	[dreg:$0x1] =	wrdreg $0xFFFFFFFF  }
0xa8: {  	s28 =	simm.s32 $_size_execute0_lowered;
	s4 =	sadd.s32 s4, s6;
	[dreg:$0x0] =	wrdreg $0x0  }
0xa9: {  	s6 =	sshll.u32 s28, $0x1;
	[dreg:$0x2] =	wrdreg s4  }
0xaa: {  	[dreg:$0x3] =	wrdreg s6  }
0xab: {  	[dreg:$0x4] =	wrdreg $0xC0  }
0xac: {  	_ =	task [dreg:s8], $0x5FFFF  }
0xad: {  	[dreg:$0x1] =	wrdreg $0xFFFFFFFF  }
0xae: {  	[dreg:$0x0] =	wrdreg $0x60  }
0xaf: {  	[dreg:$0x2] =	wrdreg s24  }
0xb0: {  	[dreg:$0x3] =	wrdreg s18  }
0xb1: {  	[dreg:$0x4] =	wrdreg s2  }
0xb2: {  	[dreg:$0x5] =	wrdreg $0x14CA00  }
0xb3: {  	[dreg:$0x6] =	wrdreg $0x1E8E00  }
0xb4: {  	[dreg:$0x7] =	wrdreg $0x1EB600  }
0xb5: {  	[dreg:$0x8] =	wrdreg $0x9  }
0xb6: {  	_ =	task.clear_ibuf [dreg:s8], $0x9FFFF;
	_ =	strace $0x90000046  }
0xb7: {  	s29 =	simm.s32 $0x9;
	_ =	strace $0x80000048  }
0xb8: {  	_ =	swait.ge [sflag:s29], $0x1  }
0xb9: {  	[sflag:s29] =	ssyncadd.s32 $0xFFFFFFFF  }
0xba: {  	_ =	strace $0x90000048  }
0xbb: {  	_ =	sfence  }
0xbc: {  	s30 =	sld [smem:$0x0];
	_ =	sdelay $0x2  }
0xbd: {  	s31 =	sshll.u32 s1, $0xD;
	s1 =	sshrl.u32 s1, $0x2  }
0xbe: {  	s3 =	sand.u32 $0x4000, s31;
	s1 =	sadd.s32 s1, s30  }
0xbf: {  	s0 =	sor.u32 s3, s0;
	s1 =	sshll.u32 s1, $0x11  }
0xc0: {  	s0 =	sor.u32 s1, s0  }
0xc1: {  	s0 =	sadd.s32 $0x8F2B, s0  }
0xc2: {  	[sflag:s0] =	ssyncadd.remote.s32 $0x1  }
0xc3: {  	_ =	sfence.sel $0xFFFF  }
0xc4: {  	[dreg:$0x0] =	wrdreg $0xFFFFFFFF;
	(pc) =	sbr.abs _section_cstart, $3  }
0xc5: {  	[dreg:$0x1] =	wrdreg $0xFFFFFFFF  }
0xc6: {  	_ =	task.clear_ibuf [dreg:s8], $0x2FFFF;
	_ =	strace $0x9FFFFFFF  }
0xc7: {  	(tm) =	ssettm $0x7FFFFFFF  }
tec
execute0_lowered:
.L_overlay_start_1:
0x0: {  	(tag) =	ssettag $0x1  }
0x1: {  	s0 =	rddreg [dreg:$0x0]  }
0x2: {  	s1 =	rddreg [dreg:$0x1]  }
0x3: {  	s2 =	rddreg [dreg:$0x2]  }
0x4: {  	s3 =	rddreg [dreg:$0x3]  }
0x5: {  	s4 =	rddreg [dreg:$0x4]  }
0x6: {  	s5 =	rddreg [dreg:$0x5]  }
0x7: {  	s6 =	simm.s32 $0x0;
	s23 =	srdreg.scid;
	s11 =	stileid.u32  }
0x8: {  	s28 =	simm.s32 $0x0;
	[smem:$0x7FF] =	sst s6;
	s7 =	sadd.s32 $0x1200, s0  }
0x9: {  	s8 =	sadd.s32 $0xB000, s0;
	s22 =	sadd.s32 $0xB600, s0;
	s9 =	sadd.s32 $0xBC00, s0  }
0xa: {  	s24 =	sadd.s32 $0xC200, s0;
	s25 =	sadd.s32 $0xC800, s0;
	s26 =	sadd.s32 $0xCE00, s0  }
0xb: {  	s14 =	sadd.s32 $0xD000, s0;
	_ =	strace $0x80000047;
	[dreg:$0x7] =	wrdreg s8  }
0xc: {  	s15 =	sadd.s32 $0x20A00, s0;
	s16 =	sadd.s32 $0x34400, s0;
	[dreg:$0x8] =	wrdreg s22  }
0xd: {  	s13 =	sshll.u32 s11, $0x1;
	s31 =	smul.u32 $0x280, s11;
	[dreg:$0x9] =	wrdreg s9  }
0xe: {  	s17 =	sadd.s32 $0x47E00, s0;
	s21 =	smul.u32 $0x27100, s11;
	[dreg:$0xa] =	wrdreg s24  }
0xf: {  	p0 =	sne.s32 s11, $0x0;
	s8 =	sand.u32 $0x1, s23;
	[dreg:$0xb] =	wrdreg s25  }
0x10: {  	s11 =	simm.s32 $0x7680;
	[dreg:$0xc] =	wrdreg s26;
	s30 =	smul.u32 $0x13880, s8  }
0x11: {  	s10 =	smul.u32 $0x500, s8;
	s12 =	ssub.s32 $0x2, s8;
	s19 =	sadd.s32 s31, s4  }
0x12: {  	s8 =	sor.u32 s8, s13;
	s20 =	sadd.s32 s31, s5;
	[dreg:$0xd] =	wrdreg s19  }
0x13: {  	s13 =	simm.s32 $0x12AE0;
	s18 =	sshrl.u32 s12, $0x1;
	[dreg:$0xe] =	wrdreg s20  }
0x14: {  	s19 =	simm.s32 $0xC5A0;
	s20 =	simm.s32 $0xC5F0;
	s10 =	sadd.s32 s10, s0  }
0x15: {  	v1 =	vlaneseq.u32;
	s9 =	sadd.s32 s30, s0;
	s12 =	ssub.s32 s12, s18;
	s22 =	sadd.s32 $0xA0A00, s10  }
0x16: {  	v0 =	vmul.u32 $0x80, v1;
	s18 =	smul.u32 $0x2710, s8;
	s10 =	sadd.s32 $0xA0000, s10;
	[dreg:$0xf] =	wrdreg s22  }
0x17: {  	s8 =	sshrl.u32 s21, $0x2;
	s23 =	sadd.s32 $0xA1400, s9;
	[dreg:$0x10] =	wrdreg s10  }
0x18: {  	v8 =	vor.u32 $0x1, v0;
	s21 =	simm.s32 $0x50;
	s24 =	sadd.s32 $0x78E00, s9;
	[dreg:$0x11] =	wrdreg s23  }
0x19: {  	v2 =	vimm.f32 $0.0e+00;
	v9 =	vor.u32 $0x2, v0;
	[tilespmem:$0x1FF80] =	vst v8;
	s9 =	sadd.s32 $0x51C00, s9;
	s0 =	smax.u32 s12, $0x1;
	[dreg:$0x12] =	wrdreg s24  }
0x1a: {  	v6 =	vmul.u32 $0x40, v1;
	v17 =	vor.u32 $0x3, v0;
	v50 =	vor.u32 $0x4, v0;
	[tilespmem:$0x1FF90] =	vst v9;
	s29 =	sadd.s32 s8, s3;
	s8 =	simm.s32 $0x1;
	[dreg:$0x13] =	wrdreg s9  }
0x1b: {  	v59 =	vor.u32 $0x5, v0;
	v60 =	vor.u32 $0x6, v0;
	v61 =	vor.u32 $0x7, v0;
	[tilespmem:$0x1FFA0] =	vst v17;
	s12 =	simm.s32 $0x9E00;
	[dreg:$0x14] =	wrdreg s0;
	s25 =	sadd.s32 $0x1F40, s29  }
0x1c: {  	v10 =	vor.u32 $0x1, v6;
	v11 =	vor.u32 $0x2, v6;
	v12 =	vor.u32 $0x3, v6;
	[tilespmem:$0x1FFB0] =	vst v50;
	s26 =	sadd.s32 $0x3E80, s29;
	s30 =	sadd.s32 $0x5DC0, s29;
	[dreg:$0x15] =	wrdreg s29  }
0x1d: {  	v13 =	vor.u32 $0x4, v6;
	v14 =	vor.u32 $0x5, v6;
	v15 =	vor.u32 $0x6, v6;
	[tilespmem:$0x1FFC0] =	vst v59;
	s31 =	sadd.s32 $0x7D00, s29;
	s9 =	simm.s32 $0x2780;
	[dreg:$0x16] =	wrdreg s25  }
0x1e: {  	v16 =	vor.u32 $0x7, v6;
	v62 =	vor.u32 $0x800, v0;
	v18 =	vor.u32 $0x801, v0;
	[tilespmem:$0x1FFD0] =	vst v60;
	s10 =	simm.s32 $0x4F00;
	s22 =	simm.s32 $0xC640;
	[dreg:$0x17] =	wrdreg s26  }
0x1f: {  	v19 =	vor.u32 $0x802, v0;
	v20 =	vor.u32 $0x803, v0;
	v21 =	vor.u32 $0x804, v0;
	[tilespmem:$0x1FFE0] =	vst v61;
	s23 =	simm.s32 $0xEE40;
	s24 =	simm.s32 $0x11640;
	[dreg:$0x18] =	wrdreg s30  }
0x20: {  	v22 =	vor.u32 $0x805, v0;
	v23 =	vor.u32 $0x806, v0;
	v24 =	vor.u32 $0x807, v0;
	[tilespmem:$0x1FFF0] =	vst v62;
	[dreg:$0x19] =	wrdreg s31;
	s25 =	simm.s32 $0x12A40;
	s26 =	simm.s32 $0x12A90  }
.LBB2_1:
0x21: {  	[dreg:$0x1a] =	wrdreg s28  }
0x22: {  	s0 =	rddreg [dreg:$0x7]  }
0x23: {  	[tilespmem:s6], [sflag:$0x1] =	stream.linear.gather [hbm4b:s0+s6], $0x2780, $0x38;
	[tilespmem:$0x1EDE0] =	vst v63  }
0x24: {  	_ =	swait.ge [sflag:s8], $0x2780  }
0x25: {  	[sflag:s8] =	ssyncset.done $0x0  }
0x26: {  	s31 =	rddreg [dreg:$0x8];
	[sflag:s8] =	ssyncadd.s32 $0xFFFFD880  }
0x27: {  	[tilespmem:s9], [sflag:$0x1] =	stream.linear.gather [hbm4b:s31+s6], $0x2780, $0x38;
	[tilespmem:$0x1EDE0] =	vst v63  }
0x28: {  	_ =	swait.ge [sflag:s8], $0x2780  }
0x29: {  	[sflag:s8] =	ssyncset.done $0x0  }
0x2a: {  	s28 =	rddreg [dreg:$0x9];
	[sflag:s8] =	ssyncadd.s32 $0xFFFFD880  }
0x2b: {  	[tilespmem:s10], [sflag:$0x1] =	stream.linear.gather [hbm4b:s28+s6], $0x2780, $0x38;
	[tilespmem:$0x1EDE0] =	vst v63  }
0x2c: {  	_ =	swait.ge [sflag:s8], $0x2780  }
0x2d: {  	[sflag:s8] =	ssyncset.done $0x0  }
0x2e: {  	s31 =	rddreg [dreg:$0xa];
	[sflag:s8] =	ssyncadd.s32 $0xFFFFD880  }
0x2f: {  	[tilespmem:s11], [sflag:$0x1] =	stream.linear.gather [hbm4b:s31+s6], $0x2780, $0x38;
	[tilespmem:$0x1EDE0] =	vst v63  }
0x30: {  	_ =	swait.ge [sflag:s8], $0x2780  }
0x31: {  	[sflag:s8] =	ssyncset.done $0x0  }
0x32: {  	s28 =	rddreg [dreg:$0xb];
	[sflag:s8] =	ssyncadd.s32 $0xFFFFD880  }
0x33: {  	[tilespmem:s12], [sflag:$0x1] =	stream.linear.gather [hbm4b:s28+s6], $0x2780, $0x38;
	[tilespmem:$0x1EDE0] =	vst v63  }
0x34: {  	_ =	swait.ge [sflag:s8], $0x2780  }
0x35: {  	[sflag:s8] =	ssyncset.done $0x0  }
0x36: {  	s31 =	simm.s32 $0xC580;
	s0 =	rddreg [dreg:$0xc];
	[sflag:s8] =	ssyncadd.s32 $0xFFFFD880  }
0x37: {  	[tilespmem:s31], [sflag:$0x1] =	stream.linear.gather [hbm4b:s0+s6], $0x20, $0x38;
	[tilespmem:$0x1EDE0] =	vst v63  }
0x38: {  	_ =	swait.ge [sflag:s8], $0x20  }
0x39: {  	[sflag:s8] =	ssyncset.done $0x0  }
0x3a: {  	s30 =	simm.s32 $0x100;
	s0 =	simm.s32 $0x0;
	[sflag:s8] =	ssyncadd.s32 $0xFFFFFFE0  }
.LBB2_2:
0x3b: {  	p1 =	sne.s32 s30, $0x7C00;
	[tilespmem:s0+$0x12B10] =	vst v2;
	s31 =	smov.u32 s30;
	s30 =	sadd.s32 $0x100, s30  }
.Ltmp0:
0x3c: {  	[tilespmem:s0+$0x12B00] =	vst v2;
	(pc) =	sbr.rel @p1 .LBB2_2-.Ltmp0, $3  }
0x3d: {  	[tilespmem:s0+$0x12AE0] =	vst v2  }
0x3e: {  	[tilespmem:s0+$0x12AF0] =	vst v2;
	_ =	sdelay $0x1  }
0x3f: {  	s0 =	sshra.s32 s31, $0x2  }
0x40: {  	[tilespmem:s0+$0x12B10] =	vst v2  }
0x41: {  	[tilespmem:s0+$0x12B00] =	vst v2  }
0x42: {  	[tilespmem:s0+$0x12AE0] =	vst v2  }
0x43: {  	[tilespmem:s0+$0x12AF0] =	vst v2  }
0x44: {  	[tilespmem:$0x14A20] =	vst v2  }
0x45: {  	[tilespmem:$0x14A30] =	vst v2  }
0x46: {  	[tilespmem:$0x14A40] =	vst v2  }
0x47: {  	[tilespmem:$0x14A50] =	vst v2  }
0x48: {  	[tilespmem:$0x14A60] =	vst v2  }
0x49: {  	[tilespmem:$0x14A70] =	vst v2  }
0x4a: {  	[tilespmem:$0x14A80] =	vst v2  }
0x4b: {  	[tilespmem:$0x14A90] =	vst v2  }
0x4c: {  	[tilespmem:$0x14AA0] =	vst v2  }
0x4d: {  	[tilespmem:$0x14AB0] =	vst v2  }
0x4e: {  	[tilespmem:$0x14AC0] =	vst v2  }
0x4f: {  	[tilespmem:$0x14AD0] =	vst v2  }
0x50: {  	[tilespmem:$0x14AE0] =	vst v2  }
0x51: {  	[tilespmem:$0x14AF0] =	vst v2  }
0x52: {  	[tilespmem:$0x14B00] =	vst v2  }
0x53: {  	[tilespmem:$0x14B10] =	vst v2  }
0x54: {  	[tilespmem:$0x14B20] =	vst v2  }
0x55: {  	[tilespmem:$0x14B30] =	vst v2  }
0x56: {  	[tilespmem:$0x14B40] =	vst v2  }
0x57: {  	[tilespmem:$0x14B50] =	vst v2  }
0x58: {  	[tilespmem:$0x14B60] =	vst v2  }
0x59: {  	[tilespmem:$0x14B70] =	vst v2  }
0x5a: {  	[tilespmem:$0x14B80] =	vst v2  }
0x5b: {  	[tilespmem:$0x14B90] =	vst v2  }
0x5c: {  	[tilespmem:$0x14BA0] =	vst v2  }
0x5d: {  	[tilespmem:$0x14BB0] =	vst v2  }
0x5e: {  	[tilespmem:$0x14BC0] =	vst v2  }
0x5f: {  	[tilespmem:$0x14BD0] =	vst v2  }
0x60: {  	[tilespmem:$0x14BE0] =	vst v2  }
0x61: {  	[tilespmem:$0x14BF0] =	vst v2  }
0x62: {  	[tilespmem:$0x14C00] =	vst v2  }
0x63: {  	[tilespmem:$0x14C10] =	vst v2  }
0x64: {  	[tilespmem:$0x14C20] =	vst v2  }
0x65: {  	[tilespmem:$0x14C30] =	vst v2  }
0x66: {  	[tilespmem:$0x14C40] =	vst v2  }
0x67: {  	[tilespmem:$0x14C50] =	vst v2  }
0x68: {  	[tilespmem:$0x14C60] =	vst v2  }
0x69: {  	[tilespmem:$0x14C70] =	vst v2  }
0x6a: {  	[tilespmem:$0x14C80] =	vst v2  }
0x6b: {  	[tilespmem:$0x14C90] =	vst v2  }
0x6c: {  	[spmem:s29] =	stream.linear.scatter [tilespmem:s13], [sflag:$0x1], $0x1F40, $0x38;
	[tilespmem:$0x1EDE0] =	vst v63  }
0x6d: {  	_ =	swait.ge [sflag:s8], $0x1F40  }
0x6e: {  	[sflag:s8] =	ssyncset.done $0x0  }
0x6f: {  	s28 =	rddreg [dreg:$0x16];
	[sflag:s8] =	ssyncadd.s32 $0xFFFFE0C0  }
0x70: {  	[spmem:s28] =	stream.linear.scatter [tilespmem:s13], [sflag:$0x1], $0x1F40, $0x38;
	[tilespmem:$0x1EDE0] =	vst v63  }
0x71: {  	_ =	swait.ge [sflag:s8], $0x1F40  }
0x72: {  	[sflag:s8] =	ssyncset.done $0x0  }
0x73: {  	s29 =	rddreg [dreg:$0x17];
	[sflag:s8] =	ssyncadd.s32 $0xFFFFE0C0  }
0x74: {  	[spmem:s29] =	stream.linear.scatter [tilespmem:s13], [sflag:$0x1], $0x1F40, $0x38;
	[tilespmem:$0x1EDE0] =	vst v63  }
0x75: {  	_ =	swait.ge [sflag:s8], $0x1F40  }
0x76: {  	[sflag:s8] =	ssyncset.done $0x0  }
0x77: {  	s31 =	rddreg [dreg:$0x18];
	[sflag:s8] =	ssyncadd.s32 $0xFFFFE0C0  }
0x78: {  	[spmem:s31] =	stream.linear.scatter [tilespmem:s13], [sflag:$0x1], $0x1F40, $0x38;
	[tilespmem:$0x1EDE0] =	vst v63  }
0x79: {  	_ =	swait.ge [sflag:s8], $0x1F40  }
0x7a: {  	[sflag:s8] =	ssyncset.done $0x0  }
0x7b: {  	s28 =	rddreg [dreg:$0x19];
	[sflag:s8] =	ssyncadd.s32 $0xFFFFE0C0  }
0x7c: {  	[spmem:s28] =	stream.linear.scatter [tilespmem:s13], [sflag:$0x1], $0x1F40, $0x38;
	[tilespmem:$0x1EDE0] =	vst v63  }
0x7d: {  	_ =	swait.ge [sflag:s8], $0x1F40  }
0x7e: {  	[sflag:s8] =	ssyncset.done $0x0  }
0x7f: {  	s28 =	simm.s32 $0x14A20;
	s29 =	rddreg [dreg:$0xd];
	[sflag:s8] =	ssyncadd.s32 $0xFFFFE0C0  }
0x80: {  	[spmem:s29] =	stream.linear.scatter [tilespmem:s28], [sflag:$0x1], $0x280, $0x38;
	[tilespmem:$0x1EDE0] =	vst v63  }
0x81: {  	_ =	swait.ge [sflag:s8], $0x280  }
0x82: {  	[sflag:s8] =	ssyncset.done $0x0  }
0x83: {  	s31 =	rddreg [dreg:$0xe];
	[sflag:s8] =	ssyncadd.s32 $0xFFFFFD80  }
0x84: {  	[spmem:s31] =	stream.linear.scatter [tilespmem:s28], [sflag:$0x1], $0x280, $0x38;
	[tilespmem:$0x1EDE0] =	vst v63  }
0x85: {  	_ =	swait.ge [sflag:s8], $0x280  }
0x86: {  	[sflag:s8] =	ssyncset.done $0x0  }
0x87: {  	[sflag:s8] =	ssyncadd.s32 $0xFFFFFD80  }
0x88: {  	[bflag:$0x0] =	sbarrier.arrive $0xFFFF  }
0x89: {  	v1 =	vld [tilespmem:$0xC590]  }
0x8a: {  	v63 =	vld [tilespmem:$0xC580];
	_ =	sdelay $0x3  }
0x8b: {  	[tilespmem:$0x1FF60] =	vst v1  }
0x8c: {  	s30 =	simm.s32 $0x0;
	[tilespmem:$0x1FF70] =	vst v63  }
.LBB2_4:
0x8d: {  	s0 =	smul.u32 $0x50, s30;
	_ =	sdelay $0x1  }
0x8e: {  	s0 =	sadd.s32 s18, s0  }
0x8f: {  	s31 =	sshrl.u32 s0, $0x3  }
0x90: {  	s0 =	sadd.s32 s7, s31  }
0x91: {  	[tilespmem:s19], [sflag:$0x1] =	stream.linear.gather [hbm4b:s0+s6], $0x50, $0x38;
	[tilespmem:$0x1EDE0] =	vst v63  }
0x92: {  	_ =	swait.ge [sflag:s8], $0x50  }
0x93: {  	[sflag:s8] =	ssyncset.done $0x0  }
0x94: {  	s28 =	sadd.s32 s1, s31;
	[sflag:s8] =	ssyncadd.s32 $0xFFFFFFB0  }
0x95: {  	[tilespmem:s20], [sflag:$0x1] =	stream.linear.gather [hbm4b:s28+s6], $0x50, $0x38;
	[tilespmem:$0x1EDE0] =	vst v63  }
0x96: {  	_ =	swait.ge [sflag:s8], $0x50  }
0x97: {  	[sflag:s8] =	ssyncset.done $0x0  }
0x98: {  	[sflag:s8] =	ssyncadd.s32 $0xFFFFFFB0  }
0x99: {  	[tilespmem:s22], [sflag:$0x1] =	stream.indirect.gather [hbm4b:s2+s21], $0x80, s19, s21, $0xb8;
	[tilespmem:$0x1EDE0] =	vst v63  }
0x9a: {  	_ =	swait.ge [sflag:s8], $0x2800  }
0x9b: {  	[sflag:s8] =	ssyncset.done $0x0  }
0x9c: {  	[sflag:s8] =	ssyncadd.s32 $0xFFFFD800  }
0x9d: {  	[tilespmem:s23], [sflag:$0x1] =	stream.indirect.gather [hbm4b:s2+s21], $0x80, s20, s21, $0xb8;
	[tilespmem:$0x1EDE0] =	vst v63  }
0x9e: {  	_ =	swait.ge [sflag:s8], $0x2800  }
0x9f: {  	[sflag:s8] =	ssyncset.done $0x0  }
0xa0: {  	s29 =	simm.s32 $0x0;
	[sflag:s8] =	ssyncadd.s32 $0xFFFFD800  }
0xa1: {  	[tilespmem:s24], [sflag:$0x1] =	stream.indirect.gather [hbm4b:s16+s21], $0x40, s19, s21, $0xb8;
	[tilespmem:$0x1EDE0] =	vst v63  }
0xa2: {  	v3 =	vmov s29;
	_ =	swait.ge [sflag:s8], $0x1400  }
0xa3: {  	v3 =	vshrl.u32 v3, $0x3;
	[sflag:s8] =	ssyncset.done $0x0  }
0xa4: {  	v3 =	vshll.u32 v3, $0x3;
	[sflag:s8] =	ssyncadd.s32 $0xFFFFEC00  }
0xa5: {  	v3 =	vbroadcast v3, $0x0;
	v1 =	vld [tilespmem:$0xC5A0]  }
0xa6: {  	v2 =	vld [tilespmem:$0xC5F0]  }
0xa7: {  	v5 =	vor.u32 v8, v3;
	_ =	sdelay $0x4  }
0xa8: {  	v32 =	vld.idx.msk [tilespmem:v5+s22+$0x0], $0xffff  }
0xa9: {  	v27 =	vld.idx.msk [tilespmem:v1+s6+$0x0], $0xffff  }
0xaa: {  	v4 =	vor.u32 v0, v3;
	v28 =	vld.idx.msk [tilespmem:v2+s9+$0x0], $0xffff  }
0xab: {  	v25 =	vld.idx.msk [tilespmem:v1+s10+$0x0], $0xffff  }
0xac: {  	v26 =	vld.idx.msk [tilespmem:v2+s11+$0x0], $0xffff  }
0xad: {  	v7 =	vor.u32 v17, v3;
	v29 =	vld.idx.msk [tilespmem:v1+s12+$0x0], $0xffff  }
0xae: {  	v30 =	vld.idx.msk [tilespmem:v2+s12+$0x0], $0xffff;
	v1 =	vor.u32 v9, v3  }
0xaf: {  	v2 =	vld.idx.msk [tilespmem:v4+s22+$0x0], $0xffff  }
0xb0: {  	v4 =	vld.idx.msk [tilespmem:v4+s23+$0x0], $0xffff  }
0xb1: {  	v33 =	vor.u32 v50, v3;
	v5 =	vld.idx.msk [tilespmem:v5+s23+$0x0], $0xffff  }
0xb2: {  	v37 =	vld.idx.msk [tilespmem:v7+s22+$0x0], $0xffff  }
0xb3: {  	s0 =	simm.s32 $0x8;
	v36 =	vor.u32 v59, v3;
	v34 =	vld.idx.msk [tilespmem:v1+s22+$0x0], $0xffff  }
0xb4: {  	v35 =	vld.idx.msk [tilespmem:v1+s23+$0x0], $0xffff;
	v1 =	vmov s0  }
0xb5: {  	v41 =	vor.u32 v61, v3;
	v7 =	vld.idx.msk [tilespmem:v7+s23+$0x0], $0xffff;
	v2 =	vmul.f32 v4, v2;
	v1 =	vshrl.u32 v1, $0x3  }
0xb6: {  	v38 =	vor.u32 v60, v3;
	v39 =	vld.idx.msk [tilespmem:v33+s22+$0x0], $0xffff;
	v4 =	vimm.f32 $0.0e+00;
	v1 =	vshll.u32 v1, $0x3  }
0xb7: {  	v40 =	vld.idx.msk [tilespmem:v33+s23+$0x0], $0xffff;
	v3 =	vadd.f32 v2, v4;
	v4 =	vmul.f32 v5, v32;
	v31 =	vbroadcast v1, $0x0  }
0xb8: {  	v33 =	vld.idx.msk [tilespmem:v36+s22+$0x0], $0xffff  }
0xb9: {  	v2 =	vld.idx.msk [tilespmem:v36+s23+$0x0], $0xffff;
	v3 =	vadd.f32 v4, v3;
	v1 =	vor.u32 v0, v31;
	v4 =	vmul.f32 v35, v34  }
0xba: {  	v32 =	vld.idx.msk [tilespmem:v41+s22+$0x0], $0xffff  }
0xbb: {  	v5 =	vmul.f32 v7, v37;
	v34 =	vld.idx.msk [tilespmem:v38+s22+$0x0], $0xffff;
	v4 =	vadd.f32 v4, v3;
	v3 =	vor.u32 v8, v31  }
0xbc: {  	v38 =	vld.idx.msk [tilespmem:v38+s23+$0x0], $0xffff  }
0xbd: {  	v37 =	vld.idx.msk [tilespmem:v41+s23+$0x0], $0xffff;
	v36 =	vor.u32 v9, v31;
	v4 =	vadd.f32 v5, v4;
	v5 =	vmul.f32 v40, v39  }
0xbe: {  	v35 =	vld.idx.msk [tilespmem:v1+s22+$0x0], $0xffff  }
.LBB2_5:
0xbf: {  	s0 =	sadd.s32 $0x8, s0;
	v1 =	vld.idx.msk [tilespmem:v1+s23+$0x0], $0xffff;
	v7 =	vor.u32 v17, v31;
	v4 =	vadd.f32 v5, v4;
	v2 =	vmul.f32 v2, v33  }
0xc0: {  	v5 =	vmov s0;
	v33 =	vld.idx.msk [tilespmem:v3+s22+$0x0], $0xffff  }
0xc1: {  	v39 =	vor.u32 v50, v31;
	v3 =	vld.idx.msk [tilespmem:v3+s23+$0x0], $0xffff;
	v2 =	vadd.f32 v2, v4;
	v4 =	vmul.f32 v38, v34  }
0xc2: {  	v5 =	vshrl.u32 v5, $0x3;
	v34 =	vld.idx.msk [tilespmem:v36+s22+$0x0], $0xffff  }
0xc3: {  	v38 =	vor.u32 v59, v31;
	v36 =	vld.idx.msk [tilespmem:v36+s23+$0x0], $0xffff;
	v2 =	vadd.f32 v4, v2;
	v4 =	vmul.f32 v37, v32  }
0xc4: {  	p1 =	slt.u32 s0, $0x78;
	v5 =	vshll.u32 v5, $0x3;
	v32 =	vld.idx.msk [tilespmem:v7+s22+$0x0], $0xffff  }
0xc5: {  	v1 =	vmul.f32 v1, v35;
	v35 =	vor.u32 v60, v31;
	v7 =	vld.idx.msk [tilespmem:v7+s23+$0x0], $0xffff;
	v2 =	vadd.f32 v4, v2  }
0xc6: {  	v4 =	vbroadcast v5, $0x0;
	v5 =	vld.idx.msk [tilespmem:v39+s22+$0x0], $0xffff  }
0xc7: {  	v3 =	vmul.f32 v3, v33;
	v2 =	vadd.f32 v1, v2;
	v37 =	vld.idx.msk [tilespmem:v39+s23+$0x0], $0xffff;
	v39 =	vor.u32 v61, v31  }
0xc8: {  	v31 =	vmov v4;
	v33 =	vld.idx.msk [tilespmem:v38+s22+$0x0], $0xffff  }
0xc9: {  	v1 =	vor.u32 v0, v31;
	v36 =	vmul.f32 v36, v34;
	v4 =	vadd.f32 v3, v2;
	v2 =	vld.idx.msk [tilespmem:v38+s23+$0x0], $0xffff  }
.Ltmp1:
0xca: {  	v34 =	vld.idx.msk [tilespmem:v35+s22+$0x0], $0xffff;
	(pc) =	sbr.rel @p1 .LBB2_5-.Ltmp1, $4  }
0xcb: {  	v3 =	vor.u32 v8, v31;
	v7 =	vmul.f32 v7, v32;
	v4 =	vadd.f32 v36, v4;
	v38 =	vld.idx.msk [tilespmem:v35+s23+$0x0], $0xffff  }
0xcc: {  	v32 =	vld.idx.msk [tilespmem:v39+s22+$0x0], $0xffff  }
0xcd: {  	v36 =	vor.u32 v9, v31;
	v5 =	vmul.f32 v37, v5;
	v4 =	vadd.f32 v7, v4;
	v37 =	vld.idx.msk [tilespmem:v39+s23+$0x0], $0xffff  }
0xce: {  	v35 =	vld.idx.msk [tilespmem:v1+s22+$0x0], $0xffff  }
0xcf: {  	_ =	sdelay $0x2  }
0xd0: {  	v4 =	vadd.f32 v5, v4;
	v2 =	vmul.f32 v2, v33  }
0xd1: {  	v1 =	vld.idx.msk [tilespmem:v1+s23+$0x0], $0xffff;
	v5 =	vor.u32 v17, v31  }
0xd2: {  	v7 =	vld.idx.msk [tilespmem:v3+s22+$0x0], $0xffff;
	v2 =	vadd.f32 v2, v4;
	v4 =	vmul.f32 v38, v34  }
0xd3: {  	v3 =	vld.idx.msk [tilespmem:v3+s23+$0x0], $0xffff;
	v53 =	vor.u32 v50, v31  }
0xd4: {  	v54 =	vld.idx.msk [tilespmem:v36+s22+$0x0], $0xffff;
	v2 =	vadd.f32 v4, v2;
	v4 =	vmul.f32 v37, v32  }
0xd5: {  	v55 =	vld.idx.msk [tilespmem:v36+s23+$0x0], $0xffff;
	v56 =	vor.u32 v59, v31  }
0xd6: {  	v57 =	vld.idx.msk [tilespmem:v5+s22+$0x0], $0xffff;
	v1 =	vmul.f32 v1, v35;
	v2 =	vadd.f32 v4, v2  }
0xd7: {  	v4 =	vld.idx.msk [tilespmem:v5+s23+$0x0], $0xffff;
	v5 =	vor.u32 v60, v31  }
0xd8: {  	v58 =	vld.idx.msk [tilespmem:v53+s22+$0x0], $0xffff;
	v1 =	vadd.f32 v1, v2;
	v2 =	vmul.f32 v3, v7  }
0xd9: {  	v3 =	vld.idx.msk [tilespmem:v53+s23+$0x0], $0xffff;
	v7 =	vor.u32 v61, v31  }
0xda: {  	v59 =	vld.idx.msk [tilespmem:v56+s22+$0x0], $0xffff;
	v1 =	vadd.f32 v2, v1;
	v2 =	vmul.f32 v55, v54  }
0xdb: {  	v60 =	vld.idx.msk [tilespmem:v56+s23+$0x0], $0xffff  }
0xdc: {  	v61 =	vld.idx.msk [tilespmem:v5+s22+$0x0], $0xffff;
	v1 =	vadd.f32 v2, v1;
	v2 =	vmul.f32 v4, v57  }
0xdd: {  	v4 =	vld.idx.msk [tilespmem:v5+s23+$0x0], $0xffff  }
0xde: {  	v5 =	vld.idx.msk [tilespmem:v7+s22+$0x0], $0xffff;
	v1 =	vadd.f32 v2, v1;
	v2 =	vmul.f32 v3, v58  }
0xdf: {  	v3 =	vld.idx.msk [tilespmem:v7+s23+$0x0], $0xffff  }
0xe0: {  	v1 =	vadd.f32 v2, v1;
	v2 =	vmul.f32 v60, v59;
	_ =	sdelay $0x1  }
0xe1: {  	v1 =	vadd.f32 v2, v1;
	v2 =	vmul.f32 v4, v61;
	_ =	sdelay $0x1  }
0xe2: {  	v1 =	vadd.f32 v2, v1;
	v2 =	vmul.f32 v3, v5;
	_ =	sdelay $0x1  }
0xe3: {  	v1 =	vadd.f32 v2, v1;
	_ =	sdelay $0x1  }
0xe4: {  	v2 =	vadd.f32 v1, v1;
	_ =	sdelay $0x1  }
0xe5: {  	v2 =	vsub.f32 $1.000000000e+00, v2  }
0xe6: {  	v4 =	vsub.f32 $1.000000000e+00, v29  }
0xe7: {  	v3 =	vadd.f32 v2, v30  }
0xe8: {  	v7 =	vmul.f32 v4, v4  }
0xe9: {  	v5 =	vmul.f32 v3, v3;
	v3 =	vadd.f32 v3, v3  }
0xea: {  	v7 =	vmul.f32 v7, v30  }
0xeb: {  	v5 =	vmul.f32 v5, v29;
	v3 =	vmul.f32 v3, v4;
	_ =	sdelay $0x1  }
0xec: {  	v4 =	vadd.f32 v5, v7;
	v1 =	vmul.f32 v3, v1;
	_ =	sdelay $0x1  }
0xed: {  	v1 =	vsub.f32 v4, v1;
	_ =	sdelay $0x1  }
0xee: {  	v1 =	vmax.f32 v1, $1.000000000e-30  }
0xef: {  	v3 =	vshra.s32 v1, $0x1;
	v4 =	vmul.f32 $5.000000000e-01, v1  }
0xf0: {  	v3 =	vsub.s32 $0x5F3759DF, v3  }
0xf1: {  	v5 =	vmul.f32 v3, v4;
	_ =	sdelay $0x1  }
0xf2: {  	v5 =	vmul.f32 v3, v5;
	_ =	sdelay $0x1  }
0xf3: {  	v5 =	vsub.f32 $1.500000000e+00, v5;
	_ =	sdelay $0x1  }
0xf4: {  	v3 =	vmul.f32 v3, v5;
	_ =	sdelay $0x1  }
0xf5: {  	v5 =	vmul.f32 v3, v4;
	_ =	sdelay $0x1  }
0xf6: {  	v5 =	vmul.f32 v5, v3;
	_ =	sdelay $0x1  }
0xf7: {  	v7 =	vmul.f32 v30, v29;
	v5 =	vsub.f32 $1.500000000e+00, v5;
	_ =	sdelay $0x1  }
0xf8: {  	v2 =	vadd.f32 v2, v7;
	v3 =	vmul.f32 v5, v3;
	_ =	sdelay $0x1  }
0xf9: {  	v2 =	vmax.f32 v2, $1.000000010e-10;
	v4 =	vmul.f32 v3, v4  }
0xfa: {  	(erf) = vrcp.f32 v2  }
0xfb: {  	v2 =	vmul.f32 v4, v3;
	_ =	sdelay $0x1  }
0xfc: {  	v2 =	vsub.f32 $1.500000000e+00, v2;
	_ =	sdelay $0x1  }
0xfd: {  	v2 =	vmul.f32 v2, v3;
	_ =	sdelay $0x2  }
0xfe: {  	v1 =	vmul.f32 v2, v1  }
0xff: {  	v3 =	vadd.f32 v28, v27;
	v2 =	vpop (erf)  }
0x100: {  	v1 =	vmul.f32 v1, v2  }
0x101: {  	v4 =	vadd.f32 v26, v25;
	v2 =	vmul.f32 $2.000000030e-01, v3  }
0x102: {  	v1 =	vmin.f32 v1, $9.999998800e-01  }
0x103: {  	v5 =	vmul.f32 $2.000000030e-01, v4;
	v2 =	vmax.f32 v3, v2;
	v3 =	vadd.f32 $1.000000000e+00, v1;
	_ =	sdelay $0x1  }
0x104: {  	(erf) = vrcp.f32 v3;
	v3 =	vmax.f32 v4, v5;
	v4 =	vld [tilespmem:$0x1FF60];
	_ =	sdelay $0x1  }
0x105: {  	v2 =	vsub.f32 v2, v63;
	_ =	sdelay $0x1  }
0x106: {  	v2 =	vmul.f32 $1.442695020e+00, v2  }
0x107: {  	v3 =	vsub.f32 v3, v4  }
0x108: {  	(erf) = vpow2.f32 v2  }
0x109: {  	v2 =	vmul.f32 $1.442695020e+00, v3;
	_ =	sdelay $0x1  }
0x10a: {  	s0 =	simm.s32 $0x0;
	(erf) = vpow2.f32 v2  }
0x10b: {  	v2 =	vmov s0  }
0x10c: {  	v2 =	vshrl.u32 v2, $0x3  }
0x10d: {  	v1 =	vsub.f32 $1.000000000e+00, v1;
	v2 =	vshll.u32 v2, $0x3  }
0x10e: {  	v3 =	vpop (erf);
	v4 =	vbroadcast v2, $0x0  }
0x10f: {  	v1 =	vmul.f32 v3, v1  }
0x110: {  	v2 =	vpop (erf);
	v3 =	vor.u32 v6, v4  }
0x111: {  	v1 =	vmul.f32 v1, v2;
	_ =	sdelay $0x1  }
0x112: {  	[tilespmem:$0x12A40] =	vst v1;
	v25 =	vpop (erf)  }
0x113: {  	[tilespmem:$0x12A90] =	vst v25  }
0x114: {  	v1 =	vld.idx.msk [tilespmem:v3+s24+$0x0], $0xffff;
	_ =	sdelay $0x2  }
0x115: {  	v2 =	vor.u32 v10, v4;
	_ =	sdelay $0x1  }
0x116: {  	v1 =	vmul.f32 v1, v25;
	_ =	sdelay $0x1  }
0x117: {  	[tilespmem:v3+s24+$0x0] =	vst.idx.msk $0xffff, v1  }
0x118: {  	v1 =	vld.idx.msk [tilespmem:v2+s24+$0x0], $0xffff;
	_ =	sdelay $0x2  }
0x119: {  	v3 =	vor.u32 v11, v4;
	_ =	sdelay $0x1  }
0x11a: {  	v1 =	vmul.f32 v1, v25;
	_ =	sdelay $0x1  }
0x11b: {  	[tilespmem:v2+s24+$0x0] =	vst.idx.msk $0xffff, v1  }
0x11c: {  	v1 =	vld.idx.msk [tilespmem:v3+s24+$0x0], $0xffff;
	_ =	sdelay $0x2  }
0x11d: {  	v2 =	vor.u32 v12, v4;
	_ =	sdelay $0x1  }
0x11e: {  	v1 =	vmul.f32 v1, v25;
	_ =	sdelay $0x1  }
0x11f: {  	[tilespmem:v3+s24+$0x0] =	vst.idx.msk $0xffff, v1  }
0x120: {  	v1 =	vld.idx.msk [tilespmem:v2+s24+$0x0], $0xffff;
	_ =	sdelay $0x2  }
0x121: {  	v3 =	vor.u32 v13, v4;
	_ =	sdelay $0x1  }
0x122: {  	v1 =	vmul.f32 v1, v25;
	_ =	sdelay $0x1  }
0x123: {  	[tilespmem:v2+s24+$0x0] =	vst.idx.msk $0xffff, v1  }
0x124: {  	v1 =	vld.idx.msk [tilespmem:v3+s24+$0x0], $0xffff;
	_ =	sdelay $0x2  }
0x125: {  	v5 =	vor.u32 v14, v4;
	_ =	sdelay $0x1  }
0x126: {  	v1 =	vmul.f32 v1, v25;
	_ =	sdelay $0x1  }
0x127: {  	[tilespmem:v3+s24+$0x0] =	vst.idx.msk $0xffff, v1  }
0x128: {  	v1 =	vld.idx.msk [tilespmem:v5+s24+$0x0], $0xffff;
	_ =	sdelay $0x2  }
0x129: {  	v2 =	vor.u32 v15, v4;
	_ =	sdelay $0x1  }
0x12a: {  	v1 =	vmul.f32 v1, v25;
	_ =	sdelay $0x1  }
0x12b: {  	[tilespmem:v5+s24+$0x0] =	vst.idx.msk $0xffff, v1  }
0x12c: {  	v3 =	vld.idx.msk [tilespmem:v2+s24+$0x0], $0xffff;
	_ =	sdelay $0x2  }
0x12d: {  	v1 =	vor.u32 v16, v4;
	_ =	sdelay $0x1  }
0x12e: {  	v3 =	vmul.f32 v3, v25  }
.LBB2_7:
0x12f: {  	s0 =	sadd.s32 $0x8, s0  }
0x130: {  	v4 =	vmov s0;
	p1 =	slt.u32 s0, $0x38;
	[tilespmem:v2+s24+$0x0] =	vst.idx.msk $0xffff, v3  }
0x131: {  	v2 =	vshrl.u32 v4, $0x3;
	v3 =	vld.idx.msk [tilespmem:v1+s24+$0x0], $0xffff  }
0x132: {  	v2 =	vshll.u32 v2, $0x3  }
0x133: {  	v4 =	vbroadcast v2, $0x0;
	_ =	sdelay $0x1  }
0x134: {  	v2 =	vor.u32 v6, v4;
	_ =	sdelay $0x1  }
0x135: {  	v3 =	vmul.f32 v3, v25;
	_ =	sdelay $0x1  }
0x136: {  	[tilespmem:v1+s24+$0x0] =	vst.idx.msk $0xffff, v3  }
0x137: {  	v1 =	vld.idx.msk [tilespmem:v2+s24+$0x0], $0xffff;
	_ =	sdelay $0x3  }
0x138: {  	v3 =	vor.u32 v10, v4;
	_ =	sdelay $0x1  }
0x139: {  	v1 =	vmul.f32 v1, v25;
	_ =	sdelay $0x1  }
0x13a: {  	[tilespmem:v2+s24+$0x0] =	vst.idx.msk $0xffff, v1  }
0x13b: {  	v1 =	vld.idx.msk [tilespmem:v3+s24+$0x0], $0xffff;
	_ =	sdelay $0x3  }
0x13c: {  	v2 =	vor.u32 v11, v4;
	_ =	sdelay $0x1  }
0x13d: {  	v1 =	vmul.f32 v1, v25;
	_ =	sdelay $0x1  }
0x13e: {  	[tilespmem:v3+s24+$0x0] =	vst.idx.msk $0xffff, v1  }
0x13f: {  	v1 =	vld.idx.msk [tilespmem:v2+s24+$0x0], $0xffff;
	_ =	sdelay $0x3  }
0x140: {  	v3 =	vor.u32 v12, v4;
	_ =	sdelay $0x1  }
0x141: {  	v1 =	vmul.f32 v1, v25;
	_ =	sdelay $0x1  }
0x142: {  	[tilespmem:v2+s24+$0x0] =	vst.idx.msk $0xffff, v1  }
0x143: {  	v1 =	vld.idx.msk [tilespmem:v3+s24+$0x0], $0xffff;
	_ =	sdelay $0x3  }
0x144: {  	v2 =	vor.u32 v13, v4;
	_ =	sdelay $0x1  }
0x145: {  	v1 =	vmul.f32 v1, v25;
	_ =	sdelay $0x1  }
0x146: {  	[tilespmem:v3+s24+$0x0] =	vst.idx.msk $0xffff, v1  }
0x147: {  	v1 =	vld.idx.msk [tilespmem:v2+s24+$0x0], $0xffff;
	_ =	sdelay $0x3  }
0x148: {  	v3 =	vor.u32 v14, v4;
	_ =	sdelay $0x1  }
0x149: {  	v1 =	vmul.f32 v1, v25;
	_ =	sdelay $0x1  }
0x14a: {  	[tilespmem:v2+s24+$0x0] =	vst.idx.msk $0xffff, v1  }
0x14b: {  	v1 =	vld.idx.msk [tilespmem:v3+s24+$0x0], $0xffff;
	_ =	sdelay $0x3  }
0x14c: {  	v2 =	vor.u32 v15, v4;
	_ =	sdelay $0x1  }
0x14d: {  	v1 =	vmul.f32 v1, v25;
	_ =	sdelay $0x1  }
0x14e: {  	[tilespmem:v3+s24+$0x0] =	vst.idx.msk $0xffff, v1  }
0x14f: {  	v3 =	vld.idx.msk [tilespmem:v2+s24+$0x0], $0xffff;
	_ =	sdelay $0x1  }
.Ltmp2:
0x150: {  	(pc) =	sbr.rel @p1 .LBB2_7-.Ltmp2, $3  }
0x151: {  	_ = 	snop  }
0x152: {  	v1 =	vor.u32 v16, v4;
	_ =	sdelay $0x1  }
0x153: {  	v3 =	vmul.f32 v3, v25  }
0x154: {  	_ =	sdelay $0x3  }
0x155: {  	[tilespmem:v2+s24+$0x0] =	vst.idx.msk $0xffff, v3  }
0x156: {  	v2 =	vld.idx.msk [tilespmem:v1+s24+$0x0], $0xffff;
	_ =	sdelay $0x3  }
0x157: {  	s0 =	simm.s32 $0x0  }
0x158: {  	v3 =	vmov s0;
	v2 =	vmul.f32 v2, v25  }
0x159: {  	v3 =	vshrl.u32 v3, $0x3  }
0x15a: {  	v3 =	vshll.u32 v3, $0x3;
	[tilespmem:v1+s24+$0x0] =	vst.idx.msk $0xffff, v2  }
0x15b: {  	v3 =	vbroadcast v3, $0x0;
	v1 =	vld [tilespmem:$0xC5B0]  }
0x15c: {  	v2 =	vld [tilespmem:$0xC600]  }
0x15d: {  	v5 =	vor.u32 v18, v3;
	_ =	sdelay $0x4  }
0x15e: {  	v32 =	vld.idx.msk [tilespmem:v5+s22+$0x0], $0xffff  }
0x15f: {  	v27 =	vld.idx.msk [tilespmem:v1+s6+$0x0], $0xffff  }
0x160: {  	v4 =	vor.u32 v62, v3;
	v28 =	vld.idx.msk [tilespmem:v2+s9+$0x0], $0xffff  }
0x161: {  	v25 =	vld.idx.msk [tilespmem:v1+s10+$0x0], $0xffff  }
0x162: {  	v26 =	vld.idx.msk [tilespmem:v2+s11+$0x0], $0xffff  }
0x163: {  	v7 =	vor.u32 v20, v3;
	v29 =	vld.idx.msk [tilespmem:v1+s12+$0x0], $0xffff  }
0x164: {  	v30 =	vld.idx.msk [tilespmem:v2+s12+$0x0], $0xffff;
	v1 =	vor.u32 v19, v3  }
0x165: {  	v2 =	vld.idx.msk [tilespmem:v4+s22+$0x0], $0xffff  }
0x166: {  	v4 =	vld.idx.msk [tilespmem:v4+s23+$0x0], $0xffff  }
0x167: {  	v33 =	vor.u32 v21, v3;
	v5 =	vld.idx.msk [tilespmem:v5+s23+$0x0], $0xffff  }
0x168: {  	v37 =	vld.idx.msk [tilespmem:v7+s22+$0x0], $0xffff  }
0x169: {  	s0 =	simm.s32 $0x8;
	v36 =	vor.u32 v22, v3;
	v34 =	vld.idx.msk [tilespmem:v1+s22+$0x0], $0xffff  }
0x16a: {  	v35 =	vld.idx.msk [tilespmem:v1+s23+$0x0], $0xffff;
	v1 =	vmov s0  }
0x16b: {  	v41 =	vor.u32 v24, v3;
	v7 =	vld.idx.msk [tilespmem:v7+s23+$0x0], $0xffff;
	v2 =	vmul.f32 v4, v2;
	v1 =	vshrl.u32 v1, $0x3  }
0x16c: {  	v38 =	vor.u32 v23, v3;
	v39 =	vld.idx.msk [tilespmem:v33+s22+$0x0], $0xffff;
	v4 =	vimm.f32 $0.0e+00;
	v1 =	vshll.u32 v1, $0x3  }
0x16d: {  	v40 =	vld.idx.msk [tilespmem:v33+s23+$0x0], $0xffff;
	v3 =	vadd.f32 v2, v4;
	v4 =	vmul.f32 v5, v32;
	v31 =	vbroadcast v1, $0x0  }
0x16e: {  	v33 =	vld.idx.msk [tilespmem:v36+s22+$0x0], $0xffff  }
0x16f: {  	v2 =	vld.idx.msk [tilespmem:v36+s23+$0x0], $0xffff;
	v3 =	vadd.f32 v4, v3;
	v1 =	vor.u32 v62, v31;
	v4 =	vmul.f32 v35, v34  }
0x170: {  	v32 =	vld.idx.msk [tilespmem:v41+s22+$0x0], $0xffff  }
0x171: {  	v5 =	vmul.f32 v7, v37;
	v34 =	vld.idx.msk [tilespmem:v38+s22+$0x0], $0xffff;
	v4 =	vadd.f32 v4, v3;
	v3 =	vor.u32 v18, v31  }
0x172: {  	v38 =	vld.idx.msk [tilespmem:v38+s23+$0x0], $0xffff  }
0x173: {  	v37 =	vld.idx.msk [tilespmem:v41+s23+$0x0], $0xffff;
	v36 =	vor.u32 v19, v31;
	v4 =	vadd.f32 v5, v4;
	v5 =	vmul.f32 v40, v39  }
0x174: {  	v35 =	vld.idx.msk [tilespmem:v1+s22+$0x0], $0xffff  }
.LBB2_9:
0x175: {  	s0 =	sadd.s32 $0x8, s0;
	v1 =	vld.idx.msk [tilespmem:v1+s23+$0x0], $0xffff;
	v7 =	vor.u32 v20, v31;
	v4 =	vadd.f32 v5, v4;
	v2 =	vmul.f32 v2, v33  }
0x176: {  	v5 =	vmov s0;
	v33 =	vld.idx.msk [tilespmem:v3+s22+$0x0], $0xffff  }
0x177: {  	v39 =	vor.u32 v21, v31;
	v3 =	vld.idx.msk [tilespmem:v3+s23+$0x0], $0xffff;
	v2 =	vadd.f32 v2, v4;
	v4 =	vmul.f32 v38, v34  }
0x178: {  	v5 =	vshrl.u32 v5, $0x3;
	v34 =	vld.idx.msk [tilespmem:v36+s22+$0x0], $0xffff  }
0x179: {  	v38 =	vor.u32 v22, v31;
	v36 =	vld.idx.msk [tilespmem:v36+s23+$0x0], $0xffff;
	v2 =	vadd.f32 v4, v2;
	v4 =	vmul.f32 v37, v32  }
0x17a: {  	p1 =	slt.u32 s0, $0x78;
	v5 =	vshll.u32 v5, $0x3;
	v32 =	vld.idx.msk [tilespmem:v7+s22+$0x0], $0xffff  }
0x17b: {  	v1 =	vmul.f32 v1, v35;
	v35 =	vor.u32 v23, v31;
	v7 =	vld.idx.msk [tilespmem:v7+s23+$0x0], $0xffff;
	v2 =	vadd.f32 v4, v2  }
0x17c: {  	v4 =	vbroadcast v5, $0x0;
	v5 =	vld.idx.msk [tilespmem:v39+s22+$0x0], $0xffff  }
0x17d: {  	v3 =	vmul.f32 v3, v33;
	v2 =	vadd.f32 v1, v2;
	v37 =	vld.idx.msk [tilespmem:v39+s23+$0x0], $0xffff;
	v39 =	vor.u32 v24, v31  }
0x17e: {  	v31 =	vmov v4;
	v33 =	vld.idx.msk [tilespmem:v38+s22+$0x0], $0xffff  }
0x17f: {  	v1 =	vor.u32 v62, v31;
	v36 =	vmul.f32 v36, v34;
	v4 =	vadd.f32 v3, v2;
	v2 =	vld.idx.msk [tilespmem:v38+s23+$0x0], $0xffff  }
.Ltmp3:
0x180: {  	v34 =	vld.idx.msk [tilespmem:v35+s22+$0x0], $0xffff;
	(pc) =	sbr.rel @p1 .LBB2_9-.Ltmp3, $4  }
0x181: {  	v3 =	vor.u32 v18, v31;
	v7 =	vmul.f32 v7, v32;
	v4 =	vadd.f32 v36, v4;
	v38 =	vld.idx.msk [tilespmem:v35+s23+$0x0], $0xffff  }
0x182: {  	v32 =	vld.idx.msk [tilespmem:v39+s22+$0x0], $0xffff  }
0x183: {  	v36 =	vor.u32 v19, v31;
	v5 =	vmul.f32 v37, v5;
	v4 =	vadd.f32 v7, v4;
	v37 =	vld.idx.msk [tilespmem:v39+s23+$0x0], $0xffff  }
0x184: {  	v35 =	vld.idx.msk [tilespmem:v1+s22+$0x0], $0xffff  }
0x185: {  	_ =	sdelay $0x2  }
0x186: {  	v4 =	vadd.f32 v5, v4;
	v2 =	vmul.f32 v2, v33  }
0x187: {  	v1 =	vld.idx.msk [tilespmem:v1+s23+$0x0], $0xffff;
	v5 =	vor.u32 v20, v31  }
0x188: {  	v7 =	vld.idx.msk [tilespmem:v3+s22+$0x0], $0xffff;
	v2 =	vadd.f32 v2, v4;
	v4 =	vmul.f32 v38, v34  }
0x189: {  	v3 =	vld.idx.msk [tilespmem:v3+s23+$0x0], $0xffff;
	v55 =	vor.u32 v21, v31  }
0x18a: {  	v56 =	vld.idx.msk [tilespmem:v36+s22+$0x0], $0xffff;
	v2 =	vadd.f32 v4, v2;
	v4 =	vmul.f32 v37, v32  }
0x18b: {  	v57 =	vld.idx.msk [tilespmem:v36+s23+$0x0], $0xffff;
	v58 =	vor.u32 v22, v31  }
0x18c: {  	v59 =	vld.idx.msk [tilespmem:v5+s22+$0x0], $0xffff;
	v1 =	vmul.f32 v1, v35;
	v2 =	vadd.f32 v4, v2  }
0x18d: {  	v4 =	vld.idx.msk [tilespmem:v5+s23+$0x0], $0xffff;
	v5 =	vor.u32 v23, v31  }
0x18e: {  	v60 =	vld.idx.msk [tilespmem:v55+s22+$0x0], $0xffff;
	v1 =	vadd.f32 v1, v2;
	v2 =	vmul.f32 v3, v7  }
0x18f: {  	v3 =	vld.idx.msk [tilespmem:v55+s23+$0x0], $0xffff;
	v7 =	vor.u32 v24, v31  }
0x190: {  	v61 =	vld.idx.msk [tilespmem:v58+s23+$0x0], $0xffff;
	v1 =	vadd.f32 v2, v1;
	v2 =	vmul.f32 v57, v56  }
0x191: {  	v31 =	vld.idx.msk [tilespmem:v58+s22+$0x0], $0xffff  }
0x192: {  	v62 =	vld.idx.msk [tilespmem:v5+s22+$0x0], $0xffff;
	v1 =	vadd.f32 v2, v1;
	v2 =	vmul.f32 v4, v59  }
0x193: {  	v4 =	vld.idx.msk [tilespmem:v5+s23+$0x0], $0xffff  }
0x194: {  	v5 =	vld.idx.msk [tilespmem:v7+s22+$0x0], $0xffff;
	v1 =	vadd.f32 v2, v1;
	v2 =	vmul.f32 v3, v60  }
0x195: {  	v3 =	vld.idx.msk [tilespmem:v7+s23+$0x0], $0xffff  }
0x196: {  	v1 =	vadd.f32 v2, v1;
	v2 =	vmul.f32 v61, v31;
	_ =	sdelay $0x1  }
0x197: {  	v1 =	vadd.f32 v2, v1;
	v2 =	vmul.f32 v4, v62;
	_ =	sdelay $0x1  }
0x198: {  	v1 =	vadd.f32 v2, v1;
	v2 =	vmul.f32 v3, v5;
	_ =	sdelay $0x1  }
0x199: {  	v1 =	vadd.f32 v2, v1;
	_ =	sdelay $0x1  }
0x19a: {  	v2 =	vadd.f32 v1, v1;
	_ =	sdelay $0x1  }
0x19b: {  	v2 =	vsub.f32 $1.000000000e+00, v2  }
0x19c: {  	v4 =	vsub.f32 $1.000000000e+00, v29  }
0x19d: {  	v3 =	vadd.f32 v2, v30  }
0x19e: {  	v7 =	vmul.f32 v4, v4  }
0x19f: {  	v5 =	vmul.f32 v3, v3;
	v3 =	vadd.f32 v3, v3  }
0x1a0: {  	v7 =	vmul.f32 v7, v30  }
0x1a1: {  	v5 =	vmul.f32 v5, v29;
	v3 =	vmul.f32 v3, v4;
	_ =	sdelay $0x1  }
0x1a2: {  	v4 =	vadd.f32 v5, v7;
	v1 =	vmul.f32 v3, v1;
	_ =	sdelay $0x1  }
0x1a3: {  	v1 =	vsub.f32 v4, v1;
	_ =	sdelay $0x1  }
0x1a4: {  	v1 =	vmax.f32 v1, $1.000000000e-30  }
0x1a5: {  	v3 =	vshra.s32 v1, $0x1;
	v4 =	vmul.f32 $5.000000000e-01, v1  }
0x1a6: {  	v3 =	vsub.s32 $0x5F3759DF, v3  }
0x1a7: {  	v5 =	vmul.f32 v3, v4;
	_ =	sdelay $0x1  }
0x1a8: {  	v5 =	vmul.f32 v3, v5;
	_ =	sdelay $0x1  }
0x1a9: {  	v5 =	vsub.f32 $1.500000000e+00, v5;
	_ =	sdelay $0x1  }
0x1aa: {  	v3 =	vmul.f32 v3, v5;
	_ =	sdelay $0x1  }
0x1ab: {  	v5 =	vmul.f32 v3, v4;
	_ =	sdelay $0x1  }
0x1ac: {  	v5 =	vmul.f32 v5, v3;
	_ =	sdelay $0x1  }
0x1ad: {  	v7 =	vmul.f32 v30, v29;
	v5 =	vsub.f32 $1.500000000e+00, v5;
	_ =	sdelay $0x1  }
0x1ae: {  	v2 =	vadd.f32 v2, v7;
	v3 =	vmul.f32 v5, v3;
	_ =	sdelay $0x1  }
0x1af: {  	v2 =	vmax.f32 v2, $1.000000010e-10;
	v4 =	vmul.f32 v3, v4  }
0x1b0: {  	(erf) = vrcp.f32 v2  }
0x1b1: {  	v2 =	vmul.f32 v4, v3;
	_ =	sdelay $0x1  }
0x1b2: {  	v2 =	vsub.f32 $1.500000000e+00, v2;
	_ =	sdelay $0x1  }
0x1b3: {  	v2 =	vmul.f32 v2, v3;
	_ =	sdelay $0x2  }
0x1b4: {  	v1 =	vmul.f32 v2, v1  }
0x1b5: {  	v3 =	vadd.f32 v28, v27;
	v2 =	vpop (erf)  }
0x1b6: {  	v1 =	vmul.f32 v1, v2  }
0x1b7: {  	v4 =	vadd.f32 v26, v25;
	v2 =	vmul.f32 $2.000000030e-01, v3  }
0x1b8: {  	v1 =	vmin.f32 v1, $9.999998800e-01  }
0x1b9: {  	v5 =	vmul.f32 $2.000000030e-01, v4;
	v2 =	vmax.f32 v3, v2;
	v3 =	vadd.f32 $1.000000000e+00, v1;
	_ =	sdelay $0x1  }
0x1ba: {  	(erf) = vrcp.f32 v3;
	v3 =	vmax.f32 v4, v5;
	v4 =	vld [tilespmem:$0x1FF60];
	_ =	sdelay $0x1  }
0x1bb: {  	v2 =	vsub.f32 v2, v63;
	_ =	sdelay $0x1  }
0x1bc: {  	v2 =	vmul.f32 $1.442695020e+00, v2  }
0x1bd: {  	v3 =	vsub.f32 v3, v4  }
0x1be: {  	(erf) = vpow2.f32 v2  }
0x1bf: {  	v2 =	vmul.f32 $1.442695020e+00, v3;
	_ =	sdelay $0x1  }
0x1c0: {  	s0 =	simm.s32 $0x0;
	(erf) = vpow2.f32 v2  }
0x1c1: {  	v2 =	vmov s0  }
0x1c2: {  	v2 =	vshrl.u32 v2, $0x3  }
0x1c3: {  	v1 =	vsub.f32 $1.000000000e+00, v1;
	v2 =	vshll.u32 v2, $0x3  }
0x1c4: {  	v3 =	vpop (erf);
	v4 =	vbroadcast v2, $0x0  }
0x1c5: {  	v25 =	vor.u32 $0x400, v6;
	v1 =	vmul.f32 v3, v1  }
0x1c6: {  	v2 =	vpop (erf);
	v3 =	vor.u32 v25, v4  }
0x1c7: {  	v1 =	vmul.f32 v1, v2;
	_ =	sdelay $0x1  }
0x1c8: {  	[tilespmem:$0x12A50] =	vst v1;
	v33 =	vpop (erf)  }
0x1c9: {  	[tilespmem:$0x12AA0] =	vst v33  }
0x1ca: {  	v1 =	vld.idx.msk [tilespmem:v3+s24+$0x0], $0xffff;
	_ =	sdelay $0x1  }
0x1cb: {  	v26 =	vor.u32 $0x401, v6  }
0x1cc: {  	v2 =	vor.u32 v26, v4;
	_ =	sdelay $0x1  }
0x1cd: {  	v1 =	vmul.f32 v1, v33;
	_ =	sdelay $0x1  }
0x1ce: {  	[tilespmem:v3+s24+$0x0] =	vst.idx.msk $0xffff, v1  }
0x1cf: {  	v1 =	vld.idx.msk [tilespmem:v2+s24+$0x0], $0xffff;
	_ =	sdelay $0x1  }
0x1d0: {  	v27 =	vor.u32 $0x402, v6  }
0x1d1: {  	v3 =	vor.u32 v27, v4;
	_ =	sdelay $0x1  }
0x1d2: {  	v1 =	vmul.f32 v1, v33;
	_ =	sdelay $0x1  }
0x1d3: {  	[tilespmem:v2+s24+$0x0] =	vst.idx.msk $0xffff, v1  }
0x1d4: {  	v1 =	vld.idx.msk [tilespmem:v3+s24+$0x0], $0xffff;
	_ =	sdelay $0x1  }
0x1d5: {  	v28 =	vor.u32 $0x403, v6  }
0x1d6: {  	v2 =	vor.u32 v28, v4;
	_ =	sdelay $0x1  }
0x1d7: {  	v1 =	vmul.f32 v1, v33;
	_ =	sdelay $0x1  }
0x1d8: {  	[tilespmem:v3+s24+$0x0] =	vst.idx.msk $0xffff, v1  }
0x1d9: {  	v1 =	vld.idx.msk [tilespmem:v2+s24+$0x0], $0xffff;
	_ =	sdelay $0x1  }
0x1da: {  	v29 =	vor.u32 $0x404, v6  }
0x1db: {  	v3 =	vor.u32 v29, v4;
	_ =	sdelay $0x1  }
0x1dc: {  	v1 =	vmul.f32 v1, v33;
	_ =	sdelay $0x1  }
0x1dd: {  	[tilespmem:v2+s24+$0x0] =	vst.idx.msk $0xffff, v1  }
0x1de: {  	v1 =	vld.idx.msk [tilespmem:v3+s24+$0x0], $0xffff;
	_ =	sdelay $0x1  }
0x1df: {  	v30 =	vor.u32 $0x405, v6  }
0x1e0: {  	v5 =	vor.u32 v30, v4;
	_ =	sdelay $0x1  }
0x1e1: {  	v1 =	vmul.f32 v1, v33;
	_ =	sdelay $0x1  }
0x1e2: {  	[tilespmem:v3+s24+$0x0] =	vst.idx.msk $0xffff, v1  }
0x1e3: {  	v1 =	vld.idx.msk [tilespmem:v5+s24+$0x0], $0xffff;
	_ =	sdelay $0x1  }
0x1e4: {  	v31 =	vor.u32 $0x406, v6  }
0x1e5: {  	v2 =	vor.u32 v31, v4;
	_ =	sdelay $0x1  }
0x1e6: {  	v1 =	vmul.f32 v1, v33;
	_ =	sdelay $0x1  }
0x1e7: {  	[tilespmem:v5+s24+$0x0] =	vst.idx.msk $0xffff, v1  }
0x1e8: {  	v3 =	vld.idx.msk [tilespmem:v2+s24+$0x0], $0xffff;
	_ =	sdelay $0x1  }
0x1e9: {  	v32 =	vor.u32 $0x407, v6  }
0x1ea: {  	v1 =	vor.u32 v32, v4;
	_ =	sdelay $0x1  }
0x1eb: {  	v3 =	vmul.f32 v3, v33  }
.LBB2_11:
0x1ec: {  	s0 =	sadd.s32 $0x8, s0  }
0x1ed: {  	v4 =	vmov s0;
	p1 =	slt.u32 s0, $0x38;
	[tilespmem:v2+s24+$0x0] =	vst.idx.msk $0xffff, v3  }
0x1ee: {  	v2 =	vshrl.u32 v4, $0x3;
	v3 =	vld.idx.msk [tilespmem:v1+s24+$0x0], $0xffff  }
0x1ef: {  	v2 =	vshll.u32 v2, $0x3  }
0x1f0: {  	v4 =	vbroadcast v2, $0x0;
	_ =	sdelay $0x1  }
0x1f1: {  	v2 =	vor.u32 v25, v4;
	_ =	sdelay $0x1  }
0x1f2: {  	v3 =	vmul.f32 v3, v33;
	_ =	sdelay $0x1  }
0x1f3: {  	[tilespmem:v1+s24+$0x0] =	vst.idx.msk $0xffff, v3  }
0x1f4: {  	v1 =	vld.idx.msk [tilespmem:v2+s24+$0x0], $0xffff;
	_ =	sdelay $0x3  }
0x1f5: {  	v3 =	vor.u32 v26, v4;
	_ =	sdelay $0x1  }
0x1f6: {  	v1 =	vmul.f32 v1, v33;
	_ =	sdelay $0x1  }
0x1f7: {  	[tilespmem:v2+s24+$0x0] =	vst.idx.msk $0xffff, v1  }
0x1f8: {  	v1 =	vld.idx.msk [tilespmem:v3+s24+$0x0], $0xffff;
	_ =	sdelay $0x3  }
0x1f9: {  	v2 =	vor.u32 v27, v4;
	_ =	sdelay $0x1  }
0x1fa: {  	v1 =	vmul.f32 v1, v33;
	_ =	sdelay $0x1  }
0x1fb: {  	[tilespmem:v3+s24+$0x0] =	vst.idx.msk $0xffff, v1  }
0x1fc: {  	v1 =	vld.idx.msk [tilespmem:v2+s24+$0x0], $0xffff;
	_ =	sdelay $0x3  }
0x1fd: {  	v3 =	vor.u32 v28, v4;
	_ =	sdelay $0x1  }
0x1fe: {  	v1 =	vmul.f32 v1, v33;
	_ =	sdelay $0x1  }
0x1ff: {  	[tilespmem:v2+s24+$0x0] =	vst.idx.msk $0xffff, v1  }
0x200: {  	v1 =	vld.idx.msk [tilespmem:v3+s24+$0x0], $0xffff;
	_ =	sdelay $0x3  }
0x201: {  	v2 =	vor.u32 v29, v4;
	_ =	sdelay $0x1  }
0x202: {  	v1 =	vmul.f32 v1, v33;
	_ =	sdelay $0x1  }
0x203: {  	[tilespmem:v3+s24+$0x0] =	vst.idx.msk $0xffff, v1  }
0x204: {  	v1 =	vld.idx.msk [tilespmem:v2+s24+$0x0], $0xffff;
	_ =	sdelay $0x3  }
0x205: {  	v3 =	vor.u32 v30, v4;
	_ =	sdelay $0x1  }
0x206: {  	v1 =	vmul.f32 v1, v33;
	_ =	sdelay $0x1  }
0x207: {  	[tilespmem:v2+s24+$0x0] =	vst.idx.msk $0xffff, v1  }
0x208: {  	v1 =	vld.idx.msk [tilespmem:v3+s24+$0x0], $0xffff;
	_ =	sdelay $0x3  }
0x209: {  	v2 =	vor.u32 v31, v4;
	_ =	sdelay $0x1  }
0x20a: {  	v1 =	vmul.f32 v1, v33;
	_ =	sdelay $0x1  }
0x20b: {  	[tilespmem:v3+s24+$0x0] =	vst.idx.msk $0xffff, v1  }
0x20c: {  	v3 =	vld.idx.msk [tilespmem:v2+s24+$0x0], $0xffff;
	_ =	sdelay $0x1  }
.Ltmp4:
0x20d: {  	(pc) =	sbr.rel @p1 .LBB2_11-.Ltmp4, $3  }
0x20e: {  	_ = 	snop  }
0x20f: {  	v1 =	vor.u32 v32, v4;
	_ =	sdelay $0x1  }
0x210: {  	v3 =	vmul.f32 v3, v33  }
0x211: {  	_ =	sdelay $0x3  }
0x212: {  	[tilespmem:v2+s24+$0x0] =	vst.idx.msk $0xffff, v3  }
0x213: {  	v2 =	vld.idx.msk [tilespmem:v1+s24+$0x0], $0xffff;
	_ =	sdelay $0x3  }
0x214: {  	s0 =	simm.s32 $0x0  }
0x215: {  	v3 =	vmov s0;
	v2 =	vmul.f32 v2, v33  }
0x216: {  	v3 =	vshrl.u32 v3, $0x3  }
0x217: {  	v3 =	vshll.u32 v3, $0x3;
	[tilespmem:v1+s24+$0x0] =	vst.idx.msk $0xffff, v2  }
0x218: {  	v3 =	vbroadcast v3, $0x0;
	v1 =	vld [tilespmem:$0xC5C0]  }
0x219: {  	v40 =	vor.u32 $0x1001, v0;
	v2 =	vld [tilespmem:$0xC610]  }
0x21a: {  	v5 =	vor.u32 v40, v3;
	_ =	sdelay $0x4  }
0x21b: {  	v48 =	vld.idx.msk [tilespmem:v5+s22+$0x0], $0xffff  }
0x21c: {  	v39 =	vor.u32 $0x1000, v0;
	v34 =	vld.idx.msk [tilespmem:v1+s6+$0x0], $0xffff  }
0x21d: {  	v4 =	vor.u32 v39, v3;
	v36 =	vld.idx.msk [tilespmem:v2+s9+$0x0], $0xffff  }
0x21e: {  	v33 =	vld.idx.msk [tilespmem:v1+s10+$0x0], $0xffff  }
0x21f: {  	v44 =	vor.u32 $0x1003, v0;
	v35 =	vld.idx.msk [tilespmem:v2+s11+$0x0], $0xffff  }
0x220: {  	v45 =	vor.u32 $0x1002, v0;
	v7 =	vor.u32 v44, v3;
	v37 =	vld.idx.msk [tilespmem:v1+s12+$0x0], $0xffff  }
0x221: {  	v38 =	vld.idx.msk [tilespmem:v2+s12+$0x0], $0xffff;
	v1 =	vor.u32 v45, v3  }
0x222: {  	v2 =	vld.idx.msk [tilespmem:v4+s22+$0x0], $0xffff  }
0x223: {  	v42 =	vor.u32 $0x1004, v0;
	v4 =	vld.idx.msk [tilespmem:v4+s23+$0x0], $0xffff  }
0x224: {  	v49 =	vor.u32 v42, v3;
	v5 =	vld.idx.msk [tilespmem:v5+s23+$0x0], $0xffff  }
0x225: {  	v41 =	vor.u32 $0x1005, v0;
	v53 =	vld.idx.msk [tilespmem:v7+s22+$0x0], $0xffff  }
0x226: {  	s0 =	simm.s32 $0x8;
	v52 =	vor.u32 v41, v3;
	v50 =	vld.idx.msk [tilespmem:v1+s22+$0x0], $0xffff  }
0x227: {  	v43 =	vor.u32 $0x1006, v0;
	v46 =	vor.u32 $0x1007, v0;
	v51 =	vld.idx.msk [tilespmem:v1+s23+$0x0], $0xffff;
	v1 =	vmov s0  }
0x228: {  	v57 =	vor.u32 v46, v3;
	v7 =	vld.idx.msk [tilespmem:v7+s23+$0x0], $0xffff;
	v2 =	vmul.f32 v4, v2;
	v1 =	vshrl.u32 v1, $0x3  }
0x229: {  	v54 =	vor.u32 v43, v3;
	v55 =	vld.idx.msk [tilespmem:v49+s22+$0x0], $0xffff;
	v4 =	vimm.f32 $0.0e+00;
	v1 =	vshll.u32 v1, $0x3  }
0x22a: {  	v56 =	vld.idx.msk [tilespmem:v49+s23+$0x0], $0xffff;
	v3 =	vadd.f32 v2, v4;
	v4 =	vmul.f32 v5, v48;
	v47 =	vbroadcast v1, $0x0  }
0x22b: {  	v49 =	vld.idx.msk [tilespmem:v52+s22+$0x0], $0xffff  }
0x22c: {  	v2 =	vld.idx.msk [tilespmem:v52+s23+$0x0], $0xffff;
	v3 =	vadd.f32 v4, v3;
	v1 =	vor.u32 v39, v47;
	v4 =	vmul.f32 v51, v50  }
0x22d: {  	v48 =	vld.idx.msk [tilespmem:v57+s22+$0x0], $0xffff  }
0x22e: {  	v5 =	vmul.f32 v7, v53;
	v50 =	vld.idx.msk [tilespmem:v54+s22+$0x0], $0xffff;
	v4 =	vadd.f32 v4, v3;
	v3 =	vor.u32 v40, v47  }
0x22f: {  	v54 =	vld.idx.msk [tilespmem:v54+s23+$0x0], $0xffff  }
0x230: {  	v53 =	vld.idx.msk [tilespmem:v57+s23+$0x0], $0xffff;
	v52 =	vor.u32 v45, v47;
	v4 =	vadd.f32 v5, v4;
	v5 =	vmul.f32 v56, v55  }
0x231: {  	v51 =	vld.idx.msk [tilespmem:v1+s22+$0x0], $0xffff  }
.LBB2_13:
0x232: {  	s0 =	sadd.s32 $0x8, s0;
	v1 =	vld.idx.msk [tilespmem:v1+s23+$0x0], $0xffff;
	v7 =	vor.u32 v44, v47;
	v4 =	vadd.f32 v5, v4;
	v2 =	vmul.f32 v2, v49  }
0x233: {  	v5 =	vmov s0;
	v49 =	vld.idx.msk [tilespmem:v3+s22+$0x0], $0xffff  }
0x234: {  	v55 =	vor.u32 v42, v47;
	v3 =	vld.idx.msk [tilespmem:v3+s23+$0x0], $0xffff;
	v2 =	vadd.f32 v2, v4;
	v4 =	vmul.f32 v54, v50  }
0x235: {  	v5 =	vshrl.u32 v5, $0x3;
	v50 =	vld.idx.msk [tilespmem:v52+s22+$0x0], $0xffff  }
0x236: {  	v54 =	vor.u32 v41, v47;
	v52 =	vld.idx.msk [tilespmem:v52+s23+$0x0], $0xffff;
	v2 =	vadd.f32 v4, v2;
	v4 =	vmul.f32 v53, v48  }
0x237: {  	p1 =	slt.u32 s0, $0x78;
	v5 =	vshll.u32 v5, $0x3;
	v48 =	vld.idx.msk [tilespmem:v7+s22+$0x0], $0xffff  }
0x238: {  	v1 =	vmul.f32 v1, v51;
	v51 =	vor.u32 v43, v47;
	v7 =	vld.idx.msk [tilespmem:v7+s23+$0x0], $0xffff;
	v2 =	vadd.f32 v4, v2  }
0x239: {  	v4 =	vbroadcast v5, $0x0;
	v5 =	vld.idx.msk [tilespmem:v55+s22+$0x0], $0xffff  }
0x23a: {  	v3 =	vmul.f32 v3, v49;
	v2 =	vadd.f32 v1, v2;
	v53 =	vld.idx.msk [tilespmem:v55+s23+$0x0], $0xffff;
	v55 =	vor.u32 v46, v47  }
0x23b: {  	v47 =	vmov v4;
	v49 =	vld.idx.msk [tilespmem:v54+s22+$0x0], $0xffff  }
0x23c: {  	v1 =	vor.u32 v39, v47;
	v52 =	vmul.f32 v52, v50;
	v4 =	vadd.f32 v3, v2;
	v2 =	vld.idx.msk [tilespmem:v54+s23+$0x0], $0xffff  }
.Ltmp5:
0x23d: {  	v50 =	vld.idx.msk [tilespmem:v51+s22+$0x0], $0xffff;
	(pc) =	sbr.rel @p1 .LBB2_13-.Ltmp5, $4  }
0x23e: {  	v3 =	vor.u32 v40, v47;
	v7 =	vmul.f32 v7, v48;
	v4 =	vadd.f32 v52, v4;
	v54 =	vld.idx.msk [tilespmem:v51+s23+$0x0], $0xffff  }
0x23f: {  	v48 =	vld.idx.msk [tilespmem:v55+s22+$0x0], $0xffff  }
0x240: {  	v52 =	vor.u32 v45, v47;
	v5 =	vmul.f32 v53, v5;
	v4 =	vadd.f32 v7, v4;
	v53 =	vld.idx.msk [tilespmem:v55+s23+$0x0], $0xffff  }
0x241: {  	v51 =	vld.idx.msk [tilespmem:v1+s22+$0x0], $0xffff  }
0x242: {  	_ =	sdelay $0x2  }
0x243: {  	v4 =	vadd.f32 v5, v4;
	v2 =	vmul.f32 v2, v49  }
0x244: {  	v1 =	vld.idx.msk [tilespmem:v1+s23+$0x0], $0xffff;
	v5 =	vor.u32 v44, v47  }
0x245: {  	v7 =	vld.idx.msk [tilespmem:v3+s22+$0x0], $0xffff;
	v2 =	vadd.f32 v2, v4;
	v4 =	vmul.f32 v54, v50  }
0x246: {  	v3 =	vld.idx.msk [tilespmem:v3+s23+$0x0], $0xffff;
	v39 =	vor.u32 v42, v47  }
0x247: {  	v40 =	vld.idx.msk [tilespmem:v52+s22+$0x0], $0xffff;
	v2 =	vadd.f32 v4, v2;
	v4 =	vmul.f32 v53, v48  }
0x248: {  	v58 =	vld.idx.msk [tilespmem:v52+s23+$0x0], $0xffff;
	v41 =	vor.u32 v41, v47  }
0x249: {  	v44 =	vld.idx.msk [tilespmem:v5+s22+$0x0], $0xffff;
	v1 =	vmul.f32 v1, v51;
	v2 =	vadd.f32 v4, v2  }
0x24a: {  	v4 =	vld.idx.msk [tilespmem:v5+s23+$0x0], $0xffff;
	v5 =	vor.u32 v43, v47  }
0x24b: {  	v59 =	vld.idx.msk [tilespmem:v39+s22+$0x0], $0xffff;
	v1 =	vadd.f32 v1, v2;
	v2 =	vmul.f32 v3, v7  }
0x24c: {  	v3 =	vld.idx.msk [tilespmem:v39+s23+$0x0], $0xffff;
	v7 =	vor.u32 v46, v47  }
0x24d: {  	v60 =	vld.idx.msk [tilespmem:v41+s22+$0x0], $0xffff;
	v1 =	vadd.f32 v2, v1;
	v2 =	vmul.f32 v58, v40  }
0x24e: {  	v61 =	vld.idx.msk [tilespmem:v41+s23+$0x0], $0xffff  }
0x24f: {  	v62 =	vld.idx.msk [tilespmem:v5+s22+$0x0], $0xffff;
	v1 =	vadd.f32 v2, v1;
	v2 =	vmul.f32 v4, v44  }
0x250: {  	v4 =	vld.idx.msk [tilespmem:v5+s23+$0x0], $0xffff  }
0x251: {  	v5 =	vld.idx.msk [tilespmem:v7+s22+$0x0], $0xffff;
	v1 =	vadd.f32 v2, v1;
	v2 =	vmul.f32 v3, v59  }
0x252: {  	v3 =	vld.idx.msk [tilespmem:v7+s23+$0x0], $0xffff  }
0x253: {  	v1 =	vadd.f32 v2, v1;
	v2 =	vmul.f32 v61, v60;
	_ =	sdelay $0x1  }
0x254: {  	v1 =	vadd.f32 v2, v1;
	v2 =	vmul.f32 v4, v62;
	_ =	sdelay $0x1  }
0x255: {  	v1 =	vadd.f32 v2, v1;
	v2 =	vmul.f32 v3, v5;
	_ =	sdelay $0x1  }
0x256: {  	v1 =	vadd.f32 v2, v1;
	_ =	sdelay $0x1  }
0x257: {  	v2 =	vadd.f32 v1, v1;
	_ =	sdelay $0x1  }
0x258: {  	v2 =	vsub.f32 $1.000000000e+00, v2  }
0x259: {  	v4 =	vsub.f32 $1.000000000e+00, v37  }
0x25a: {  	v3 =	vadd.f32 v2, v38  }
0x25b: {  	v7 =	vmul.f32 v4, v4  }
0x25c: {  	v5 =	vmul.f32 v3, v3;
	v3 =	vadd.f32 v3, v3  }
0x25d: {  	v7 =	vmul.f32 v7, v38  }
0x25e: {  	v5 =	vmul.f32 v5, v37;
	v3 =	vmul.f32 v3, v4;
	_ =	sdelay $0x1  }
0x25f: {  	v4 =	vadd.f32 v5, v7;
	v1 =	vmul.f32 v3, v1;
	_ =	sdelay $0x1  }
0x260: {  	v1 =	vsub.f32 v4, v1;
	_ =	sdelay $0x1  }
0x261: {  	v1 =	vmax.f32 v1, $1.000000000e-30  }
0x262: {  	v3 =	vshra.s32 v1, $0x1;
	v4 =	vmul.f32 $5.000000000e-01, v1  }
0x263: {  	v3 =	vsub.s32 $0x5F3759DF, v3  }
0x264: {  	v5 =	vmul.f32 v3, v4;
	_ =	sdelay $0x1  }
0x265: {  	v5 =	vmul.f32 v3, v5;
	_ =	sdelay $0x1  }
0x266: {  	v5 =	vsub.f32 $1.500000000e+00, v5;
	_ =	sdelay $0x1  }
0x267: {  	v3 =	vmul.f32 v3, v5;
	_ =	sdelay $0x1  }
0x268: {  	v5 =	vmul.f32 v3, v4;
	_ =	sdelay $0x1  }
0x269: {  	v5 =	vmul.f32 v5, v3;
	_ =	sdelay $0x1  }
0x26a: {  	v7 =	vmul.f32 v38, v37;
	v5 =	vsub.f32 $1.500000000e+00, v5;
	_ =	sdelay $0x1  }
0x26b: {  	v2 =	vadd.f32 v2, v7;
	v3 =	vmul.f32 v5, v3;
	_ =	sdelay $0x1  }
0x26c: {  	v2 =	vmax.f32 v2, $1.000000010e-10;
	v4 =	vmul.f32 v3, v4  }
0x26d: {  	(erf) = vrcp.f32 v2  }
0x26e: {  	v2 =	vmul.f32 v4, v3;
	_ =	sdelay $0x1  }
0x26f: {  	v2 =	vsub.f32 $1.500000000e+00, v2;
	_ =	sdelay $0x1  }
0x270: {  	v2 =	vmul.f32 v2, v3;
	_ =	sdelay $0x2  }
0x271: {  	v1 =	vmul.f32 v2, v1  }
0x272: {  	v3 =	vadd.f32 v36, v34;
	v2 =	vpop (erf)  }
0x273: {  	v1 =	vmul.f32 v1, v2  }
0x274: {  	v4 =	vadd.f32 v35, v33;
	v2 =	vmul.f32 $2.000000030e-01, v3  }
0x275: {  	v1 =	vmin.f32 v1, $9.999998800e-01  }
0x276: {  	v5 =	vmul.f32 $2.000000030e-01, v4;
	v2 =	vmax.f32 v3, v2;
	v3 =	vadd.f32 $1.000000000e+00, v1;
	_ =	sdelay $0x1  }
0x277: {  	(erf) = vrcp.f32 v3;
	v3 =	vmax.f32 v4, v5;
	v4 =	vld [tilespmem:$0x1FF60];
	_ =	sdelay $0x1  }
0x278: {  	v2 =	vsub.f32 v2, v63;
	_ =	sdelay $0x1  }
0x279: {  	v2 =	vmul.f32 $1.442695020e+00, v2  }
0x27a: {  	v3 =	vsub.f32 v3, v4  }
0x27b: {  	(erf) = vpow2.f32 v2  }
0x27c: {  	v2 =	vmul.f32 $1.442695020e+00, v3;
	_ =	sdelay $0x1  }
0x27d: {  	s0 =	simm.s32 $0x0;
	(erf) = vpow2.f32 v2  }
0x27e: {  	v2 =	vmov s0  }
0x27f: {  	v2 =	vshrl.u32 v2, $0x3  }
0x280: {  	v1 =	vsub.f32 $1.000000000e+00, v1;
	v2 =	vshll.u32 v2, $0x3  }
0x281: {  	v3 =	vpop (erf);
	v4 =	vbroadcast v2, $0x0  }
0x282: {  	v33 =	vor.u32 $0x800, v6;
	v1 =	vmul.f32 v3, v1  }
0x283: {  	v2 =	vpop (erf);
	v3 =	vor.u32 v33, v4  }
0x284: {  	v1 =	vmul.f32 v1, v2;
	_ =	sdelay $0x1  }
0x285: {  	[tilespmem:$0x12A60] =	vst v1;
	v41 =	vpop (erf)  }
0x286: {  	[tilespmem:$0x12AB0] =	vst v41  }
0x287: {  	v1 =	vld.idx.msk [tilespmem:v3+s24+$0x0], $0xffff;
	_ =	sdelay $0x1  }
0x288: {  	v34 =	vor.u32 $0x801, v6  }
0x289: {  	v2 =	vor.u32 v34, v4;
	_ =	sdelay $0x1  }
0x28a: {  	v1 =	vmul.f32 v1, v41;
	_ =	sdelay $0x1  }
0x28b: {  	[tilespmem:v3+s24+$0x0] =	vst.idx.msk $0xffff, v1  }
0x28c: {  	v1 =	vld.idx.msk [tilespmem:v2+s24+$0x0], $0xffff;
	_ =	sdelay $0x1  }
0x28d: {  	v35 =	vor.u32 $0x802, v6  }
0x28e: {  	v3 =	vor.u32 v35, v4;
	_ =	sdelay $0x1  }
0x28f: {  	v1 =	vmul.f32 v1, v41;
	_ =	sdelay $0x1  }
0x290: {  	[tilespmem:v2+s24+$0x0] =	vst.idx.msk $0xffff, v1  }
0x291: {  	v1 =	vld.idx.msk [tilespmem:v3+s24+$0x0], $0xffff;
	_ =	sdelay $0x1  }
0x292: {  	v36 =	vor.u32 $0x803, v6  }
0x293: {  	v2 =	vor.u32 v36, v4;
	_ =	sdelay $0x1  }
0x294: {  	v1 =	vmul.f32 v1, v41;
	_ =	sdelay $0x1  }
0x295: {  	[tilespmem:v3+s24+$0x0] =	vst.idx.msk $0xffff, v1  }
0x296: {  	v1 =	vld.idx.msk [tilespmem:v2+s24+$0x0], $0xffff;
	_ =	sdelay $0x1  }
0x297: {  	v37 =	vor.u32 $0x804, v6  }
0x298: {  	v3 =	vor.u32 v37, v4;
	_ =	sdelay $0x1  }
0x299: {  	v1 =	vmul.f32 v1, v41;
	_ =	sdelay $0x1  }
0x29a: {  	[tilespmem:v2+s24+$0x0] =	vst.idx.msk $0xffff, v1  }
0x29b: {  	v1 =	vld.idx.msk [tilespmem:v3+s24+$0x0], $0xffff;
	_ =	sdelay $0x1  }
0x29c: {  	v38 =	vor.u32 $0x805, v6  }
0x29d: {  	v5 =	vor.u32 v38, v4;
	_ =	sdelay $0x1  }
0x29e: {  	v1 =	vmul.f32 v1, v41;
	_ =	sdelay $0x1  }
0x29f: {  	[tilespmem:v3+s24+$0x0] =	vst.idx.msk $0xffff, v1  }
0x2a0: {  	v1 =	vld.idx.msk [tilespmem:v5+s24+$0x0], $0xffff;
	_ =	sdelay $0x1  }
0x2a1: {  	v39 =	vor.u32 $0x806, v6  }
0x2a2: {  	v2 =	vor.u32 v39, v4;
	_ =	sdelay $0x1  }
0x2a3: {  	v1 =	vmul.f32 v1, v41;
	_ =	sdelay $0x1  }
0x2a4: {  	[tilespmem:v5+s24+$0x0] =	vst.idx.msk $0xffff, v1  }
0x2a5: {  	v3 =	vld.idx.msk [tilespmem:v2+s24+$0x0], $0xffff;
	_ =	sdelay $0x1  }
0x2a6: {  	v40 =	vor.u32 $0x807, v6  }
0x2a7: {  	v1 =	vor.u32 v40, v4;
	_ =	sdelay $0x1  }
0x2a8: {  	v3 =	vmul.f32 v3, v41  }
.LBB2_15:
0x2a9: {  	s0 =	sadd.s32 $0x8, s0  }
0x2aa: {  	v4 =	vmov s0;
	p1 =	slt.u32 s0, $0x38;
	[tilespmem:v2+s24+$0x0] =	vst.idx.msk $0xffff, v3  }
0x2ab: {  	v2 =	vshrl.u32 v4, $0x3;
	v3 =	vld.idx.msk [tilespmem:v1+s24+$0x0], $0xffff  }
0x2ac: {  	v2 =	vshll.u32 v2, $0x3  }
0x2ad: {  	v4 =	vbroadcast v2, $0x0;
	_ =	sdelay $0x1  }
0x2ae: {  	v2 =	vor.u32 v33, v4;
	_ =	sdelay $0x1  }
0x2af: {  	v3 =	vmul.f32 v3, v41;
	_ =	sdelay $0x1  }
0x2b0: {  	[tilespmem:v1+s24+$0x0] =	vst.idx.msk $0xffff, v3  }
0x2b1: {  	v1 =	vld.idx.msk [tilespmem:v2+s24+$0x0], $0xffff;
	_ =	sdelay $0x3  }
0x2b2: {  	v3 =	vor.u32 v34, v4;
	_ =	sdelay $0x1  }
0x2b3: {  	v1 =	vmul.f32 v1, v41;
	_ =	sdelay $0x1  }
0x2b4: {  	[tilespmem:v2+s24+$0x0] =	vst.idx.msk $0xffff, v1  }
0x2b5: {  	v1 =	vld.idx.msk [tilespmem:v3+s24+$0x0], $0xffff;
	_ =	sdelay $0x3  }
0x2b6: {  	v2 =	vor.u32 v35, v4;
	_ =	sdelay $0x1  }
0x2b7: {  	v1 =	vmul.f32 v1, v41;
	_ =	sdelay $0x1  }
0x2b8: {  	[tilespmem:v3+s24+$0x0] =	vst.idx.msk $0xffff, v1  }
0x2b9: {  	v1 =	vld.idx.msk [tilespmem:v2+s24+$0x0], $0xffff;
	_ =	sdelay $0x3  }
0x2ba: {  	v3 =	vor.u32 v36, v4;
	_ =	sdelay $0x1  }
0x2bb: {  	v1 =	vmul.f32 v1, v41;
	_ =	sdelay $0x1  }
0x2bc: {  	[tilespmem:v2+s24+$0x0] =	vst.idx.msk $0xffff, v1  }
0x2bd: {  	v1 =	vld.idx.msk [tilespmem:v3+s24+$0x0], $0xffff;
	_ =	sdelay $0x3  }
0x2be: {  	v2 =	vor.u32 v37, v4;
	_ =	sdelay $0x1  }
0x2bf: {  	v1 =	vmul.f32 v1, v41;
	_ =	sdelay $0x1  }
0x2c0: {  	[tilespmem:v3+s24+$0x0] =	vst.idx.msk $0xffff, v1  }
0x2c1: {  	v1 =	vld.idx.msk [tilespmem:v2+s24+$0x0], $0xffff;
	_ =	sdelay $0x3  }
0x2c2: {  	v3 =	vor.u32 v38, v4;
	_ =	sdelay $0x1  }
0x2c3: {  	v1 =	vmul.f32 v1, v41;
	_ =	sdelay $0x1  }
0x2c4: {  	[tilespmem:v2+s24+$0x0] =	vst.idx.msk $0xffff, v1  }
0x2c5: {  	v1 =	vld.idx.msk [tilespmem:v3+s24+$0x0], $0xffff;
	_ =	sdelay $0x3  }
0x2c6: {  	v2 =	vor.u32 v39, v4;
	_ =	sdelay $0x1  }
0x2c7: {  	v1 =	vmul.f32 v1, v41;
	_ =	sdelay $0x1  }
0x2c8: {  	[tilespmem:v3+s24+$0x0] =	vst.idx.msk $0xffff, v1  }
0x2c9: {  	v3 =	vld.idx.msk [tilespmem:v2+s24+$0x0], $0xffff;
	_ =	sdelay $0x1  }
.Ltmp6:
0x2ca: {  	(pc) =	sbr.rel @p1 .LBB2_15-.Ltmp6, $3  }
0x2cb: {  	_ = 	snop  }
0x2cc: {  	v1 =	vor.u32 v40, v4;
	_ =	sdelay $0x1  }
0x2cd: {  	v3 =	vmul.f32 v3, v41  }
0x2ce: {  	_ =	sdelay $0x3  }
0x2cf: {  	[tilespmem:v2+s24+$0x0] =	vst.idx.msk $0xffff, v3  }
0x2d0: {  	v2 =	vld.idx.msk [tilespmem:v1+s24+$0x0], $0xffff;
	_ =	sdelay $0x4  }
0x2d1: {  	v2 =	vmul.f32 v2, v41;
	_ =	sdelay $0x1  }
0x2d2: {  	[tilespmem:v1+s24+$0x0] =	vst.idx.msk $0xffff, v2  }
0x2d3: {  	v1 =	vld [tilespmem:$0xC5D0];
	_ =	sdelay $0x1  }
0x2d4: {  	s0 =	simm.s32 $0x0  }
0x2d5: {  	v3 =	vmov s0  }
0x2d6: {  	v3 =	vshrl.u32 v3, $0x3  }
0x2d7: {  	v3 =	vshll.u32 v3, $0x3  }
0x2d8: {  	v3 =	vbroadcast v3, $0x0;
	v2 =	vld [tilespmem:$0xC620]  }
0x2d9: {  	v54 =	vor.u32 $0x1803, v0  }
0x2da: {  	v7 =	vor.u32 v54, v3;
	v4 =	vld.idx.msk [tilespmem:v1+s6+$0x0], $0xffff;
	_ =	sdelay $0x1  }
0x2db: {  	v5 =	vld.idx.msk [tilespmem:v1+s10+$0x0], $0xffff;
	_ =	sdelay $0x1  }
0x2dc: {  	v47 =	vor.u32 $0x1800, v0  }
0x2dd: {  	v61 =	vld.idx.msk [tilespmem:v7+s22+$0x0], $0xffff;
	[tilespmem:$0x1FF40] =	vst v4;
	v4 =	vor.u32 v47, v3  }
0x2de: {  	v48 =	vor.u32 $0x1801, v0;
	v44 =	vld.idx.msk [tilespmem:v2+s9+$0x0], $0xffff  }
0x2df: {  	v43 =	vld.idx.msk [tilespmem:v2+s11+$0x0], $0xffff;
	[tilespmem:$0x1FF50] =	vst v5;
	v5 =	vor.u32 v48, v3  }
0x2e0: {  	v55 =	vor.u32 $0x1802, v0;
	v45 =	vld.idx.msk [tilespmem:v1+s12+$0x0], $0xffff  }
0x2e1: {  	v46 =	vld.idx.msk [tilespmem:v2+s12+$0x0], $0xffff;
	v1 =	vor.u32 v55, v3  }
0x2e2: {  	v2 =	vld.idx.msk [tilespmem:v4+s22+$0x0], $0xffff  }
0x2e3: {  	v52 =	vor.u32 $0x1804, v0;
	v4 =	vld.idx.msk [tilespmem:v4+s23+$0x0], $0xffff  }
0x2e4: {  	v57 =	vor.u32 v52, v3;
	v50 =	vld.idx.msk [tilespmem:v5+s22+$0x0], $0xffff  }
0x2e5: {  	v51 =	vor.u32 $0x1805, v0;
	v5 =	vld.idx.msk [tilespmem:v5+s23+$0x0], $0xffff  }
0x2e6: {  	s0 =	simm.s32 $0x8;
	v60 =	vor.u32 v51, v3;
	v58 =	vld.idx.msk [tilespmem:v1+s22+$0x0], $0xffff  }
0x2e7: {  	v53 =	vor.u32 $0x1806, v0;
	v56 =	vor.u32 $0x1807, v0;
	v59 =	vld.idx.msk [tilespmem:v1+s23+$0x0], $0xffff;
	v1 =	vmov s0  }
0x2e8: {  	v42 =	vor.u32 v56, v3;
	v7 =	vld.idx.msk [tilespmem:v7+s23+$0x0], $0xffff;
	v1 =	vshrl.u32 v1, $0x3;
	v2 =	vmul.f32 v4, v2  }
0x2e9: {  	v62 =	vor.u32 v53, v3;
	v63 =	vld.idx.msk [tilespmem:v57+s22+$0x0], $0xffff;
	v1 =	vshll.u32 v1, $0x3;
	v4 =	vimm.f32 $0.0e+00  }
0x2ea: {  	v41 =	vld.idx.msk [tilespmem:v57+s23+$0x0], $0xffff;
	v49 =	vbroadcast v1, $0x0;
	v3 =	vadd.f32 v2, v4;
	v4 =	vmul.f32 v5, v50  }
0x2eb: {  	v57 =	vld.idx.msk [tilespmem:v60+s22+$0x0], $0xffff  }
0x2ec: {  	v1 =	vor.u32 v47, v49;
	v2 =	vld.idx.msk [tilespmem:v60+s23+$0x0], $0xffff;
	v3 =	vadd.f32 v4, v3;
	v4 =	vmul.f32 v59, v58  }
0x2ed: {  	v50 =	vld.idx.msk [tilespmem:v42+s22+$0x0], $0xffff  }
0x2ee: {  	v5 =	vmul.f32 v7, v61;
	v58 =	vld.idx.msk [tilespmem:v62+s22+$0x0], $0xffff;
	v4 =	vadd.f32 v4, v3;
	v3 =	vor.u32 v48, v49  }
0x2ef: {  	v62 =	vld.idx.msk [tilespmem:v62+s23+$0x0], $0xffff  }
0x2f0: {  	v61 =	vld.idx.msk [tilespmem:v42+s23+$0x0], $0xffff;
	v60 =	vor.u32 v55, v49;
	v4 =	vadd.f32 v5, v4;
	v5 =	vmul.f32 v41, v63  }
0x2f1: {  	v59 =	vld.idx.msk [tilespmem:v1+s22+$0x0], $0xffff  }
.LBB2_17:
0x2f2: {  	s0 =	sadd.s32 $0x8, s0;
	v1 =	vld.idx.msk [tilespmem:v1+s23+$0x0], $0xffff;
	v7 =	vor.u32 v54, v49;
	v4 =	vadd.f32 v5, v4;
	v2 =	vmul.f32 v2, v57  }
0x2f3: {  	v5 =	vmov s0;
	v41 =	vld.idx.msk [tilespmem:v3+s22+$0x0], $0xffff  }
0x2f4: {  	v42 =	vor.u32 v52, v49;
	v3 =	vld.idx.msk [tilespmem:v3+s23+$0x0], $0xffff;
	v2 =	vadd.f32 v2, v4;
	v4 =	vmul.f32 v62, v58  }
0x2f5: {  	v5 =	vshrl.u32 v5, $0x3;
	v58 =	vld.idx.msk [tilespmem:v60+s22+$0x0], $0xffff  }
0x2f6: {  	v62 =	vor.u32 v51, v49;
	v60 =	vld.idx.msk [tilespmem:v60+s23+$0x0], $0xffff;
	v2 =	vadd.f32 v4, v2;
	v4 =	vmul.f32 v61, v50  }
0x2f7: {  	p1 =	slt.u32 s0, $0x78;
	v5 =	vshll.u32 v5, $0x3;
	v50 =	vld.idx.msk [tilespmem:v7+s22+$0x0], $0xffff  }
0x2f8: {  	v1 =	vmul.f32 v1, v59;
	v59 =	vor.u32 v53, v49;
	v7 =	vld.idx.msk [tilespmem:v7+s23+$0x0], $0xffff;
	v2 =	vadd.f32 v4, v2  }
0x2f9: {  	v4 =	vbroadcast v5, $0x0;
	v5 =	vld.idx.msk [tilespmem:v42+s22+$0x0], $0xffff  }
0x2fa: {  	v3 =	vmul.f32 v3, v41;
	v2 =	vadd.f32 v1, v2;
	v41 =	vld.idx.msk [tilespmem:v42+s23+$0x0], $0xffff;
	v42 =	vor.u32 v56, v49  }
0x2fb: {  	v49 =	vmov v4;
	v57 =	vld.idx.msk [tilespmem:v62+s22+$0x0], $0xffff  }
0x2fc: {  	v1 =	vor.u32 v47, v49;
	v60 =	vmul.f32 v60, v58;
	v4 =	vadd.f32 v3, v2;
	v2 =	vld.idx.msk [tilespmem:v62+s23+$0x0], $0xffff  }
.Ltmp7:
0x2fd: {  	v58 =	vld.idx.msk [tilespmem:v59+s22+$0x0], $0xffff;
	(pc) =	sbr.rel @p1 .LBB2_17-.Ltmp7, $4  }
0x2fe: {  	v3 =	vor.u32 v48, v49;
	v7 =	vmul.f32 v7, v50;
	v4 =	vadd.f32 v60, v4;
	v62 =	vld.idx.msk [tilespmem:v59+s23+$0x0], $0xffff  }
0x2ff: {  	v50 =	vld.idx.msk [tilespmem:v42+s22+$0x0], $0xffff  }
0x300: {  	v60 =	vor.u32 v55, v49;
	v5 =	vmul.f32 v41, v5;
	v4 =	vadd.f32 v7, v4;
	v61 =	vld.idx.msk [tilespmem:v42+s23+$0x0], $0xffff  }
0x301: {  	v59 =	vld.idx.msk [tilespmem:v1+s22+$0x0], $0xffff  }
0x302: {  	_ =	sdelay $0x2  }
0x303: {  	v4 =	vadd.f32 v5, v4;
	v2 =	vmul.f32 v2, v57  }
0x304: {  	v1 =	vld.idx.msk [tilespmem:v1+s23+$0x0], $0xffff;
	v5 =	vor.u32 v54, v49  }
0x305: {  	v7 =	vld.idx.msk [tilespmem:v3+s22+$0x0], $0xffff;
	v2 =	vadd.f32 v2, v4;
	v4 =	vmul.f32 v62, v58  }
0x306: {  	v3 =	vld.idx.msk [tilespmem:v3+s23+$0x0], $0xffff;
	v41 =	vor.u32 v52, v49  }
0x307: {  	v42 =	vld.idx.msk [tilespmem:v60+s22+$0x0], $0xffff;
	v2 =	vadd.f32 v4, v2;
	v4 =	vmul.f32 v61, v50  }
0x308: {  	v47 =	vld.idx.msk [tilespmem:v60+s23+$0x0], $0xffff;
	v48 =	vor.u32 v51, v49  }
0x309: {  	v58 =	vld.idx.msk [tilespmem:v5+s22+$0x0], $0xffff;
	v1 =	vmul.f32 v1, v59;
	v2 =	vadd.f32 v4, v2  }
0x30a: {  	v4 =	vld.idx.msk [tilespmem:v5+s23+$0x0], $0xffff;
	v5 =	vor.u32 v53, v49  }
0x30b: {  	v60 =	vld.idx.msk [tilespmem:v41+s22+$0x0], $0xffff;
	v1 =	vadd.f32 v1, v2;
	v2 =	vmul.f32 v3, v7  }
0x30c: {  	v3 =	vld.idx.msk [tilespmem:v41+s23+$0x0], $0xffff;
	v7 =	vor.u32 v56, v49  }
0x30d: {  	v61 =	vld.idx.msk [tilespmem:v48+s22+$0x0], $0xffff;
	v1 =	vadd.f32 v2, v1;
	v2 =	vmul.f32 v47, v42  }
0x30e: {  	v62 =	vld.idx.msk [tilespmem:v48+s23+$0x0], $0xffff  }
0x30f: {  	v63 =	vld.idx.msk [tilespmem:v5+s22+$0x0], $0xffff;
	v1 =	vadd.f32 v2, v1;
	v2 =	vmul.f32 v4, v58  }
0x310: {  	v4 =	vld.idx.msk [tilespmem:v5+s23+$0x0], $0xffff  }
0x311: {  	v5 =	vld.idx.msk [tilespmem:v7+s22+$0x0], $0xffff;
	v1 =	vadd.f32 v2, v1;
	v2 =	vmul.f32 v3, v60  }
0x312: {  	v3 =	vld.idx.msk [tilespmem:v7+s23+$0x0], $0xffff  }
0x313: {  	v1 =	vadd.f32 v2, v1;
	v2 =	vmul.f32 v62, v61;
	_ =	sdelay $0x1  }
0x314: {  	v1 =	vadd.f32 v2, v1;
	v2 =	vmul.f32 v4, v63;
	_ =	sdelay $0x1  }
0x315: {  	v1 =	vadd.f32 v2, v1;
	v2 =	vmul.f32 v3, v5;
	_ =	sdelay $0x1  }
0x316: {  	v1 =	vadd.f32 v2, v1;
	_ =	sdelay $0x1  }
0x317: {  	v2 =	vadd.f32 v1, v1;
	_ =	sdelay $0x1  }
0x318: {  	v2 =	vsub.f32 $1.000000000e+00, v2  }
0x319: {  	v4 =	vsub.f32 $1.000000000e+00, v45  }
0x31a: {  	v3 =	vadd.f32 v2, v46  }
0x31b: {  	v7 =	vmul.f32 v4, v4  }
0x31c: {  	v5 =	vmul.f32 v3, v3;
	v3 =	vadd.f32 v3, v3  }
0x31d: {  	v7 =	vmul.f32 v7, v46  }
0x31e: {  	v5 =	vmul.f32 v5, v45;
	v3 =	vmul.f32 v3, v4;
	_ =	sdelay $0x1  }
0x31f: {  	v4 =	vadd.f32 v5, v7;
	v1 =	vmul.f32 v3, v1;
	_ =	sdelay $0x1  }
0x320: {  	v1 =	vsub.f32 v4, v1;
	_ =	sdelay $0x1  }
0x321: {  	v1 =	vmax.f32 v1, $1.000000000e-30  }
0x322: {  	v3 =	vshra.s32 v1, $0x1;
	v4 =	vmul.f32 $5.000000000e-01, v1  }
0x323: {  	v3 =	vsub.s32 $0x5F3759DF, v3  }
0x324: {  	v5 =	vmul.f32 v3, v4;
	_ =	sdelay $0x1  }
0x325: {  	v5 =	vmul.f32 v3, v5;
	_ =	sdelay $0x1  }
0x326: {  	v5 =	vsub.f32 $1.500000000e+00, v5;
	_ =	sdelay $0x1  }
0x327: {  	v3 =	vmul.f32 v3, v5;
	_ =	sdelay $0x1  }
0x328: {  	v5 =	vmul.f32 v3, v4;
	_ =	sdelay $0x1  }
0x329: {  	v5 =	vmul.f32 v5, v3;
	_ =	sdelay $0x1  }
0x32a: {  	v5 =	vsub.f32 $1.500000000e+00, v5  }
0x32b: {  	v7 =	vmul.f32 v46, v45  }
0x32c: {  	v3 =	vmul.f32 v5, v3  }
0x32d: {  	v2 =	vadd.f32 v2, v7  }
0x32e: {  	v4 =	vmul.f32 v3, v4  }
0x32f: {  	v2 =	vmax.f32 v2, $1.000000010e-10  }
0x330: {  	(erf) = vrcp.f32 v2;
	v2 =	vmul.f32 v4, v3;
	_ =	sdelay $0x1  }
0x331: {  	v2 =	vsub.f32 $1.500000000e+00, v2;
	_ =	sdelay $0x1  }
0x332: {  	v2 =	vmul.f32 v2, v3;
	v3 =	vld [tilespmem:$0x1FF40];
	_ =	sdelay $0x2  }
0x333: {  	v4 =	vld [tilespmem:$0x1FF50];
	_ =	sdelay $0x1  }
0x334: {  	v5 =	vld [tilespmem:$0x1FF70];
	v1 =	vmul.f32 v2, v1;
	v3 =	vadd.f32 v44, v3  }
0x335: {  	v2 =	vpop (erf)  }
0x336: {  	v1 =	vmul.f32 v1, v2;
	v2 =	vmul.f32 $2.000000030e-01, v3  }
0x337: {  	v4 =	vadd.f32 v43, v4  }
0x338: {  	v1 =	vmin.f32 v1, $9.999998800e-01;
	v2 =	vmax.f32 v3, v2  }
0x339: {  	v3 =	vadd.f32 $1.000000000e+00, v1;
	v2 =	vsub.f32 v2, v5;
	v5 =	vmul.f32 $2.000000030e-01, v4;
	_ =	sdelay $0x1  }
0x33a: {  	(erf) = vrcp.f32 v3;
	v3 =	vmax.f32 v4, v5;
	v4 =	vld [tilespmem:$0x1FF60];
	_ =	sdelay $0x3  }
0x33b: {  	v2 =	vmul.f32 $1.442695020e+00, v2  }
0x33c: {  	v3 =	vsub.f32 v3, v4  }
0x33d: {  	(erf) = vpow2.f32 v2  }
0x33e: {  	v2 =	vmul.f32 $1.442695020e+00, v3;
	_ =	sdelay $0x1  }
0x33f: {  	s0 =	simm.s32 $0x0;
	(erf) = vpow2.f32 v2  }
0x340: {  	v2 =	vmov s0  }
0x341: {  	v2 =	vshrl.u32 v2, $0x3  }
0x342: {  	v1 =	vsub.f32 $1.000000000e+00, v1;
	v2 =	vshll.u32 v2, $0x3  }
0x343: {  	v3 =	vpop (erf);
	v4 =	vbroadcast v2, $0x0  }
0x344: {  	v41 =	vor.u32 $0xC00, v6;
	v1 =	vmul.f32 v3, v1  }
0x345: {  	v2 =	vpop (erf);
	v3 =	vor.u32 v41, v4  }
0x346: {  	v1 =	vmul.f32 v1, v2;
	_ =	sdelay $0x1  }
0x347: {  	[tilespmem:$0x12A70] =	vst v1;
	v51 =	vpop (erf)  }
0x348: {  	[tilespmem:$0x12AC0] =	vst v51  }
0x349: {  	v1 =	vld.idx.msk [tilespmem:v3+s24+$0x0], $0xffff;
	_ =	sdelay $0x1  }
0x34a: {  	v42 =	vor.u32 $0xC01, v6  }
0x34b: {  	v2 =	vor.u32 v42, v4;
	_ =	sdelay $0x1  }
0x34c: {  	v1 =	vmul.f32 v1, v51;
	_ =	sdelay $0x1  }
0x34d: {  	[tilespmem:v3+s24+$0x0] =	vst.idx.msk $0xffff, v1  }
0x34e: {  	v1 =	vld.idx.msk [tilespmem:v2+s24+$0x0], $0xffff;
	_ =	sdelay $0x1  }
0x34f: {  	v43 =	vor.u32 $0xC02, v6  }
0x350: {  	v3 =	vor.u32 v43, v4;
	_ =	sdelay $0x1  }
0x351: {  	v1 =	vmul.f32 v1, v51;
	_ =	sdelay $0x1  }
0x352: {  	[tilespmem:v2+s24+$0x0] =	vst.idx.msk $0xffff, v1  }
0x353: {  	v1 =	vld.idx.msk [tilespmem:v3+s24+$0x0], $0xffff;
	_ =	sdelay $0x1  }
0x354: {  	v44 =	vor.u32 $0xC03, v6  }
0x355: {  	v2 =	vor.u32 v44, v4;
	_ =	sdelay $0x1  }
0x356: {  	v1 =	vmul.f32 v1, v51;
	_ =	sdelay $0x1  }
0x357: {  	[tilespmem:v3+s24+$0x0] =	vst.idx.msk $0xffff, v1  }
0x358: {  	v1 =	vld.idx.msk [tilespmem:v2+s24+$0x0], $0xffff;
	_ =	sdelay $0x1  }
0x359: {  	v45 =	vor.u32 $0xC04, v6  }
0x35a: {  	v3 =	vor.u32 v45, v4;
	_ =	sdelay $0x1  }
0x35b: {  	v1 =	vmul.f32 v1, v51;
	_ =	sdelay $0x1  }
0x35c: {  	[tilespmem:v2+s24+$0x0] =	vst.idx.msk $0xffff, v1  }
0x35d: {  	v1 =	vld.idx.msk [tilespmem:v3+s24+$0x0], $0xffff;
	_ =	sdelay $0x1  }
0x35e: {  	v46 =	vor.u32 $0xC05, v6  }
0x35f: {  	v5 =	vor.u32 v46, v4;
	_ =	sdelay $0x1  }
0x360: {  	v1 =	vmul.f32 v1, v51;
	_ =	sdelay $0x1  }
0x361: {  	[tilespmem:v3+s24+$0x0] =	vst.idx.msk $0xffff, v1  }
0x362: {  	v1 =	vld.idx.msk [tilespmem:v5+s24+$0x0], $0xffff;
	_ =	sdelay $0x1  }
0x363: {  	v47 =	vor.u32 $0xC06, v6  }
0x364: {  	v2 =	vor.u32 v47, v4;
	_ =	sdelay $0x1  }
0x365: {  	v1 =	vmul.f32 v1, v51;
	_ =	sdelay $0x1  }
0x366: {  	[tilespmem:v5+s24+$0x0] =	vst.idx.msk $0xffff, v1  }
0x367: {  	v3 =	vld.idx.msk [tilespmem:v2+s24+$0x0], $0xffff;
	_ =	sdelay $0x1  }
0x368: {  	v48 =	vor.u32 $0xC07, v6  }
0x369: {  	v1 =	vor.u32 v48, v4;
	_ =	sdelay $0x1  }
0x36a: {  	v3 =	vmul.f32 v3, v51  }
.LBB2_19:
0x36b: {  	s0 =	sadd.s32 $0x8, s0  }
0x36c: {  	v4 =	vmov s0;
	p1 =	slt.u32 s0, $0x38;
	[tilespmem:v2+s24+$0x0] =	vst.idx.msk $0xffff, v3  }
0x36d: {  	v2 =	vshrl.u32 v4, $0x3;
	v3 =	vld.idx.msk [tilespmem:v1+s24+$0x0], $0xffff  }
0x36e: {  	v2 =	vshll.u32 v2, $0x3  }
0x36f: {  	v4 =	vbroadcast v2, $0x0;
	_ =	sdelay $0x1  }
0x370: {  	v2 =	vor.u32 v41, v4;
	_ =	sdelay $0x1  }
0x371: {  	v3 =	vmul.f32 v3, v51;
	_ =	sdelay $0x1  }
0x372: {  	[tilespmem:v1+s24+$0x0] =	vst.idx.msk $0xffff, v3  }
0x373: {  	v1 =	vld.idx.msk [tilespmem:v2+s24+$0x0], $0xffff;
	_ =	sdelay $0x3  }
0x374: {  	v3 =	vor.u32 v42, v4;
	_ =	sdelay $0x1  }
0x375: {  	v1 =	vmul.f32 v1, v51;
	_ =	sdelay $0x1  }
0x376: {  	[tilespmem:v2+s24+$0x0] =	vst.idx.msk $0xffff, v1  }
0x377: {  	v1 =	vld.idx.msk [tilespmem:v3+s24+$0x0], $0xffff;
	_ =	sdelay $0x3  }
0x378: {  	v2 =	vor.u32 v43, v4;
	_ =	sdelay $0x1  }
0x379: {  	v1 =	vmul.f32 v1, v51;
	_ =	sdelay $0x1  }
0x37a: {  	[tilespmem:v3+s24+$0x0] =	vst.idx.msk $0xffff, v1  }
0x37b: {  	v1 =	vld.idx.msk [tilespmem:v2+s24+$0x0], $0xffff;
	_ =	sdelay $0x3  }
0x37c: {  	v3 =	vor.u32 v44, v4;
	_ =	sdelay $0x1  }
0x37d: {  	v1 =	vmul.f32 v1, v51;
	_ =	sdelay $0x1  }
0x37e: {  	[tilespmem:v2+s24+$0x0] =	vst.idx.msk $0xffff, v1  }
0x37f: {  	v1 =	vld.idx.msk [tilespmem:v3+s24+$0x0], $0xffff;
	_ =	sdelay $0x3  }
0x380: {  	v2 =	vor.u32 v45, v4;
	_ =	sdelay $0x1  }
0x381: {  	v1 =	vmul.f32 v1, v51;
	_ =	sdelay $0x1  }
0x382: {  	[tilespmem:v3+s24+$0x0] =	vst.idx.msk $0xffff, v1  }
0x383: {  	v1 =	vld.idx.msk [tilespmem:v2+s24+$0x0], $0xffff;
	_ =	sdelay $0x3  }
0x384: {  	v3 =	vor.u32 v46, v4;
	_ =	sdelay $0x1  }
0x385: {  	v1 =	vmul.f32 v1, v51;
	_ =	sdelay $0x1  }
0x386: {  	[tilespmem:v2+s24+$0x0] =	vst.idx.msk $0xffff, v1  }
0x387: {  	v1 =	vld.idx.msk [tilespmem:v3+s24+$0x0], $0xffff;
	_ =	sdelay $0x3  }
0x388: {  	v2 =	vor.u32 v47, v4;
	_ =	sdelay $0x1  }
0x389: {  	v1 =	vmul.f32 v1, v51;
	_ =	sdelay $0x1  }
0x38a: {  	[tilespmem:v3+s24+$0x0] =	vst.idx.msk $0xffff, v1  }
0x38b: {  	v3 =	vld.idx.msk [tilespmem:v2+s24+$0x0], $0xffff;
	_ =	sdelay $0x1  }
.Ltmp8:
0x38c: {  	(pc) =	sbr.rel @p1 .LBB2_19-.Ltmp8, $3  }
0x38d: {  	_ = 	snop  }
0x38e: {  	v1 =	vor.u32 v48, v4;
	_ =	sdelay $0x1  }
0x38f: {  	v3 =	vmul.f32 v3, v51  }
0x390: {  	_ =	sdelay $0x3  }
0x391: {  	[tilespmem:v2+s24+$0x0] =	vst.idx.msk $0xffff, v3  }
0x392: {  	v2 =	vld.idx.msk [tilespmem:v1+s24+$0x0], $0xffff;
	_ =	sdelay $0x4  }
0x393: {  	v2 =	vmul.f32 v2, v51;
	_ =	sdelay $0x1  }
0x394: {  	[tilespmem:v1+s24+$0x0] =	vst.idx.msk $0xffff, v2  }
0x395: {  	v1 =	vld [tilespmem:$0xC5E0];
	_ =	sdelay $0x4  }
0x396: {  	v2 =	vld [tilespmem:$0xC630];
	_ =	sdelay $0x2  }
0x397: {  	v4 =	vld.idx.msk [tilespmem:v1+s6+$0x0], $0xffff;
	_ =	sdelay $0x1  }
0x398: {  	v5 =	vld.idx.msk [tilespmem:v1+s10+$0x0], $0xffff  }
0x399: {  	s0 =	simm.s32 $0x0  }
0x39a: {  	v3 =	vmov s0;
	v1 =	vld.idx.msk [tilespmem:v1+s12+$0x0], $0xffff  }
0x39b: {  	v3 =	vshrl.u32 v3, $0x3;
	[tilespmem:$0x1FEE0] =	vst v4;
	v4 =	vld.idx.msk [tilespmem:v2+s9+$0x0], $0xffff  }
0x39c: {  	v3 =	vshll.u32 v3, $0x3  }
0x39d: {  	v3 =	vbroadcast v3, $0x0;
	[tilespmem:$0x1FF00] =	vst v5;
	v5 =	vld.idx.msk [tilespmem:v2+s11+$0x0], $0xffff  }
0x39e: {  	v62 =	vor.u32 $0x2003, v0  }
0x39f: {  	v57 =	vor.u32 $0x2000, v0;
	v7 =	vor.u32 v62, v3;
	[tilespmem:$0x1FF20] =	vst v1;
	v1 =	vld.idx.msk [tilespmem:v2+s12+$0x0], $0xffff  }
0x3a0: {  	[tilespmem:$0x1FEF0] =	vst v4;
	v4 =	vor.u32 v57, v3  }
0x3a1: {  	v58 =	vor.u32 $0x2001, v0  }
0x3a2: {  	[tilespmem:$0x1FF10] =	vst v5;
	v5 =	vor.u32 v58, v3  }
0x3a3: {  	v63 =	vor.u32 $0x2002, v0  }
0x3a4: {  	v9 =	vld.idx.msk [tilespmem:v7+s22+$0x0], $0xffff;
	[tilespmem:$0x1FF30] =	vst v1;
	v1 =	vor.u32 v63, v3  }
0x3a5: {  	v60 =	vor.u32 $0x2004, v0;
	v2 =	vld.idx.msk [tilespmem:v4+s22+$0x0], $0xffff  }
0x3a6: {  	v52 =	vor.u32 v60, v3;
	v4 =	vld.idx.msk [tilespmem:v4+s23+$0x0], $0xffff  }
0x3a7: {  	s0 =	simm.s32 $0x8;
	v56 =	vld.idx.msk [tilespmem:v5+s22+$0x0], $0xffff  }
0x3a8: {  	v59 =	vor.u32 $0x2005, v0;
	v49 =	vmov s0;
	v55 =	vld.idx.msk [tilespmem:v5+s23+$0x0], $0xffff  }
0x3a9: {  	v49 =	vshrl.u32 v49, $0x3;
	v54 =	vor.u32 v59, v3;
	v8 =	vld.idx.msk [tilespmem:v1+s22+$0x0], $0xffff  }
0x3aa: {  	v61 =	vor.u32 $0x2006, v0;
	v50 =	vshll.u32 v49, $0x3;
	v53 =	vld.idx.msk [tilespmem:v1+s23+$0x0], $0xffff  }
0x3ab: {  	v49 =	vor.u32 $0x2007, v0;
	v51 =	vor.u32 v61, v3;
	v17 =	vld.idx.msk [tilespmem:v52+s22+$0x0], $0xffff;
	v2 =	vmul.f32 v4, v2  }
0x3ac: {  	v5 =	vld.idx.msk [tilespmem:v7+s23+$0x0], $0xffff;
	v1 =	vor.u32 v49, v3;
	v4 =	vimm.f32 $0.0e+00  }
0x3ad: {  	v50 =	vbroadcast v50, $0x0;
	v7 =	vld.idx.msk [tilespmem:v52+s23+$0x0], $0xffff;
	v2 =	vadd.f32 v2, v4;
	v4 =	vmul.f32 v55, v56  }
0x3ae: {  	v52 =	vld.idx.msk [tilespmem:v54+s22+$0x0], $0xffff  }
0x3af: {  	v3 =	vld.idx.msk [tilespmem:v54+s23+$0x0], $0xffff;
	v54 =	vmul.f32 v53, v8;
	v56 =	vor.u32 v57, v50;
	v4 =	vadd.f32 v4, v2  }
0x3b0: {  	v53 =	vld.idx.msk [tilespmem:v51+s22+$0x0], $0xffff  }
0x3b1: {  	v5 =	vmul.f32 v5, v9;
	v55 =	vld.idx.msk [tilespmem:v1+s23+$0x0], $0xffff;
	v54 =	vadd.f32 v54, v4;
	v4 =	vor.u32 v58, v50  }
0x3b2: {  	v2 =	vld.idx.msk [tilespmem:v51+s23+$0x0], $0xffff  }
0x3b3: {  	v7 =	vmul.f32 v7, v17;
	v51 =	vld.idx.msk [tilespmem:v1+s22+$0x0], $0xffff;
	v1 =	vor.u32 v63, v50;
	v5 =	vadd.f32 v5, v54  }
0x3b4: {  	v54 =	vld.idx.msk [tilespmem:v56+s22+$0x0], $0xffff  }
.LBB2_21:
0x3b5: {  	s0 =	sadd.s32 $0x8, s0;
	v56 =	vld.idx.msk [tilespmem:v56+s23+$0x0], $0xffff;
	v8 =	vor.u32 v62, v50;
	v5 =	vadd.f32 v7, v5;
	v3 =	vmul.f32 v3, v52  }
0x3b6: {  	v7 =	vmov s0;
	v52 =	vld.idx.msk [tilespmem:v4+s22+$0x0], $0xffff  }
0x3b7: {  	v9 =	vor.u32 v60, v50;
	v2 =	vmul.f32 v2, v53;
	v4 =	vld.idx.msk [tilespmem:v4+s23+$0x0], $0xffff;
	v3 =	vadd.f32 v3, v5  }
0x3b8: {  	v5 =	vshrl.u32 v7, $0x3;
	v7 =	vld.idx.msk [tilespmem:v1+s22+$0x0], $0xffff  }
0x3b9: {  	v53 =	vor.u32 v59, v50;
	v1 =	vld.idx.msk [tilespmem:v1+s23+$0x0], $0xffff;
	v2 =	vadd.f32 v2, v3;
	v3 =	vmul.f32 v55, v51  }
0x3ba: {  	p1 =	slt.u32 s0, $0x78;
	v5 =	vshll.u32 v5, $0x3;
	v51 =	vld.idx.msk [tilespmem:v8+s22+$0x0], $0xffff  }
0x3bb: {  	v55 =	vor.u32 v61, v50;
	v54 =	vmul.f32 v56, v54;
	v8 =	vld.idx.msk [tilespmem:v8+s23+$0x0], $0xffff;
	v2 =	vadd.f32 v3, v2  }
0x3bc: {  	v3 =	vbroadcast v5, $0x0;
	v17 =	vld.idx.msk [tilespmem:v9+s22+$0x0], $0xffff  }
0x3bd: {  	v4 =	vmul.f32 v4, v52;
	v2 =	vadd.f32 v54, v2;
	v9 =	vld.idx.msk [tilespmem:v9+s23+$0x0], $0xffff;
	v54 =	vor.u32 v49, v50  }
0x3be: {  	v50 =	vmov v3;
	v52 =	vld.idx.msk [tilespmem:v53+s22+$0x0], $0xffff  }
0x3bf: {  	v56 =	vor.u32 v57, v50;
	v1 =	vmul.f32 v1, v7;
	v2 =	vadd.f32 v4, v2;
	v3 =	vld.idx.msk [tilespmem:v53+s23+$0x0], $0xffff  }
.Ltmp9:
0x3c0: {  	v53 =	vld.idx.msk [tilespmem:v55+s22+$0x0], $0xffff;
	(pc) =	sbr.rel @p1 .LBB2_21-.Ltmp9, $4  }
0x3c1: {  	v4 =	vor.u32 v58, v50;
	v7 =	vmul.f32 v8, v51;
	v5 =	vadd.f32 v1, v2;
	v2 =	vld.idx.msk [tilespmem:v55+s23+$0x0], $0xffff  }
0x3c2: {  	v51 =	vld.idx.msk [tilespmem:v54+s22+$0x0], $0xffff  }
0x3c3: {  	v1 =	vor.u32 v63, v50;
	v5 =	vadd.f32 v7, v5;
	v7 =	vmul.f32 v9, v17;
	v55 =	vld.idx.msk [tilespmem:v54+s23+$0x0], $0xffff  }
0x3c4: {  	v54 =	vld.idx.msk [tilespmem:v56+s22+$0x0], $0xffff  }
0x3c5: {  	_ =	sdelay $0x2  }
0x3c6: {  	v5 =	vadd.f32 v7, v5;
	v3 =	vmul.f32 v3, v52  }
0x3c7: {  	v7 =	vld.idx.msk [tilespmem:v56+s23+$0x0], $0xffff;
	v8 =	vor.u32 v62, v50  }
0x3c8: {  	v9 =	vld.idx.msk [tilespmem:v4+s22+$0x0], $0xffff;
	v2 =	vmul.f32 v2, v53;
	v3 =	vadd.f32 v3, v5  }
0x3c9: {  	v4 =	vld.idx.msk [tilespmem:v4+s23+$0x0], $0xffff;
	v5 =	vor.u32 v60, v50  }
0x3ca: {  	v17 =	vld.idx.msk [tilespmem:v1+s22+$0x0], $0xffff;
	v2 =	vadd.f32 v2, v3;
	v3 =	vmul.f32 v55, v51  }
0x3cb: {  	v1 =	vld.idx.msk [tilespmem:v1+s23+$0x0], $0xffff;
	v60 =	vor.u32 v59, v50  }
0x3cc: {  	v62 =	vld.idx.msk [tilespmem:v8+s22+$0x0], $0xffff;
	v7 =	vmul.f32 v7, v54;
	v2 =	vadd.f32 v3, v2  }
0x3cd: {  	v3 =	vld.idx.msk [tilespmem:v8+s23+$0x0], $0xffff;
	v8 =	vor.u32 v61, v50  }
0x3ce: {  	v4 =	vmul.f32 v4, v9;
	v63 =	vld.idx.msk [tilespmem:v5+s22+$0x0], $0xffff;
	v2 =	vadd.f32 v7, v2  }
0x3cf: {  	v5 =	vld.idx.msk [tilespmem:v5+s23+$0x0], $0xffff;
	v7 =	vor.u32 v49, v50  }
0x3d0: {  	v1 =	vmul.f32 v1, v17;
	v9 =	vld.idx.msk [tilespmem:v60+s22+$0x0], $0xffff;
	v2 =	vadd.f32 v4, v2  }
0x3d1: {  	v4 =	vld.idx.msk [tilespmem:v60+s23+$0x0], $0xffff  }
0x3d2: {  	v17 =	vld.idx.msk [tilespmem:v8+s22+$0x0], $0xffff;
	v1 =	vadd.f32 v1, v2;
	v2 =	vmul.f32 v3, v62  }
0x3d3: {  	v3 =	vld.idx.msk [tilespmem:v8+s23+$0x0], $0xffff  }
0x3d4: {  	v8 =	vld.idx.msk [tilespmem:v7+s22+$0x0], $0xffff;
	v1 =	vadd.f32 v2, v1;
	v2 =	vmul.f32 v5, v63  }
0x3d5: {  	v5 =	vld.idx.msk [tilespmem:v7+s23+$0x0], $0xffff  }
0x3d6: {  	v1 =	vadd.f32 v2, v1;
	v2 =	vmul.f32 v4, v9;
	_ =	sdelay $0x1  }
0x3d7: {  	v1 =	vadd.f32 v2, v1;
	v2 =	vmul.f32 v3, v17;
	_ =	sdelay $0x1  }
0x3d8: {  	v1 =	vadd.f32 v2, v1;
	v2 =	vmul.f32 v5, v8;
	_ =	sdelay $0x1  }
0x3d9: {  	v8 =	vld [tilespmem:$0x1FF20];
	v1 =	vadd.f32 v2, v1  }
0x3da: {  	v9 =	vld [tilespmem:$0x1FF30]  }
0x3db: {  	v2 =	vadd.f32 v1, v1;
	_ =	sdelay $0x1  }
0x3dc: {  	v2 =	vsub.f32 $1.000000000e+00, v2  }
0x3dd: {  	v4 =	vsub.f32 $1.000000000e+00, v8  }
0x3de: {  	v3 =	vadd.f32 v2, v9  }
0x3df: {  	v7 =	vmul.f32 v4, v4  }
0x3e0: {  	v5 =	vmul.f32 v3, v3;
	v3 =	vadd.f32 v3, v3  }
0x3e1: {  	v7 =	vmul.f32 v7, v9  }
0x3e2: {  	v5 =	vmul.f32 v5, v8;
	v3 =	vmul.f32 v3, v4;
	_ =	sdelay $0x1  }
0x3e3: {  	v4 =	vadd.f32 v5, v7;
	v1 =	vmul.f32 v3, v1;
	_ =	sdelay $0x1  }
0x3e4: {  	v1 =	vsub.f32 v4, v1;
	_ =	sdelay $0x1  }
0x3e5: {  	v1 =	vmax.f32 v1, $1.000000000e-30  }
0x3e6: {  	v3 =	vshra.s32 v1, $0x1;
	v4 =	vmul.f32 $5.000000000e-01, v1  }
0x3e7: {  	v3 =	vsub.s32 $0x5F3759DF, v3  }
0x3e8: {  	v5 =	vmul.f32 v3, v4;
	_ =	sdelay $0x1  }
0x3e9: {  	v5 =	vmul.f32 v3, v5;
	_ =	sdelay $0x1  }
0x3ea: {  	v5 =	vsub.f32 $1.500000000e+00, v5;
	_ =	sdelay $0x1  }
0x3eb: {  	v3 =	vmul.f32 v3, v5;
	_ =	sdelay $0x1  }
0x3ec: {  	v5 =	vmul.f32 v3, v4;
	_ =	sdelay $0x1  }
0x3ed: {  	v5 =	vmul.f32 v5, v3;
	_ =	sdelay $0x1  }
0x3ee: {  	v5 =	vsub.f32 $1.500000000e+00, v5  }
0x3ef: {  	v7 =	vmul.f32 v9, v8  }
0x3f0: {  	v3 =	vmul.f32 v5, v3  }
0x3f1: {  	v2 =	vadd.f32 v2, v7  }
0x3f2: {  	v4 =	vmul.f32 v3, v4  }
0x3f3: {  	v2 =	vmax.f32 v2, $1.000000010e-10  }
0x3f4: {  	(erf) = vrcp.f32 v2;
	v2 =	vmul.f32 v4, v3;
	_ =	sdelay $0x1  }
0x3f5: {  	v2 =	vsub.f32 $1.500000000e+00, v2  }
0x3f6: {  	v4 =	vld [tilespmem:$0x1FEF0]  }
0x3f7: {  	v2 =	vmul.f32 v2, v3;
	v3 =	vld [tilespmem:$0x1FEE0];
	_ =	sdelay $0x3  }
0x3f8: {  	v5 =	vld [tilespmem:$0x1FF10]  }
0x3f9: {  	v3 =	vadd.f32 v4, v3;
	v4 =	vld [tilespmem:$0x1FF00];
	_ =	sdelay $0x1  }
0x3fa: {  	v1 =	vmul.f32 v2, v1  }
0x3fb: {  	v2 =	vpop (erf)  }
0x3fc: {  	v1 =	vmul.f32 v1, v2  }
0x3fd: {  	v2 =	vmul.f32 $2.000000030e-01, v3;
	v4 =	vadd.f32 v5, v4  }
0x3fe: {  	v63 =	vld [tilespmem:$0x1FF70];
	v1 =	vmin.f32 v1, $9.999998800e-01  }
0x3ff: {  	v2 =	vmax.f32 v3, v2;
	v3 =	vadd.f32 $1.000000000e+00, v1;
	v5 =	vmul.f32 $2.000000030e-01, v4;
	_ =	sdelay $0x1  }
0x400: {  	(erf) = vrcp.f32 v3;
	v3 =	vmax.f32 v4, v5;
	v4 =	vld [tilespmem:$0x1FF60];
	_ =	sdelay $0x1  }
0x401: {  	v2 =	vsub.f32 v2, v63;
	_ =	sdelay $0x1  }
0x402: {  	v2 =	vmul.f32 $1.442695020e+00, v2  }
0x403: {  	v3 =	vsub.f32 v3, v4  }
0x404: {  	(erf) = vpow2.f32 v2  }
0x405: {  	v2 =	vmul.f32 $1.442695020e+00, v3;
	_ =	sdelay $0x1  }
0x406: {  	s0 =	simm.s32 $0x0;
	(erf) = vpow2.f32 v2  }
0x407: {  	v2 =	vmov s0  }
0x408: {  	v2 =	vshrl.u32 v2, $0x3  }
0x409: {  	v1 =	vsub.f32 $1.000000000e+00, v1;
	v2 =	vshll.u32 v2, $0x3  }
0x40a: {  	v3 =	vpop (erf);
	v4 =	vbroadcast v2, $0x0  }
0x40b: {  	v51 =	vor.u32 $0x1000, v6;
	v1 =	vmul.f32 v3, v1  }
0x40c: {  	v2 =	vpop (erf);
	v3 =	vor.u32 v51, v4  }
0x40d: {  	v1 =	vmul.f32 v1, v2;
	_ =	sdelay $0x1  }
0x40e: {  	[tilespmem:$0x12A80] =	vst v1;
	v59 =	vpop (erf)  }
0x40f: {  	[tilespmem:$0x12AD0] =	vst v59  }
0x410: {  	v1 =	vld.idx.msk [tilespmem:v3+s24+$0x0], $0xffff;
	_ =	sdelay $0x1  }
0x411: {  	v52 =	vor.u32 $0x1001, v6  }
0x412: {  	v2 =	vor.u32 v52, v4;
	_ =	sdelay $0x1  }
0x413: {  	v1 =	vmul.f32 v1, v59;
	_ =	sdelay $0x1  }
0x414: {  	[tilespmem:v3+s24+$0x0] =	vst.idx.msk $0xffff, v1  }
0x415: {  	v1 =	vld.idx.msk [tilespmem:v2+s24+$0x0], $0xffff;
	_ =	sdelay $0x1  }
0x416: {  	v53 =	vor.u32 $0x1002, v6  }
0x417: {  	v3 =	vor.u32 v53, v4;
	_ =	sdelay $0x1  }
0x418: {  	v1 =	vmul.f32 v1, v59;
	_ =	sdelay $0x1  }
0x419: {  	[tilespmem:v2+s24+$0x0] =	vst.idx.msk $0xffff, v1  }
0x41a: {  	v1 =	vld.idx.msk [tilespmem:v3+s24+$0x0], $0xffff;
	_ =	sdelay $0x1  }
0x41b: {  	v54 =	vor.u32 $0x1003, v6  }
0x41c: {  	v2 =	vor.u32 v54, v4;
	_ =	sdelay $0x1  }
0x41d: {  	v1 =	vmul.f32 v1, v59;
	_ =	sdelay $0x1  }
0x41e: {  	[tilespmem:v3+s24+$0x0] =	vst.idx.msk $0xffff, v1  }
0x41f: {  	v1 =	vld.idx.msk [tilespmem:v2+s24+$0x0], $0xffff;
	_ =	sdelay $0x1  }
0x420: {  	v55 =	vor.u32 $0x1004, v6  }
0x421: {  	v3 =	vor.u32 v55, v4;
	_ =	sdelay $0x1  }
0x422: {  	v1 =	vmul.f32 v1, v59;
	_ =	sdelay $0x1  }
0x423: {  	[tilespmem:v2+s24+$0x0] =	vst.idx.msk $0xffff, v1  }
0x424: {  	v1 =	vld.idx.msk [tilespmem:v3+s24+$0x0], $0xffff;
	_ =	sdelay $0x1  }
0x425: {  	v56 =	vor.u32 $0x1005, v6  }
0x426: {  	v5 =	vor.u32 v56, v4;
	_ =	sdelay $0x1  }
0x427: {  	v1 =	vmul.f32 v1, v59;
	_ =	sdelay $0x1  }
0x428: {  	[tilespmem:v3+s24+$0x0] =	vst.idx.msk $0xffff, v1  }
0x429: {  	v1 =	vld.idx.msk [tilespmem:v5+s24+$0x0], $0xffff;
	_ =	sdelay $0x1  }
0x42a: {  	v57 =	vor.u32 $0x1006, v6  }
0x42b: {  	v2 =	vor.u32 v57, v4;
	_ =	sdelay $0x1  }
0x42c: {  	v1 =	vmul.f32 v1, v59;
	_ =	sdelay $0x1  }
0x42d: {  	[tilespmem:v5+s24+$0x0] =	vst.idx.msk $0xffff, v1  }
0x42e: {  	v3 =	vld.idx.msk [tilespmem:v2+s24+$0x0], $0xffff;
	_ =	sdelay $0x1  }
0x42f: {  	v58 =	vor.u32 $0x1007, v6  }
0x430: {  	v1 =	vor.u32 v58, v4;
	_ =	sdelay $0x1  }
0x431: {  	v3 =	vmul.f32 v3, v59  }
.LBB2_23:
0x432: {  	s0 =	sadd.s32 $0x8, s0  }
0x433: {  	v4 =	vmov s0;
	p1 =	slt.u32 s0, $0x38;
	[tilespmem:v2+s24+$0x0] =	vst.idx.msk $0xffff, v3  }
0x434: {  	v2 =	vshrl.u32 v4, $0x3;
	v3 =	vld.idx.msk [tilespmem:v1+s24+$0x0], $0xffff  }
0x435: {  	v2 =	vshll.u32 v2, $0x3  }
0x436: {  	v4 =	vbroadcast v2, $0x0;
	_ =	sdelay $0x1  }
0x437: {  	v2 =	vor.u32 v51, v4;
	_ =	sdelay $0x1  }
0x438: {  	v3 =	vmul.f32 v3, v59;
	_ =	sdelay $0x1  }
0x439: {  	[tilespmem:v1+s24+$0x0] =	vst.idx.msk $0xffff, v3  }
0x43a: {  	v1 =	vld.idx.msk [tilespmem:v2+s24+$0x0], $0xffff;
	_ =	sdelay $0x3  }
0x43b: {  	v3 =	vor.u32 v52, v4;
	_ =	sdelay $0x1  }
0x43c: {  	v1 =	vmul.f32 v1, v59;
	_ =	sdelay $0x1  }
0x43d: {  	[tilespmem:v2+s24+$0x0] =	vst.idx.msk $0xffff, v1  }
0x43e: {  	v1 =	vld.idx.msk [tilespmem:v3+s24+$0x0], $0xffff;
	_ =	sdelay $0x3  }
0x43f: {  	v2 =	vor.u32 v53, v4;
	_ =	sdelay $0x1  }
0x440: {  	v1 =	vmul.f32 v1, v59;
	_ =	sdelay $0x1  }
0x441: {  	[tilespmem:v3+s24+$0x0] =	vst.idx.msk $0xffff, v1  }
0x442: {  	v1 =	vld.idx.msk [tilespmem:v2+s24+$0x0], $0xffff;
	_ =	sdelay $0x3  }
0x443: {  	v3 =	vor.u32 v54, v4;
	_ =	sdelay $0x1  }
0x444: {  	v1 =	vmul.f32 v1, v59;
	_ =	sdelay $0x1  }
0x445: {  	[tilespmem:v2+s24+$0x0] =	vst.idx.msk $0xffff, v1  }
0x446: {  	v1 =	vld.idx.msk [tilespmem:v3+s24+$0x0], $0xffff;
	_ =	sdelay $0x3  }
0x447: {  	v2 =	vor.u32 v55, v4;
	_ =	sdelay $0x1  }
0x448: {  	v1 =	vmul.f32 v1, v59;
	_ =	sdelay $0x1  }
0x449: {  	[tilespmem:v3+s24+$0x0] =	vst.idx.msk $0xffff, v1  }
0x44a: {  	v1 =	vld.idx.msk [tilespmem:v2+s24+$0x0], $0xffff;
	_ =	sdelay $0x3  }
0x44b: {  	v3 =	vor.u32 v56, v4;
	_ =	sdelay $0x1  }
0x44c: {  	v1 =	vmul.f32 v1, v59;
	_ =	sdelay $0x1  }
0x44d: {  	[tilespmem:v2+s24+$0x0] =	vst.idx.msk $0xffff, v1  }
0x44e: {  	v1 =	vld.idx.msk [tilespmem:v3+s24+$0x0], $0xffff;
	_ =	sdelay $0x3  }
0x44f: {  	v2 =	vor.u32 v57, v4;
	_ =	sdelay $0x1  }
0x450: {  	v1 =	vmul.f32 v1, v59;
	_ =	sdelay $0x1  }
0x451: {  	[tilespmem:v3+s24+$0x0] =	vst.idx.msk $0xffff, v1  }
0x452: {  	v3 =	vld.idx.msk [tilespmem:v2+s24+$0x0], $0xffff;
	_ =	sdelay $0x1  }
.Ltmp10:
0x453: {  	(pc) =	sbr.rel @p1 .LBB2_23-.Ltmp10, $3  }
0x454: {  	_ = 	snop  }
0x455: {  	v1 =	vor.u32 v58, v4;
	_ =	sdelay $0x1  }
0x456: {  	v3 =	vmul.f32 v3, v59  }
0x457: {  	_ =	sdelay $0x3  }
0x458: {  	[tilespmem:v2+s24+$0x0] =	vst.idx.msk $0xffff, v3  }
0x459: {  	v2 =	vld.idx.msk [tilespmem:v1+s24+$0x0], $0xffff;
	_ =	sdelay $0x4  }
0x45a: {  	v2 =	vmul.f32 v2, v59;
	_ =	sdelay $0x1  }
0x45b: {  	[tilespmem:v1+s24+$0x0] =	vst.idx.msk $0xffff, v2  }
0x45c: {  	[spmem:s4] =	stream.indirect.scatter.add.f32 [tilespmem:s25], [sflag:$0x1], $0x1, s20, s21, $0xb8;
	[tilespmem:$0x1EDE0] =	vst v63  }
0x45d: {  	_ =	swait.ge [sflag:s8], $0x50  }
0x45e: {  	[sflag:s8] =	ssyncset.done $0x0  }
0x45f: {  	[sflag:s8] =	ssyncadd.s32 $0xFFFFFFB0  }
0x460: {  	[spmem:s5] =	stream.indirect.scatter.add.f32 [tilespmem:s26], [sflag:$0x1], $0x1, s20, s21, $0xb8;
	[tilespmem:$0x1EDE0] =	vst v63  }
0x461: {  	_ =	swait.ge [sflag:s8], $0x50  }
0x462: {  	[sflag:s8] =	ssyncset.done $0x0  }
0x463: {  	[sflag:s8] =	ssyncadd.s32 $0xFFFFFFB0  }
0x464: {  	[spmem:s3] =	stream.indirect.scatter.add.f32 [tilespmem:s24], [sflag:$0x1], $0x40, s20, s21, $0xb8;
	[tilespmem:$0x1EDE0] =	vst v63  }
0x465: {  	_ =	swait.ge [sflag:s8], $0x1400  }
0x466: {  	[sflag:s8] =	ssyncset.done $0x0  }
0x467: {  	s0 =	sadd.s32 s17, s31;
	[sflag:s8] =	ssyncadd.s32 $0xFFFFEC00  }
0x468: {  	[hbm4b:s0+s6] =	stream.linear.scatter [tilespmem:s25], [sflag:$0x1], $0x50, $0x38;
	[tilespmem:$0x1EDE0] =	vst v63  }
0x469: {  	_ =	swait.ge [sflag:s8], $0x50  }
0x46a: {  	v8 =	vld [tilespmem:$0x1FF80]  }
0x46b: {  	s30 =	sadd.s32 $0x1, s30;
	v9 =	vld [tilespmem:$0x1FF90]  }
0x46c: {  	p1 =	sne.s32 s30, $0x7D;
	v17 =	vld [tilespmem:$0x1FFA0]  }
.Ltmp11:
0x46d: {  	v50 =	vld [tilespmem:$0x1FFB0];
	(pc) =	sbr.rel @p1 .LBB2_4-.Ltmp11, $4  }
0x46e: {  	v59 =	vld [tilespmem:$0x1FFC0]  }
0x46f: {  	v60 =	vld [tilespmem:$0x1FFD0]  }
0x470: {  	[sflag:s8] =	ssyncset.done $0x0;
	v61 =	vld [tilespmem:$0x1FFE0]  }
0x471: {  	v62 =	vld [tilespmem:$0x1FFF0];
	[sflag:s8] =	ssyncadd.s32 $0xFFFFFFB0  }
0x472: {  	[bflag:$0x0] =	sbarrier.arrive $0xFFFF;
	s30 =	sshrl.u32 @!p0 s3, $0x3  }
0x473: {  	s0 =	simm.s32 @!p0 $0x1C01;
	s31 =	simm.s32 @!p0 $0x1;
	s28 =	rddreg [dreg:$0x11]  }
0x474: {  	[hbm:s28], [sflag:s0] =	dma.local @!p0 [spmem:s30], $0x13880  }
0x475: {  	_ =	swait.ge @!p0 [sflag:s31], $0x13880  }
0x476: {  	[sflag:s31] =	ssyncset.done @!p0 $0x0  }
0x477: {  	s28 =	sshrl.u32 @!p0 s4, $0x3;
	s29 =	rddreg [dreg:$0xf];
	[sflag:s31] =	ssyncadd.s32 @!p0 $0xFFFEC780  }
0x478: {  	[hbm:s29], [sflag:s0] =	dma.local @!p0 [spmem:s28], $0x500  }
0x479: {  	_ =	swait.ge @!p0 [sflag:s31], $0x500  }
0x47a: {  	[sflag:s31] =	ssyncset.done @!p0 $0x0  }
0x47b: {  	s28 =	sshrl.u32 @!p0 s5, $0x3;
	s29 =	rddreg [dreg:$0x10];
	[sflag:s31] =	ssyncadd.s32 @!p0 $0xFFFFFB00  }
0x47c: {  	[hbm:s29], [sflag:s0] =	dma.local @!p0 [spmem:s28], $0x500  }
0x47d: {  	_ =	swait.ge @!p0 [sflag:s31], $0x500  }
0x47e: {  	[sflag:s31] =	ssyncset.done @!p0 $0x0  }
0x47f: {  	[sflag:s31] =	ssyncadd.s32 @!p0 $0xFFFFFB00  }
0x480: {  	[bflag:$0x0] =	sbarrier.arrive $0xFFFF  }
0x481: {  	s29 =	rddreg [dreg:$0x15]  }
0x482: {  	[spmem:s29] =	stream.linear.scatter [tilespmem:s13], [sflag:$0x1], $0x1F40, $0x38;
	[tilespmem:$0x1EDE0] =	vst v63  }
0x483: {  	_ =	swait.ge [sflag:s8], $0x1F40  }
0x484: {  	[sflag:s8] =	ssyncset.done $0x0  }
0x485: {  	s28 =	rddreg [dreg:$0x16];
	[sflag:s8] =	ssyncadd.s32 $0xFFFFE0C0  }
0x486: {  	[spmem:s28] =	stream.linear.scatter [tilespmem:s13], [sflag:$0x1], $0x1F40, $0x38;
	[tilespmem:$0x1EDE0] =	vst v63  }
0x487: {  	_ =	swait.ge [sflag:s8], $0x1F40  }
0x488: {  	[sflag:s8] =	ssyncset.done $0x0  }
0x489: {  	s28 =	rddreg [dreg:$0x17];
	[sflag:s8] =	ssyncadd.s32 $0xFFFFE0C0  }
0x48a: {  	[spmem:s28] =	stream.linear.scatter [tilespmem:s13], [sflag:$0x1], $0x1F40, $0x38;
	[tilespmem:$0x1EDE0] =	vst v63  }
0x48b: {  	_ =	swait.ge [sflag:s8], $0x1F40  }
0x48c: {  	[sflag:s8] =	ssyncset.done $0x0  }
0x48d: {  	s28 =	rddreg [dreg:$0x18];
	[sflag:s8] =	ssyncadd.s32 $0xFFFFE0C0  }
0x48e: {  	[spmem:s28] =	stream.linear.scatter [tilespmem:s13], [sflag:$0x1], $0x1F40, $0x38;
	[tilespmem:$0x1EDE0] =	vst v63  }
0x48f: {  	_ =	swait.ge [sflag:s8], $0x1F40  }
0x490: {  	[sflag:s8] =	ssyncset.done $0x0  }
0x491: {  	s28 =	rddreg [dreg:$0x19];
	[sflag:s8] =	ssyncadd.s32 $0xFFFFE0C0  }
0x492: {  	[spmem:s28] =	stream.linear.scatter [tilespmem:s13], [sflag:$0x1], $0x1F40, $0x38;
	[tilespmem:$0x1EDE0] =	vst v63  }
0x493: {  	_ =	swait.ge [sflag:s8], $0x1F40  }
0x494: {  	[sflag:s8] =	ssyncset.done $0x0  }
0x495: {  	[sflag:s8] =	ssyncadd.s32 $0xFFFFE0C0  }
0x496: {  	s31 =	simm.s32 $0x0;
	[bflag:$0x0] =	sbarrier.arrive $0xFFFF  }
.LBB2_26:
0x497: {  	s0 =	smul.u32 $0x50, s31;
	_ =	sdelay $0x1  }
0x498: {  	s0 =	sadd.s32 s18, s0  }
0x499: {  	s28 =	sshrl.u32 s0, $0x3  }
0x49a: {  	s0 =	sadd.s32 s7, s28  }
0x49b: {  	[tilespmem:s19], [sflag:$0x1] =	stream.linear.gather [hbm4b:s0+s6], $0x50, $0x38;
	[tilespmem:$0x1EDE0] =	vst v63  }
0x49c: {  	_ =	swait.ge [sflag:s8], $0x50  }
0x49d: {  	[sflag:s8] =	ssyncset.done $0x0  }
0x49e: {  	s0 =	sadd.s32 s1, s28;
	[sflag:s8] =	ssyncadd.s32 $0xFFFFFFB0  }
0x49f: {  	[tilespmem:s20], [sflag:$0x1] =	stream.linear.gather [hbm4b:s0+s6], $0x50, $0x38;
	[tilespmem:$0x1EDE0] =	vst v63  }
0x4a0: {  	_ =	swait.ge [sflag:s8], $0x50  }
0x4a1: {  	s0 =	simm.s32 $0x0;
	[sflag:s8] =	ssyncset.done $0x0  }
0x4a2: {  	s28 =	sadd.s32 s17, s28;
	v1 =	vmov s0;
	[sflag:s8] =	ssyncadd.s32 $0xFFFFFFB0  }
0x4a3: {  	v1 =	vshrl.u32 v1, $0x3;
	[tilespmem:s25], [sflag:$0x1] =	stream.linear.gather [hbm4b:s28+s6], $0x50, $0x38;
	[tilespmem:$0x1EDE0] =	vst v63  }
0x4a4: {  	v1 =	vshll.u32 v1, $0x3;
	_ =	swait.ge [sflag:s8], $0x50  }
0x4a5: {  	v1 =	vbroadcast v1, $0x0;
	[sflag:s8] =	ssyncset.done $0x0  }
0x4a6: {  	[sflag:s8] =	ssyncadd.s32 $0xFFFFFFB0  }
0x4a7: {  	v2 =	vor.u32 v6, v1;
	[tilespmem:s24], [sflag:$0x1] =	stream.indirect.gather [hbm4b:s14+s21], $0x40, s19, s21, $0xb8;
	[tilespmem:$0x1EDE0] =	vst v63  }
0x4a8: {  	_ =	swait.ge [sflag:s8], $0x1400  }
0x4a9: {  	[sflag:s8] =	ssyncset.done $0x0  }
0x4aa: {  	[sflag:s8] =	ssyncadd.s32 $0xFFFFEC00  }
0x4ab: {  	v49 =	vld [tilespmem:$0x12A40]  }
0x4ac: {  	v3 =	vld.idx.msk [tilespmem:v2+s24+$0x0], $0xffff;
	_ =	sdelay $0x2  }
0x4ad: {  	v4 =	vor.u32 v10, v1;
	_ =	sdelay $0x1  }
0x4ae: {  	v3 =	vmul.f32 v3, v49;
	_ =	sdelay $0x1  }
0x4af: {  	[tilespmem:v2+s24+$0x0] =	vst.idx.msk $0xffff, v3  }
0x4b0: {  	v2 =	vld.idx.msk [tilespmem:v4+s24+$0x0], $0xffff;
	_ =	sdelay $0x2  }
0x4b1: {  	v3 =	vor.u32 v11, v1;
	_ =	sdelay $0x1  }
0x4b2: {  	v2 =	vmul.f32 v2, v49;
	_ =	sdelay $0x1  }
0x4b3: {  	[tilespmem:v4+s24+$0x0] =	vst.idx.msk $0xffff, v2  }
0x4b4: {  	v2 =	vld.idx.msk [tilespmem:v3+s24+$0x0], $0xffff;
	_ =	sdelay $0x2  }
0x4b5: {  	v4 =	vor.u32 v12, v1;
	_ =	sdelay $0x1  }
0x4b6: {  	v2 =	vmul.f32 v2, v49;
	_ =	sdelay $0x1  }
0x4b7: {  	[tilespmem:v3+s24+$0x0] =	vst.idx.msk $0xffff, v2  }
0x4b8: {  	v2 =	vld.idx.msk [tilespmem:v4+s24+$0x0], $0xffff;
	_ =	sdelay $0x2  }
0x4b9: {  	v3 =	vor.u32 v13, v1;
	_ =	sdelay $0x1  }
0x4ba: {  	v2 =	vmul.f32 v2, v49;
	_ =	sdelay $0x1  }
0x4bb: {  	[tilespmem:v4+s24+$0x0] =	vst.idx.msk $0xffff, v2  }
0x4bc: {  	v2 =	vld.idx.msk [tilespmem:v3+s24+$0x0], $0xffff;
	_ =	sdelay $0x2  }
0x4bd: {  	v4 =	vor.u32 v14, v1;
	_ =	sdelay $0x1  }
0x4be: {  	v2 =	vmul.f32 v2, v49;
	_ =	sdelay $0x1  }
0x4bf: {  	[tilespmem:v3+s24+$0x0] =	vst.idx.msk $0xffff, v2  }
0x4c0: {  	v3 =	vld.idx.msk [tilespmem:v4+s24+$0x0], $0xffff;
	_ =	sdelay $0x2  }
0x4c1: {  	v2 =	vor.u32 v15, v1;
	_ =	sdelay $0x1  }
0x4c2: {  	v3 =	vmul.f32 v3, v49;
	_ =	sdelay $0x1  }
0x4c3: {  	[tilespmem:v4+s24+$0x0] =	vst.idx.msk $0xffff, v3  }
0x4c4: {  	v3 =	vld.idx.msk [tilespmem:v2+s24+$0x0], $0xffff;
	_ =	sdelay $0x2  }
0x4c5: {  	v1 =	vor.u32 v16, v1;
	_ =	sdelay $0x1  }
0x4c6: {  	v3 =	vmul.f32 v3, v49  }
.LBB2_27:
0x4c7: {  	s0 =	sadd.s32 $0x8, s0  }
0x4c8: {  	v4 =	vmov s0;
	p1 =	slt.u32 s0, $0x38;
	[tilespmem:v2+s24+$0x0] =	vst.idx.msk $0xffff, v3  }
0x4c9: {  	v2 =	vshrl.u32 v4, $0x3;
	v3 =	vld.idx.msk [tilespmem:v1+s24+$0x0], $0xffff  }
0x4ca: {  	v2 =	vshll.u32 v2, $0x3  }
0x4cb: {  	v4 =	vbroadcast v2, $0x0;
	_ =	sdelay $0x1  }
0x4cc: {  	v2 =	vor.u32 v6, v4;
	_ =	sdelay $0x1  }
0x4cd: {  	v3 =	vmul.f32 v3, v49;
	_ =	sdelay $0x1  }
0x4ce: {  	[tilespmem:v1+s24+$0x0] =	vst.idx.msk $0xffff, v3  }
0x4cf: {  	v1 =	vld.idx.msk [tilespmem:v2+s24+$0x0], $0xffff;
	_ =	sdelay $0x3  }
0x4d0: {  	v3 =	vor.u32 v10, v4;
	_ =	sdelay $0x1  }
0x4d1: {  	v1 =	vmul.f32 v1, v49;
	_ =	sdelay $0x1  }
0x4d2: {  	[tilespmem:v2+s24+$0x0] =	vst.idx.msk $0xffff, v1  }
0x4d3: {  	v1 =	vld.idx.msk [tilespmem:v3+s24+$0x0], $0xffff;
	_ =	sdelay $0x3  }
0x4d4: {  	v2 =	vor.u32 v11, v4;
	_ =	sdelay $0x1  }
0x4d5: {  	v1 =	vmul.f32 v1, v49;
	_ =	sdelay $0x1  }
0x4d6: {  	[tilespmem:v3+s24+$0x0] =	vst.idx.msk $0xffff, v1  }
0x4d7: {  	v1 =	vld.idx.msk [tilespmem:v2+s24+$0x0], $0xffff;
	_ =	sdelay $0x3  }
0x4d8: {  	v3 =	vor.u32 v12, v4;
	_ =	sdelay $0x1  }
0x4d9: {  	v1 =	vmul.f32 v1, v49;
	_ =	sdelay $0x1  }
0x4da: {  	[tilespmem:v2+s24+$0x0] =	vst.idx.msk $0xffff, v1  }
0x4db: {  	v1 =	vld.idx.msk [tilespmem:v3+s24+$0x0], $0xffff;
	_ =	sdelay $0x3  }
0x4dc: {  	v2 =	vor.u32 v13, v4;
	_ =	sdelay $0x1  }
0x4dd: {  	v1 =	vmul.f32 v1, v49;
	_ =	sdelay $0x1  }
0x4de: {  	[tilespmem:v3+s24+$0x0] =	vst.idx.msk $0xffff, v1  }
0x4df: {  	v1 =	vld.idx.msk [tilespmem:v2+s24+$0x0], $0xffff;
	_ =	sdelay $0x3  }
0x4e0: {  	v3 =	vor.u32 v14, v4;
	_ =	sdelay $0x1  }
0x4e1: {  	v1 =	vmul.f32 v1, v49;
	_ =	sdelay $0x1  }
0x4e2: {  	[tilespmem:v2+s24+$0x0] =	vst.idx.msk $0xffff, v1  }
0x4e3: {  	v1 =	vld.idx.msk [tilespmem:v3+s24+$0x0], $0xffff;
	_ =	sdelay $0x3  }
0x4e4: {  	v2 =	vor.u32 v15, v4;
	_ =	sdelay $0x1  }
0x4e5: {  	v1 =	vmul.f32 v1, v49;
	_ =	sdelay $0x1  }
0x4e6: {  	[tilespmem:v3+s24+$0x0] =	vst.idx.msk $0xffff, v1  }
0x4e7: {  	v3 =	vld.idx.msk [tilespmem:v2+s24+$0x0], $0xffff;
	_ =	sdelay $0x1  }
.Ltmp12:
0x4e8: {  	(pc) =	sbr.rel @p1 .LBB2_27-.Ltmp12, $3  }
0x4e9: {  	_ = 	snop  }
0x4ea: {  	v1 =	vor.u32 v16, v4;
	_ =	sdelay $0x1  }
0x4eb: {  	v3 =	vmul.f32 v3, v49  }
0x4ec: {  	_ =	sdelay $0x2  }
0x4ed: {  	s0 =	simm.s32 $0x0  }
0x4ee: {  	[tilespmem:v2+s24+$0x0] =	vst.idx.msk $0xffff, v3;
	v2 =	vmov s0  }
0x4ef: {  	v3 =	vld.idx.msk [tilespmem:v1+s24+$0x0], $0xffff;
	v2 =	vshrl.u32 v2, $0x3  }
0x4f0: {  	v2 =	vshll.u32 v2, $0x3  }
0x4f1: {  	v4 =	vbroadcast v2, $0x0;
	_ =	sdelay $0x1  }
0x4f2: {  	v2 =	vor.u32 v25, v4  }
0x4f3: {  	v3 =	vmul.f32 v3, v49;
	_ =	sdelay $0x1  }
0x4f4: {  	[tilespmem:v1+s24+$0x0] =	vst.idx.msk $0xffff, v3  }
0x4f5: {  	v49 =	vld [tilespmem:$0x12A50]  }
0x4f6: {  	v1 =	vld.idx.msk [tilespmem:v2+s24+$0x0], $0xffff;
	_ =	sdelay $0x2  }
0x4f7: {  	v3 =	vor.u32 v26, v4;
	_ =	sdelay $0x1  }
0x4f8: {  	v1 =	vmul.f32 v1, v49;
	_ =	sdelay $0x1  }
0x4f9: {  	[tilespmem:v2+s24+$0x0] =	vst.idx.msk $0xffff, v1  }
0x4fa: {  	v1 =	vld.idx.msk [tilespmem:v3+s24+$0x0], $0xffff;
	_ =	sdelay $0x2  }
0x4fb: {  	v2 =	vor.u32 v27, v4;
	_ =	sdelay $0x1  }
0x4fc: {  	v1 =	vmul.f32 v1, v49;
	_ =	sdelay $0x1  }
0x4fd: {  	[tilespmem:v3+s24+$0x0] =	vst.idx.msk $0xffff, v1  }
0x4fe: {  	v1 =	vld.idx.msk [tilespmem:v2+s24+$0x0], $0xffff;
	_ =	sdelay $0x2  }
0x4ff: {  	v3 =	vor.u32 v28, v4;
	_ =	sdelay $0x1  }
0x500: {  	v1 =	vmul.f32 v1, v49;
	_ =	sdelay $0x1  }
0x501: {  	[tilespmem:v2+s24+$0x0] =	vst.idx.msk $0xffff, v1  }
0x502: {  	v1 =	vld.idx.msk [tilespmem:v3+s24+$0x0], $0xffff;
	_ =	sdelay $0x2  }
0x503: {  	v2 =	vor.u32 v29, v4;
	_ =	sdelay $0x1  }
0x504: {  	v1 =	vmul.f32 v1, v49;
	_ =	sdelay $0x1  }
0x505: {  	[tilespmem:v3+s24+$0x0] =	vst.idx.msk $0xffff, v1  }
0x506: {  	v1 =	vld.idx.msk [tilespmem:v2+s24+$0x0], $0xffff;
	_ =	sdelay $0x2  }
0x507: {  	v3 =	vor.u32 v30, v4;
	_ =	sdelay $0x1  }
0x508: {  	v1 =	vmul.f32 v1, v49;
	_ =	sdelay $0x1  }
0x509: {  	[tilespmem:v2+s24+$0x0] =	vst.idx.msk $0xffff, v1  }
0x50a: {  	v1 =	vld.idx.msk [tilespmem:v3+s24+$0x0], $0xffff;
	_ =	sdelay $0x2  }
0x50b: {  	v2 =	vor.u32 v31, v4;
	_ =	sdelay $0x1  }
0x50c: {  	v1 =	vmul.f32 v1, v49;
	_ =	sdelay $0x1  }
0x50d: {  	[tilespmem:v3+s24+$0x0] =	vst.idx.msk $0xffff, v1  }
0x50e: {  	v3 =	vld.idx.msk [tilespmem:v2+s24+$0x0], $0xffff;
	_ =	sdelay $0x2  }
0x50f: {  	v1 =	vor.u32 v32, v4;
	_ =	sdelay $0x1  }
0x510: {  	v3 =	vmul.f32 v3, v49  }
.LBB2_29:
0x511: {  	s0 =	sadd.s32 $0x8, s0  }
0x512: {  	v4 =	vmov s0;
	p1 =	slt.u32 s0, $0x38;
	[tilespmem:v2+s24+$0x0] =	vst.idx.msk $0xffff, v3  }
0x513: {  	v2 =	vshrl.u32 v4, $0x3;
	v3 =	vld.idx.msk [tilespmem:v1+s24+$0x0], $0xffff  }
0x514: {  	v2 =	vshll.u32 v2, $0x3  }
0x515: {  	v4 =	vbroadcast v2, $0x0;
	_ =	sdelay $0x1  }
0x516: {  	v2 =	vor.u32 v25, v4;
	_ =	sdelay $0x1  }
0x517: {  	v3 =	vmul.f32 v3, v49;
	_ =	sdelay $0x1  }
0x518: {  	[tilespmem:v1+s24+$0x0] =	vst.idx.msk $0xffff, v3  }
0x519: {  	v1 =	vld.idx.msk [tilespmem:v2+s24+$0x0], $0xffff;
	_ =	sdelay $0x3  }
0x51a: {  	v3 =	vor.u32 v26, v4;
	_ =	sdelay $0x1  }
0x51b: {  	v1 =	vmul.f32 v1, v49;
	_ =	sdelay $0x1  }
0x51c: {  	[tilespmem:v2+s24+$0x0] =	vst.idx.msk $0xffff, v1  }
0x51d: {  	v1 =	vld.idx.msk [tilespmem:v3+s24+$0x0], $0xffff;
	_ =	sdelay $0x3  }
0x51e: {  	v2 =	vor.u32 v27, v4;
	_ =	sdelay $0x1  }
0x51f: {  	v1 =	vmul.f32 v1, v49;
	_ =	sdelay $0x1  }
0x520: {  	[tilespmem:v3+s24+$0x0] =	vst.idx.msk $0xffff, v1  }
0x521: {  	v1 =	vld.idx.msk [tilespmem:v2+s24+$0x0], $0xffff;
	_ =	sdelay $0x3  }
0x522: {  	v3 =	vor.u32 v28, v4;
	_ =	sdelay $0x1  }
0x523: {  	v1 =	vmul.f32 v1, v49;
	_ =	sdelay $0x1  }
0x524: {  	[tilespmem:v2+s24+$0x0] =	vst.idx.msk $0xffff, v1  }
0x525: {  	v1 =	vld.idx.msk [tilespmem:v3+s24+$0x0], $0xffff;
	_ =	sdelay $0x3  }
0x526: {  	v2 =	vor.u32 v29, v4;
	_ =	sdelay $0x1  }
0x527: {  	v1 =	vmul.f32 v1, v49;
	_ =	sdelay $0x1  }
0x528: {  	[tilespmem:v3+s24+$0x0] =	vst.idx.msk $0xffff, v1  }
0x529: {  	v1 =	vld.idx.msk [tilespmem:v2+s24+$0x0], $0xffff;
	_ =	sdelay $0x3  }
0x52a: {  	v3 =	vor.u32 v30, v4;
	_ =	sdelay $0x1  }
0x52b: {  	v1 =	vmul.f32 v1, v49;
	_ =	sdelay $0x1  }
0x52c: {  	[tilespmem:v2+s24+$0x0] =	vst.idx.msk $0xffff, v1  }
0x52d: {  	v1 =	vld.idx.msk [tilespmem:v3+s24+$0x0], $0xffff;
	_ =	sdelay $0x3  }
0x52e: {  	v2 =	vor.u32 v31, v4;
	_ =	sdelay $0x1  }
0x52f: {  	v1 =	vmul.f32 v1, v49;
	_ =	sdelay $0x1  }
0x530: {  	[tilespmem:v3+s24+$0x0] =	vst.idx.msk $0xffff, v1  }
0x531: {  	v3 =	vld.idx.msk [tilespmem:v2+s24+$0x0], $0xffff;
	_ =	sdelay $0x1  }
.Ltmp13:
0x532: {  	(pc) =	sbr.rel @p1 .LBB2_29-.Ltmp13, $3  }
0x533: {  	_ = 	snop  }
0x534: {  	v1 =	vor.u32 v32, v4;
	_ =	sdelay $0x1  }
0x535: {  	v3 =	vmul.f32 v3, v49  }
0x536: {  	_ =	sdelay $0x2  }
0x537: {  	s0 =	simm.s32 $0x0  }
0x538: {  	[tilespmem:v2+s24+$0x0] =	vst.idx.msk $0xffff, v3;
	v2 =	vmov s0  }
0x539: {  	v3 =	vld.idx.msk [tilespmem:v1+s24+$0x0], $0xffff;
	v2 =	vshrl.u32 v2, $0x3  }
0x53a: {  	v2 =	vshll.u32 v2, $0x3  }
0x53b: {  	v4 =	vbroadcast v2, $0x0;
	_ =	sdelay $0x1  }
0x53c: {  	v2 =	vor.u32 v33, v4  }
0x53d: {  	v3 =	vmul.f32 v3, v49;
	_ =	sdelay $0x1  }
0x53e: {  	[tilespmem:v1+s24+$0x0] =	vst.idx.msk $0xffff, v3  }
0x53f: {  	v49 =	vld [tilespmem:$0x12A60]  }
0x540: {  	v1 =	vld.idx.msk [tilespmem:v2+s24+$0x0], $0xffff;
	_ =	sdelay $0x2  }
0x541: {  	v3 =	vor.u32 v34, v4;
	_ =	sdelay $0x1  }
0x542: {  	v1 =	vmul.f32 v1, v49;
	_ =	sdelay $0x1  }
0x543: {  	[tilespmem:v2+s24+$0x0] =	vst.idx.msk $0xffff, v1  }
0x544: {  	v1 =	vld.idx.msk [tilespmem:v3+s24+$0x0], $0xffff;
	_ =	sdelay $0x2  }
0x545: {  	v2 =	vor.u32 v35, v4;
	_ =	sdelay $0x1  }
0x546: {  	v1 =	vmul.f32 v1, v49;
	_ =	sdelay $0x1  }
0x547: {  	[tilespmem:v3+s24+$0x0] =	vst.idx.msk $0xffff, v1  }
0x548: {  	v1 =	vld.idx.msk [tilespmem:v2+s24+$0x0], $0xffff;
	_ =	sdelay $0x2  }
0x549: {  	v3 =	vor.u32 v36, v4;
	_ =	sdelay $0x1  }
0x54a: {  	v1 =	vmul.f32 v1, v49;
	_ =	sdelay $0x1  }
0x54b: {  	[tilespmem:v2+s24+$0x0] =	vst.idx.msk $0xffff, v1  }
0x54c: {  	v1 =	vld.idx.msk [tilespmem:v3+s24+$0x0], $0xffff;
	_ =	sdelay $0x2  }
0x54d: {  	v2 =	vor.u32 v37, v4;
	_ =	sdelay $0x1  }
0x54e: {  	v1 =	vmul.f32 v1, v49;
	_ =	sdelay $0x1  }
0x54f: {  	[tilespmem:v3+s24+$0x0] =	vst.idx.msk $0xffff, v1  }
0x550: {  	v1 =	vld.idx.msk [tilespmem:v2+s24+$0x0], $0xffff;
	_ =	sdelay $0x2  }
0x551: {  	v3 =	vor.u32 v38, v4;
	_ =	sdelay $0x1  }
0x552: {  	v1 =	vmul.f32 v1, v49;
	_ =	sdelay $0x1  }
0x553: {  	[tilespmem:v2+s24+$0x0] =	vst.idx.msk $0xffff, v1  }
0x554: {  	v1 =	vld.idx.msk [tilespmem:v3+s24+$0x0], $0xffff;
	_ =	sdelay $0x2  }
0x555: {  	v2 =	vor.u32 v39, v4;
	_ =	sdelay $0x1  }
0x556: {  	v1 =	vmul.f32 v1, v49;
	_ =	sdelay $0x1  }
0x557: {  	[tilespmem:v3+s24+$0x0] =	vst.idx.msk $0xffff, v1  }
0x558: {  	v3 =	vld.idx.msk [tilespmem:v2+s24+$0x0], $0xffff;
	_ =	sdelay $0x2  }
0x559: {  	v1 =	vor.u32 v40, v4;
	_ =	sdelay $0x1  }
0x55a: {  	v3 =	vmul.f32 v3, v49  }
.LBB2_31:
0x55b: {  	s0 =	sadd.s32 $0x8, s0  }
0x55c: {  	v4 =	vmov s0;
	p1 =	slt.u32 s0, $0x38;
	[tilespmem:v2+s24+$0x0] =	vst.idx.msk $0xffff, v3  }
0x55d: {  	v2 =	vshrl.u32 v4, $0x3;
	v3 =	vld.idx.msk [tilespmem:v1+s24+$0x0], $0xffff  }
0x55e: {  	v2 =	vshll.u32 v2, $0x3  }
0x55f: {  	v4 =	vbroadcast v2, $0x0;
	_ =	sdelay $0x1  }
0x560: {  	v2 =	vor.u32 v33, v4;
	_ =	sdelay $0x1  }
0x561: {  	v3 =	vmul.f32 v3, v49;
	_ =	sdelay $0x1  }
0x562: {  	[tilespmem:v1+s24+$0x0] =	vst.idx.msk $0xffff, v3  }
0x563: {  	v1 =	vld.idx.msk [tilespmem:v2+s24+$0x0], $0xffff;
	_ =	sdelay $0x3  }
0x564: {  	v3 =	vor.u32 v34, v4;
	_ =	sdelay $0x1  }
0x565: {  	v1 =	vmul.f32 v1, v49;
	_ =	sdelay $0x1  }
0x566: {  	[tilespmem:v2+s24+$0x0] =	vst.idx.msk $0xffff, v1  }
0x567: {  	v1 =	vld.idx.msk [tilespmem:v3+s24+$0x0], $0xffff;
	_ =	sdelay $0x3  }
0x568: {  	v2 =	vor.u32 v35, v4;
	_ =	sdelay $0x1  }
0x569: {  	v1 =	vmul.f32 v1, v49;
	_ =	sdelay $0x1  }
0x56a: {  	[tilespmem:v3+s24+$0x0] =	vst.idx.msk $0xffff, v1  }
0x56b: {  	v1 =	vld.idx.msk [tilespmem:v2+s24+$0x0], $0xffff;
	_ =	sdelay $0x3  }
0x56c: {  	v3 =	vor.u32 v36, v4;
	_ =	sdelay $0x1  }
0x56d: {  	v1 =	vmul.f32 v1, v49;
	_ =	sdelay $0x1  }
0x56e: {  	[tilespmem:v2+s24+$0x0] =	vst.idx.msk $0xffff, v1  }
0x56f: {  	v1 =	vld.idx.msk [tilespmem:v3+s24+$0x0], $0xffff;
	_ =	sdelay $0x3  }
0x570: {  	v2 =	vor.u32 v37, v4;
	_ =	sdelay $0x1  }
0x571: {  	v1 =	vmul.f32 v1, v49;
	_ =	sdelay $0x1  }
0x572: {  	[tilespmem:v3+s24+$0x0] =	vst.idx.msk $0xffff, v1  }
0x573: {  	v1 =	vld.idx.msk [tilespmem:v2+s24+$0x0], $0xffff;
	_ =	sdelay $0x3  }
0x574: {  	v3 =	vor.u32 v38, v4;
	_ =	sdelay $0x1  }
0x575: {  	v1 =	vmul.f32 v1, v49;
	_ =	sdelay $0x1  }
0x576: {  	[tilespmem:v2+s24+$0x0] =	vst.idx.msk $0xffff, v1  }
0x577: {  	v1 =	vld.idx.msk [tilespmem:v3+s24+$0x0], $0xffff;
	_ =	sdelay $0x3  }
0x578: {  	v2 =	vor.u32 v39, v4;
	_ =	sdelay $0x1  }
0x579: {  	v1 =	vmul.f32 v1, v49;
	_ =	sdelay $0x1  }
0x57a: {  	[tilespmem:v3+s24+$0x0] =	vst.idx.msk $0xffff, v1  }
0x57b: {  	v3 =	vld.idx.msk [tilespmem:v2+s24+$0x0], $0xffff;
	_ =	sdelay $0x1  }
.Ltmp14:
0x57c: {  	(pc) =	sbr.rel @p1 .LBB2_31-.Ltmp14, $3  }
0x57d: {  	_ = 	snop  }
0x57e: {  	v1 =	vor.u32 v40, v4;
	_ =	sdelay $0x1  }
0x57f: {  	v3 =	vmul.f32 v3, v49  }
0x580: {  	_ =	sdelay $0x2  }
0x581: {  	s0 =	simm.s32 $0x0  }
0x582: {  	[tilespmem:v2+s24+$0x0] =	vst.idx.msk $0xffff, v3;
	v2 =	vmov s0  }
0x583: {  	v3 =	vld.idx.msk [tilespmem:v1+s24+$0x0], $0xffff;
	v2 =	vshrl.u32 v2, $0x3  }
0x584: {  	v2 =	vshll.u32 v2, $0x3  }
0x585: {  	v4 =	vbroadcast v2, $0x0;
	_ =	sdelay $0x1  }
0x586: {  	v2 =	vor.u32 v41, v4  }
0x587: {  	v3 =	vmul.f32 v3, v49;
	_ =	sdelay $0x1  }
0x588: {  	[tilespmem:v1+s24+$0x0] =	vst.idx.msk $0xffff, v3  }
0x589: {  	v49 =	vld [tilespmem:$0x12A70]  }
0x58a: {  	v1 =	vld.idx.msk [tilespmem:v2+s24+$0x0], $0xffff;
	_ =	sdelay $0x2  }
0x58b: {  	v3 =	vor.u32 v42, v4;
	_ =	sdelay $0x1  }
0x58c: {  	v1 =	vmul.f32 v1, v49;
	_ =	sdelay $0x1  }
0x58d: {  	[tilespmem:v2+s24+$0x0] =	vst.idx.msk $0xffff, v1  }
0x58e: {  	v1 =	vld.idx.msk [tilespmem:v3+s24+$0x0], $0xffff;
	_ =	sdelay $0x2  }
0x58f: {  	v2 =	vor.u32 v43, v4;
	_ =	sdelay $0x1  }
0x590: {  	v1 =	vmul.f32 v1, v49;
	_ =	sdelay $0x1  }
0x591: {  	[tilespmem:v3+s24+$0x0] =	vst.idx.msk $0xffff, v1  }
0x592: {  	v1 =	vld.idx.msk [tilespmem:v2+s24+$0x0], $0xffff;
	_ =	sdelay $0x2  }
0x593: {  	v3 =	vor.u32 v44, v4;
	_ =	sdelay $0x1  }
0x594: {  	v1 =	vmul.f32 v1, v49;
	_ =	sdelay $0x1  }
0x595: {  	[tilespmem:v2+s24+$0x0] =	vst.idx.msk $0xffff, v1  }
0x596: {  	v1 =	vld.idx.msk [tilespmem:v3+s24+$0x0], $0xffff;
	_ =	sdelay $0x2  }
0x597: {  	v2 =	vor.u32 v45, v4;
	_ =	sdelay $0x1  }
0x598: {  	v1 =	vmul.f32 v1, v49;
	_ =	sdelay $0x1  }
0x599: {  	[tilespmem:v3+s24+$0x0] =	vst.idx.msk $0xffff, v1  }
0x59a: {  	v1 =	vld.idx.msk [tilespmem:v2+s24+$0x0], $0xffff;
	_ =	sdelay $0x2  }
0x59b: {  	v3 =	vor.u32 v46, v4;
	_ =	sdelay $0x1  }
0x59c: {  	v1 =	vmul.f32 v1, v49;
	_ =	sdelay $0x1  }
0x59d: {  	[tilespmem:v2+s24+$0x0] =	vst.idx.msk $0xffff, v1  }
0x59e: {  	v1 =	vld.idx.msk [tilespmem:v3+s24+$0x0], $0xffff;
	_ =	sdelay $0x2  }
0x59f: {  	v2 =	vor.u32 v47, v4;
	_ =	sdelay $0x1  }
0x5a0: {  	v1 =	vmul.f32 v1, v49;
	_ =	sdelay $0x1  }
0x5a1: {  	[tilespmem:v3+s24+$0x0] =	vst.idx.msk $0xffff, v1  }
0x5a2: {  	v3 =	vld.idx.msk [tilespmem:v2+s24+$0x0], $0xffff;
	_ =	sdelay $0x2  }
0x5a3: {  	v1 =	vor.u32 v48, v4;
	_ =	sdelay $0x1  }
0x5a4: {  	v3 =	vmul.f32 v3, v49  }
.LBB2_33:
0x5a5: {  	s0 =	sadd.s32 $0x8, s0  }
0x5a6: {  	v4 =	vmov s0;
	p1 =	slt.u32 s0, $0x38;
	[tilespmem:v2+s24+$0x0] =	vst.idx.msk $0xffff, v3  }
0x5a7: {  	v2 =	vshrl.u32 v4, $0x3;
	v3 =	vld.idx.msk [tilespmem:v1+s24+$0x0], $0xffff  }
0x5a8: {  	v2 =	vshll.u32 v2, $0x3  }
0x5a9: {  	v4 =	vbroadcast v2, $0x0;
	_ =	sdelay $0x1  }
0x5aa: {  	v2 =	vor.u32 v41, v4;
	_ =	sdelay $0x1  }
0x5ab: {  	v3 =	vmul.f32 v3, v49;
	_ =	sdelay $0x1  }
0x5ac: {  	[tilespmem:v1+s24+$0x0] =	vst.idx.msk $0xffff, v3  }
0x5ad: {  	v1 =	vld.idx.msk [tilespmem:v2+s24+$0x0], $0xffff;
	_ =	sdelay $0x3  }
0x5ae: {  	v3 =	vor.u32 v42, v4;
	_ =	sdelay $0x1  }
0x5af: {  	v1 =	vmul.f32 v1, v49;
	_ =	sdelay $0x1  }
0x5b0: {  	[tilespmem:v2+s24+$0x0] =	vst.idx.msk $0xffff, v1  }
0x5b1: {  	v1 =	vld.idx.msk [tilespmem:v3+s24+$0x0], $0xffff;
	_ =	sdelay $0x3  }
0x5b2: {  	v2 =	vor.u32 v43, v4;
	_ =	sdelay $0x1  }
0x5b3: {  	v1 =	vmul.f32 v1, v49;
	_ =	sdelay $0x1  }
0x5b4: {  	[tilespmem:v3+s24+$0x0] =	vst.idx.msk $0xffff, v1  }
0x5b5: {  	v1 =	vld.idx.msk [tilespmem:v2+s24+$0x0], $0xffff;
	_ =	sdelay $0x3  }
0x5b6: {  	v3 =	vor.u32 v44, v4;
	_ =	sdelay $0x1  }
0x5b7: {  	v1 =	vmul.f32 v1, v49;
	_ =	sdelay $0x1  }
0x5b8: {  	[tilespmem:v2+s24+$0x0] =	vst.idx.msk $0xffff, v1  }
0x5b9: {  	v1 =	vld.idx.msk [tilespmem:v3+s24+$0x0], $0xffff;
	_ =	sdelay $0x3  }
0x5ba: {  	v2 =	vor.u32 v45, v4;
	_ =	sdelay $0x1  }
0x5bb: {  	v1 =	vmul.f32 v1, v49;
	_ =	sdelay $0x1  }
0x5bc: {  	[tilespmem:v3+s24+$0x0] =	vst.idx.msk $0xffff, v1  }
0x5bd: {  	v1 =	vld.idx.msk [tilespmem:v2+s24+$0x0], $0xffff;
	_ =	sdelay $0x3  }
0x5be: {  	v3 =	vor.u32 v46, v4;
	_ =	sdelay $0x1  }
0x5bf: {  	v1 =	vmul.f32 v1, v49;
	_ =	sdelay $0x1  }
0x5c0: {  	[tilespmem:v2+s24+$0x0] =	vst.idx.msk $0xffff, v1  }
0x5c1: {  	v1 =	vld.idx.msk [tilespmem:v3+s24+$0x0], $0xffff;
	_ =	sdelay $0x3  }
0x5c2: {  	v2 =	vor.u32 v47, v4;
	_ =	sdelay $0x1  }
0x5c3: {  	v1 =	vmul.f32 v1, v49;
	_ =	sdelay $0x1  }
0x5c4: {  	[tilespmem:v3+s24+$0x0] =	vst.idx.msk $0xffff, v1  }
0x5c5: {  	v3 =	vld.idx.msk [tilespmem:v2+s24+$0x0], $0xffff;
	_ =	sdelay $0x1  }
.Ltmp15:
0x5c6: {  	(pc) =	sbr.rel @p1 .LBB2_33-.Ltmp15, $3  }
0x5c7: {  	_ = 	snop  }
0x5c8: {  	v1 =	vor.u32 v48, v4;
	_ =	sdelay $0x1  }
0x5c9: {  	v3 =	vmul.f32 v3, v49  }
0x5ca: {  	_ =	sdelay $0x2  }
0x5cb: {  	s0 =	simm.s32 $0x0  }
0x5cc: {  	[tilespmem:v2+s24+$0x0] =	vst.idx.msk $0xffff, v3;
	v2 =	vmov s0  }
0x5cd: {  	v3 =	vld.idx.msk [tilespmem:v1+s24+$0x0], $0xffff;
	v2 =	vshrl.u32 v2, $0x3  }
0x5ce: {  	v2 =	vshll.u32 v2, $0x3  }
0x5cf: {  	v4 =	vbroadcast v2, $0x0;
	_ =	sdelay $0x1  }
0x5d0: {  	v2 =	vor.u32 v51, v4  }
0x5d1: {  	v3 =	vmul.f32 v3, v49;
	_ =	sdelay $0x1  }
0x5d2: {  	[tilespmem:v1+s24+$0x0] =	vst.idx.msk $0xffff, v3  }
0x5d3: {  	v49 =	vld [tilespmem:$0x12A80]  }
0x5d4: {  	v1 =	vld.idx.msk [tilespmem:v2+s24+$0x0], $0xffff;
	_ =	sdelay $0x2  }
0x5d5: {  	v3 =	vor.u32 v52, v4;
	_ =	sdelay $0x1  }
0x5d6: {  	v1 =	vmul.f32 v1, v49;
	_ =	sdelay $0x1  }
0x5d7: {  	[tilespmem:v2+s24+$0x0] =	vst.idx.msk $0xffff, v1  }
0x5d8: {  	v1 =	vld.idx.msk [tilespmem:v3+s24+$0x0], $0xffff;
	_ =	sdelay $0x2  }
0x5d9: {  	v2 =	vor.u32 v53, v4;
	_ =	sdelay $0x1  }
0x5da: {  	v1 =	vmul.f32 v1, v49;
	_ =	sdelay $0x1  }
0x5db: {  	[tilespmem:v3+s24+$0x0] =	vst.idx.msk $0xffff, v1  }
0x5dc: {  	v1 =	vld.idx.msk [tilespmem:v2+s24+$0x0], $0xffff;
	_ =	sdelay $0x2  }
0x5dd: {  	v3 =	vor.u32 v54, v4;
	_ =	sdelay $0x1  }
0x5de: {  	v1 =	vmul.f32 v1, v49;
	_ =	sdelay $0x1  }
0x5df: {  	[tilespmem:v2+s24+$0x0] =	vst.idx.msk $0xffff, v1  }
0x5e0: {  	v1 =	vld.idx.msk [tilespmem:v3+s24+$0x0], $0xffff;
	_ =	sdelay $0x2  }
0x5e1: {  	v2 =	vor.u32 v55, v4;
	_ =	sdelay $0x1  }
0x5e2: {  	v1 =	vmul.f32 v1, v49;
	_ =	sdelay $0x1  }
0x5e3: {  	[tilespmem:v3+s24+$0x0] =	vst.idx.msk $0xffff, v1  }
0x5e4: {  	v1 =	vld.idx.msk [tilespmem:v2+s24+$0x0], $0xffff;
	_ =	sdelay $0x2  }
0x5e5: {  	v3 =	vor.u32 v56, v4;
	_ =	sdelay $0x1  }
0x5e6: {  	v1 =	vmul.f32 v1, v49;
	_ =	sdelay $0x1  }
0x5e7: {  	[tilespmem:v2+s24+$0x0] =	vst.idx.msk $0xffff, v1  }
0x5e8: {  	v1 =	vld.idx.msk [tilespmem:v3+s24+$0x0], $0xffff;
	_ =	sdelay $0x2  }
0x5e9: {  	v2 =	vor.u32 v57, v4;
	_ =	sdelay $0x1  }
0x5ea: {  	v1 =	vmul.f32 v1, v49;
	_ =	sdelay $0x1  }
0x5eb: {  	[tilespmem:v3+s24+$0x0] =	vst.idx.msk $0xffff, v1  }
0x5ec: {  	v3 =	vld.idx.msk [tilespmem:v2+s24+$0x0], $0xffff;
	_ =	sdelay $0x2  }
0x5ed: {  	v1 =	vor.u32 v58, v4;
	_ =	sdelay $0x1  }
0x5ee: {  	v3 =	vmul.f32 v3, v49  }
.LBB2_35:
0x5ef: {  	s0 =	sadd.s32 $0x8, s0  }
0x5f0: {  	v4 =	vmov s0;
	p1 =	slt.u32 s0, $0x38;
	[tilespmem:v2+s24+$0x0] =	vst.idx.msk $0xffff, v3  }
0x5f1: {  	v2 =	vshrl.u32 v4, $0x3;
	v3 =	vld.idx.msk [tilespmem:v1+s24+$0x0], $0xffff  }
0x5f2: {  	v2 =	vshll.u32 v2, $0x3  }
0x5f3: {  	v4 =	vbroadcast v2, $0x0;
	_ =	sdelay $0x1  }
0x5f4: {  	v2 =	vor.u32 v51, v4;
	_ =	sdelay $0x1  }
0x5f5: {  	v3 =	vmul.f32 v3, v49;
	_ =	sdelay $0x1  }
0x5f6: {  	[tilespmem:v1+s24+$0x0] =	vst.idx.msk $0xffff, v3  }
0x5f7: {  	v1 =	vld.idx.msk [tilespmem:v2+s24+$0x0], $0xffff;
	_ =	sdelay $0x3  }
0x5f8: {  	v3 =	vor.u32 v52, v4;
	_ =	sdelay $0x1  }
0x5f9: {  	v1 =	vmul.f32 v1, v49;
	_ =	sdelay $0x1  }
0x5fa: {  	[tilespmem:v2+s24+$0x0] =	vst.idx.msk $0xffff, v1  }
0x5fb: {  	v1 =	vld.idx.msk [tilespmem:v3+s24+$0x0], $0xffff;
	_ =	sdelay $0x3  }
0x5fc: {  	v2 =	vor.u32 v53, v4;
	_ =	sdelay $0x1  }
0x5fd: {  	v1 =	vmul.f32 v1, v49;
	_ =	sdelay $0x1  }
0x5fe: {  	[tilespmem:v3+s24+$0x0] =	vst.idx.msk $0xffff, v1  }
0x5ff: {  	v1 =	vld.idx.msk [tilespmem:v2+s24+$0x0], $0xffff;
	_ =	sdelay $0x3  }
0x600: {  	v3 =	vor.u32 v54, v4;
	_ =	sdelay $0x1  }
0x601: {  	v1 =	vmul.f32 v1, v49;
	_ =	sdelay $0x1  }
0x602: {  	[tilespmem:v2+s24+$0x0] =	vst.idx.msk $0xffff, v1  }
0x603: {  	v1 =	vld.idx.msk [tilespmem:v3+s24+$0x0], $0xffff;
	_ =	sdelay $0x3  }
0x604: {  	v2 =	vor.u32 v55, v4;
	_ =	sdelay $0x1  }
0x605: {  	v1 =	vmul.f32 v1, v49;
	_ =	sdelay $0x1  }
0x606: {  	[tilespmem:v3+s24+$0x0] =	vst.idx.msk $0xffff, v1  }
0x607: {  	v1 =	vld.idx.msk [tilespmem:v2+s24+$0x0], $0xffff;
	_ =	sdelay $0x3  }
0x608: {  	v3 =	vor.u32 v56, v4;
	_ =	sdelay $0x1  }
0x609: {  	v1 =	vmul.f32 v1, v49;
	_ =	sdelay $0x1  }
0x60a: {  	[tilespmem:v2+s24+$0x0] =	vst.idx.msk $0xffff, v1  }
0x60b: {  	v1 =	vld.idx.msk [tilespmem:v3+s24+$0x0], $0xffff;
	_ =	sdelay $0x3  }
0x60c: {  	v2 =	vor.u32 v57, v4;
	_ =	sdelay $0x1  }
0x60d: {  	v1 =	vmul.f32 v1, v49;
	_ =	sdelay $0x1  }
0x60e: {  	[tilespmem:v3+s24+$0x0] =	vst.idx.msk $0xffff, v1  }
0x60f: {  	v3 =	vld.idx.msk [tilespmem:v2+s24+$0x0], $0xffff;
	_ =	sdelay $0x1  }
.Ltmp16:
0x610: {  	(pc) =	sbr.rel @p1 .LBB2_35-.Ltmp16, $3  }
0x611: {  	_ = 	snop  }
0x612: {  	v1 =	vor.u32 v58, v4;
	_ =	sdelay $0x1  }
0x613: {  	v3 =	vmul.f32 v3, v49  }
0x614: {  	_ =	sdelay $0x3  }
0x615: {  	[tilespmem:v2+s24+$0x0] =	vst.idx.msk $0xffff, v3  }
0x616: {  	v2 =	vld.idx.msk [tilespmem:v1+s24+$0x0], $0xffff;
	_ =	sdelay $0x4  }
0x617: {  	s31 =	sadd.s32 $0x1, s31;
	v2 =	vmul.f32 v2, v49  }
0x618: {  	p1 =	sne.s32 s31, $0x7D  }
.Ltmp17:
0x619: {  	[tilespmem:v1+s24+$0x0] =	vst.idx.msk $0xffff, v2;
	(pc) =	sbr.rel @p1 .LBB2_26-.Ltmp17, $4  }
0x61a: {  	[spmem:s3] =	stream.indirect.scatter.add.f32 [tilespmem:s24], [sflag:$0x1], $0x40, s20, s21, $0xb8;
	[tilespmem:$0x1EDE0] =	vst v63  }
0x61b: {  	_ =	swait.ge [sflag:s8], $0x1400  }
0x61c: {  	[sflag:s8] =	ssyncset.done $0x0  }
0x61d: {  	[sflag:s8] =	ssyncadd.s32 $0xFFFFEC00  }
0x61e: {  	[bflag:$0x0] =	sbarrier.arrive $0xFFFF  }
0x61f: {  	s0 =	simm.s32 @!p0 $0x1C01;
	s28 =	rddreg [dreg:$0x12]  }
0x620: {  	[hbm:s28], [sflag:s0] =	dma.local @!p0 [spmem:s30], $0x13880  }
0x621: {  	s0 =	simm.s32 @!p0 $0x1  }
0x622: {  	_ =	swait.ge @!p0 [sflag:s0], $0x13880  }
0x623: {  	[sflag:s0] =	ssyncset.done @!p0 $0x0  }
0x624: {  	[sflag:s0] =	ssyncadd.s32 @!p0 $0xFFFEC780  }
0x625: {  	[bflag:$0x0] =	sbarrier.arrive $0xFFFF  }
0x626: {  	[spmem:s29] =	stream.linear.scatter [tilespmem:s13], [sflag:$0x1], $0x1F40, $0x38;
	[tilespmem:$0x1EDE0] =	vst v63  }
0x627: {  	_ =	swait.ge [sflag:s8], $0x1F40  }
0x628: {  	[sflag:s8] =	ssyncset.done $0x0  }
0x629: {  	s28 =	rddreg [dreg:$0x16];
	[sflag:s8] =	ssyncadd.s32 $0xFFFFE0C0  }
0x62a: {  	[spmem:s28] =	stream.linear.scatter [tilespmem:s13], [sflag:$0x1], $0x1F40, $0x38;
	[tilespmem:$0x1EDE0] =	vst v63  }
0x62b: {  	_ =	swait.ge [sflag:s8], $0x1F40  }
0x62c: {  	[sflag:s8] =	ssyncset.done $0x0  }
0x62d: {  	s28 =	rddreg [dreg:$0x17];
	[sflag:s8] =	ssyncadd.s32 $0xFFFFE0C0  }
0x62e: {  	[spmem:s28] =	stream.linear.scatter [tilespmem:s13], [sflag:$0x1], $0x1F40, $0x38;
	[tilespmem:$0x1EDE0] =	vst v63  }
0x62f: {  	_ =	swait.ge [sflag:s8], $0x1F40  }
0x630: {  	[sflag:s8] =	ssyncset.done $0x0  }
0x631: {  	s28 =	rddreg [dreg:$0x18];
	[sflag:s8] =	ssyncadd.s32 $0xFFFFE0C0  }
0x632: {  	[spmem:s28] =	stream.linear.scatter [tilespmem:s13], [sflag:$0x1], $0x1F40, $0x38;
	[tilespmem:$0x1EDE0] =	vst v63  }
0x633: {  	_ =	swait.ge [sflag:s8], $0x1F40  }
0x634: {  	[sflag:s8] =	ssyncset.done $0x0  }
0x635: {  	s28 =	rddreg [dreg:$0x19];
	[sflag:s8] =	ssyncadd.s32 $0xFFFFE0C0  }
0x636: {  	[spmem:s28] =	stream.linear.scatter [tilespmem:s13], [sflag:$0x1], $0x1F40, $0x38;
	[tilespmem:$0x1EDE0] =	vst v63  }
0x637: {  	_ =	swait.ge [sflag:s8], $0x1F40  }
0x638: {  	[sflag:s8] =	ssyncset.done $0x0  }
0x639: {  	[sflag:s8] =	ssyncadd.s32 $0xFFFFE0C0  }
0x63a: {  	s31 =	simm.s32 $0x0;
	[bflag:$0x0] =	sbarrier.arrive $0xFFFF  }
.LBB2_38:
0x63b: {  	s0 =	smul.u32 $0x50, s31;
	_ =	sdelay $0x1  }
0x63c: {  	s0 =	sadd.s32 s18, s0  }
0x63d: {  	s28 =	sshrl.u32 s0, $0x3  }
0x63e: {  	s0 =	sadd.s32 s7, s28  }
0x63f: {  	[tilespmem:s19], [sflag:$0x1] =	stream.linear.gather [hbm4b:s0+s6], $0x50, $0x38;
	[tilespmem:$0x1EDE0] =	vst v63  }
0x640: {  	_ =	swait.ge [sflag:s8], $0x50  }
0x641: {  	[sflag:s8] =	ssyncset.done $0x0  }
0x642: {  	s0 =	sadd.s32 s1, s28;
	[sflag:s8] =	ssyncadd.s32 $0xFFFFFFB0  }
0x643: {  	[tilespmem:s20], [sflag:$0x1] =	stream.linear.gather [hbm4b:s0+s6], $0x50, $0x38;
	[tilespmem:$0x1EDE0] =	vst v63  }
0x644: {  	_ =	swait.ge [sflag:s8], $0x50  }
0x645: {  	s0 =	simm.s32 $0x0;
	[sflag:s8] =	ssyncset.done $0x0  }
0x646: {  	s28 =	sadd.s32 s17, s28;
	v1 =	vmov s0;
	[sflag:s8] =	ssyncadd.s32 $0xFFFFFFB0  }
0x647: {  	v1 =	vshrl.u32 v1, $0x3;
	[tilespmem:s25], [sflag:$0x1] =	stream.linear.gather [hbm4b:s28+s6], $0x50, $0x38;
	[tilespmem:$0x1EDE0] =	vst v63  }
0x648: {  	v1 =	vshll.u32 v1, $0x3;
	_ =	swait.ge [sflag:s8], $0x50  }
0x649: {  	v1 =	vbroadcast v1, $0x0;
	[sflag:s8] =	ssyncset.done $0x0  }
0x64a: {  	[sflag:s8] =	ssyncadd.s32 $0xFFFFFFB0  }
0x64b: {  	v2 =	vor.u32 v6, v1;
	[tilespmem:s24], [sflag:$0x1] =	stream.indirect.gather [hbm4b:s15+s21], $0x40, s19, s21, $0xb8;
	[tilespmem:$0x1EDE0] =	vst v63  }
0x64c: {  	_ =	swait.ge [sflag:s8], $0x1400  }
0x64d: {  	[sflag:s8] =	ssyncset.done $0x0  }
0x64e: {  	[sflag:s8] =	ssyncadd.s32 $0xFFFFEC00  }
0x64f: {  	v49 =	vld [tilespmem:$0x12A40]  }
0x650: {  	v3 =	vld.idx.msk [tilespmem:v2+s24+$0x0], $0xffff;
	_ =	sdelay $0x2  }
0x651: {  	v4 =	vor.u32 v10, v1;
	_ =	sdelay $0x1  }
0x652: {  	v3 =	vmul.f32 v3, v49;
	_ =	sdelay $0x1  }
0x653: {  	[tilespmem:v2+s24+$0x0] =	vst.idx.msk $0xffff, v3  }
0x654: {  	v2 =	vld.idx.msk [tilespmem:v4+s24+$0x0], $0xffff;
	_ =	sdelay $0x2  }
0x655: {  	v3 =	vor.u32 v11, v1;
	_ =	sdelay $0x1  }
0x656: {  	v2 =	vmul.f32 v2, v49;
	_ =	sdelay $0x1  }
0x657: {  	[tilespmem:v4+s24+$0x0] =	vst.idx.msk $0xffff, v2  }
0x658: {  	v2 =	vld.idx.msk [tilespmem:v3+s24+$0x0], $0xffff;
	_ =	sdelay $0x2  }
0x659: {  	v4 =	vor.u32 v12, v1;
	_ =	sdelay $0x1  }
0x65a: {  	v2 =	vmul.f32 v2, v49;
	_ =	sdelay $0x1  }
0x65b: {  	[tilespmem:v3+s24+$0x0] =	vst.idx.msk $0xffff, v2  }
0x65c: {  	v2 =	vld.idx.msk [tilespmem:v4+s24+$0x0], $0xffff;
	_ =	sdelay $0x2  }
0x65d: {  	v3 =	vor.u32 v13, v1;
	_ =	sdelay $0x1  }
0x65e: {  	v2 =	vmul.f32 v2, v49;
	_ =	sdelay $0x1  }
0x65f: {  	[tilespmem:v4+s24+$0x0] =	vst.idx.msk $0xffff, v2  }
0x660: {  	v2 =	vld.idx.msk [tilespmem:v3+s24+$0x0], $0xffff;
	_ =	sdelay $0x2  }
0x661: {  	v4 =	vor.u32 v14, v1;
	_ =	sdelay $0x1  }
0x662: {  	v2 =	vmul.f32 v2, v49;
	_ =	sdelay $0x1  }
0x663: {  	[tilespmem:v3+s24+$0x0] =	vst.idx.msk $0xffff, v2  }
0x664: {  	v3 =	vld.idx.msk [tilespmem:v4+s24+$0x0], $0xffff;
	_ =	sdelay $0x2  }
0x665: {  	v2 =	vor.u32 v15, v1;
	_ =	sdelay $0x1  }
0x666: {  	v3 =	vmul.f32 v3, v49;
	_ =	sdelay $0x1  }
0x667: {  	[tilespmem:v4+s24+$0x0] =	vst.idx.msk $0xffff, v3  }
0x668: {  	v3 =	vld.idx.msk [tilespmem:v2+s24+$0x0], $0xffff;
	_ =	sdelay $0x2  }
0x669: {  	v1 =	vor.u32 v16, v1;
	_ =	sdelay $0x1  }
0x66a: {  	v3 =	vmul.f32 v3, v49  }
.LBB2_39:
0x66b: {  	s0 =	sadd.s32 $0x8, s0  }
0x66c: {  	v4 =	vmov s0;
	p1 =	slt.u32 s0, $0x38;
	[tilespmem:v2+s24+$0x0] =	vst.idx.msk $0xffff, v3  }
0x66d: {  	v2 =	vshrl.u32 v4, $0x3;
	v3 =	vld.idx.msk [tilespmem:v1+s24+$0x0], $0xffff  }
0x66e: {  	v2 =	vshll.u32 v2, $0x3  }
0x66f: {  	v4 =	vbroadcast v2, $0x0;
	_ =	sdelay $0x1  }
0x670: {  	v2 =	vor.u32 v6, v4;
	_ =	sdelay $0x1  }
0x671: {  	v3 =	vmul.f32 v3, v49;
	_ =	sdelay $0x1  }
0x672: {  	[tilespmem:v1+s24+$0x0] =	vst.idx.msk $0xffff, v3  }
0x673: {  	v1 =	vld.idx.msk [tilespmem:v2+s24+$0x0], $0xffff;
	_ =	sdelay $0x3  }
0x674: {  	v3 =	vor.u32 v10, v4;
	_ =	sdelay $0x1  }
0x675: {  	v1 =	vmul.f32 v1, v49;
	_ =	sdelay $0x1  }
0x676: {  	[tilespmem:v2+s24+$0x0] =	vst.idx.msk $0xffff, v1  }
0x677: {  	v1 =	vld.idx.msk [tilespmem:v3+s24+$0x0], $0xffff;
	_ =	sdelay $0x3  }
0x678: {  	v2 =	vor.u32 v11, v4;
	_ =	sdelay $0x1  }
0x679: {  	v1 =	vmul.f32 v1, v49;
	_ =	sdelay $0x1  }
0x67a: {  	[tilespmem:v3+s24+$0x0] =	vst.idx.msk $0xffff, v1  }
0x67b: {  	v1 =	vld.idx.msk [tilespmem:v2+s24+$0x0], $0xffff;
	_ =	sdelay $0x3  }
0x67c: {  	v3 =	vor.u32 v12, v4;
	_ =	sdelay $0x1  }
0x67d: {  	v1 =	vmul.f32 v1, v49;
	_ =	sdelay $0x1  }
0x67e: {  	[tilespmem:v2+s24+$0x0] =	vst.idx.msk $0xffff, v1  }
0x67f: {  	v1 =	vld.idx.msk [tilespmem:v3+s24+$0x0], $0xffff;
	_ =	sdelay $0x3  }
0x680: {  	v2 =	vor.u32 v13, v4;
	_ =	sdelay $0x1  }
0x681: {  	v1 =	vmul.f32 v1, v49;
	_ =	sdelay $0x1  }
0x682: {  	[tilespmem:v3+s24+$0x0] =	vst.idx.msk $0xffff, v1  }
0x683: {  	v1 =	vld.idx.msk [tilespmem:v2+s24+$0x0], $0xffff;
	_ =	sdelay $0x3  }
0x684: {  	v3 =	vor.u32 v14, v4;
	_ =	sdelay $0x1  }
0x685: {  	v1 =	vmul.f32 v1, v49;
	_ =	sdelay $0x1  }
0x686: {  	[tilespmem:v2+s24+$0x0] =	vst.idx.msk $0xffff, v1  }
0x687: {  	v1 =	vld.idx.msk [tilespmem:v3+s24+$0x0], $0xffff;
	_ =	sdelay $0x3  }
0x688: {  	v2 =	vor.u32 v15, v4;
	_ =	sdelay $0x1  }
0x689: {  	v1 =	vmul.f32 v1, v49;
	_ =	sdelay $0x1  }
0x68a: {  	[tilespmem:v3+s24+$0x0] =	vst.idx.msk $0xffff, v1  }
0x68b: {  	v3 =	vld.idx.msk [tilespmem:v2+s24+$0x0], $0xffff;
	_ =	sdelay $0x1  }
.Ltmp18:
0x68c: {  	(pc) =	sbr.rel @p1 .LBB2_39-.Ltmp18, $3  }
0x68d: {  	_ = 	snop  }
0x68e: {  	v1 =	vor.u32 v16, v4;
	_ =	sdelay $0x1  }
0x68f: {  	v3 =	vmul.f32 v3, v49  }
0x690: {  	_ =	sdelay $0x2  }
0x691: {  	s0 =	simm.s32 $0x0  }
0x692: {  	[tilespmem:v2+s24+$0x0] =	vst.idx.msk $0xffff, v3;
	v2 =	vmov s0  }
0x693: {  	v3 =	vld.idx.msk [tilespmem:v1+s24+$0x0], $0xffff;
	v2 =	vshrl.u32 v2, $0x3  }
0x694: {  	v2 =	vshll.u32 v2, $0x3  }
0x695: {  	v4 =	vbroadcast v2, $0x0;
	_ =	sdelay $0x1  }
0x696: {  	v2 =	vor.u32 v25, v4  }
0x697: {  	v3 =	vmul.f32 v3, v49;
	_ =	sdelay $0x1  }
0x698: {  	[tilespmem:v1+s24+$0x0] =	vst.idx.msk $0xffff, v3  }
0x699: {  	v49 =	vld [tilespmem:$0x12A50]  }
0x69a: {  	v1 =	vld.idx.msk [tilespmem:v2+s24+$0x0], $0xffff;
	_ =	sdelay $0x2  }
0x69b: {  	v3 =	vor.u32 v26, v4;
	_ =	sdelay $0x1  }
0x69c: {  	v1 =	vmul.f32 v1, v49;
	_ =	sdelay $0x1  }
0x69d: {  	[tilespmem:v2+s24+$0x0] =	vst.idx.msk $0xffff, v1  }
0x69e: {  	v1 =	vld.idx.msk [tilespmem:v3+s24+$0x0], $0xffff;
	_ =	sdelay $0x2  }
0x69f: {  	v2 =	vor.u32 v27, v4;
	_ =	sdelay $0x1  }
0x6a0: {  	v1 =	vmul.f32 v1, v49;
	_ =	sdelay $0x1  }
0x6a1: {  	[tilespmem:v3+s24+$0x0] =	vst.idx.msk $0xffff, v1  }
0x6a2: {  	v1 =	vld.idx.msk [tilespmem:v2+s24+$0x0], $0xffff;
	_ =	sdelay $0x2  }
0x6a3: {  	v3 =	vor.u32 v28, v4;
	_ =	sdelay $0x1  }
0x6a4: {  	v1 =	vmul.f32 v1, v49;
	_ =	sdelay $0x1  }
0x6a5: {  	[tilespmem:v2+s24+$0x0] =	vst.idx.msk $0xffff, v1  }
0x6a6: {  	v1 =	vld.idx.msk [tilespmem:v3+s24+$0x0], $0xffff;
	_ =	sdelay $0x2  }
0x6a7: {  	v2 =	vor.u32 v29, v4;
	_ =	sdelay $0x1  }
0x6a8: {  	v1 =	vmul.f32 v1, v49;
	_ =	sdelay $0x1  }
0x6a9: {  	[tilespmem:v3+s24+$0x0] =	vst.idx.msk $0xffff, v1  }
0x6aa: {  	v1 =	vld.idx.msk [tilespmem:v2+s24+$0x0], $0xffff;
	_ =	sdelay $0x2  }
0x6ab: {  	v3 =	vor.u32 v30, v4;
	_ =	sdelay $0x1  }
0x6ac: {  	v1 =	vmul.f32 v1, v49;
	_ =	sdelay $0x1  }
0x6ad: {  	[tilespmem:v2+s24+$0x0] =	vst.idx.msk $0xffff, v1  }
0x6ae: {  	v1 =	vld.idx.msk [tilespmem:v3+s24+$0x0], $0xffff;
	_ =	sdelay $0x2  }
0x6af: {  	v2 =	vor.u32 v31, v4;
	_ =	sdelay $0x1  }
0x6b0: {  	v1 =	vmul.f32 v1, v49;
	_ =	sdelay $0x1  }
0x6b1: {  	[tilespmem:v3+s24+$0x0] =	vst.idx.msk $0xffff, v1  }
0x6b2: {  	v3 =	vld.idx.msk [tilespmem:v2+s24+$0x0], $0xffff;
	_ =	sdelay $0x2  }
0x6b3: {  	v1 =	vor.u32 v32, v4;
	_ =	sdelay $0x1  }
0x6b4: {  	v3 =	vmul.f32 v3, v49  }
.LBB2_41:
0x6b5: {  	s0 =	sadd.s32 $0x8, s0  }
0x6b6: {  	v4 =	vmov s0;
	p1 =	slt.u32 s0, $0x38;
	[tilespmem:v2+s24+$0x0] =	vst.idx.msk $0xffff, v3  }
0x6b7: {  	v2 =	vshrl.u32 v4, $0x3;
	v3 =	vld.idx.msk [tilespmem:v1+s24+$0x0], $0xffff  }
0x6b8: {  	v2 =	vshll.u32 v2, $0x3  }
0x6b9: {  	v4 =	vbroadcast v2, $0x0;
	_ =	sdelay $0x1  }
0x6ba: {  	v2 =	vor.u32 v25, v4;
	_ =	sdelay $0x1  }
0x6bb: {  	v3 =	vmul.f32 v3, v49;
	_ =	sdelay $0x1  }
0x6bc: {  	[tilespmem:v1+s24+$0x0] =	vst.idx.msk $0xffff, v3  }
0x6bd: {  	v1 =	vld.idx.msk [tilespmem:v2+s24+$0x0], $0xffff;
	_ =	sdelay $0x3  }
0x6be: {  	v3 =	vor.u32 v26, v4;
	_ =	sdelay $0x1  }
0x6bf: {  	v1 =	vmul.f32 v1, v49;
	_ =	sdelay $0x1  }
0x6c0: {  	[tilespmem:v2+s24+$0x0] =	vst.idx.msk $0xffff, v1  }
0x6c1: {  	v1 =	vld.idx.msk [tilespmem:v3+s24+$0x0], $0xffff;
	_ =	sdelay $0x3  }
0x6c2: {  	v2 =	vor.u32 v27, v4;
	_ =	sdelay $0x1  }
0x6c3: {  	v1 =	vmul.f32 v1, v49;
	_ =	sdelay $0x1  }
0x6c4: {  	[tilespmem:v3+s24+$0x0] =	vst.idx.msk $0xffff, v1  }
0x6c5: {  	v1 =	vld.idx.msk [tilespmem:v2+s24+$0x0], $0xffff;
	_ =	sdelay $0x3  }
0x6c6: {  	v3 =	vor.u32 v28, v4;
	_ =	sdelay $0x1  }
0x6c7: {  	v1 =	vmul.f32 v1, v49;
	_ =	sdelay $0x1  }
0x6c8: {  	[tilespmem:v2+s24+$0x0] =	vst.idx.msk $0xffff, v1  }
0x6c9: {  	v1 =	vld.idx.msk [tilespmem:v3+s24+$0x0], $0xffff;
	_ =	sdelay $0x3  }
0x6ca: {  	v2 =	vor.u32 v29, v4;
	_ =	sdelay $0x1  }
0x6cb: {  	v1 =	vmul.f32 v1, v49;
	_ =	sdelay $0x1  }
0x6cc: {  	[tilespmem:v3+s24+$0x0] =	vst.idx.msk $0xffff, v1  }
0x6cd: {  	v1 =	vld.idx.msk [tilespmem:v2+s24+$0x0], $0xffff;
	_ =	sdelay $0x3  }
0x6ce: {  	v3 =	vor.u32 v30, v4;
	_ =	sdelay $0x1  }
0x6cf: {  	v1 =	vmul.f32 v1, v49;
	_ =	sdelay $0x1  }
0x6d0: {  	[tilespmem:v2+s24+$0x0] =	vst.idx.msk $0xffff, v1  }
0x6d1: {  	v1 =	vld.idx.msk [tilespmem:v3+s24+$0x0], $0xffff;
	_ =	sdelay $0x3  }
0x6d2: {  	v2 =	vor.u32 v31, v4;
	_ =	sdelay $0x1  }
0x6d3: {  	v1 =	vmul.f32 v1, v49;
	_ =	sdelay $0x1  }
0x6d4: {  	[tilespmem:v3+s24+$0x0] =	vst.idx.msk $0xffff, v1  }
0x6d5: {  	v3 =	vld.idx.msk [tilespmem:v2+s24+$0x0], $0xffff;
	_ =	sdelay $0x1  }
.Ltmp19:
0x6d6: {  	(pc) =	sbr.rel @p1 .LBB2_41-.Ltmp19, $3  }
0x6d7: {  	_ = 	snop  }
0x6d8: {  	v1 =	vor.u32 v32, v4;
	_ =	sdelay $0x1  }
0x6d9: {  	v3 =	vmul.f32 v3, v49  }
0x6da: {  	_ =	sdelay $0x2  }
0x6db: {  	s0 =	simm.s32 $0x0  }
0x6dc: {  	[tilespmem:v2+s24+$0x0] =	vst.idx.msk $0xffff, v3;
	v2 =	vmov s0  }
0x6dd: {  	v3 =	vld.idx.msk [tilespmem:v1+s24+$0x0], $0xffff;
	v2 =	vshrl.u32 v2, $0x3  }
0x6de: {  	v2 =	vshll.u32 v2, $0x3  }
0x6df: {  	v4 =	vbroadcast v2, $0x0;
	_ =	sdelay $0x1  }
0x6e0: {  	v2 =	vor.u32 v33, v4  }
0x6e1: {  	v3 =	vmul.f32 v3, v49;
	_ =	sdelay $0x1  }
0x6e2: {  	[tilespmem:v1+s24+$0x0] =	vst.idx.msk $0xffff, v3  }
0x6e3: {  	v49 =	vld [tilespmem:$0x12A60]  }
0x6e4: {  	v1 =	vld.idx.msk [tilespmem:v2+s24+$0x0], $0xffff;
	_ =	sdelay $0x2  }
0x6e5: {  	v3 =	vor.u32 v34, v4;
	_ =	sdelay $0x1  }
0x6e6: {  	v1 =	vmul.f32 v1, v49;
	_ =	sdelay $0x1  }
0x6e7: {  	[tilespmem:v2+s24+$0x0] =	vst.idx.msk $0xffff, v1  }
0x6e8: {  	v1 =	vld.idx.msk [tilespmem:v3+s24+$0x0], $0xffff;
	_ =	sdelay $0x2  }
0x6e9: {  	v2 =	vor.u32 v35, v4;
	_ =	sdelay $0x1  }
0x6ea: {  	v1 =	vmul.f32 v1, v49;
	_ =	sdelay $0x1  }
0x6eb: {  	[tilespmem:v3+s24+$0x0] =	vst.idx.msk $0xffff, v1  }
0x6ec: {  	v1 =	vld.idx.msk [tilespmem:v2+s24+$0x0], $0xffff;
	_ =	sdelay $0x2  }
0x6ed: {  	v3 =	vor.u32 v36, v4;
	_ =	sdelay $0x1  }
0x6ee: {  	v1 =	vmul.f32 v1, v49;
	_ =	sdelay $0x1  }
0x6ef: {  	[tilespmem:v2+s24+$0x0] =	vst.idx.msk $0xffff, v1  }
0x6f0: {  	v1 =	vld.idx.msk [tilespmem:v3+s24+$0x0], $0xffff;
	_ =	sdelay $0x2  }
0x6f1: {  	v2 =	vor.u32 v37, v4;
	_ =	sdelay $0x1  }
0x6f2: {  	v1 =	vmul.f32 v1, v49;
	_ =	sdelay $0x1  }
0x6f3: {  	[tilespmem:v3+s24+$0x0] =	vst.idx.msk $0xffff, v1  }
0x6f4: {  	v1 =	vld.idx.msk [tilespmem:v2+s24+$0x0], $0xffff;
	_ =	sdelay $0x2  }
0x6f5: {  	v3 =	vor.u32 v38, v4;
	_ =	sdelay $0x1  }
0x6f6: {  	v1 =	vmul.f32 v1, v49;
	_ =	sdelay $0x1  }
0x6f7: {  	[tilespmem:v2+s24+$0x0] =	vst.idx.msk $0xffff, v1  }
0x6f8: {  	v1 =	vld.idx.msk [tilespmem:v3+s24+$0x0], $0xffff;
	_ =	sdelay $0x2  }
0x6f9: {  	v2 =	vor.u32 v39, v4;
	_ =	sdelay $0x1  }
0x6fa: {  	v1 =	vmul.f32 v1, v49;
	_ =	sdelay $0x1  }
0x6fb: {  	[tilespmem:v3+s24+$0x0] =	vst.idx.msk $0xffff, v1  }
0x6fc: {  	v3 =	vld.idx.msk [tilespmem:v2+s24+$0x0], $0xffff;
	_ =	sdelay $0x2  }
0x6fd: {  	v1 =	vor.u32 v40, v4;
	_ =	sdelay $0x1  }
0x6fe: {  	v3 =	vmul.f32 v3, v49  }
.LBB2_43:
0x6ff: {  	s0 =	sadd.s32 $0x8, s0  }
0x700: {  	v4 =	vmov s0;
	p1 =	slt.u32 s0, $0x38;
	[tilespmem:v2+s24+$0x0] =	vst.idx.msk $0xffff, v3  }
0x701: {  	v2 =	vshrl.u32 v4, $0x3;
	v3 =	vld.idx.msk [tilespmem:v1+s24+$0x0], $0xffff  }
0x702: {  	v2 =	vshll.u32 v2, $0x3  }
0x703: {  	v4 =	vbroadcast v2, $0x0;
	_ =	sdelay $0x1  }
0x704: {  	v2 =	vor.u32 v33, v4;
	_ =	sdelay $0x1  }
0x705: {  	v3 =	vmul.f32 v3, v49;
	_ =	sdelay $0x1  }
0x706: {  	[tilespmem:v1+s24+$0x0] =	vst.idx.msk $0xffff, v3  }
0x707: {  	v1 =	vld.idx.msk [tilespmem:v2+s24+$0x0], $0xffff;
	_ =	sdelay $0x3  }
0x708: {  	v3 =	vor.u32 v34, v4;
	_ =	sdelay $0x1  }
0x709: {  	v1 =	vmul.f32 v1, v49;
	_ =	sdelay $0x1  }
0x70a: {  	[tilespmem:v2+s24+$0x0] =	vst.idx.msk $0xffff, v1  }
0x70b: {  	v1 =	vld.idx.msk [tilespmem:v3+s24+$0x0], $0xffff;
	_ =	sdelay $0x3  }
0x70c: {  	v2 =	vor.u32 v35, v4;
	_ =	sdelay $0x1  }
0x70d: {  	v1 =	vmul.f32 v1, v49;
	_ =	sdelay $0x1  }
0x70e: {  	[tilespmem:v3+s24+$0x0] =	vst.idx.msk $0xffff, v1  }
0x70f: {  	v1 =	vld.idx.msk [tilespmem:v2+s24+$0x0], $0xffff;
	_ =	sdelay $0x3  }
0x710: {  	v3 =	vor.u32 v36, v4;
	_ =	sdelay $0x1  }
0x711: {  	v1 =	vmul.f32 v1, v49;
	_ =	sdelay $0x1  }
0x712: {  	[tilespmem:v2+s24+$0x0] =	vst.idx.msk $0xffff, v1  }
0x713: {  	v1 =	vld.idx.msk [tilespmem:v3+s24+$0x0], $0xffff;
	_ =	sdelay $0x3  }
0x714: {  	v2 =	vor.u32 v37, v4;
	_ =	sdelay $0x1  }
0x715: {  	v1 =	vmul.f32 v1, v49;
	_ =	sdelay $0x1  }
0x716: {  	[tilespmem:v3+s24+$0x0] =	vst.idx.msk $0xffff, v1  }
0x717: {  	v1 =	vld.idx.msk [tilespmem:v2+s24+$0x0], $0xffff;
	_ =	sdelay $0x3  }
0x718: {  	v3 =	vor.u32 v38, v4;
	_ =	sdelay $0x1  }
0x719: {  	v1 =	vmul.f32 v1, v49;
	_ =	sdelay $0x1  }
0x71a: {  	[tilespmem:v2+s24+$0x0] =	vst.idx.msk $0xffff, v1  }
0x71b: {  	v1 =	vld.idx.msk [tilespmem:v3+s24+$0x0], $0xffff;
	_ =	sdelay $0x3  }
0x71c: {  	v2 =	vor.u32 v39, v4;
	_ =	sdelay $0x1  }
0x71d: {  	v1 =	vmul.f32 v1, v49;
	_ =	sdelay $0x1  }
0x71e: {  	[tilespmem:v3+s24+$0x0] =	vst.idx.msk $0xffff, v1  }
0x71f: {  	v3 =	vld.idx.msk [tilespmem:v2+s24+$0x0], $0xffff;
	_ =	sdelay $0x1  }
.Ltmp20:
0x720: {  	(pc) =	sbr.rel @p1 .LBB2_43-.Ltmp20, $3  }
0x721: {  	_ = 	snop  }
0x722: {  	v1 =	vor.u32 v40, v4;
	_ =	sdelay $0x1  }
0x723: {  	v3 =	vmul.f32 v3, v49  }
0x724: {  	_ =	sdelay $0x2  }
0x725: {  	s0 =	simm.s32 $0x0  }
0x726: {  	[tilespmem:v2+s24+$0x0] =	vst.idx.msk $0xffff, v3;
	v2 =	vmov s0  }
0x727: {  	v3 =	vld.idx.msk [tilespmem:v1+s24+$0x0], $0xffff;
	v2 =	vshrl.u32 v2, $0x3  }
0x728: {  	v2 =	vshll.u32 v2, $0x3  }
0x729: {  	v4 =	vbroadcast v2, $0x0;
	_ =	sdelay $0x1  }
0x72a: {  	v2 =	vor.u32 v41, v4  }
0x72b: {  	v3 =	vmul.f32 v3, v49;
	_ =	sdelay $0x1  }
0x72c: {  	[tilespmem:v1+s24+$0x0] =	vst.idx.msk $0xffff, v3  }
0x72d: {  	v49 =	vld [tilespmem:$0x12A70]  }
0x72e: {  	v1 =	vld.idx.msk [tilespmem:v2+s24+$0x0], $0xffff;
	_ =	sdelay $0x2  }
0x72f: {  	v3 =	vor.u32 v42, v4;
	_ =	sdelay $0x1  }
0x730: {  	v1 =	vmul.f32 v1, v49;
	_ =	sdelay $0x1  }
0x731: {  	[tilespmem:v2+s24+$0x0] =	vst.idx.msk $0xffff, v1  }
0x732: {  	v1 =	vld.idx.msk [tilespmem:v3+s24+$0x0], $0xffff;
	_ =	sdelay $0x2  }
0x733: {  	v2 =	vor.u32 v43, v4;
	_ =	sdelay $0x1  }
0x734: {  	v1 =	vmul.f32 v1, v49;
	_ =	sdelay $0x1  }
0x735: {  	[tilespmem:v3+s24+$0x0] =	vst.idx.msk $0xffff, v1  }
0x736: {  	v1 =	vld.idx.msk [tilespmem:v2+s24+$0x0], $0xffff;
	_ =	sdelay $0x2  }
0x737: {  	v3 =	vor.u32 v44, v4;
	_ =	sdelay $0x1  }
0x738: {  	v1 =	vmul.f32 v1, v49;
	_ =	sdelay $0x1  }
0x739: {  	[tilespmem:v2+s24+$0x0] =	vst.idx.msk $0xffff, v1  }
0x73a: {  	v1 =	vld.idx.msk [tilespmem:v3+s24+$0x0], $0xffff;
	_ =	sdelay $0x2  }
0x73b: {  	v2 =	vor.u32 v45, v4;
	_ =	sdelay $0x1  }
0x73c: {  	v1 =	vmul.f32 v1, v49;
	_ =	sdelay $0x1  }
0x73d: {  	[tilespmem:v3+s24+$0x0] =	vst.idx.msk $0xffff, v1  }
0x73e: {  	v1 =	vld.idx.msk [tilespmem:v2+s24+$0x0], $0xffff;
	_ =	sdelay $0x2  }
0x73f: {  	v3 =	vor.u32 v46, v4;
	_ =	sdelay $0x1  }
0x740: {  	v1 =	vmul.f32 v1, v49;
	_ =	sdelay $0x1  }
0x741: {  	[tilespmem:v2+s24+$0x0] =	vst.idx.msk $0xffff, v1  }
0x742: {  	v1 =	vld.idx.msk [tilespmem:v3+s24+$0x0], $0xffff;
	_ =	sdelay $0x2  }
0x743: {  	v2 =	vor.u32 v47, v4;
	_ =	sdelay $0x1  }
0x744: {  	v1 =	vmul.f32 v1, v49;
	_ =	sdelay $0x1  }
0x745: {  	[tilespmem:v3+s24+$0x0] =	vst.idx.msk $0xffff, v1  }
0x746: {  	v3 =	vld.idx.msk [tilespmem:v2+s24+$0x0], $0xffff;
	_ =	sdelay $0x2  }
0x747: {  	v1 =	vor.u32 v48, v4;
	_ =	sdelay $0x1  }
0x748: {  	v3 =	vmul.f32 v3, v49  }
.LBB2_45:
0x749: {  	s0 =	sadd.s32 $0x8, s0  }
0x74a: {  	v4 =	vmov s0;
	p1 =	slt.u32 s0, $0x38;
	[tilespmem:v2+s24+$0x0] =	vst.idx.msk $0xffff, v3  }
0x74b: {  	v2 =	vshrl.u32 v4, $0x3;
	v3 =	vld.idx.msk [tilespmem:v1+s24+$0x0], $0xffff  }
0x74c: {  	v2 =	vshll.u32 v2, $0x3  }
0x74d: {  	v4 =	vbroadcast v2, $0x0;
	_ =	sdelay $0x1  }
0x74e: {  	v2 =	vor.u32 v41, v4;
	_ =	sdelay $0x1  }
0x74f: {  	v3 =	vmul.f32 v3, v49;
	_ =	sdelay $0x1  }
0x750: {  	[tilespmem:v1+s24+$0x0] =	vst.idx.msk $0xffff, v3  }
0x751: {  	v1 =	vld.idx.msk [tilespmem:v2+s24+$0x0], $0xffff;
	_ =	sdelay $0x3  }
0x752: {  	v3 =	vor.u32 v42, v4;
	_ =	sdelay $0x1  }
0x753: {  	v1 =	vmul.f32 v1, v49;
	_ =	sdelay $0x1  }
0x754: {  	[tilespmem:v2+s24+$0x0] =	vst.idx.msk $0xffff, v1  }
0x755: {  	v1 =	vld.idx.msk [tilespmem:v3+s24+$0x0], $0xffff;
	_ =	sdelay $0x3  }
0x756: {  	v2 =	vor.u32 v43, v4;
	_ =	sdelay $0x1  }
0x757: {  	v1 =	vmul.f32 v1, v49;
	_ =	sdelay $0x1  }
0x758: {  	[tilespmem:v3+s24+$0x0] =	vst.idx.msk $0xffff, v1  }
0x759: {  	v1 =	vld.idx.msk [tilespmem:v2+s24+$0x0], $0xffff;
	_ =	sdelay $0x3  }
0x75a: {  	v3 =	vor.u32 v44, v4;
	_ =	sdelay $0x1  }
0x75b: {  	v1 =	vmul.f32 v1, v49;
	_ =	sdelay $0x1  }
0x75c: {  	[tilespmem:v2+s24+$0x0] =	vst.idx.msk $0xffff, v1  }
0x75d: {  	v1 =	vld.idx.msk [tilespmem:v3+s24+$0x0], $0xffff;
	_ =	sdelay $0x3  }
0x75e: {  	v2 =	vor.u32 v45, v4;
	_ =	sdelay $0x1  }
0x75f: {  	v1 =	vmul.f32 v1, v49;
	_ =	sdelay $0x1  }
0x760: {  	[tilespmem:v3+s24+$0x0] =	vst.idx.msk $0xffff, v1  }
0x761: {  	v1 =	vld.idx.msk [tilespmem:v2+s24+$0x0], $0xffff;
	_ =	sdelay $0x3  }
0x762: {  	v3 =	vor.u32 v46, v4;
	_ =	sdelay $0x1  }
0x763: {  	v1 =	vmul.f32 v1, v49;
	_ =	sdelay $0x1  }
0x764: {  	[tilespmem:v2+s24+$0x0] =	vst.idx.msk $0xffff, v1  }
0x765: {  	v1 =	vld.idx.msk [tilespmem:v3+s24+$0x0], $0xffff;
	_ =	sdelay $0x3  }
0x766: {  	v2 =	vor.u32 v47, v4;
	_ =	sdelay $0x1  }
0x767: {  	v1 =	vmul.f32 v1, v49;
	_ =	sdelay $0x1  }
0x768: {  	[tilespmem:v3+s24+$0x0] =	vst.idx.msk $0xffff, v1  }
0x769: {  	v3 =	vld.idx.msk [tilespmem:v2+s24+$0x0], $0xffff;
	_ =	sdelay $0x1  }
.Ltmp21:
0x76a: {  	(pc) =	sbr.rel @p1 .LBB2_45-.Ltmp21, $3  }
0x76b: {  	_ = 	snop  }
0x76c: {  	v1 =	vor.u32 v48, v4;
	_ =	sdelay $0x1  }
0x76d: {  	v3 =	vmul.f32 v3, v49  }
0x76e: {  	_ =	sdelay $0x2  }
0x76f: {  	s0 =	simm.s32 $0x0  }
0x770: {  	[tilespmem:v2+s24+$0x0] =	vst.idx.msk $0xffff, v3;
	v2 =	vmov s0  }
0x771: {  	v3 =	vld.idx.msk [tilespmem:v1+s24+$0x0], $0xffff;
	v2 =	vshrl.u32 v2, $0x3  }
0x772: {  	v2 =	vshll.u32 v2, $0x3  }
0x773: {  	v4 =	vbroadcast v2, $0x0;
	_ =	sdelay $0x1  }
0x774: {  	v2 =	vor.u32 v51, v4  }
0x775: {  	v3 =	vmul.f32 v3, v49;
	_ =	sdelay $0x1  }
0x776: {  	[tilespmem:v1+s24+$0x0] =	vst.idx.msk $0xffff, v3  }
0x777: {  	v49 =	vld [tilespmem:$0x12A80]  }
0x778: {  	v1 =	vld.idx.msk [tilespmem:v2+s24+$0x0], $0xffff;
	_ =	sdelay $0x2  }
0x779: {  	v3 =	vor.u32 v52, v4;
	_ =	sdelay $0x1  }
0x77a: {  	v1 =	vmul.f32 v1, v49;
	_ =	sdelay $0x1  }
0x77b: {  	[tilespmem:v2+s24+$0x0] =	vst.idx.msk $0xffff, v1  }
0x77c: {  	v1 =	vld.idx.msk [tilespmem:v3+s24+$0x0], $0xffff;
	_ =	sdelay $0x2  }
0x77d: {  	v2 =	vor.u32 v53, v4;
	_ =	sdelay $0x1  }
0x77e: {  	v1 =	vmul.f32 v1, v49;
	_ =	sdelay $0x1  }
0x77f: {  	[tilespmem:v3+s24+$0x0] =	vst.idx.msk $0xffff, v1  }
0x780: {  	v1 =	vld.idx.msk [tilespmem:v2+s24+$0x0], $0xffff;
	_ =	sdelay $0x2  }
0x781: {  	v3 =	vor.u32 v54, v4;
	_ =	sdelay $0x1  }
0x782: {  	v1 =	vmul.f32 v1, v49;
	_ =	sdelay $0x1  }
0x783: {  	[tilespmem:v2+s24+$0x0] =	vst.idx.msk $0xffff, v1  }
0x784: {  	v1 =	vld.idx.msk [tilespmem:v3+s24+$0x0], $0xffff;
	_ =	sdelay $0x2  }
0x785: {  	v2 =	vor.u32 v55, v4;
	_ =	sdelay $0x1  }
0x786: {  	v1 =	vmul.f32 v1, v49;
	_ =	sdelay $0x1  }
0x787: {  	[tilespmem:v3+s24+$0x0] =	vst.idx.msk $0xffff, v1  }
0x788: {  	v1 =	vld.idx.msk [tilespmem:v2+s24+$0x0], $0xffff;
	_ =	sdelay $0x2  }
0x789: {  	v3 =	vor.u32 v56, v4;
	_ =	sdelay $0x1  }
0x78a: {  	v1 =	vmul.f32 v1, v49;
	_ =	sdelay $0x1  }
0x78b: {  	[tilespmem:v2+s24+$0x0] =	vst.idx.msk $0xffff, v1  }
0x78c: {  	v1 =	vld.idx.msk [tilespmem:v3+s24+$0x0], $0xffff;
	_ =	sdelay $0x2  }
0x78d: {  	v2 =	vor.u32 v57, v4;
	_ =	sdelay $0x1  }
0x78e: {  	v1 =	vmul.f32 v1, v49;
	_ =	sdelay $0x1  }
0x78f: {  	[tilespmem:v3+s24+$0x0] =	vst.idx.msk $0xffff, v1  }
0x790: {  	v3 =	vld.idx.msk [tilespmem:v2+s24+$0x0], $0xffff;
	_ =	sdelay $0x2  }
0x791: {  	v1 =	vor.u32 v58, v4;
	_ =	sdelay $0x1  }
0x792: {  	v3 =	vmul.f32 v3, v49  }
.LBB2_47:
0x793: {  	s0 =	sadd.s32 $0x8, s0  }
0x794: {  	v4 =	vmov s0;
	p1 =	slt.u32 s0, $0x38;
	[tilespmem:v2+s24+$0x0] =	vst.idx.msk $0xffff, v3  }
0x795: {  	v2 =	vshrl.u32 v4, $0x3;
	v3 =	vld.idx.msk [tilespmem:v1+s24+$0x0], $0xffff  }
0x796: {  	v2 =	vshll.u32 v2, $0x3  }
0x797: {  	v4 =	vbroadcast v2, $0x0;
	_ =	sdelay $0x1  }
0x798: {  	v2 =	vor.u32 v51, v4;
	_ =	sdelay $0x1  }
0x799: {  	v3 =	vmul.f32 v3, v49;
	_ =	sdelay $0x1  }
0x79a: {  	[tilespmem:v1+s24+$0x0] =	vst.idx.msk $0xffff, v3  }
0x79b: {  	v1 =	vld.idx.msk [tilespmem:v2+s24+$0x0], $0xffff;
	_ =	sdelay $0x3  }
0x79c: {  	v3 =	vor.u32 v52, v4;
	_ =	sdelay $0x1  }
0x79d: {  	v1 =	vmul.f32 v1, v49;
	_ =	sdelay $0x1  }
0x79e: {  	[tilespmem:v2+s24+$0x0] =	vst.idx.msk $0xffff, v1  }
0x79f: {  	v1 =	vld.idx.msk [tilespmem:v3+s24+$0x0], $0xffff;
	_ =	sdelay $0x3  }
0x7a0: {  	v2 =	vor.u32 v53, v4;
	_ =	sdelay $0x1  }
0x7a1: {  	v1 =	vmul.f32 v1, v49;
	_ =	sdelay $0x1  }
0x7a2: {  	[tilespmem:v3+s24+$0x0] =	vst.idx.msk $0xffff, v1  }
0x7a3: {  	v1 =	vld.idx.msk [tilespmem:v2+s24+$0x0], $0xffff;
	_ =	sdelay $0x3  }
0x7a4: {  	v3 =	vor.u32 v54, v4;
	_ =	sdelay $0x1  }
0x7a5: {  	v1 =	vmul.f32 v1, v49;
	_ =	sdelay $0x1  }
0x7a6: {  	[tilespmem:v2+s24+$0x0] =	vst.idx.msk $0xffff, v1  }
0x7a7: {  	v1 =	vld.idx.msk [tilespmem:v3+s24+$0x0], $0xffff;
	_ =	sdelay $0x3  }
0x7a8: {  	v2 =	vor.u32 v55, v4;
	_ =	sdelay $0x1  }
0x7a9: {  	v1 =	vmul.f32 v1, v49;
	_ =	sdelay $0x1  }
0x7aa: {  	[tilespmem:v3+s24+$0x0] =	vst.idx.msk $0xffff, v1  }
0x7ab: {  	v1 =	vld.idx.msk [tilespmem:v2+s24+$0x0], $0xffff;
	_ =	sdelay $0x3  }
0x7ac: {  	v3 =	vor.u32 v56, v4;
	_ =	sdelay $0x1  }
0x7ad: {  	v1 =	vmul.f32 v1, v49;
	_ =	sdelay $0x1  }
0x7ae: {  	[tilespmem:v2+s24+$0x0] =	vst.idx.msk $0xffff, v1  }
0x7af: {  	v1 =	vld.idx.msk [tilespmem:v3+s24+$0x0], $0xffff;
	_ =	sdelay $0x3  }
0x7b0: {  	v2 =	vor.u32 v57, v4;
	_ =	sdelay $0x1  }
0x7b1: {  	v1 =	vmul.f32 v1, v49;
	_ =	sdelay $0x1  }
0x7b2: {  	[tilespmem:v3+s24+$0x0] =	vst.idx.msk $0xffff, v1  }
0x7b3: {  	v3 =	vld.idx.msk [tilespmem:v2+s24+$0x0], $0xffff;
	_ =	sdelay $0x1  }
.Ltmp22:
0x7b4: {  	(pc) =	sbr.rel @p1 .LBB2_47-.Ltmp22, $3  }
0x7b5: {  	_ = 	snop  }
0x7b6: {  	v1 =	vor.u32 v58, v4;
	_ =	sdelay $0x1  }
0x7b7: {  	v3 =	vmul.f32 v3, v49  }
0x7b8: {  	_ =	sdelay $0x3  }
0x7b9: {  	[tilespmem:v2+s24+$0x0] =	vst.idx.msk $0xffff, v3  }
0x7ba: {  	v2 =	vld.idx.msk [tilespmem:v1+s24+$0x0], $0xffff;
	_ =	sdelay $0x4  }
0x7bb: {  	s31 =	sadd.s32 $0x1, s31;
	v2 =	vmul.f32 v2, v49  }
0x7bc: {  	p1 =	sne.s32 s31, $0x7D  }
.Ltmp23:
0x7bd: {  	[tilespmem:v1+s24+$0x0] =	vst.idx.msk $0xffff, v2;
	(pc) =	sbr.rel @p1 .LBB2_38-.Ltmp23, $4  }
0x7be: {  	[spmem:s3] =	stream.indirect.scatter.add.f32 [tilespmem:s24], [sflag:$0x1], $0x40, s20, s21, $0xb8;
	[tilespmem:$0x1EDE0] =	vst v63  }
0x7bf: {  	_ =	swait.ge [sflag:s8], $0x1400  }
0x7c0: {  	[sflag:s8] =	ssyncset.done $0x0  }
0x7c1: {  	[sflag:s8] =	ssyncadd.s32 $0xFFFFEC00  }
0x7c2: {  	[bflag:$0x0] =	sbarrier.arrive $0xFFFF  }
0x7c3: {  	s0 =	simm.s32 @!p0 $0x1C01;
	s28 =	rddreg [dreg:$0x13]  }
0x7c4: {  	[hbm:s28], [sflag:s0] =	dma.local @!p0 [spmem:s30], $0x13880  }
0x7c5: {  	s0 =	simm.s32 @!p0 $0x1  }
0x7c6: {  	_ =	swait.ge @!p0 [sflag:s0], $0x13880  }
0x7c7: {  	s28 =	rddreg [dreg:$0x1a]  }
0x7c8: {  	s31 =	rddreg [dreg:$0x14];
	s28 =	sadd.s32 $0x1, s28  }
0x7c9: {  	p1 =	sne.s32 s28, s31  }
.Ltmp24:
0x7ca: {  	_ = 	snop;
	(pc) =	sbr.rel @p1 .LBB2_1-.Ltmp24, $4  }
0x7cb: {  	[sflag:s0] =	ssyncset.done @!p0 $0x0  }
0x7cc: {  	[sflag:s0] =	ssyncadd.s32 @!p0 $0xFFFEC780  }
0x7cd: {  	[bflag:$0x0] =	sbarrier.arrive $0xFFFF  }
0x7ce: {  	v2 =	vimm.f32 $0.0e+00  }
0x7cf: {  	_ =	sfence.sel $0x180000  }
0x7d0: {  	[bflag:$0x0] =	sbarrier.arrive $0xFFFF  }
0x7d1: {  	_ =	strace $0x90000047  }
0x7d2: {  	[bflag:$0x2] =	sbarrier.arrive $0xFFFF  }
0x7d3: {  	s0 =	rddreg [dreg:$0x6]  }
0x7d4: {  	s0 =	sadd.s32 @!p0 $0x100000, s0  }
0x7d5: {  	[sflag:s0] =	ssyncadd.tile.s32 @!p0 $0x1;
	_ =	shalt  }
.Lfunc_end2:
_tile_overlayer_lowered:
.L_overlay_start_2:
0x7d6: {  	(tag) =	ssettag $0x2  }
0x7d7: {  	s0 =	rddreg [dreg:$0x0];
	s2 =	stileid.u32  }
0x7d8: {  	s1 =	rddreg [dreg:$0x1];
	p0 =	sne.s32 s2, $0x0  }
0x7d9: {  	s3 =	rddreg [dreg:$0x2];
	[bflag:$0x3] =	sbarrier.arrive $0xFFFF;
	s2 =	simm.s32 @!p0 $0x1C01  }
0x7da: {  	[timem:s3], [sflag:s2] =	dma.local @!p0 [hbm:s0], s1  }
0x7db: {  	s0 =	simm.s32 @!p0 $0x1  }
0x7dc: {  	_ =	swait.ge @!p0 [sflag:s0], s1  }
0x7dd: {  	s1 =	ssub.s32 @!p0 $0x0, s1;
	[sflag:s0] =	ssyncset.done @!p0 $0x0  }
0x7de: {  	[sflag:s0] =	ssyncadd.s32 @!p0 s1  }
0x7df: {  	[bflag:$0x3] =	sbarrier.arrive $0xFFFF  }
0x7e0: {  	_ =	shalt  }

</sc_bundles>
